<compile_context>
chip_gen: v7x
topology: tpu7x:2x2x1
jax: 0.10.2.dev20260603
libtpu: 0.0.44.dev20260713+nightly
codegen_flags: <defaults>
</compile_context>

<pallas_src>
import functools

import jax
import jax.numpy as jnp
from jax import lax
from jax.experimental import pallas as pl
from jax.experimental.pallas import tpu as pltpu
from jax.experimental.pallas import tpu_sc as plsc

_DIM = 64
_BATCH = 16384
_NNEG = 20
_NPAIR = _NNEG + 1
_NW = 32
_CH = 128
_NSLICE = 4
_BS = _BATCH // _NSLICE

_LOG2E = 1.4426950408889634

_POLY = (-0.3665167014303693, 0.7213459840780102, -0.07976529329011446,
         -0.004957223416335807, 0.002184405606105031, 0.00022657838744066794)


def _f_poly(t):
    acc = jnp.full_like(t, _POLY[-1])
    for c in _POLY[-2::-1]:
        acc = acc * t + c
    return acc


def _sigmoid(x):
    return 1.0 / (1.0 + jnp.exp2(x * -_LOG2E))


_GCH = 3
_NGRP = 7


def _sc_gather_body(w_word, w_ctx, idx_u, idx_c, out_u, out_c,
                    idx_uv, idx_cv, u_buf, rows0, rows1, *sems):
    gsems = sems[0:2 * _GCH]
    osems = sems[2 * _GCH:2 * _GCH + 2]
    usems = sems[2 * _GCH + 2:]
    wid = lax.axis_index("s") * 2 + lax.axis_index("c")
    u_per_w = _BS // _NW
    c_per_w = _NPAIR * _BS // _NW
    pltpu.sync_copy(idx_u.at[pl.ds(wid * u_per_w, u_per_w)], idx_uv)
    pltpu.sync_copy(idx_c.at[pl.ds(wid * c_per_w, c_per_w)], idx_cv)
    pltpu.async_copy(w_word.at[idx_uv], u_buf, usems[0]).wait()
    u_out = pltpu.async_copy(u_buf, out_u.at[pl.ds(wid * u_per_w, u_per_w)],
                             usems[1])
    bufs = (rows0, rows1)
    outs = [None, None]
    for g in range(_NGRP):
        sb = g & 1
        if outs[sb] is not None:
            outs[sb].wait()
        gathers = []
        for t in range(_GCH):
            ch = g * _GCH + t
            gathers.append(pltpu.async_copy(
                w_ctx.at[idx_cv.at[pl.ds(ch * _CH, _CH)]],
                bufs[sb].at[pl.ds(t * _CH, _CH)], gsems[sb * _GCH + t]))
        for t in range(_GCH):
            gathers[t].wait()
        outs[sb] = pltpu.async_copy(
            bufs[sb],
            out_c.at[pl.ds(wid * c_per_w + g * _GCH * _CH, _GCH * _CH)],
            osems[sb])
    outs[0].wait()
    outs[1].wait()
    u_out.wait()


@functools.cache
def _sc_gather():
    return pl.kernel(
        _sc_gather_body,
        out_type=(
            jax.ShapeDtypeStruct((_BS, 2 * _DIM), jnp.float32),
            jax.ShapeDtypeStruct((_NPAIR * _BS, 2 * _DIM), jnp.float32),
        ),
        mesh=plsc.VectorSubcoreMesh(core_axis_name="c", subcore_axis_name="s"),
        scratch_types=(
            [pltpu.VMEM((_BS // _NW,), jnp.int32),
             pltpu.VMEM((_NPAIR * _BS // _NW,), jnp.int32),
             pltpu.VMEM((_BS // _NW, 2 * _DIM), jnp.float32),
             pltpu.VMEM((_GCH * _CH, 2 * _DIM), jnp.float32),
             pltpu.VMEM((_GCH * _CH, 2 * _DIM), jnp.float32)]
            + [pltpu.SemaphoreType.DMA for _ in range(2 * _GCH + 4)]
        ),
    )


def _box_t(x):
    s = _sigmoid(x).T
    z = s[:_DIM]
    Z = z + s[_DIM:] * (1.0 - z)
    return z, Z


def _tc_body(u_ref, c_ref, vols_ref, ints_ref, tv_ref, zZu_ref):
    j = pl.program_id(1)

    @pl.when(j == 0)
    def _():
        zu0, Zu0 = _box_t(u_ref[...])
        zZu_ref[:_DIM] = zu0
        zZu_ref[_DIM:] = Zu0
        tv_ref[0, 0, :] = jnp.sum(_f_poly(Zu0 - zu0), axis=0)

    zu = zZu_ref[:_DIM]
    Zu = zZu_ref[_DIM:]
    zc, Zc = _box_t(c_ref[...])
    fv = _f_poly(Zc - zc)
    fi = _f_poly(jnp.minimum(Zc, Zu) - jnp.maximum(zc, zu))
    vols_ref[0, 0, :] = jnp.sum(fv, axis=0)
    ints_ref[0, 0, :] = jnp.sum(fi, axis=0)


def _tc_compute(u_rows, ctx_rows, bb=1024):
    nb = _BS // bb
    return pl.pallas_call(
        _tc_body,
        grid=(nb, _NPAIR),
        in_specs=[
            pl.BlockSpec((bb, 2 * _DIM), lambda i, j: (i, 0)),
            pl.BlockSpec((bb, 2 * _DIM), lambda i, j, nb=nb: (j * nb + i, 0)),
        ],
        out_specs=[
            pl.BlockSpec((1, 1, bb), lambda i, j: (j, 0, i)),
            pl.BlockSpec((1, 1, bb), lambda i, j: (j, 0, i)),
            pl.BlockSpec((1, 1, bb), lambda i, j: (0, 0, i)),
        ],
        out_shape=[
            jax.ShapeDtypeStruct((_NPAIR, 1, _BS), jnp.float32),
            jax.ShapeDtypeStruct((_NPAIR, 1, _BS), jnp.float32),
            jax.ShapeDtypeStruct((1, 1, _BS), jnp.float32),
        ],
        scratch_shapes=[pltpu.VMEM((2 * _DIM, bb), jnp.float32)],
    )(u_rows, ctx_rows)


def kernel(pos_u, pos_w, neg_w, W_word, W_ctx):
    pos_u = pos_u.astype(jnp.int32)
    pos_w = pos_w.astype(jnp.int32)
    neg_w = neg_w.astype(jnp.int32)
    vols_l, ints_l, tv_l = [], [], []
    for k in range(_NSLICE):
        sl = slice(k * _BS, (k + 1) * _BS)
        idx_ctx = jnp.concatenate([neg_w[sl].T.reshape(-1), pos_w[sl]])
        u_rows, ctx_rows = _sc_gather()(W_word, W_ctx, pos_u[sl], idx_ctx)
        vols, ints, tv = _tc_compute(u_rows, ctx_rows)
        vols_l.append(vols[:, 0, :])
        ints_l.append(ints[:, 0, :])
        tv_l.append(tv[0, 0, :])
    vols = jnp.concatenate(vols_l, axis=1)
    ints = jnp.concatenate(ints_l, axis=1)
    tv = jnp.concatenate(tv_l)
    return (tv, vols[_NNEG], vols[:_NNEG].T, ints[_NNEG], ints[:_NNEG].T)

# --- scband reference (transcript-rebuilt; emitter-appended) ---
"""Pipeline reference for scband-box-model-26362509263353 (READ-ONLY COPY).

The authoritative reference and input builder live on the scoring server;
editing this copy changes nothing except your own understanding.
"""

import jax, jax.numpy as jnp
import numpy as np

VOCAB = 100000
DIM = 64
BATCH = 16384
NNEG = 20


def _to_box(w, d):
    # BoxFactory('sigmoid_from_vector'): split vector into two halves,
    # z = sigmoid(first half), Z = z + sigmoid(second half) * (1 - z)
    z = jax.nn.sigmoid(w[..., :d])
    Z = z + jax.nn.sigmoid(w[..., d:]) * (1.0 - z)
    return z, Z


def _log_soft_volume(z, Z, eps=1e-23):
    # log soft volume: sum_d log(softplus(Z - z) + eps)
    return jnp.sum(jnp.log(jax.nn.softplus(Z - z) + eps), axis=-1)


def _intersection(z1, Z1, z2, Z2):
    return jnp.maximum(z1, z2), jnp.minimum(Z1, Z2)


def setup_inputs(seed: int = 0) -> dict:
    key = jax.random.key(seed)
    k1, k2, k3, k4, k5 = jax.random.split(key, 5)
    pos_u = jax.random.randint(k1, (BATCH,), 0, VOCAB, dtype=jnp.int64 if jax.config.jax_enable_x64 else jnp.int32)
    pos_w = jax.random.randint(k2, (BATCH,), 0, VOCAB, dtype=jnp.int64 if jax.config.jax_enable_x64 else jnp.int32)
    neg_w = jax.random.randint(k3, (BATCH, NNEG), 0, VOCAB, dtype=jnp.int64 if jax.config.jax_enable_x64 else jnp.int32)
    W_word = jax.random.normal(k4, (VOCAB, 2 * DIM), dtype=jnp.float32) * 0.1
    W_ctx = jax.random.normal(k5, (VOCAB, 2 * DIM), dtype=jnp.float32) * 0.1
    return {"pos_u": pos_u, "pos_w": pos_w, "neg_w": neg_w, "W_word": W_word, "W_ctx": W_ctx}


def reference(pos_u, pos_w, neg_w, W_word, W_ctx):
    d = DIM
    # embedding lookups (gathers)
    zu, Zu = _to_box(jnp.take(W_word, pos_u, axis=0), d)      # [B, d]
    zw, Zw = _to_box(jnp.take(W_ctx, pos_w, axis=0), d)       # [B, d]
    zn, Zn = _to_box(jnp.take(W_ctx, neg_w, axis=0), d)       # [B, NNEG, d]

    target_vol = _log_soft_volume(zu, Zu)                      # [B]
    positive_vol = _log_soft_volume(zw, Zw)                    # [B]
    negative_vol = _log_soft_volume(zn, Zn)                    # [B, NNEG]

    # positive intersection volume
    zi, Zi = _intersection(zw, Zw, zu, Zu)
    positive_int_volumes = _log_soft_volume(zi, Zi)            # [B]

    # negative intersection volume (broadcast u over negatives)
    zi_n, Zi_n = _intersection(zn, Zn, zu[:, None, :], Zu[:, None, :])
    negative_int_volumes = _log_soft_volume(zi_n, Zi_n)        # [B, NNEG]

    return (target_vol, positive_vol, negative_vol, positive_int_volumes, negative_int_volumes)

if __name__ == "__main__":
    import jax
    _d = setup_inputs()
    print(jax.jit(kernel)(*tuple(_d.values())))

</pallas_src>

<mosaic_0001>
#map = affine_map<(d0, d1) -> (0, 0)>
#map1 = affine_map<(d0, d1) -> (0)>
module attributes {stable_mosaic.version = 14 : i64} {
  func.func @_sc_gather_body(%arg0: i32, %arg1: i32, %arg2: memref<100000x128xf32, #tpu.memory_space<hbm>>, %arg3: memref<100000x128xf32, #tpu.memory_space<hbm>>, %arg4: memref<4096xi32, #tpu.memory_space<hbm>>, %arg5: memref<86016xi32, #tpu.memory_space<hbm>>, %arg6: memref<4096x128xf32, #tpu.memory_space<hbm>>, %arg7: memref<86016x128xf32, #tpu.memory_space<hbm>>, %arg8: memref<128xi32, #tpu.memory_space<vmem>>, %arg9: memref<2688xi32, #tpu.memory_space<vmem>>, %arg10: memref<128x128xf32, #tpu.memory_space<vmem>>, %arg11: memref<384x128xf32, #tpu.memory_space<vmem>>, %arg12: memref<384x128xf32, #tpu.memory_space<vmem>>, %arg13: memref<!tpu.dma_semaphore, #tpu.memory_space<semaphore_mem>>, %arg14: memref<!tpu.dma_semaphore, #tpu.memory_space<semaphore_mem>>, %arg15: memref<!tpu.dma_semaphore, #tpu.memory_space<semaphore_mem>>, %arg16: memref<!tpu.dma_semaphore, #tpu.memory_space<semaphore_mem>>, %arg17: memref<!tpu.dma_semaphore, #tpu.memory_space<semaphore_mem>>, %arg18: memref<!tpu.dma_semaphore, #tpu.memory_space<semaphore_mem>>, %arg19: memref<!tpu.dma_semaphore, #tpu.memory_space<semaphore_mem>>, %arg20: memref<!tpu.dma_semaphore, #tpu.memory_space<semaphore_mem>>, %arg21: memref<!tpu.dma_semaphore, #tpu.memory_space<semaphore_mem>>, %arg22: memref<!tpu.dma_semaphore, #tpu.memory_space<semaphore_mem>>) attributes {dimension_semantics = [#tpu.dimension_semantics<core_parallel>, #tpu.dimension_semantics<subcore_parallel>], iteration_bounds = array<i64: 2, 16>, scalar_prefetch = 0 : i64, scratch_operands = 15 : i64, tpu.core_type = #tpu.core_type<sc_vector_subcore>, window_params = [{transform_indices = #map}, {transform_indices = #map}, {transform_indices = #map1}, {transform_indices = #map1}, {transform_indices = #map}, {transform_indices = #map}]} {
    %mul3A = arith.constant 2 : i32
    %mul3A_0 = arith.muli %arg1, %mul3A : i32
    %add3A = arith.addi %mul3A_0, %arg0 : i32
    %mul3A_1 = arith.constant 128 : i32
    %mul3A_2 = arith.muli %add3A, %mul3A_1 : i32
    "tpu.region"() ({
      %run_scoped3A = tpu.sem_alloc : memref<!tpu.dma_semaphore, #tpu.memory_space<semaphore_mem>>
      %dma_start3A_439 = tpu.memref_slice %arg4[%mul3A_2] : memref<4096xi32, #tpu.memory_space<hbm>> -> memref<128xi32, #tpu.memory_space<hbm>>
      %dma_start3A_440 = tpu.memref_slice %arg4[%mul3A_2] : memref<4096xi32, #tpu.memory_space<hbm>> -> memref<128xi32, #tpu.memory_space<hbm>>
      tpu.enqueue_dma source(%dma_start3A_440 : memref<128xi32, #tpu.memory_space<hbm>>) target(%arg8 : memref<128xi32, #tpu.memory_space<vmem>>) target_semaphore(%run_scoped3A : memref<!tpu.dma_semaphore, #tpu.memory_space<semaphore_mem>>)
      %dma_wait3A_441 = tpu.memref_slice %arg4[%mul3A_2] : memref<4096xi32, #tpu.memory_space<hbm>> -> memref<128xi32, #tpu.memory_space<hbm>>
      %dma_wait3A_442 = tpu.memref_slice %arg4[%mul3A_2] : memref<4096xi32, #tpu.memory_space<hbm>> -> memref<128xi32, #tpu.memory_space<hbm>>
      tpu.wait_dma2 semaphore(%run_scoped3A : memref<!tpu.dma_semaphore, #tpu.memory_space<semaphore_mem>>) src(%dma_wait3A_442 : memref<128xi32, #tpu.memory_space<hbm>>) dst(%arg8 : memref<128xi32, #tpu.memory_space<vmem>>)
      tpu.yield
    }) : () -> ()
    %mul3A_3 = arith.constant 2688 : i32
    %mul3A_4 = arith.muli %add3A, %mul3A_3 : i32
    "tpu.region"() ({
      %run_scoped3A = tpu.sem_alloc : memref<!tpu.dma_semaphore, #tpu.memory_space<semaphore_mem>>
      %dma_start3A_439 = tpu.memref_slice %arg5[%mul3A_4] : memref<86016xi32, #tpu.memory_space<hbm>> -> memref<2688xi32, #tpu.memory_space<hbm>>
      %dma_start3A_440 = tpu.memref_slice %arg5[%mul3A_4] : memref<86016xi32, #tpu.memory_space<hbm>> -> memref<2688xi32, #tpu.memory_space<hbm>>
      tpu.enqueue_dma source(%dma_start3A_440 : memref<2688xi32, #tpu.memory_space<hbm>>) target(%arg9 : memref<2688xi32, #tpu.memory_space<vmem>>) target_semaphore(%run_scoped3A : memref<!tpu.dma_semaphore, #tpu.memory_space<semaphore_mem>>)
      %dma_wait3A_441 = tpu.memref_slice %arg5[%mul3A_4] : memref<86016xi32, #tpu.memory_space<hbm>> -> memref<2688xi32, #tpu.memory_space<hbm>>
      %dma_wait3A_442 = tpu.memref_slice %arg5[%mul3A_4] : memref<86016xi32, #tpu.memory_space<hbm>> -> memref<2688xi32, #tpu.memory_space<hbm>>
      tpu.wait_dma2 semaphore(%run_scoped3A : memref<!tpu.dma_semaphore, #tpu.memory_space<semaphore_mem>>) src(%dma_wait3A_442 : memref<2688xi32, #tpu.memory_space<hbm>>) dst(%arg9 : memref<2688xi32, #tpu.memory_space<vmem>>)
      tpu.yield
    }) : () -> ()
    %dma_start3A = arith.constant 0 : i32
    %dma_start3A_5 = arith.constant 0 : i32
    %dma_start3A_6 = tpu.memref_slice %arg2[%dma_start3A, %dma_start3A_5] : memref<100000x128xf32, #tpu.memory_space<hbm>> -> memref<100000x128xf32, #tpu.memory_space<hbm>>
    tpu.enqueue_indirect_dma source(%dma_start3A_6 : memref<100000x128xf32, #tpu.memory_space<hbm>>) target(%arg10 : memref<128x128xf32, #tpu.memory_space<vmem>>) offsets(%arg8 : memref<128xi32, #tpu.memory_space<vmem>>) semaphore(%arg21 : memref<!tpu.dma_semaphore, #tpu.memory_space<semaphore_mem>>)
    %dma_wait3A = arith.constant 0 : i32
    %dma_wait3A_7 = arith.constant 0 : i32
    %dma_wait3A_8 = tpu.memref_slice %arg2[%dma_wait3A, %dma_wait3A_7] : memref<100000x128xf32, #tpu.memory_space<hbm>> -> memref<100000x128xf32, #tpu.memory_space<hbm>>
    tpu.wait_indirect_dma semaphore(%arg21 : memref<!tpu.dma_semaphore, #tpu.memory_space<semaphore_mem>>) src(%dma_wait3A_8 : memref<100000x128xf32, #tpu.memory_space<hbm>>) dst(%arg10 : memref<128x128xf32, #tpu.memory_space<vmem>>)
    %mul3A_9 = arith.constant 128 : i32
    %mul3A_10 = arith.muli %add3A, %mul3A_9 : i32
    %dma_start3A_11 = arith.constant 0 : i32
    %dma_start3A_12 = tpu.memref_slice %arg6[%mul3A_10, %dma_start3A_11] : memref<4096x128xf32, #tpu.memory_space<hbm>> -> memref<128x128xf32, #tpu.memory_space<hbm>>
    %dma_start3A_13 = arith.constant 0 : i32
    %dma_start3A_14 = tpu.memref_slice %arg6[%mul3A_10, %dma_start3A_13] : memref<4096x128xf32, #tpu.memory_space<hbm>> -> memref<128x128xf32, #tpu.memory_space<hbm>>
    tpu.enqueue_dma source(%arg10 : memref<128x128xf32, #tpu.memory_space<vmem>>) target(%dma_start3A_14 : memref<128x128xf32, #tpu.memory_space<hbm>>) target_semaphore(%arg22 : memref<!tpu.dma_semaphore, #tpu.memory_space<semaphore_mem>>)
    %dma_start3A_15 = arith.constant 0 : i32
    %dma_start3A_16 = arith.constant 0 : i32
    %dma_start3A_17 = tpu.memref_slice %arg11[%dma_start3A_15, %dma_start3A_16] : memref<384x128xf32, #tpu.memory_space<vmem>> -> memref<128x128xf32, #tpu.memory_space<vmem>>
    %dma_start3A_18 = arith.constant 0 : i32
    %dma_start3A_19 = tpu.memref_slice %arg9[%dma_start3A_18] : memref<2688xi32, #tpu.memory_space<vmem>> -> memref<128xi32, #tpu.memory_space<vmem>>
    %dma_start3A_20 = arith.constant 0 : i32
    %dma_start3A_21 = arith.constant 0 : i32
    %dma_start3A_22 = tpu.memref_slice %arg3[%dma_start3A_20, %dma_start3A_21] : memref<100000x128xf32, #tpu.memory_space<hbm>> -> memref<100000x128xf32, #tpu.memory_space<hbm>>
    tpu.enqueue_indirect_dma source(%dma_start3A_22 : memref<100000x128xf32, #tpu.memory_space<hbm>>) target(%dma_start3A_17 : memref<128x128xf32, #tpu.memory_space<vmem>>) offsets(%dma_start3A_19 : memref<128xi32, #tpu.memory_space<vmem>>) semaphore(%arg13 : memref<!tpu.dma_semaphore, #tpu.memory_space<semaphore_mem>>)
    %dma_start3A_23 = arith.constant 128 : i32
    %dma_start3A_24 = arith.constant 0 : i32
    %dma_start3A_25 = tpu.memref_slice %arg11[%dma_start3A_23, %dma_start3A_24] : memref<384x128xf32, #tpu.memory_space<vmem>> -> memref<128x128xf32, #tpu.memory_space<vmem>>
    %dma_start3A_26 = arith.constant 128 : i32
    %dma_start3A_27 = tpu.memref_slice %arg9[%dma_start3A_26] : memref<2688xi32, #tpu.memory_space<vmem>> -> memref<128xi32, #tpu.memory_space<vmem>>
    %dma_start3A_28 = arith.constant 0 : i32
    %dma_start3A_29 = arith.constant 0 : i32
    %dma_start3A_30 = tpu.memref_slice %arg3[%dma_start3A_28, %dma_start3A_29] : memref<100000x128xf32, #tpu.memory_space<hbm>> -> memref<100000x128xf32, #tpu.memory_space<hbm>>
    tpu.enqueue_indirect_dma source(%dma_start3A_30 : memref<100000x128xf32, #tpu.memory_space<hbm>>) target(%dma_start3A_25 : memref<128x128xf32, #tpu.memory_space<vmem>>) offsets(%dma_start3A_27 : memref<128xi32, #tpu.memory_space<vmem>>) semaphore(%arg14 : memref<!tpu.dma_semaphore, #tpu.memory_space<semaphore_mem>>)
    %dma_start3A_31 = arith.constant 256 : i32
    %dma_start3A_32 = arith.constant 0 : i32
    %dma_start3A_33 = tpu.memref_slice %arg11[%dma_start3A_31, %dma_start3A_32] : memref<384x128xf32, #tpu.memory_space<vmem>> -> memref<128x128xf32, #tpu.memory_space<vmem>>
    %dma_start3A_34 = arith.constant 256 : i32
    %dma_start3A_35 = tpu.memref_slice %arg9[%dma_start3A_34] : memref<2688xi32, #tpu.memory_space<vmem>> -> memref<128xi32, #tpu.memory_space<vmem>>
    %dma_start3A_36 = arith.constant 0 : i32
    %dma_start3A_37 = arith.constant 0 : i32
    %dma_start3A_38 = tpu.memref_slice %arg3[%dma_start3A_36, %dma_start3A_37] : memref<100000x128xf32, #tpu.memory_space<hbm>> -> memref<100000x128xf32, #tpu.memory_space<hbm>>
    tpu.enqueue_indirect_dma source(%dma_start3A_38 : memref<100000x128xf32, #tpu.memory_space<hbm>>) target(%dma_start3A_33 : memref<128x128xf32, #tpu.memory_space<vmem>>) offsets(%dma_start3A_35 : memref<128xi32, #tpu.memory_space<vmem>>) semaphore(%arg15 : memref<!tpu.dma_semaphore, #tpu.memory_space<semaphore_mem>>)
    %dma_wait3A_39 = arith.constant 0 : i32
    %dma_wait3A_40 = arith.constant 0 : i32
    %dma_wait3A_41 = tpu.memref_slice %arg11[%dma_wait3A_39, %dma_wait3A_40] : memref<384x128xf32, #tpu.memory_space<vmem>> -> memref<128x128xf32, #tpu.memory_space<vmem>>
    %dma_wait3A_42 = arith.constant 0 : i32
    %dma_wait3A_43 = tpu.memref_slice %arg9[%dma_wait3A_42] : memref<2688xi32, #tpu.memory_space<vmem>> -> memref<128xi32, #tpu.memory_space<vmem>>
    %dma_wait3A_44 = arith.constant 0 : i32
    %dma_wait3A_45 = arith.constant 0 : i32
    %dma_wait3A_46 = tpu.memref_slice %arg3[%dma_wait3A_44, %dma_wait3A_45] : memref<100000x128xf32, #tpu.memory_space<hbm>> -> memref<100000x128xf32, #tpu.memory_space<hbm>>
    tpu.wait_indirect_dma semaphore(%arg13 : memref<!tpu.dma_semaphore, #tpu.memory_space<semaphore_mem>>) src(%dma_wait3A_46 : memref<100000x128xf32, #tpu.memory_space<hbm>>) dst(%dma_wait3A_41 : memref<128x128xf32, #tpu.memory_space<vmem>>)
    %dma_wait3A_47 = arith.constant 128 : i32
    %dma_wait3A_48 = arith.constant 0 : i32
    %dma_wait3A_49 = tpu.memref_slice %arg11[%dma_wait3A_47, %dma_wait3A_48] : memref<384x128xf32, #tpu.memory_space<vmem>> -> memref<128x128xf32, #tpu.memory_space<vmem>>
    %dma_wait3A_50 = arith.constant 128 : i32
    %dma_wait3A_51 = tpu.memref_slice %arg9[%dma_wait3A_50] : memref<2688xi32, #tpu.memory_space<vmem>> -> memref<128xi32, #tpu.memory_space<vmem>>
    %dma_wait3A_52 = arith.constant 0 : i32
    %dma_wait3A_53 = arith.constant 0 : i32
    %dma_wait3A_54 = tpu.memref_slice %arg3[%dma_wait3A_52, %dma_wait3A_53] : memref<100000x128xf32, #tpu.memory_space<hbm>> -> memref<100000x128xf32, #tpu.memory_space<hbm>>
    tpu.wait_indirect_dma semaphore(%arg14 : memref<!tpu.dma_semaphore, #tpu.memory_space<semaphore_mem>>) src(%dma_wait3A_54 : memref<100000x128xf32, #tpu.memory_space<hbm>>) dst(%dma_wait3A_49 : memref<128x128xf32, #tpu.memory_space<vmem>>)
    %dma_wait3A_55 = arith.constant 256 : i32
    %dma_wait3A_56 = arith.constant 0 : i32
    %dma_wait3A_57 = tpu.memref_slice %arg11[%dma_wait3A_55, %dma_wait3A_56] : memref<384x128xf32, #tpu.memory_space<vmem>> -> memref<128x128xf32, #tpu.memory_space<vmem>>
    %dma_wait3A_58 = arith.constant 256 : i32
    %dma_wait3A_59 = tpu.memref_slice %arg9[%dma_wait3A_58] : memref<2688xi32, #tpu.memory_space<vmem>> -> memref<128xi32, #tpu.memory_space<vmem>>
    %dma_wait3A_60 = arith.constant 0 : i32
    %dma_wait3A_61 = arith.constant 0 : i32
    %dma_wait3A_62 = tpu.memref_slice %arg3[%dma_wait3A_60, %dma_wait3A_61] : memref<100000x128xf32, #tpu.memory_space<hbm>> -> memref<100000x128xf32, #tpu.memory_space<hbm>>
    tpu.wait_indirect_dma semaphore(%arg15 : memref<!tpu.dma_semaphore, #tpu.memory_space<semaphore_mem>>) src(%dma_wait3A_62 : memref<100000x128xf32, #tpu.memory_space<hbm>>) dst(%dma_wait3A_57 : memref<128x128xf32, #tpu.memory_space<vmem>>)
    %mul3A_63 = arith.constant 2688 : i32
    %mul3A_64 = arith.muli %add3A, %mul3A_63 : i32
    %add3A_65 = arith.constant 0 : i32
    %add3A_66 = arith.addi %mul3A_64, %add3A_65 : i32
    %dma_start3A_67 = arith.constant 0 : i32
    %dma_start3A_68 = tpu.memref_slice %arg7[%add3A_66, %dma_start3A_67] : memref<86016x128xf32, #tpu.memory_space<hbm>> -> memref<384x128xf32, #tpu.memory_space<hbm>>
    %dma_start3A_69 = arith.constant 0 : i32
    %dma_start3A_70 = tpu.memref_slice %arg7[%add3A_66, %dma_start3A_69] : memref<86016x128xf32, #tpu.memory_space<hbm>> -> memref<384x128xf32, #tpu.memory_space<hbm>>
    tpu.enqueue_dma source(%arg11 : memref<384x128xf32, #tpu.memory_space<vmem>>) target(%dma_start3A_70 : memref<384x128xf32, #tpu.memory_space<hbm>>) target_semaphore(%arg19 : memref<!tpu.dma_semaphore, #tpu.memory_space<semaphore_mem>>)
    %dma_start3A_71 = arith.constant 0 : i32
    %dma_start3A_72 = arith.constant 0 : i32
    %dma_start3A_73 = tpu.memref_slice %arg12[%dma_start3A_71, %dma_start3A_72] : memref<384x128xf32, #tpu.memory_space<vmem>> -> memref<128x128xf32, #tpu.memory_space<vmem>>
    %dma_start3A_74 = arith.constant 384 : i32
    %dma_start3A_75 = tpu.memref_slice %arg9[%dma_start3A_74] : memref<2688xi32, #tpu.memory_space<vmem>> -> memref<128xi32, #tpu.memory_space<vmem>>
    %dma_start3A_76 = arith.constant 0 : i32
    %dma_start3A_77 = arith.constant 0 : i32
    %dma_start3A_78 = tpu.memref_slice %arg3[%dma_start3A_76, %dma_start3A_77] : memref<100000x128xf32, #tpu.memory_space<hbm>> -> memref<100000x128xf32, #tpu.memory_space<hbm>>
    tpu.enqueue_indirect_dma source(%dma_start3A_78 : memref<100000x128xf32, #tpu.memory_space<hbm>>) target(%dma_start3A_73 : memref<128x128xf32, #tpu.memory_space<vmem>>) offsets(%dma_start3A_75 : memref<128xi32, #tpu.memory_space<vmem>>) semaphore(%arg16 : memref<!tpu.dma_semaphore, #tpu.memory_space<semaphore_mem>>)
    %dma_start3A_79 = arith.constant 128 : i32
    %dma_start3A_80 = arith.constant 0 : i32
    %dma_start3A_81 = tpu.memref_slice %arg12[%dma_start3A_79, %dma_start3A_80] : memref<384x128xf32, #tpu.memory_space<vmem>> -> memref<128x128xf32, #tpu.memory_space<vmem>>
    %dma_start3A_82 = arith.constant 512 : i32
    %dma_start3A_83 = tpu.memref_slice %arg9[%dma_start3A_82] : memref<2688xi32, #tpu.memory_space<vmem>> -> memref<128xi32, #tpu.memory_space<vmem>>
    %dma_start3A_84 = arith.constant 0 : i32
    %dma_start3A_85 = arith.constant 0 : i32
    %dma_start3A_86 = tpu.memref_slice %arg3[%dma_start3A_84, %dma_start3A_85] : memref<100000x128xf32, #tpu.memory_space<hbm>> -> memref<100000x128xf32, #tpu.memory_space<hbm>>
    tpu.enqueue_indirect_dma source(%dma_start3A_86 : memref<100000x128xf32, #tpu.memory_space<hbm>>) target(%dma_start3A_81 : memref<128x128xf32, #tpu.memory_space<vmem>>) offsets(%dma_start3A_83 : memref<128xi32, #tpu.memory_space<vmem>>) semaphore(%arg17 : memref<!tpu.dma_semaphore, #tpu.memory_space<semaphore_mem>>)
    %dma_start3A_87 = arith.constant 256 : i32
    %dma_start3A_88 = arith.constant 0 : i32
    %dma_start3A_89 = tpu.memref_slice %arg12[%dma_start3A_87, %dma_start3A_88] : memref<384x128xf32, #tpu.memory_space<vmem>> -> memref<128x128xf32, #tpu.memory_space<vmem>>
    %dma_start3A_90 = arith.constant 640 : i32
    %dma_start3A_91 = tpu.memref_slice %arg9[%dma_start3A_90] : memref<2688xi32, #tpu.memory_space<vmem>> -> memref<128xi32, #tpu.memory_space<vmem>>
    %dma_start3A_92 = arith.constant 0 : i32
    %dma_start3A_93 = arith.constant 0 : i32
    %dma_start3A_94 = tpu.memref_slice %arg3[%dma_start3A_92, %dma_start3A_93] : memref<100000x128xf32, #tpu.memory_space<hbm>> -> memref<100000x128xf32, #tpu.memory_space<hbm>>
    tpu.enqueue_indirect_dma source(%dma_start3A_94 : memref<100000x128xf32, #tpu.memory_space<hbm>>) target(%dma_start3A_89 : memref<128x128xf32, #tpu.memory_space<vmem>>) offsets(%dma_start3A_91 : memref<128xi32, #tpu.memory_space<vmem>>) semaphore(%arg18 : memref<!tpu.dma_semaphore, #tpu.memory_space<semaphore_mem>>)
    %dma_wait3A_95 = arith.constant 0 : i32
    %dma_wait3A_96 = arith.constant 0 : i32
    %dma_wait3A_97 = tpu.memref_slice %arg12[%dma_wait3A_95, %dma_wait3A_96] : memref<384x128xf32, #tpu.memory_space<vmem>> -> memref<128x128xf32, #tpu.memory_space<vmem>>
    %dma_wait3A_98 = arith.constant 384 : i32
    %dma_wait3A_99 = tpu.memref_slice %arg9[%dma_wait3A_98] : memref<2688xi32, #tpu.memory_space<vmem>> -> memref<128xi32, #tpu.memory_space<vmem>>
    %dma_wait3A_100 = arith.constant 0 : i32
    %dma_wait3A_101 = arith.constant 0 : i32
    %dma_wait3A_102 = tpu.memref_slice %arg3[%dma_wait3A_100, %dma_wait3A_101] : memref<100000x128xf32, #tpu.memory_space<hbm>> -> memref<100000x128xf32, #tpu.memory_space<hbm>>
    tpu.wait_indirect_dma semaphore(%arg16 : memref<!tpu.dma_semaphore, #tpu.memory_space<semaphore_mem>>) src(%dma_wait3A_102 : memref<100000x128xf32, #tpu.memory_space<hbm>>) dst(%dma_wait3A_97 : memref<128x128xf32, #tpu.memory_space<vmem>>)
    %dma_wait3A_103 = arith.constant 128 : i32
    %dma_wait3A_104 = arith.constant 0 : i32
    %dma_wait3A_105 = tpu.memref_slice %arg12[%dma_wait3A_103, %dma_wait3A_104] : memref<384x128xf32, #tpu.memory_space<vmem>> -> memref<128x128xf32, #tpu.memory_space<vmem>>
    %dma_wait3A_106 = arith.constant 512 : i32
    %dma_wait3A_107 = tpu.memref_slice %arg9[%dma_wait3A_106] : memref<2688xi32, #tpu.memory_space<vmem>> -> memref<128xi32, #tpu.memory_space<vmem>>
    %dma_wait3A_108 = arith.constant 0 : i32
    %dma_wait3A_109 = arith.constant 0 : i32
    %dma_wait3A_110 = tpu.memref_slice %arg3[%dma_wait3A_108, %dma_wait3A_109] : memref<100000x128xf32, #tpu.memory_space<hbm>> -> memref<100000x128xf32, #tpu.memory_space<hbm>>
    tpu.wait_indirect_dma semaphore(%arg17 : memref<!tpu.dma_semaphore, #tpu.memory_space<semaphore_mem>>) src(%dma_wait3A_110 : memref<100000x128xf32, #tpu.memory_space<hbm>>) dst(%dma_wait3A_105 : memref<128x128xf32, #tpu.memory_space<vmem>>)
    %dma_wait3A_111 = arith.constant 256 : i32
    %dma_wait3A_112 = arith.constant 0 : i32
    %dma_wait3A_113 = tpu.memref_slice %arg12[%dma_wait3A_111, %dma_wait3A_112] : memref<384x128xf32, #tpu.memory_space<vmem>> -> memref<128x128xf32, #tpu.memory_space<vmem>>
    %dma_wait3A_114 = arith.constant 640 : i32
    %dma_wait3A_115 = tpu.memref_slice %arg9[%dma_wait3A_114] : memref<2688xi32, #tpu.memory_space<vmem>> -> memref<128xi32, #tpu.memory_space<vmem>>
    %dma_wait3A_116 = arith.constant 0 : i32
    %dma_wait3A_117 = arith.constant 0 : i32
    %dma_wait3A_118 = tpu.memref_slice %arg3[%dma_wait3A_116, %dma_wait3A_117] : memref<100000x128xf32, #tpu.memory_space<hbm>> -> memref<100000x128xf32, #tpu.memory_space<hbm>>
    tpu.wait_indirect_dma semaphore(%arg18 : memref<!tpu.dma_semaphore, #tpu.memory_space<semaphore_mem>>) src(%dma_wait3A_118 : memref<100000x128xf32, #tpu.memory_space<hbm>>) dst(%dma_wait3A_113 : memref<128x128xf32, #tpu.memory_space<vmem>>)
    %mul3A_119 = arith.constant 2688 : i32
    %mul3A_120 = arith.muli %add3A, %mul3A_119 : i32
    %add3A_121 = arith.constant 384 : i32
    %add3A_122 = arith.addi %mul3A_120, %add3A_121 : i32
    %dma_start3A_123 = arith.constant 0 : i32
    %dma_start3A_124 = tpu.memref_slice %arg7[%add3A_122, %dma_start3A_123] : memref<86016x128xf32, #tpu.memory_space<hbm>> -> memref<384x128xf32, #tpu.memory_space<hbm>>
    %dma_start3A_125 = arith.constant 0 : i32
    %dma_start3A_126 = tpu.memref_slice %arg7[%add3A_122, %dma_start3A_125] : memref<86016x128xf32, #tpu.memory_space<hbm>> -> memref<384x128xf32, #tpu.memory_space<hbm>>
    tpu.enqueue_dma source(%arg12 : memref<384x128xf32, #tpu.memory_space<vmem>>) target(%dma_start3A_126 : memref<384x128xf32, #tpu.memory_space<hbm>>) target_semaphore(%arg20 : memref<!tpu.dma_semaphore, #tpu.memory_space<semaphore_mem>>)
    %dma_wait3A_127 = arith.constant 0 : i32
    %dma_wait3A_128 = tpu.memref_slice %arg7[%add3A_66, %dma_wait3A_127] : memref<86016x128xf32, #tpu.memory_space<hbm>> -> memref<384x128xf32, #tpu.memory_space<hbm>>
    %dma_wait3A_129 = arith.constant 0 : i32
    %dma_wait3A_130 = tpu.memref_slice %arg7[%add3A_66, %dma_wait3A_129] : memref<86016x128xf32, #tpu.memory_space<hbm>> -> memref<384x128xf32, #tpu.memory_space<hbm>>
    tpu.wait_dma2 semaphore(%arg19 : memref<!tpu.dma_semaphore, #tpu.memory_space<semaphore_mem>>) src(%arg11 : memref<384x128xf32, #tpu.memory_space<vmem>>) dst(%dma_wait3A_130 : memref<384x128xf32, #tpu.memory_space<hbm>>)
    %dma_start3A_131 = arith.constant 0 : i32
    %dma_start3A_132 = arith.constant 0 : i32
    %dma_start3A_133 = tpu.memref_slice %arg11[%dma_start3A_131, %dma_start3A_132] : memref<384x128xf32, #tpu.memory_space<vmem>> -> memref<128x128xf32, #tpu.memory_space<vmem>>
    %dma_start3A_134 = arith.constant 768 : i32
    %dma_start3A_135 = tpu.memref_slice %arg9[%dma_start3A_134] : memref<2688xi32, #tpu.memory_space<vmem>> -> memref<128xi32, #tpu.memory_space<vmem>>
    %dma_start3A_136 = arith.constant 0 : i32
    %dma_start3A_137 = arith.constant 0 : i32
    %dma_start3A_138 = tpu.memref_slice %arg3[%dma_start3A_136, %dma_start3A_137] : memref<100000x128xf32, #tpu.memory_space<hbm>> -> memref<100000x128xf32, #tpu.memory_space<hbm>>
    tpu.enqueue_indirect_dma source(%dma_start3A_138 : memref<100000x128xf32, #tpu.memory_space<hbm>>) target(%dma_start3A_133 : memref<128x128xf32, #tpu.memory_space<vmem>>) offsets(%dma_start3A_135 : memref<128xi32, #tpu.memory_space<vmem>>) semaphore(%arg13 : memref<!tpu.dma_semaphore, #tpu.memory_space<semaphore_mem>>)
    %dma_start3A_139 = arith.constant 128 : i32
    %dma_start3A_140 = arith.constant 0 : i32
    %dma_start3A_141 = tpu.memref_slice %arg11[%dma_start3A_139, %dma_start3A_140] : memref<384x128xf32, #tpu.memory_space<vmem>> -> memref<128x128xf32, #tpu.memory_space<vmem>>
    %dma_start3A_142 = arith.constant 896 : i32
    %dma_start3A_143 = tpu.memref_slice %arg9[%dma_start3A_142] : memref<2688xi32, #tpu.memory_space<vmem>> -> memref<128xi32, #tpu.memory_space<vmem>>
    %dma_start3A_144 = arith.constant 0 : i32
    %dma_start3A_145 = arith.constant 0 : i32
    %dma_start3A_146 = tpu.memref_slice %arg3[%dma_start3A_144, %dma_start3A_145] : memref<100000x128xf32, #tpu.memory_space<hbm>> -> memref<100000x128xf32, #tpu.memory_space<hbm>>
    tpu.enqueue_indirect_dma source(%dma_start3A_146 : memref<100000x128xf32, #tpu.memory_space<hbm>>) target(%dma_start3A_141 : memref<128x128xf32, #tpu.memory_space<vmem>>) offsets(%dma_start3A_143 : memref<128xi32, #tpu.memory_space<vmem>>) semaphore(%arg14 : memref<!tpu.dma_semaphore, #tpu.memory_space<semaphore_mem>>)
    %dma_start3A_147 = arith.constant 256 : i32
    %dma_start3A_148 = arith.constant 0 : i32
    %dma_start3A_149 = tpu.memref_slice %arg11[%dma_start3A_147, %dma_start3A_148] : memref<384x128xf32, #tpu.memory_space<vmem>> -> memref<128x128xf32, #tpu.memory_space<vmem>>
    %dma_start3A_150 = arith.constant 1024 : i32
    %dma_start3A_151 = tpu.memref_slice %arg9[%dma_start3A_150] : memref<2688xi32, #tpu.memory_space<vmem>> -> memref<128xi32, #tpu.memory_space<vmem>>
    %dma_start3A_152 = arith.constant 0 : i32
    %dma_start3A_153 = arith.constant 0 : i32
    %dma_start3A_154 = tpu.memref_slice %arg3[%dma_start3A_152, %dma_start3A_153] : memref<100000x128xf32, #tpu.memory_space<hbm>> -> memref<100000x128xf32, #tpu.memory_space<hbm>>
    tpu.enqueue_indirect_dma source(%dma_start3A_154 : memref<100000x128xf32, #tpu.memory_space<hbm>>) target(%dma_start3A_149 : memref<128x128xf32, #tpu.memory_space<vmem>>) offsets(%dma_start3A_151 : memref<128xi32, #tpu.memory_space<vmem>>) semaphore(%arg15 : memref<!tpu.dma_semaphore, #tpu.memory_space<semaphore_mem>>)
    %dma_wait3A_155 = arith.constant 0 : i32
    %dma_wait3A_156 = arith.constant 0 : i32
    %dma_wait3A_157 = tpu.memref_slice %arg11[%dma_wait3A_155, %dma_wait3A_156] : memref<384x128xf32, #tpu.memory_space<vmem>> -> memref<128x128xf32, #tpu.memory_space<vmem>>
    %dma_wait3A_158 = arith.constant 768 : i32
    %dma_wait3A_159 = tpu.memref_slice %arg9[%dma_wait3A_158] : memref<2688xi32, #tpu.memory_space<vmem>> -> memref<128xi32, #tpu.memory_space<vmem>>
    %dma_wait3A_160 = arith.constant 0 : i32
    %dma_wait3A_161 = arith.constant 0 : i32
    %dma_wait3A_162 = tpu.memref_slice %arg3[%dma_wait3A_160, %dma_wait3A_161] : memref<100000x128xf32, #tpu.memory_space<hbm>> -> memref<100000x128xf32, #tpu.memory_space<hbm>>
    tpu.wait_indirect_dma semaphore(%arg13 : memref<!tpu.dma_semaphore, #tpu.memory_space<semaphore_mem>>) src(%dma_wait3A_162 : memref<100000x128xf32, #tpu.memory_space<hbm>>) dst(%dma_wait3A_157 : memref<128x128xf32, #tpu.memory_space<vmem>>)
    %dma_wait3A_163 = arith.constant 128 : i32
    %dma_wait3A_164 = arith.constant 0 : i32
    %dma_wait3A_165 = tpu.memref_slice %arg11[%dma_wait3A_163, %dma_wait3A_164] : memref<384x128xf32, #tpu.memory_space<vmem>> -> memref<128x128xf32, #tpu.memory_space<vmem>>
    %dma_wait3A_166 = arith.constant 896 : i32
    %dma_wait3A_167 = tpu.memref_slice %arg9[%dma_wait3A_166] : memref<2688xi32, #tpu.memory_space<vmem>> -> memref<128xi32, #tpu.memory_space<vmem>>
    %dma_wait3A_168 = arith.constant 0 : i32
    %dma_wait3A_169 = arith.constant 0 : i32
    %dma_wait3A_170 = tpu.memref_slice %arg3[%dma_wait3A_168, %dma_wait3A_169] : memref<100000x128xf32, #tpu.memory_space<hbm>> -> memref<100000x128xf32, #tpu.memory_space<hbm>>
    tpu.wait_indirect_dma semaphore(%arg14 : memref<!tpu.dma_semaphore, #tpu.memory_space<semaphore_mem>>) src(%dma_wait3A_170 : memref<100000x128xf32, #tpu.memory_space<hbm>>) dst(%dma_wait3A_165 : memref<128x128xf32, #tpu.memory_space<vmem>>)
    %dma_wait3A_171 = arith.constant 256 : i32
    %dma_wait3A_172 = arith.constant 0 : i32
    %dma_wait3A_173 = tpu.memref_slice %arg11[%dma_wait3A_171, %dma_wait3A_172] : memref<384x128xf32, #tpu.memory_space<vmem>> -> memref<128x128xf32, #tpu.memory_space<vmem>>
    %dma_wait3A_174 = arith.constant 1024 : i32
    %dma_wait3A_175 = tpu.memref_slice %arg9[%dma_wait3A_174] : memref<2688xi32, #tpu.memory_space<vmem>> -> memref<128xi32, #tpu.memory_space<vmem>>
    %dma_wait3A_176 = arith.constant 0 : i32
    %dma_wait3A_177 = arith.constant 0 : i32
    %dma_wait3A_178 = tpu.memref_slice %arg3[%dma_wait3A_176, %dma_wait3A_177] : memref<100000x128xf32, #tpu.memory_space<hbm>> -> memref<100000x128xf32, #tpu.memory_space<hbm>>
    tpu.wait_indirect_dma semaphore(%arg15 : memref<!tpu.dma_semaphore, #tpu.memory_space<semaphore_mem>>) src(%dma_wait3A_178 : memref<100000x128xf32, #tpu.memory_space<hbm>>) dst(%dma_wait3A_173 : memref<128x128xf32, #tpu.memory_space<vmem>>)
    %mul3A_179 = arith.constant 2688 : i32
    %mul3A_180 = arith.muli %add3A, %mul3A_179 : i32
    %add3A_181 = arith.constant 768 : i32
    %add3A_182 = arith.addi %mul3A_180, %add3A_181 : i32
    %dma_start3A_183 = arith.constant 0 : i32
    %dma_start3A_184 = tpu.memref_slice %arg7[%add3A_182, %dma_start3A_183] : memref<86016x128xf32, #tpu.memory_space<hbm>> -> memref<384x128xf32, #tpu.memory_space<hbm>>
    %dma_start3A_185 = arith.constant 0 : i32
    %dma_start3A_186 = tpu.memref_slice %arg7[%add3A_182, %dma_start3A_185] : memref<86016x128xf32, #tpu.memory_space<hbm>> -> memref<384x128xf32, #tpu.memory_space<hbm>>
    tpu.enqueue_dma source(%arg11 : memref<384x128xf32, #tpu.memory_space<vmem>>) target(%dma_start3A_186 : memref<384x128xf32, #tpu.memory_space<hbm>>) target_semaphore(%arg19 : memref<!tpu.dma_semaphore, #tpu.memory_space<semaphore_mem>>)
    %dma_wait3A_187 = arith.constant 0 : i32
    %dma_wait3A_188 = tpu.memref_slice %arg7[%add3A_122, %dma_wait3A_187] : memref<86016x128xf32, #tpu.memory_space<hbm>> -> memref<384x128xf32, #tpu.memory_space<hbm>>
    %dma_wait3A_189 = arith.constant 0 : i32
    %dma_wait3A_190 = tpu.memref_slice %arg7[%add3A_122, %dma_wait3A_189] : memref<86016x128xf32, #tpu.memory_space<hbm>> -> memref<384x128xf32, #tpu.memory_space<hbm>>
    tpu.wait_dma2 semaphore(%arg20 : memref<!tpu.dma_semaphore, #tpu.memory_space<semaphore_mem>>) src(%arg12 : memref<384x128xf32, #tpu.memory_space<vmem>>) dst(%dma_wait3A_190 : memref<384x128xf32, #tpu.memory_space<hbm>>)
    %dma_start3A_191 = arith.constant 0 : i32
    %dma_start3A_192 = arith.constant 0 : i32
    %dma_start3A_193 = tpu.memref_slice %arg12[%dma_start3A_191, %dma_start3A_192] : memref<384x128xf32, #tpu.memory_space<vmem>> -> memref<128x128xf32, #tpu.memory_space<vmem>>
    %dma_start3A_194 = arith.constant 1152 : i32
    %dma_start3A_195 = tpu.memref_slice %arg9[%dma_start3A_194] : memref<2688xi32, #tpu.memory_space<vmem>> -> memref<128xi32, #tpu.memory_space<vmem>>
    %dma_start3A_196 = arith.constant 0 : i32
    %dma_start3A_197 = arith.constant 0 : i32
    %dma_start3A_198 = tpu.memref_slice %arg3[%dma_start3A_196, %dma_start3A_197] : memref<100000x128xf32, #tpu.memory_space<hbm>> -> memref<100000x128xf32, #tpu.memory_space<hbm>>
    tpu.enqueue_indirect_dma source(%dma_start3A_198 : memref<100000x128xf32, #tpu.memory_space<hbm>>) target(%dma_start3A_193 : memref<128x128xf32, #tpu.memory_space<vmem>>) offsets(%dma_start3A_195 : memref<128xi32, #tpu.memory_space<vmem>>) semaphore(%arg16 : memref<!tpu.dma_semaphore, #tpu.memory_space<semaphore_mem>>)
    %dma_start3A_199 = arith.constant 128 : i32
    %dma_start3A_200 = arith.constant 0 : i32
    %dma_start3A_201 = tpu.memref_slice %arg12[%dma_start3A_199, %dma_start3A_200] : memref<384x128xf32, #tpu.memory_space<vmem>> -> memref<128x128xf32, #tpu.memory_space<vmem>>
    %dma_start3A_202 = arith.constant 1280 : i32
    %dma_start3A_203 = tpu.memref_slice %arg9[%dma_start3A_202] : memref<2688xi32, #tpu.memory_space<vmem>> -> memref<128xi32, #tpu.memory_space<vmem>>
    %dma_start3A_204 = arith.constant 0 : i32
    %dma_start3A_205 = arith.constant 0 : i32
    %dma_start3A_206 = tpu.memref_slice %arg3[%dma_start3A_204, %dma_start3A_205] : memref<100000x128xf32, #tpu.memory_space<hbm>> -> memref<100000x128xf32, #tpu.memory_space<hbm>>
    tpu.enqueue_indirect_dma source(%dma_start3A_206 : memref<100000x128xf32, #tpu.memory_space<hbm>>) target(%dma_start3A_201 : memref<128x128xf32, #tpu.memory_space<vmem>>) offsets(%dma_start3A_203 : memref<128xi32, #tpu.memory_space<vmem>>) semaphore(%arg17 : memref<!tpu.dma_semaphore, #tpu.memory_space<semaphore_mem>>)
    %dma_start3A_207 = arith.constant 256 : i32
    %dma_start3A_208 = arith.constant 0 : i32
    %dma_start3A_209 = tpu.memref_slice %arg12[%dma_start3A_207, %dma_start3A_208] : memref<384x128xf32, #tpu.memory_space<vmem>> -> memref<128x128xf32, #tpu.memory_space<vmem>>
    %dma_start3A_210 = arith.constant 1408 : i32
    %dma_start3A_211 = tpu.memref_slice %arg9[%dma_start3A_210] : memref<2688xi32, #tpu.memory_space<vmem>> -> memref<128xi32, #tpu.memory_space<vmem>>
    %dma_start3A_212 = arith.constant 0 : i32
    %dma_start3A_213 = arith.constant 0 : i32
    %dma_start3A_214 = tpu.memref_slice %arg3[%dma_start3A_212, %dma_start3A_213] : memref<100000x128xf32, #tpu.memory_space<hbm>> -> memref<100000x128xf32, #tpu.memory_space<hbm>>
    tpu.enqueue_indirect_dma source(%dma_start3A_214 : memref<100000x128xf32, #tpu.memory_space<hbm>>) target(%dma_start3A_209 : memref<128x128xf32, #tpu.memory_space<vmem>>) offsets(%dma_start3A_211 : memref<128xi32, #tpu.memory_space<vmem>>) semaphore(%arg18 : memref<!tpu.dma_semaphore, #tpu.memory_space<semaphore_mem>>)
    %dma_wait3A_215 = arith.constant 0 : i32
    %dma_wait3A_216 = arith.constant 0 : i32
    %dma_wait3A_217 = tpu.memref_slice %arg12[%dma_wait3A_215, %dma_wait3A_216] : memref<384x128xf32, #tpu.memory_space<vmem>> -> memref<128x128xf32, #tpu.memory_space<vmem>>
    %dma_wait3A_218 = arith.constant 1152 : i32
    %dma_wait3A_219 = tpu.memref_slice %arg9[%dma_wait3A_218] : memref<2688xi32, #tpu.memory_space<vmem>> -> memref<128xi32, #tpu.memory_space<vmem>>
    %dma_wait3A_220 = arith.constant 0 : i32
    %dma_wait3A_221 = arith.constant 0 : i32
    %dma_wait3A_222 = tpu.memref_slice %arg3[%dma_wait3A_220, %dma_wait3A_221] : memref<100000x128xf32, #tpu.memory_space<hbm>> -> memref<100000x128xf32, #tpu.memory_space<hbm>>
    tpu.wait_indirect_dma semaphore(%arg16 : memref<!tpu.dma_semaphore, #tpu.memory_space<semaphore_mem>>) src(%dma_wait3A_222 : memref<100000x128xf32, #tpu.memory_space<hbm>>) dst(%dma_wait3A_217 : memref<128x128xf32, #tpu.memory_space<vmem>>)
    %dma_wait3A_223 = arith.constant 128 : i32
    %dma_wait3A_224 = arith.constant 0 : i32
    %dma_wait3A_225 = tpu.memref_slice %arg12[%dma_wait3A_223, %dma_wait3A_224] : memref<384x128xf32, #tpu.memory_space<vmem>> -> memref<128x128xf32, #tpu.memory_space<vmem>>
    %dma_wait3A_226 = arith.constant 1280 : i32
    %dma_wait3A_227 = tpu.memref_slice %arg9[%dma_wait3A_226] : memref<2688xi32, #tpu.memory_space<vmem>> -> memref<128xi32, #tpu.memory_space<vmem>>
    %dma_wait3A_228 = arith.constant 0 : i32
    %dma_wait3A_229 = arith.constant 0 : i32
    %dma_wait3A_230 = tpu.memref_slice %arg3[%dma_wait3A_228, %dma_wait3A_229] : memref<100000x128xf32, #tpu.memory_space<hbm>> -> memref<100000x128xf32, #tpu.memory_space<hbm>>
    tpu.wait_indirect_dma semaphore(%arg17 : memref<!tpu.dma_semaphore, #tpu.memory_space<semaphore_mem>>) src(%dma_wait3A_230 : memref<100000x128xf32, #tpu.memory_space<hbm>>) dst(%dma_wait3A_225 : memref<128x128xf32, #tpu.memory_space<vmem>>)
    %dma_wait3A_231 = arith.constant 256 : i32
    %dma_wait3A_232 = arith.constant 0 : i32
    %dma_wait3A_233 = tpu.memref_slice %arg12[%dma_wait3A_231, %dma_wait3A_232] : memref<384x128xf32, #tpu.memory_space<vmem>> -> memref<128x128xf32, #tpu.memory_space<vmem>>
    %dma_wait3A_234 = arith.constant 1408 : i32
    %dma_wait3A_235 = tpu.memref_slice %arg9[%dma_wait3A_234] : memref<2688xi32, #tpu.memory_space<vmem>> -> memref<128xi32, #tpu.memory_space<vmem>>
    %dma_wait3A_236 = arith.constant 0 : i32
    %dma_wait3A_237 = arith.constant 0 : i32
    %dma_wait3A_238 = tpu.memref_slice %arg3[%dma_wait3A_236, %dma_wait3A_237] : memref<100000x128xf32, #tpu.memory_space<hbm>> -> memref<100000x128xf32, #tpu.memory_space<hbm>>
    tpu.wait_indirect_dma semaphore(%arg18 : memref<!tpu.dma_semaphore, #tpu.memory_space<semaphore_mem>>) src(%dma_wait3A_238 : memref<100000x128xf32, #tpu.memory_space<hbm>>) dst(%dma_wait3A_233 : memref<128x128xf32, #tpu.memory_space<vmem>>)
    %mul3A_239 = arith.constant 2688 : i32
    %mul3A_240 = arith.muli %add3A, %mul3A_239 : i32
    %add3A_241 = arith.constant 1152 : i32
    %add3A_242 = arith.addi %mul3A_240, %add3A_241 : i32
    %dma_start3A_243 = arith.constant 0 : i32
    %dma_start3A_244 = tpu.memref_slice %arg7[%add3A_242, %dma_start3A_243] : memref<86016x128xf32, #tpu.memory_space<hbm>> -> memref<384x128xf32, #tpu.memory_space<hbm>>
    %dma_start3A_245 = arith.constant 0 : i32
    %dma_start3A_246 = tpu.memref_slice %arg7[%add3A_242, %dma_start3A_245] : memref<86016x128xf32, #tpu.memory_space<hbm>> -> memref<384x128xf32, #tpu.memory_space<hbm>>
    tpu.enqueue_dma source(%arg12 : memref<384x128xf32, #tpu.memory_space<vmem>>) target(%dma_start3A_246 : memref<384x128xf32, #tpu.memory_space<hbm>>) target_semaphore(%arg20 : memref<!tpu.dma_semaphore, #tpu.memory_space<semaphore_mem>>)
    %dma_wait3A_247 = arith.constant 0 : i32
    %dma_wait3A_248 = tpu.memref_slice %arg7[%add3A_182, %dma_wait3A_247] : memref<86016x128xf32, #tpu.memory_space<hbm>> -> memref<384x128xf32, #tpu.memory_space<hbm>>
    %dma_wait3A_249 = arith.constant 0 : i32
    %dma_wait3A_250 = tpu.memref_slice %arg7[%add3A_182, %dma_wait3A_249] : memref<86016x128xf32, #tpu.memory_space<hbm>> -> memref<384x128xf32, #tpu.memory_space<hbm>>
    tpu.wait_dma2 semaphore(%arg19 : memref<!tpu.dma_semaphore, #tpu.memory_space<semaphore_mem>>) src(%arg11 : memref<384x128xf32, #tpu.memory_space<vmem>>) dst(%dma_wait3A_250 : memref<384x128xf32, #tpu.memory_space<hbm>>)
    %dma_start3A_251 = arith.constant 0 : i32
    %dma_start3A_252 = arith.constant 0 : i32
    %dma_start3A_253 = tpu.memref_slice %arg11[%dma_start3A_251, %dma_start3A_252] : memref<384x128xf32, #tpu.memory_space<vmem>> -> memref<128x128xf32, #tpu.memory_space<vmem>>
    %dma_start3A_254 = arith.constant 1536 : i32
    %dma_start3A_255 = tpu.memref_slice %arg9[%dma_start3A_254] : memref<2688xi32, #tpu.memory_space<vmem>> -> memref<128xi32, #tpu.memory_space<vmem>>
    %dma_start3A_256 = arith.constant 0 : i32
    %dma_start3A_257 = arith.constant 0 : i32
    %dma_start3A_258 = tpu.memref_slice %arg3[%dma_start3A_256, %dma_start3A_257] : memref<100000x128xf32, #tpu.memory_space<hbm>> -> memref<100000x128xf32, #tpu.memory_space<hbm>>
    tpu.enqueue_indirect_dma source(%dma_start3A_258 : memref<100000x128xf32, #tpu.memory_space<hbm>>) target(%dma_start3A_253 : memref<128x128xf32, #tpu.memory_space<vmem>>) offsets(%dma_start3A_255 : memref<128xi32, #tpu.memory_space<vmem>>) semaphore(%arg13 : memref<!tpu.dma_semaphore, #tpu.memory_space<semaphore_mem>>)
    %dma_start3A_259 = arith.constant 128 : i32
    %dma_start3A_260 = arith.constant 0 : i32
    %dma_start3A_261 = tpu.memref_slice %arg11[%dma_start3A_259, %dma_start3A_260] : memref<384x128xf32, #tpu.memory_space<vmem>> -> memref<128x128xf32, #tpu.memory_space<vmem>>
    %dma_start3A_262 = arith.constant 1664 : i32
    %dma_start3A_263 = tpu.memref_slice %arg9[%dma_start3A_262] : memref<2688xi32, #tpu.memory_space<vmem>> -> memref<128xi32, #tpu.memory_space<vmem>>
    %dma_start3A_264 = arith.constant 0 : i32
    %dma_start3A_265 = arith.constant 0 : i32
    %dma_start3A_266 = tpu.memref_slice %arg3[%dma_start3A_264, %dma_start3A_265] : memref<100000x128xf32, #tpu.memory_space<hbm>> -> memref<100000x128xf32, #tpu.memory_space<hbm>>
    tpu.enqueue_indirect_dma source(%dma_start3A_266 : memref<100000x128xf32, #tpu.memory_space<hbm>>) target(%dma_start3A_261 : memref<128x128xf32, #tpu.memory_space<vmem>>) offsets(%dma_start3A_263 : memref<128xi32, #tpu.memory_space<vmem>>) semaphore(%arg14 : memref<!tpu.dma_semaphore, #tpu.memory_space<semaphore_mem>>)
    %dma_start3A_267 = arith.constant 256 : i32
    %dma_start3A_268 = arith.constant 0 : i32
    %dma_start3A_269 = tpu.memref_slice %arg11[%dma_start3A_267, %dma_start3A_268] : memref<384x128xf32, #tpu.memory_space<vmem>> -> memref<128x128xf32, #tpu.memory_space<vmem>>
    %dma_start3A_270 = arith.constant 1792 : i32
    %dma_start3A_271 = tpu.memref_slice %arg9[%dma_start3A_270] : memref<2688xi32, #tpu.memory_space<vmem>> -> memref<128xi32, #tpu.memory_space<vmem>>
    %dma_start3A_272 = arith.constant 0 : i32
    %dma_start3A_273 = arith.constant 0 : i32
    %dma_start3A_274 = tpu.memref_slice %arg3[%dma_start3A_272, %dma_start3A_273] : memref<100000x128xf32, #tpu.memory_space<hbm>> -> memref<100000x128xf32, #tpu.memory_space<hbm>>
    tpu.enqueue_indirect_dma source(%dma_start3A_274 : memref<100000x128xf32, #tpu.memory_space<hbm>>) target(%dma_start3A_269 : memref<128x128xf32, #tpu.memory_space<vmem>>) offsets(%dma_start3A_271 : memref<128xi32, #tpu.memory_space<vmem>>) semaphore(%arg15 : memref<!tpu.dma_semaphore, #tpu.memory_space<semaphore_mem>>)
    %dma_wait3A_275 = arith.constant 0 : i32
    %dma_wait3A_276 = arith.constant 0 : i32
    %dma_wait3A_277 = tpu.memref_slice %arg11[%dma_wait3A_275, %dma_wait3A_276] : memref<384x128xf32, #tpu.memory_space<vmem>> -> memref<128x128xf32, #tpu.memory_space<vmem>>
    %dma_wait3A_278 = arith.constant 1536 : i32
    %dma_wait3A_279 = tpu.memref_slice %arg9[%dma_wait3A_278] : memref<2688xi32, #tpu.memory_space<vmem>> -> memref<128xi32, #tpu.memory_space<vmem>>
    %dma_wait3A_280 = arith.constant 0 : i32
    %dma_wait3A_281 = arith.constant 0 : i32
    %dma_wait3A_282 = tpu.memref_slice %arg3[%dma_wait3A_280, %dma_wait3A_281] : memref<100000x128xf32, #tpu.memory_space<hbm>> -> memref<100000x128xf32, #tpu.memory_space<hbm>>
    tpu.wait_indirect_dma semaphore(%arg13 : memref<!tpu.dma_semaphore, #tpu.memory_space<semaphore_mem>>) src(%dma_wait3A_282 : memref<100000x128xf32, #tpu.memory_space<hbm>>) dst(%dma_wait3A_277 : memref<128x128xf32, #tpu.memory_space<vmem>>)
    %dma_wait3A_283 = arith.constant 128 : i32
    %dma_wait3A_284 = arith.constant 0 : i32
    %dma_wait3A_285 = tpu.memref_slice %arg11[%dma_wait3A_283, %dma_wait3A_284] : memref<384x128xf32, #tpu.memory_space<vmem>> -> memref<128x128xf32, #tpu.memory_space<vmem>>
    %dma_wait3A_286 = arith.constant 1664 : i32
    %dma_wait3A_287 = tpu.memref_slice %arg9[%dma_wait3A_286] : memref<2688xi32, #tpu.memory_space<vmem>> -> memref<128xi32, #tpu.memory_space<vmem>>
    %dma_wait3A_288 = arith.constant 0 : i32
    %dma_wait3A_289 = arith.constant 0 : i32
    %dma_wait3A_290 = tpu.memref_slice %arg3[%dma_wait3A_288, %dma_wait3A_289] : memref<100000x128xf32, #tpu.memory_space<hbm>> -> memref<100000x128xf32, #tpu.memory_space<hbm>>
    tpu.wait_indirect_dma semaphore(%arg14 : memref<!tpu.dma_semaphore, #tpu.memory_space<semaphore_mem>>) src(%dma_wait3A_290 : memref<100000x128xf32, #tpu.memory_space<hbm>>) dst(%dma_wait3A_285 : memref<128x128xf32, #tpu.memory_space<vmem>>)
    %dma_wait3A_291 = arith.constant 256 : i32
    %dma_wait3A_292 = arith.constant 0 : i32
    %dma_wait3A_293 = tpu.memref_slice %arg11[%dma_wait3A_291, %dma_wait3A_292] : memref<384x128xf32, #tpu.memory_space<vmem>> -> memref<128x128xf32, #tpu.memory_space<vmem>>
    %dma_wait3A_294 = arith.constant 1792 : i32
    %dma_wait3A_295 = tpu.memref_slice %arg9[%dma_wait3A_294] : memref<2688xi32, #tpu.memory_space<vmem>> -> memref<128xi32, #tpu.memory_space<vmem>>
    %dma_wait3A_296 = arith.constant 0 : i32
    %dma_wait3A_297 = arith.constant 0 : i32
    %dma_wait3A_298 = tpu.memref_slice %arg3[%dma_wait3A_296, %dma_wait3A_297] : memref<100000x128xf32, #tpu.memory_space<hbm>> -> memref<100000x128xf32, #tpu.memory_space<hbm>>
    tpu.wait_indirect_dma semaphore(%arg15 : memref<!tpu.dma_semaphore, #tpu.memory_space<semaphore_mem>>) src(%dma_wait3A_298 : memref<100000x128xf32, #tpu.memory_space<hbm>>) dst(%dma_wait3A_293 : memref<128x128xf32, #tpu.memory_space<vmem>>)
    %mul3A_299 = arith.constant 2688 : i32
    %mul3A_300 = arith.muli %add3A, %mul3A_299 : i32
    %add3A_301 = arith.constant 1536 : i32
    %add3A_302 = arith.addi %mul3A_300, %add3A_301 : i32
    %dma_start3A_303 = arith.constant 0 : i32
    %dma_start3A_304 = tpu.memref_slice %arg7[%add3A_302, %dma_start3A_303] : memref<86016x128xf32, #tpu.memory_space<hbm>> -> memref<384x128xf32, #tpu.memory_space<hbm>>
    %dma_start3A_305 = arith.constant 0 : i32
    %dma_start3A_306 = tpu.memref_slice %arg7[%add3A_302, %dma_start3A_305] : memref<86016x128xf32, #tpu.memory_space<hbm>> -> memref<384x128xf32, #tpu.memory_space<hbm>>
    tpu.enqueue_dma source(%arg11 : memref<384x128xf32, #tpu.memory_space<vmem>>) target(%dma_start3A_306 : memref<384x128xf32, #tpu.memory_space<hbm>>) target_semaphore(%arg19 : memref<!tpu.dma_semaphore, #tpu.memory_space<semaphore_mem>>)
    %dma_wait3A_307 = arith.constant 0 : i32
    %dma_wait3A_308 = tpu.memref_slice %arg7[%add3A_242, %dma_wait3A_307] : memref<86016x128xf32, #tpu.memory_space<hbm>> -> memref<384x128xf32, #tpu.memory_space<hbm>>
    %dma_wait3A_309 = arith.constant 0 : i32
    %dma_wait3A_310 = tpu.memref_slice %arg7[%add3A_242, %dma_wait3A_309] : memref<86016x128xf32, #tpu.memory_space<hbm>> -> memref<384x128xf32, #tpu.memory_space<hbm>>
    tpu.wait_dma2 semaphore(%arg20 : memref<!tpu.dma_semaphore, #tpu.memory_space<semaphore_mem>>) src(%arg12 : memref<384x128xf32, #tpu.memory_space<vmem>>) dst(%dma_wait3A_310 : memref<384x128xf32, #tpu.memory_space<hbm>>)
    %dma_start3A_311 = arith.constant 0 : i32
    %dma_start3A_312 = arith.constant 0 : i32
    %dma_start3A_313 = tpu.memref_slice %arg12[%dma_start3A_311, %dma_start3A_312] : memref<384x128xf32, #tpu.memory_space<vmem>> -> memref<128x128xf32, #tpu.memory_space<vmem>>
    %dma_start3A_314 = arith.constant 1920 : i32
    %dma_start3A_315 = tpu.memref_slice %arg9[%dma_start3A_314] : memref<2688xi32, #tpu.memory_space<vmem>> -> memref<128xi32, #tpu.memory_space<vmem>>
    %dma_start3A_316 = arith.constant 0 : i32
    %dma_start3A_317 = arith.constant 0 : i32
    %dma_start3A_318 = tpu.memref_slice %arg3[%dma_start3A_316, %dma_start3A_317] : memref<100000x128xf32, #tpu.memory_space<hbm>> -> memref<100000x128xf32, #tpu.memory_space<hbm>>
    tpu.enqueue_indirect_dma source(%dma_start3A_318 : memref<100000x128xf32, #tpu.memory_space<hbm>>) target(%dma_start3A_313 : memref<128x128xf32, #tpu.memory_space<vmem>>) offsets(%dma_start3A_315 : memref<128xi32, #tpu.memory_space<vmem>>) semaphore(%arg16 : memref<!tpu.dma_semaphore, #tpu.memory_space<semaphore_mem>>)
    %dma_start3A_319 = arith.constant 128 : i32
    %dma_start3A_320 = arith.constant 0 : i32
    %dma_start3A_321 = tpu.memref_slice %arg12[%dma_start3A_319, %dma_start3A_320] : memref<384x128xf32, #tpu.memory_space<vmem>> -> memref<128x128xf32, #tpu.memory_space<vmem>>
    %dma_start3A_322 = arith.constant 2048 : i32
    %dma_start3A_323 = tpu.memref_slice %arg9[%dma_start3A_322] : memref<2688xi32, #tpu.memory_space<vmem>> -> memref<128xi32, #tpu.memory_space<vmem>>
    %dma_start3A_324 = arith.constant 0 : i32
    %dma_start3A_325 = arith.constant 0 : i32
    %dma_start3A_326 = tpu.memref_slice %arg3[%dma_start3A_324, %dma_start3A_325] : memref<100000x128xf32, #tpu.memory_space<hbm>> -> memref<100000x128xf32, #tpu.memory_space<hbm>>
    tpu.enqueue_indirect_dma source(%dma_start3A_326 : memref<100000x128xf32, #tpu.memory_space<hbm>>) target(%dma_start3A_321 : memref<128x128xf32, #tpu.memory_space<vmem>>) offsets(%dma_start3A_323 : memref<128xi32, #tpu.memory_space<vmem>>) semaphore(%arg17 : memref<!tpu.dma_semaphore, #tpu.memory_space<semaphore_mem>>)
    %dma_start3A_327 = arith.constant 256 : i32
    %dma_start3A_328 = arith.constant 0 : i32
    %dma_start3A_329 = tpu.memref_slice %arg12[%dma_start3A_327, %dma_start3A_328] : memref<384x128xf32, #tpu.memory_space<vmem>> -> memref<128x128xf32, #tpu.memory_space<vmem>>
    %dma_start3A_330 = arith.constant 2176 : i32
    %dma_start3A_331 = tpu.memref_slice %arg9[%dma_start3A_330] : memref<2688xi32, #tpu.memory_space<vmem>> -> memref<128xi32, #tpu.memory_space<vmem>>
    %dma_start3A_332 = arith.constant 0 : i32
    %dma_start3A_333 = arith.constant 0 : i32
    %dma_start3A_334 = tpu.memref_slice %arg3[%dma_start3A_332, %dma_start3A_333] : memref<100000x128xf32, #tpu.memory_space<hbm>> -> memref<100000x128xf32, #tpu.memory_space<hbm>>
    tpu.enqueue_indirect_dma source(%dma_start3A_334 : memref<100000x128xf32, #tpu.memory_space<hbm>>) target(%dma_start3A_329 : memref<128x128xf32, #tpu.memory_space<vmem>>) offsets(%dma_start3A_331 : memref<128xi32, #tpu.memory_space<vmem>>) semaphore(%arg18 : memref<!tpu.dma_semaphore, #tpu.memory_space<semaphore_mem>>)
    %dma_wait3A_335 = arith.constant 0 : i32
    %dma_wait3A_336 = arith.constant 0 : i32
    %dma_wait3A_337 = tpu.memref_slice %arg12[%dma_wait3A_335, %dma_wait3A_336] : memref<384x128xf32, #tpu.memory_space<vmem>> -> memref<128x128xf32, #tpu.memory_space<vmem>>
    %dma_wait3A_338 = arith.constant 1920 : i32
    %dma_wait3A_339 = tpu.memref_slice %arg9[%dma_wait3A_338] : memref<2688xi32, #tpu.memory_space<vmem>> -> memref<128xi32, #tpu.memory_space<vmem>>
    %dma_wait3A_340 = arith.constant 0 : i32
    %dma_wait3A_341 = arith.constant 0 : i32
    %dma_wait3A_342 = tpu.memref_slice %arg3[%dma_wait3A_340, %dma_wait3A_341] : memref<100000x128xf32, #tpu.memory_space<hbm>> -> memref<100000x128xf32, #tpu.memory_space<hbm>>
    tpu.wait_indirect_dma semaphore(%arg16 : memref<!tpu.dma_semaphore, #tpu.memory_space<semaphore_mem>>) src(%dma_wait3A_342 : memref<100000x128xf32, #tpu.memory_space<hbm>>) dst(%dma_wait3A_337 : memref<128x128xf32, #tpu.memory_space<vmem>>)
    %dma_wait3A_343 = arith.constant 128 : i32
    %dma_wait3A_344 = arith.constant 0 : i32
    %dma_wait3A_345 = tpu.memref_slice %arg12[%dma_wait3A_343, %dma_wait3A_344] : memref<384x128xf32, #tpu.memory_space<vmem>> -> memref<128x128xf32, #tpu.memory_space<vmem>>
    %dma_wait3A_346 = arith.constant 2048 : i32
    %dma_wait3A_347 = tpu.memref_slice %arg9[%dma_wait3A_346] : memref<2688xi32, #tpu.memory_space<vmem>> -> memref<128xi32, #tpu.memory_space<vmem>>
    %dma_wait3A_348 = arith.constant 0 : i32
    %dma_wait3A_349 = arith.constant 0 : i32
    %dma_wait3A_350 = tpu.memref_slice %arg3[%dma_wait3A_348, %dma_wait3A_349] : memref<100000x128xf32, #tpu.memory_space<hbm>> -> memref<100000x128xf32, #tpu.memory_space<hbm>>
    tpu.wait_indirect_dma semaphore(%arg17 : memref<!tpu.dma_semaphore, #tpu.memory_space<semaphore_mem>>) src(%dma_wait3A_350 : memref<100000x128xf32, #tpu.memory_space<hbm>>) dst(%dma_wait3A_345 : memref<128x128xf32, #tpu.memory_space<vmem>>)
    %dma_wait3A_351 = arith.constant 256 : i32
    %dma_wait3A_352 = arith.constant 0 : i32
    %dma_wait3A_353 = tpu.memref_slice %arg12[%dma_wait3A_351, %dma_wait3A_352] : memref<384x128xf32, #tpu.memory_space<vmem>> -> memref<128x128xf32, #tpu.memory_space<vmem>>
    %dma_wait3A_354 = arith.constant 2176 : i32
    %dma_wait3A_355 = tpu.memref_slice %arg9[%dma_wait3A_354] : memref<2688xi32, #tpu.memory_space<vmem>> -> memref<128xi32, #tpu.memory_space<vmem>>
    %dma_wait3A_356 = arith.constant 0 : i32
    %dma_wait3A_357 = arith.constant 0 : i32
    %dma_wait3A_358 = tpu.memref_slice %arg3[%dma_wait3A_356, %dma_wait3A_357] : memref<100000x128xf32, #tpu.memory_space<hbm>> -> memref<100000x128xf32, #tpu.memory_space<hbm>>
    tpu.wait_indirect_dma semaphore(%arg18 : memref<!tpu.dma_semaphore, #tpu.memory_space<semaphore_mem>>) src(%dma_wait3A_358 : memref<100000x128xf32, #tpu.memory_space<hbm>>) dst(%dma_wait3A_353 : memref<128x128xf32, #tpu.memory_space<vmem>>)
    %mul3A_359 = arith.constant 2688 : i32
    %mul3A_360 = arith.muli %add3A, %mul3A_359 : i32
    %add3A_361 = arith.constant 1920 : i32
    %add3A_362 = arith.addi %mul3A_360, %add3A_361 : i32
    %dma_start3A_363 = arith.constant 0 : i32
    %dma_start3A_364 = tpu.memref_slice %arg7[%add3A_362, %dma_start3A_363] : memref<86016x128xf32, #tpu.memory_space<hbm>> -> memref<384x128xf32, #tpu.memory_space<hbm>>
    %dma_start3A_365 = arith.constant 0 : i32
    %dma_start3A_366 = tpu.memref_slice %arg7[%add3A_362, %dma_start3A_365] : memref<86016x128xf32, #tpu.memory_space<hbm>> -> memref<384x128xf32, #tpu.memory_space<hbm>>
    tpu.enqueue_dma source(%arg12 : memref<384x128xf32, #tpu.memory_space<vmem>>) target(%dma_start3A_366 : memref<384x128xf32, #tpu.memory_space<hbm>>) target_semaphore(%arg20 : memref<!tpu.dma_semaphore, #tpu.memory_space<semaphore_mem>>)
    %dma_wait3A_367 = arith.constant 0 : i32
    %dma_wait3A_368 = tpu.memref_slice %arg7[%add3A_302, %dma_wait3A_367] : memref<86016x128xf32, #tpu.memory_space<hbm>> -> memref<384x128xf32, #tpu.memory_space<hbm>>
    %dma_wait3A_369 = arith.constant 0 : i32
    %dma_wait3A_370 = tpu.memref_slice %arg7[%add3A_302, %dma_wait3A_369] : memref<86016x128xf32, #tpu.memory_space<hbm>> -> memref<384x128xf32, #tpu.memory_space<hbm>>
    tpu.wait_dma2 semaphore(%arg19 : memref<!tpu.dma_semaphore, #tpu.memory_space<semaphore_mem>>) src(%arg11 : memref<384x128xf32, #tpu.memory_space<vmem>>) dst(%dma_wait3A_370 : memref<384x128xf32, #tpu.memory_space<hbm>>)
    %dma_start3A_371 = arith.constant 0 : i32
    %dma_start3A_372 = arith.constant 0 : i32
    %dma_start3A_373 = tpu.memref_slice %arg11[%dma_start3A_371, %dma_start3A_372] : memref<384x128xf32, #tpu.memory_space<vmem>> -> memref<128x128xf32, #tpu.memory_space<vmem>>
    %dma_start3A_374 = arith.constant 2304 : i32
    %dma_start3A_375 = tpu.memref_slice %arg9[%dma_start3A_374] : memref<2688xi32, #tpu.memory_space<vmem>> -> memref<128xi32, #tpu.memory_space<vmem>>
    %dma_start3A_376 = arith.constant 0 : i32
    %dma_start3A_377 = arith.constant 0 : i32
    %dma_start3A_378 = tpu.memref_slice %arg3[%dma_start3A_376, %dma_start3A_377] : memref<100000x128xf32, #tpu.memory_space<hbm>> -> memref<100000x128xf32, #tpu.memory_space<hbm>>
    tpu.enqueue_indirect_dma source(%dma_start3A_378 : memref<100000x128xf32, #tpu.memory_space<hbm>>) target(%dma_start3A_373 : memref<128x128xf32, #tpu.memory_space<vmem>>) offsets(%dma_start3A_375 : memref<128xi32, #tpu.memory_space<vmem>>) semaphore(%arg13 : memref<!tpu.dma_semaphore, #tpu.memory_space<semaphore_mem>>)
    %dma_start3A_379 = arith.constant 128 : i32
    %dma_start3A_380 = arith.constant 0 : i32
    %dma_start3A_381 = tpu.memref_slice %arg11[%dma_start3A_379, %dma_start3A_380] : memref<384x128xf32, #tpu.memory_space<vmem>> -> memref<128x128xf32, #tpu.memory_space<vmem>>
    %dma_start3A_382 = arith.constant 2432 : i32
    %dma_start3A_383 = tpu.memref_slice %arg9[%dma_start3A_382] : memref<2688xi32, #tpu.memory_space<vmem>> -> memref<128xi32, #tpu.memory_space<vmem>>
    %dma_start3A_384 = arith.constant 0 : i32
    %dma_start3A_385 = arith.constant 0 : i32
    %dma_start3A_386 = tpu.memref_slice %arg3[%dma_start3A_384, %dma_start3A_385] : memref<100000x128xf32, #tpu.memory_space<hbm>> -> memref<100000x128xf32, #tpu.memory_space<hbm>>
    tpu.enqueue_indirect_dma source(%dma_start3A_386 : memref<100000x128xf32, #tpu.memory_space<hbm>>) target(%dma_start3A_381 : memref<128x128xf32, #tpu.memory_space<vmem>>) offsets(%dma_start3A_383 : memref<128xi32, #tpu.memory_space<vmem>>) semaphore(%arg14 : memref<!tpu.dma_semaphore, #tpu.memory_space<semaphore_mem>>)
    %dma_start3A_387 = arith.constant 256 : i32
    %dma_start3A_388 = arith.constant 0 : i32
    %dma_start3A_389 = tpu.memref_slice %arg11[%dma_start3A_387, %dma_start3A_388] : memref<384x128xf32, #tpu.memory_space<vmem>> -> memref<128x128xf32, #tpu.memory_space<vmem>>
    %dma_start3A_390 = arith.constant 2560 : i32
    %dma_start3A_391 = tpu.memref_slice %arg9[%dma_start3A_390] : memref<2688xi32, #tpu.memory_space<vmem>> -> memref<128xi32, #tpu.memory_space<vmem>>
    %dma_start3A_392 = arith.constant 0 : i32
    %dma_start3A_393 = arith.constant 0 : i32
    %dma_start3A_394 = tpu.memref_slice %arg3[%dma_start3A_392, %dma_start3A_393] : memref<100000x128xf32, #tpu.memory_space<hbm>> -> memref<100000x128xf32, #tpu.memory_space<hbm>>
    tpu.enqueue_indirect_dma source(%dma_start3A_394 : memref<100000x128xf32, #tpu.memory_space<hbm>>) target(%dma_start3A_389 : memref<128x128xf32, #tpu.memory_space<vmem>>) offsets(%dma_start3A_391 : memref<128xi32, #tpu.memory_space<vmem>>) semaphore(%arg15 : memref<!tpu.dma_semaphore, #tpu.memory_space<semaphore_mem>>)
    %dma_wait3A_395 = arith.constant 0 : i32
    %dma_wait3A_396 = arith.constant 0 : i32
    %dma_wait3A_397 = tpu.memref_slice %arg11[%dma_wait3A_395, %dma_wait3A_396] : memref<384x128xf32, #tpu.memory_space<vmem>> -> memref<128x128xf32, #tpu.memory_space<vmem>>
    %dma_wait3A_398 = arith.constant 2304 : i32
    %dma_wait3A_399 = tpu.memref_slice %arg9[%dma_wait3A_398] : memref<2688xi32, #tpu.memory_space<vmem>> -> memref<128xi32, #tpu.memory_space<vmem>>
    %dma_wait3A_400 = arith.constant 0 : i32
    %dma_wait3A_401 = arith.constant 0 : i32
    %dma_wait3A_402 = tpu.memref_slice %arg3[%dma_wait3A_400, %dma_wait3A_401] : memref<100000x128xf32, #tpu.memory_space<hbm>> -> memref<100000x128xf32, #tpu.memory_space<hbm>>
    tpu.wait_indirect_dma semaphore(%arg13 : memref<!tpu.dma_semaphore, #tpu.memory_space<semaphore_mem>>) src(%dma_wait3A_402 : memref<100000x128xf32, #tpu.memory_space<hbm>>) dst(%dma_wait3A_397 : memref<128x128xf32, #tpu.memory_space<vmem>>)
    %dma_wait3A_403 = arith.constant 128 : i32
    %dma_wait3A_404 = arith.constant 0 : i32
    %dma_wait3A_405 = tpu.memref_slice %arg11[%dma_wait3A_403, %dma_wait3A_404] : memref<384x128xf32, #tpu.memory_space<vmem>> -> memref<128x128xf32, #tpu.memory_space<vmem>>
    %dma_wait3A_406 = arith.constant 2432 : i32
    %dma_wait3A_407 = tpu.memref_slice %arg9[%dma_wait3A_406] : memref<2688xi32, #tpu.memory_space<vmem>> -> memref<128xi32, #tpu.memory_space<vmem>>
    %dma_wait3A_408 = arith.constant 0 : i32
    %dma_wait3A_409 = arith.constant 0 : i32
    %dma_wait3A_410 = tpu.memref_slice %arg3[%dma_wait3A_408, %dma_wait3A_409] : memref<100000x128xf32, #tpu.memory_space<hbm>> -> memref<100000x128xf32, #tpu.memory_space<hbm>>
    tpu.wait_indirect_dma semaphore(%arg14 : memref<!tpu.dma_semaphore, #tpu.memory_space<semaphore_mem>>) src(%dma_wait3A_410 : memref<100000x128xf32, #tpu.memory_space<hbm>>) dst(%dma_wait3A_405 : memref<128x128xf32, #tpu.memory_space<vmem>>)
    %dma_wait3A_411 = arith.constant 256 : i32
    %dma_wait3A_412 = arith.constant 0 : i32
    %dma_wait3A_413 = tpu.memref_slice %arg11[%dma_wait3A_411, %dma_wait3A_412] : memref<384x128xf32, #tpu.memory_space<vmem>> -> memref<128x128xf32, #tpu.memory_space<vmem>>
    %dma_wait3A_414 = arith.constant 2560 : i32
    %dma_wait3A_415 = tpu.memref_slice %arg9[%dma_wait3A_414] : memref<2688xi32, #tpu.memory_space<vmem>> -> memref<128xi32, #tpu.memory_space<vmem>>
    %dma_wait3A_416 = arith.constant 0 : i32
    %dma_wait3A_417 = arith.constant 0 : i32
    %dma_wait3A_418 = tpu.memref_slice %arg3[%dma_wait3A_416, %dma_wait3A_417] : memref<100000x128xf32, #tpu.memory_space<hbm>> -> memref<100000x128xf32, #tpu.memory_space<hbm>>
    tpu.wait_indirect_dma semaphore(%arg15 : memref<!tpu.dma_semaphore, #tpu.memory_space<semaphore_mem>>) src(%dma_wait3A_418 : memref<100000x128xf32, #tpu.memory_space<hbm>>) dst(%dma_wait3A_413 : memref<128x128xf32, #tpu.memory_space<vmem>>)
    %mul3A_419 = arith.constant 2688 : i32
    %mul3A_420 = arith.muli %add3A, %mul3A_419 : i32
    %add3A_421 = arith.constant 2304 : i32
    %add3A_422 = arith.addi %mul3A_420, %add3A_421 : i32
    %dma_start3A_423 = arith.constant 0 : i32
    %dma_start3A_424 = tpu.memref_slice %arg7[%add3A_422, %dma_start3A_423] : memref<86016x128xf32, #tpu.memory_space<hbm>> -> memref<384x128xf32, #tpu.memory_space<hbm>>
    %dma_start3A_425 = arith.constant 0 : i32
    %dma_start3A_426 = tpu.memref_slice %arg7[%add3A_422, %dma_start3A_425] : memref<86016x128xf32, #tpu.memory_space<hbm>> -> memref<384x128xf32, #tpu.memory_space<hbm>>
    tpu.enqueue_dma source(%arg11 : memref<384x128xf32, #tpu.memory_space<vmem>>) target(%dma_start3A_426 : memref<384x128xf32, #tpu.memory_space<hbm>>) target_semaphore(%arg19 : memref<!tpu.dma_semaphore, #tpu.memory_space<semaphore_mem>>)
    %dma_wait3A_427 = arith.constant 0 : i32
    %dma_wait3A_428 = tpu.memref_slice %arg7[%add3A_422, %dma_wait3A_427] : memref<86016x128xf32, #tpu.memory_space<hbm>> -> memref<384x128xf32, #tpu.memory_space<hbm>>
    %dma_wait3A_429 = arith.constant 0 : i32
    %dma_wait3A_430 = tpu.memref_slice %arg7[%add3A_422, %dma_wait3A_429] : memref<86016x128xf32, #tpu.memory_space<hbm>> -> memref<384x128xf32, #tpu.memory_space<hbm>>
    tpu.wait_dma2 semaphore(%arg19 : memref<!tpu.dma_semaphore, #tpu.memory_space<semaphore_mem>>) src(%arg11 : memref<384x128xf32, #tpu.memory_space<vmem>>) dst(%dma_wait3A_430 : memref<384x128xf32, #tpu.memory_space<hbm>>)
    %dma_wait3A_431 = arith.constant 0 : i32
    %dma_wait3A_432 = tpu.memref_slice %arg7[%add3A_362, %dma_wait3A_431] : memref<86016x128xf32, #tpu.memory_space<hbm>> -> memref<384x128xf32, #tpu.memory_space<hbm>>
    %dma_wait3A_433 = arith.constant 0 : i32
    %dma_wait3A_434 = tpu.memref_slice %arg7[%add3A_362, %dma_wait3A_433] : memref<86016x128xf32, #tpu.memory_space<hbm>> -> memref<384x128xf32, #tpu.memory_space<hbm>>
    tpu.wait_dma2 semaphore(%arg20 : memref<!tpu.dma_semaphore, #tpu.memory_space<semaphore_mem>>) src(%arg12 : memref<384x128xf32, #tpu.memory_space<vmem>>) dst(%dma_wait3A_434 : memref<384x128xf32, #tpu.memory_space<hbm>>)
    %dma_wait3A_435 = arith.constant 0 : i32
    %dma_wait3A_436 = tpu.memref_slice %arg6[%mul3A_10, %dma_wait3A_435] : memref<4096x128xf32, #tpu.memory_space<hbm>> -> memref<128x128xf32, #tpu.memory_space<hbm>>
    %dma_wait3A_437 = arith.constant 0 : i32
    %dma_wait3A_438 = tpu.memref_slice %arg6[%mul3A_10, %dma_wait3A_437] : memref<4096x128xf32, #tpu.memory_space<hbm>> -> memref<128x128xf32, #tpu.memory_space<hbm>>
    tpu.wait_dma2 semaphore(%arg22 : memref<!tpu.dma_semaphore, #tpu.memory_space<semaphore_mem>>) src(%arg10 : memref<128x128xf32, #tpu.memory_space<vmem>>) dst(%dma_wait3A_438 : memref<128x128xf32, #tpu.memory_space<hbm>>)
    return
  }
}

#map = affine_map<(d0, d1) -> (0, 0)>
#map1 = affine_map<(d0, d1) -> (0)>
module attributes {stable_mosaic.version = 14 : i64} {
  func.func @_sc_gather_body(%arg0: i32, %arg1: i32, %arg2: memref<100000x128xf32, #tpu.memory_space<hbm>>, %arg3: memref<100000x128xf32, #tpu.memory_space<hbm>>, %arg4: memref<4096xi32, #tpu.memory_space<hbm>>, %arg5: memref<86016xi32, #tpu.memory_space<hbm>>, %arg6: memref<4096x128xf32, #tpu.memory_space<hbm>>, %arg7: memref<86016x128xf32, #tpu.memory_space<hbm>>, %arg8: memref<128xi32, #tpu.memory_space<vmem>>, %arg9: memref<2688xi32, #tpu.memory_space<vmem>>, %arg10: memref<128x128xf32, #tpu.memory_space<vmem>>, %arg11: memref<384x128xf32, #tpu.memory_space<vmem>>, %arg12: memref<384x128xf32, #tpu.memory_space<vmem>>, %arg13: memref<!tpu.dma_semaphore, #tpu.memory_space<semaphore_mem>>, %arg14: memref<!tpu.dma_semaphore, #tpu.memory_space<semaphore_mem>>, %arg15: memref<!tpu.dma_semaphore, #tpu.memory_space<semaphore_mem>>, %arg16: memref<!tpu.dma_semaphore, #tpu.memory_space<semaphore_mem>>, %arg17: memref<!tpu.dma_semaphore, #tpu.memory_space<semaphore_mem>>, %arg18: memref<!tpu.dma_semaphore, #tpu.memory_space<semaphore_mem>>, %arg19: memref<!tpu.dma_semaphore, #tpu.memory_space<semaphore_mem>>, %arg20: memref<!tpu.dma_semaphore, #tpu.memory_space<semaphore_mem>>, %arg21: memref<!tpu.dma_semaphore, #tpu.memory_space<semaphore_mem>>, %arg22: memref<!tpu.dma_semaphore, #tpu.memory_space<semaphore_mem>>) attributes {dimension_semantics = [#tpu.dimension_semantics<core_parallel>, #tpu.dimension_semantics<subcore_parallel>], iteration_bounds = array<i64: 2, 16>, scalar_prefetch = 0 : i64, scratch_operands = 15 : i64, tpu.core_type = #tpu.core_type<sc_vector_subcore>, window_params = [{transform_indices = #map}, {transform_indices = #map}, {transform_indices = #map1}, {transform_indices = #map1}, {transform_indices = #map}, {transform_indices = #map}]} {
    %mul3A = arith.constant 2 : i32
    %mul3A_0 = arith.muli %arg1, %mul3A : i32
    %add3A = arith.addi %mul3A_0, %arg0 : i32
    %mul3A_1 = arith.constant 128 : i32
    %mul3A_2 = arith.muli %add3A, %mul3A_1 : i32
    "tpu.region"() ({
      %run_scoped3A = tpu.sem_alloc : memref<!tpu.dma_semaphore, #tpu.memory_space<semaphore_mem>>
      %dma_start3A_439 = tpu.memref_slice %arg4[%mul3A_2] : memref<4096xi32, #tpu.memory_space<hbm>> -> memref<128xi32, #tpu.memory_space<hbm>>
      %dma_start3A_440 = tpu.memref_slice %arg4[%mul3A_2] : memref<4096xi32, #tpu.memory_space<hbm>> -> memref<128xi32, #tpu.memory_space<hbm>>
      tpu.enqueue_dma source(%dma_start3A_440 : memref<128xi32, #tpu.memory_space<hbm>>) target(%arg8 : memref<128xi32, #tpu.memory_space<vmem>>) target_semaphore(%run_scoped3A : memref<!tpu.dma_semaphore, #tpu.memory_space<semaphore_mem>>)
      %dma_wait3A_441 = tpu.memref_slice %arg4[%mul3A_2] : memref<4096xi32, #tpu.memory_space<hbm>> -> memref<128xi32, #tpu.memory_space<hbm>>
      %dma_wait3A_442 = tpu.memref_slice %arg4[%mul3A_2] : memref<4096xi32, #tpu.memory_space<hbm>> -> memref<128xi32, #tpu.memory_space<hbm>>
      tpu.wait_dma2 semaphore(%run_scoped3A : memref<!tpu.dma_semaphore, #tpu.memory_space<semaphore_mem>>) src(%dma_wait3A_442 : memref<128xi32, #tpu.memory_space<hbm>>) dst(%arg8 : memref<128xi32, #tpu.memory_space<vmem>>)
      tpu.yield
    }) : () -> ()
    %mul3A_3 = arith.constant 2688 : i32
    %mul3A_4 = arith.muli %add3A, %mul3A_3 : i32
    "tpu.region"() ({
      %run_scoped3A = tpu.sem_alloc : memref<!tpu.dma_semaphore, #tpu.memory_space<semaphore_mem>>
      %dma_start3A_439 = tpu.memref_slice %arg5[%mul3A_4] : memref<86016xi32, #tpu.memory_space<hbm>> -> memref<2688xi32, #tpu.memory_space<hbm>>
      %dma_start3A_440 = tpu.memref_slice %arg5[%mul3A_4] : memref<86016xi32, #tpu.memory_space<hbm>> -> memref<2688xi32, #tpu.memory_space<hbm>>
      tpu.enqueue_dma source(%dma_start3A_440 : memref<2688xi32, #tpu.memory_space<hbm>>) target(%arg9 : memref<2688xi32, #tpu.memory_space<vmem>>) target_semaphore(%run_scoped3A : memref<!tpu.dma_semaphore, #tpu.memory_space<semaphore_mem>>)
      %dma_wait3A_441 = tpu.memref_slice %arg5[%mul3A_4] : memref<86016xi32, #tpu.memory_space<hbm>> -> memref<2688xi32, #tpu.memory_space<hbm>>
      %dma_wait3A_442 = tpu.memref_slice %arg5[%mul3A_4] : memref<86016xi32, #tpu.memory_space<hbm>> -> memref<2688xi32, #tpu.memory_space<hbm>>
      tpu.wait_dma2 semaphore(%run_scoped3A : memref<!tpu.dma_semaphore, #tpu.memory_space<semaphore_mem>>) src(%dma_wait3A_442 : memref<2688xi32, #tpu.memory_space<hbm>>) dst(%arg9 : memref<2688xi32, #tpu.memory_space<vmem>>)
      tpu.yield
    }) : () -> ()
    %dma_start3A = arith.constant 0 : i32
    %dma_start3A_5 = arith.constant 0 : i32
    %dma_start3A_6 = tpu.memref_slice %arg2[%dma_start3A, %dma_start3A_5] : memref<100000x128xf32, #tpu.memory_space<hbm>> -> memref<100000x128xf32, #tpu.memory_space<hbm>>
    tpu.enqueue_indirect_dma source(%dma_start3A_6 : memref<100000x128xf32, #tpu.memory_space<hbm>>) target(%arg10 : memref<128x128xf32, #tpu.memory_space<vmem>>) offsets(%arg8 : memref<128xi32, #tpu.memory_space<vmem>>) semaphore(%arg21 : memref<!tpu.dma_semaphore, #tpu.memory_space<semaphore_mem>>)
    %dma_wait3A = arith.constant 0 : i32
    %dma_wait3A_7 = arith.constant 0 : i32
    %dma_wait3A_8 = tpu.memref_slice %arg2[%dma_wait3A, %dma_wait3A_7] : memref<100000x128xf32, #tpu.memory_space<hbm>> -> memref<100000x128xf32, #tpu.memory_space<hbm>>
    tpu.wait_indirect_dma semaphore(%arg21 : memref<!tpu.dma_semaphore, #tpu.memory_space<semaphore_mem>>) src(%dma_wait3A_8 : memref<100000x128xf32, #tpu.memory_space<hbm>>) dst(%arg10 : memref<128x128xf32, #tpu.memory_space<vmem>>)
    %mul3A_9 = arith.constant 128 : i32
    %mul3A_10 = arith.muli %add3A, %mul3A_9 : i32
    %dma_start3A_11 = arith.constant 0 : i32
    %dma_start3A_12 = tpu.memref_slice %arg6[%mul3A_10, %dma_start3A_11] : memref<4096x128xf32, #tpu.memory_space<hbm>> -> memref<128x128xf32, #tpu.memory_space<hbm>>
    %dma_start3A_13 = arith.constant 0 : i32
    %dma_start3A_14 = tpu.memref_slice %arg6[%mul3A_10, %dma_start3A_13] : memref<4096x128xf32, #tpu.memory_space<hbm>> -> memref<128x128xf32, #tpu.memory_space<hbm>>
    tpu.enqueue_dma source(%arg10 : memref<128x128xf32, #tpu.memory_space<vmem>>) target(%dma_start3A_14 : memref<128x128xf32, #tpu.memory_space<hbm>>) target_semaphore(%arg22 : memref<!tpu.dma_semaphore, #tpu.memory_space<semaphore_mem>>)
    %dma_start3A_15 = arith.constant 0 : i32
    %dma_start3A_16 = arith.constant 0 : i32
    %dma_start3A_17 = tpu.memref_slice %arg11[%dma_start3A_15, %dma_start3A_16] : memref<384x128xf32, #tpu.memory_space<vmem>> -> memref<128x128xf32, #tpu.memory_space<vmem>>
    %dma_start3A_18 = arith.constant 0 : i32
    %dma_start3A_19 = tpu.memref_slice %arg9[%dma_start3A_18] : memref<2688xi32, #tpu.memory_space<vmem>> -> memref<128xi32, #tpu.memory_space<vmem>>
    %dma_start3A_20 = arith.constant 0 : i32
    %dma_start3A_21 = arith.constant 0 : i32
    %dma_start3A_22 = tpu.memref_slice %arg3[%dma_start3A_20, %dma_start3A_21] : memref<100000x128xf32, #tpu.memory_space<hbm>> -> memref<100000x128xf32, #tpu.memory_space<hbm>>
    tpu.enqueue_indirect_dma source(%dma_start3A_22 : memref<100000x128xf32, #tpu.memory_space<hbm>>) target(%dma_start3A_17 : memref<128x128xf32, #tpu.memory_space<vmem>>) offsets(%dma_start3A_19 : memref<128xi32, #tpu.memory_space<vmem>>) semaphore(%arg13 : memref<!tpu.dma_semaphore, #tpu.memory_space<semaphore_mem>>)
    %dma_start3A_23 = arith.constant 128 : i32
    %dma_start3A_24 = arith.constant 0 : i32
    %dma_start3A_25 = tpu.memref_slice %arg11[%dma_start3A_23, %dma_start3A_24] : memref<384x128xf32, #tpu.memory_space<vmem>> -> memref<128x128xf32, #tpu.memory_space<vmem>>
    %dma_start3A_26 = arith.constant 128 : i32
    %dma_start3A_27 = tpu.memref_slice %arg9[%dma_start3A_26] : memref<2688xi32, #tpu.memory_space<vmem>> -> memref<128xi32, #tpu.memory_space<vmem>>
    %dma_start3A_28 = arith.constant 0 : i32
    %dma_start3A_29 = arith.constant 0 : i32
    %dma_start3A_30 = tpu.memref_slice %arg3[%dma_start3A_28, %dma_start3A_29] : memref<100000x128xf32, #tpu.memory_space<hbm>> -> memref<100000x128xf32, #tpu.memory_space<hbm>>
    tpu.enqueue_indirect_dma source(%dma_start3A_30 : memref<100000x128xf32, #tpu.memory_space<hbm>>) target(%dma_start3A_25 : memref<128x128xf32, #tpu.memory_space<vmem>>) offsets(%dma_start3A_27 : memref<128xi32, #tpu.memory_space<vmem>>) semaphore(%arg14 : memref<!tpu.dma_semaphore, #tpu.memory_space<semaphore_mem>>)
    %dma_start3A_31 = arith.constant 256 : i32
    %dma_start3A_32 = arith.constant 0 : i32
    %dma_start3A_33 = tpu.memref_slice %arg11[%dma_start3A_31, %dma_start3A_32] : memref<384x128xf32, #tpu.memory_space<vmem>> -> memref<128x128xf32, #tpu.memory_space<vmem>>
    %dma_start3A_34 = arith.constant 256 : i32
    %dma_start3A_35 = tpu.memref_slice %arg9[%dma_start3A_34] : memref<2688xi32, #tpu.memory_space<vmem>> -> memref<128xi32, #tpu.memory_space<vmem>>
    %dma_start3A_36 = arith.constant 0 : i32
    %dma_start3A_37 = arith.constant 0 : i32
    %dma_start3A_38 = tpu.memref_slice %arg3[%dma_start3A_36, %dma_start3A_37] : memref<100000x128xf32, #tpu.memory_space<hbm>> -> memref<100000x128xf32, #tpu.memory_space<hbm>>
    tpu.enqueue_indirect_dma source(%dma_start3A_38 : memref<100000x128xf32, #tpu.memory_space<hbm>>) target(%dma_start3A_33 : memref<128x128xf32, #tpu.memory_space<vmem>>) offsets(%dma_start3A_35 : memref<128xi32, #tpu.memory_space<vmem>>) semaphore(%arg15 : memref<!tpu.dma_semaphore, #tpu.memory_space<semaphore_mem>>)
    %dma_wait3A_39 = arith.constant 0 : i32
    %dma_wait3A_40 = arith.constant 0 : i32
    %dma_wait3A_41 = tpu.memref_slice %arg11[%dma_wait3A_39, %dma_wait3A_40] : memref<384x128xf32, #tpu.memory_space<vmem>> -> memref<128x128xf32, #tpu.memory_space<vmem>>
    %dma_wait3A_42 = arith.constant 0 : i32
    %dma_wait3A_43 = tpu.memref_slice %arg9[%dma_wait3A_42] : memref<2688xi32, #tpu.memory_space<vmem>> -> memref<128xi32, #tpu.memory_space<vmem>>
    %dma_wait3A_44 = arith.constant 0 : i32
    %dma_wait3A_45 = arith.constant 0 : i32
    %dma_wait3A_46 = tpu.memref_slice %arg3[%dma_wait3A_44, %dma_wait3A_45] : memref<100000x128xf32, #tpu.memory_space<hbm>> -> memref<100000x128xf32, #tpu.memory_space<hbm>>
    tpu.wait_indirect_dma semaphore(%arg13 : memref<!tpu.dma_semaphore, #tpu.memory_space<semaphore_mem>>) src(%dma_wait3A_46 : memref<100000x128xf32, #tpu.memory_space<hbm>>) dst(%dma_wait3A_41 : memref<128x128xf32, #tpu.memory_space<vmem>>)
    %dma_wait3A_47 = arith.constant 128 : i32
    %dma_wait3A_48 = arith.constant 0 : i32
    %dma_wait3A_49 = tpu.memref_slice %arg11[%dma_wait3A_47, %dma_wait3A_48] : memref<384x128xf32, #tpu.memory_space<vmem>> -> memref<128x128xf32, #tpu.memory_space<vmem>>
    %dma_wait3A_50 = arith.constant 128 : i32
    %dma_wait3A_51 = tpu.memref_slice %arg9[%dma_wait3A_50] : memref<2688xi32, #tpu.memory_space<vmem>> -> memref<128xi32, #tpu.memory_space<vmem>>
    %dma_wait3A_52 = arith.constant 0 : i32
    %dma_wait3A_53 = arith.constant 0 : i32
    %dma_wait3A_54 = tpu.memref_slice %arg3[%dma_wait3A_52, %dma_wait3A_53] : memref<100000x128xf32, #tpu.memory_space<hbm>> -> memref<100000x128xf32, #tpu.memory_space<hbm>>
    tpu.wait_indirect_dma semaphore(%arg14 : memref<!tpu.dma_semaphore, #tpu.memory_space<semaphore_mem>>) src(%dma_wait3A_54 : memref<100000x128xf32, #tpu.memory_space<hbm>>) dst(%dma_wait3A_49 : memref<128x128xf32, #tpu.memory_space<vmem>>)
    %dma_wait3A_55 = arith.constant 256 : i32
    %dma_wait3A_56 = arith.constant 0 : i32
    %dma_wait3A_57 = tpu.memref_slice %arg11[%dma_wait3A_55, %dma_wait3A_56] : memref<384x128xf32, #tpu.memory_space<vmem>> -> memref<128x128xf32, #tpu.memory_space<vmem>>
    %dma_wait3A_58 = arith.constant 256 : i32
    %dma_wait3A_59 = tpu.memref_slice %arg9[%dma_wait3A_58] : memref<2688xi32, #tpu.memory_space<vmem>> -> memref<128xi32, #tpu.memory_space<vmem>>
    %dma_wait3A_60 = arith.constant 0 : i32
    %dma_wait3A_61 = arith.constant 0 : i32
    %dma_wait3A_62 = tpu.memref_slice %arg3[%dma_wait3A_60, %dma_wait3A_61] : memref<100000x128xf32, #tpu.memory_space<hbm>> -> memref<100000x128xf32, #tpu.memory_space<hbm>>
    tpu.wait_indirect_dma semaphore(%arg15 : memref<!tpu.dma_semaphore, #tpu.memory_space<semaphore_mem>>) src(%dma_wait3A_62 : memref<100000x128xf32, #tpu.memory_space<hbm>>) dst(%dma_wait3A_57 : memref<128x128xf32, #tpu.memory_space<vmem>>)
    %mul3A_63 = arith.constant 2688 : i32
    %mul3A_64 = arith.muli %add3A, %mul3A_63 : i32
    %add3A_65 = arith.constant 0 : i32
    %add3A_66 = arith.addi %mul3A_64, %add3A_65 : i32
    %dma_start3A_67 = arith.constant 0 : i32
    %dma_start3A_68 = tpu.memref_slice %arg7[%add3A_66, %dma_start3A_67] : memref<86016x128xf32, #tpu.memory_space<hbm>> -> memref<384x128xf32, #tpu.memory_space<hbm>>
    %dma_start3A_69 = arith.constant 0 : i32
    %dma_start3A_70 = tpu.memref_slice %arg7[%add3A_66, %dma_start3A_69] : memref<86016x128xf32, #tpu.memory_space<hbm>> -> memref<384x128xf32, #tpu.memory_space<hbm>>
    tpu.enqueue_dma source(%arg11 : memref<384x128xf32, #tpu.memory_space<vmem>>) target(%dma_start3A_70 : memref<384x128xf32, #tpu.memory_space<hbm>>) target_semaphore(%arg19 : memref<!tpu.dma_semaphore, #tpu.memory_space<semaphore_mem>>)
    %dma_start3A_71 = arith.constant 0 : i32
    %dma_start3A_72 = arith.constant 0 : i32
    %dma_start3A_73 = tpu.memref_slice %arg12[%dma_start3A_71, %dma_start3A_72] : memref<384x128xf32, #tpu.memory_space<vmem>> -> memref<128x128xf32, #tpu.memory_space<vmem>>
    %dma_start3A_74 = arith.constant 384 : i32
    %dma_start3A_75 = tpu.memref_slice %arg9[%dma_start3A_74] : memref<2688xi32, #tpu.memory_space<vmem>> -> memref<128xi32, #tpu.memory_space<vmem>>
    %dma_start3A_76 = arith.constant 0 : i32
    %dma_start3A_77 = arith.constant 0 : i32
    %dma_start3A_78 = tpu.memref_slice %arg3[%dma_start3A_76, %dma_start3A_77] : memref<100000x128xf32, #tpu.memory_space<hbm>> -> memref<100000x128xf32, #tpu.memory_space<hbm>>
    tpu.enqueue_indirect_dma source(%dma_start3A_78 : memref<100000x128xf32, #tpu.memory_space<hbm>>) target(%dma_start3A_73 : memref<128x128xf32, #tpu.memory_space<vmem>>) offsets(%dma_start3A_75 : memref<128xi32, #tpu.memory_space<vmem>>) semaphore(%arg16 : memref<!tpu.dma_semaphore, #tpu.memory_space<semaphore_mem>>)
    %dma_start3A_79 = arith.constant 128 : i32
    %dma_start3A_80 = arith.constant 0 : i32
    %dma_start3A_81 = tpu.memref_slice %arg12[%dma_start3A_79, %dma_start3A_80] : memref<384x128xf32, #tpu.memory_space<vmem>> -> memref<128x128xf32, #tpu.memory_space<vmem>>
    %dma_start3A_82 = arith.constant 512 : i32
    %dma_start3A_83 = tpu.memref_slice %arg9[%dma_start3A_82] : memref<2688xi32, #tpu.memory_space<vmem>> -> memref<128xi32, #tpu.memory_space<vmem>>
    %dma_start3A_84 = arith.constant 0 : i32
    %dma_start3A_85 = arith.constant 0 : i32
    %dma_start3A_86 = tpu.memref_slice %arg3[%dma_start3A_84, %dma_start3A_85] : memref<100000x128xf32, #tpu.memory_space<hbm>> -> memref<100000x128xf32, #tpu.memory_space<hbm>>
    tpu.enqueue_indirect_dma source(%dma_start3A_86 : memref<100000x128xf32, #tpu.memory_space<hbm>>) target(%dma_start3A_81 : memref<128x128xf32, #tpu.memory_space<vmem>>) offsets(%dma_start3A_83 : memref<128xi32, #tpu.memory_space<vmem>>) semaphore(%arg17 : memref<!tpu.dma_semaphore, #tpu.memory_space<semaphore_mem>>)
    %dma_start3A_87 = arith.constant 256 : i32
    %dma_start3A_88 = arith.constant 0 : i32
    %dma_start3A_89 = tpu.memref_slice %arg12[%dma_start3A_87, %dma_start3A_88] : memref<384x128xf32, #tpu.memory_space<vmem>> -> memref<128x128xf32, #tpu.memory_space<vmem>>
    %dma_start3A_90 = arith.constant 640 : i32
    %dma_start3A_91 = tpu.memref_slice %arg9[%dma_start3A_90] : memref<2688xi32, #tpu.memory_space<vmem>> -> memref<128xi32, #tpu.memory_space<vmem>>
    %dma_start3A_92 = arith.constant 0 : i32
    %dma_start3A_93 = arith.constant 0 : i32
    %dma_start3A_94 = tpu.memref_slice %arg3[%dma_start3A_92, %dma_start3A_93] : memref<100000x128xf32, #tpu.memory_space<hbm>> -> memref<100000x128xf32, #tpu.memory_space<hbm>>
    tpu.enqueue_indirect_dma source(%dma_start3A_94 : memref<100000x128xf32, #tpu.memory_space<hbm>>) target(%dma_start3A_89 : memref<128x128xf32, #tpu.memory_space<vmem>>) offsets(%dma_start3A_91 : memref<128xi32, #tpu.memory_space<vmem>>) semaphore(%arg18 : memref<!tpu.dma_semaphore, #tpu.memory_space<semaphore_mem>>)
    %dma_wait3A_95 = arith.constant 0 : i32
    %dma_wait3A_96 = arith.constant 0 : i32
    %dma_wait3A_97 = tpu.memref_slice %arg12[%dma_wait3A_95, %dma_wait3A_96] : memref<384x128xf32, #tpu.memory_space<vmem>> -> memref<128x128xf32, #tpu.memory_space<vmem>>
    %dma_wait3A_98 = arith.constant 384 : i32
    %dma_wait3A_99 = tpu.memref_slice %arg9[%dma_wait3A_98] : memref<2688xi32, #tpu.memory_space<vmem>> -> memref<128xi32, #tpu.memory_space<vmem>>
    %dma_wait3A_100 = arith.constant 0 : i32
    %dma_wait3A_101 = arith.constant 0 : i32
    %dma_wait3A_102 = tpu.memref_slice %arg3[%dma_wait3A_100, %dma_wait3A_101] : memref<100000x128xf32, #tpu.memory_space<hbm>> -> memref<100000x128xf32, #tpu.memory_space<hbm>>
    tpu.wait_indirect_dma semaphore(%arg16 : memref<!tpu.dma_semaphore, #tpu.memory_space<semaphore_mem>>) src(%dma_wait3A_102 : memref<100000x128xf32, #tpu.memory_space<hbm>>) dst(%dma_wait3A_97 : memref<128x128xf32, #tpu.memory_space<vmem>>)
    %dma_wait3A_103 = arith.constant 128 : i32
    %dma_wait3A_104 = arith.constant 0 : i32
    %dma_wait3A_105 = tpu.memref_slice %arg12[%dma_wait3A_103, %dma_wait3A_104] : memref<384x128xf32, #tpu.memory_space<vmem>> -> memref<128x128xf32, #tpu.memory_space<vmem>>
    %dma_wait3A_106 = arith.constant 512 : i32
    %dma_wait3A_107 = tpu.memref_slice %arg9[%dma_wait3A_106] : memref<2688xi32, #tpu.memory_space<vmem>> -> memref<128xi32, #tpu.memory_space<vmem>>
    %dma_wait3A_108 = arith.constant 0 : i32
    %dma_wait3A_109 = arith.constant 0 : i32
    %dma_wait3A_110 = tpu.memref_slice %arg3[%dma_wait3A_108, %dma_wait3A_109] : memref<100000x128xf32, #tpu.memory_space<hbm>> -> memref<100000x128xf32, #tpu.memory_space<hbm>>
    tpu.wait_indirect_dma semaphore(%arg17 : memref<!tpu.dma_semaphore, #tpu.memory_space<semaphore_mem>>) src(%dma_wait3A_110 : memref<100000x128xf32, #tpu.memory_space<hbm>>) dst(%dma_wait3A_105 : memref<128x128xf32, #tpu.memory_space<vmem>>)
    %dma_wait3A_111 = arith.constant 256 : i32
    %dma_wait3A_112 = arith.constant 0 : i32
    %dma_wait3A_113 = tpu.memref_slice %arg12[%dma_wait3A_111, %dma_wait3A_112] : memref<384x128xf32, #tpu.memory_space<vmem>> -> memref<128x128xf32, #tpu.memory_space<vmem>>
    %dma_wait3A_114 = arith.constant 640 : i32
    %dma_wait3A_115 = tpu.memref_slice %arg9[%dma_wait3A_114] : memref<2688xi32, #tpu.memory_space<vmem>> -> memref<128xi32, #tpu.memory_space<vmem>>
    %dma_wait3A_116 = arith.constant 0 : i32
    %dma_wait3A_117 = arith.constant 0 : i32
    %dma_wait3A_118 = tpu.memref_slice %arg3[%dma_wait3A_116, %dma_wait3A_117] : memref<100000x128xf32, #tpu.memory_space<hbm>> -> memref<100000x128xf32, #tpu.memory_space<hbm>>
    tpu.wait_indirect_dma semaphore(%arg18 : memref<!tpu.dma_semaphore, #tpu.memory_space<semaphore_mem>>) src(%dma_wait3A_118 : memref<100000x128xf32, #tpu.memory_space<hbm>>) dst(%dma_wait3A_113 : memref<128x128xf32, #tpu.memory_space<vmem>>)
    %mul3A_119 = arith.constant 2688 : i32
    %mul3A_120 = arith.muli %add3A, %mul3A_119 : i32
    %add3A_121 = arith.constant 384 : i32
    %add3A_122 = arith.addi %mul3A_120, %add3A_121 : i32
    %dma_start3A_123 = arith.constant 0 : i32
    %dma_start3A_124 = tpu.memref_slice %arg7[%add3A_122, %dma_start3A_123] : memref<86016x128xf32, #tpu.memory_space<hbm>> -> memref<384x128xf32, #tpu.memory_space<hbm>>
    %dma_start3A_125 = arith.constant 0 : i32
    %dma_start3A_126 = tpu.memref_slice %arg7[%add3A_122, %dma_start3A_125] : memref<86016x128xf32, #tpu.memory_space<hbm>> -> memref<384x128xf32, #tpu.memory_space<hbm>>
    tpu.enqueue_dma source(%arg12 : memref<384x128xf32, #tpu.memory_space<vmem>>) target(%dma_start3A_126 : memref<384x128xf32, #tpu.memory_space<hbm>>) target_semaphore(%arg20 : memref<!tpu.dma_semaphore, #tpu.memory_space<semaphore_mem>>)
    %dma_wait3A_127 = arith.constant 0 : i32
    %dma_wait3A_128 = tpu.memref_slice %arg7[%add3A_66, %dma_wait3A_127] : memref<86016x128xf32, #tpu.memory_space<hbm>> -> memref<384x128xf32, #tpu.memory_space<hbm>>
    %dma_wait3A_129 = arith.constant 0 : i32
    %dma_wait3A_130 = tpu.memref_slice %arg7[%add3A_66, %dma_wait3A_129] : memref<86016x128xf32, #tpu.memory_space<hbm>> -> memref<384x128xf32, #tpu.memory_space<hbm>>
    tpu.wait_dma2 semaphore(%arg19 : memref<!tpu.dma_semaphore, #tpu.memory_space<semaphore_mem>>) src(%arg11 : memref<384x128xf32, #tpu.memory_space<vmem>>) dst(%dma_wait3A_130 : memref<384x128xf32, #tpu.memory_space<hbm>>)
    %dma_start3A_131 = arith.constant 0 : i32
    %dma_start3A_132 = arith.constant 0 : i32
    %dma_start3A_133 = tpu.memref_slice %arg11[%dma_start3A_131, %dma_start3A_132] : memref<384x128xf32, #tpu.memory_space<vmem>> -> memref<128x128xf32, #tpu.memory_space<vmem>>
    %dma_start3A_134 = arith.constant 768 : i32
    %dma_start3A_135 = tpu.memref_slice %arg9[%dma_start3A_134] : memref<2688xi32, #tpu.memory_space<vmem>> -> memref<128xi32, #tpu.memory_space<vmem>>
    %dma_start3A_136 = arith.constant 0 : i32
    %dma_start3A_137 = arith.constant 0 : i32
    %dma_start3A_138 = tpu.memref_slice %arg3[%dma_start3A_136, %dma_start3A_137] : memref<100000x128xf32, #tpu.memory_space<hbm>> -> memref<100000x128xf32, #tpu.memory_space<hbm>>
    tpu.enqueue_indirect_dma source(%dma_start3A_138 : memref<100000x128xf32, #tpu.memory_space<hbm>>) target(%dma_start3A_133 : memref<128x128xf32, #tpu.memory_space<vmem>>) offsets(%dma_start3A_135 : memref<128xi32, #tpu.memory_space<vmem>>) semaphore(%arg13 : memref<!tpu.dma_semaphore, #tpu.memory_space<semaphore_mem>>)
    %dma_start3A_139 = arith.constant 128 : i32
    %dma_start3A_140 = arith.constant 0 : i32
    %dma_start3A_141 = tpu.memref_slice %arg11[%dma_start3A_139, %dma_start3A_140] : memref<384x128xf32, #tpu.memory_space<vmem>> -> memref<128x128xf32, #tpu.memory_space<vmem>>
    %dma_start3A_142 = arith.constant 896 : i32
    %dma_start3A_143 = tpu.memref_slice %arg9[%dma_start3A_142] : memref<2688xi32, #tpu.memory_space<vmem>> -> memref<128xi32, #tpu.memory_space<vmem>>
    %dma_start3A_144 = arith.constant 0 : i32
    %dma_start3A_145 = arith.constant 0 : i32
    %dma_start3A_146 = tpu.memref_slice %arg3[%dma_start3A_144, %dma_start3A_145] : memref<100000x128xf32, #tpu.memory_space<hbm>> -> memref<100000x128xf32, #tpu.memory_space<hbm>>
    tpu.enqueue_indirect_dma source(%dma_start3A_146 : memref<100000x128xf32, #tpu.memory_space<hbm>>) target(%dma_start3A_141 : memref<128x128xf32, #tpu.memory_space<vmem>>) offsets(%dma_start3A_143 : memref<128xi32, #tpu.memory_space<vmem>>) semaphore(%arg14 : memref<!tpu.dma_semaphore, #tpu.memory_space<semaphore_mem>>)
    %dma_start3A_147 = arith.constant 256 : i32
    %dma_start3A_148 = arith.constant 0 : i32
    %dma_start3A_149 = tpu.memref_slice %arg11[%dma_start3A_147, %dma_start3A_148] : memref<384x128xf32, #tpu.memory_space<vmem>> -> memref<128x128xf32, #tpu.memory_space<vmem>>
    %dma_start3A_150 = arith.constant 1024 : i32
    %dma_start3A_151 = tpu.memref_slice %arg9[%dma_start3A_150] : memref<2688xi32, #tpu.memory_space<vmem>> -> memref<128xi32, #tpu.memory_space<vmem>>
    %dma_start3A_152 = arith.constant 0 : i32
    %dma_start3A_153 = arith.constant 0 : i32
    %dma_start3A_154 = tpu.memref_slice %arg3[%dma_start3A_152, %dma_start3A_153] : memref<100000x128xf32, #tpu.memory_space<hbm>> -> memref<100000x128xf32, #tpu.memory_space<hbm>>
    tpu.enqueue_indirect_dma source(%dma_start3A_154 : memref<100000x128xf32, #tpu.memory_space<hbm>>) target(%dma_start3A_149 : memref<128x128xf32, #tpu.memory_space<vmem>>) offsets(%dma_start3A_151 : memref<128xi32, #tpu.memory_space<vmem>>) semaphore(%arg15 : memref<!tpu.dma_semaphore, #tpu.memory_space<semaphore_mem>>)
    %dma_wait3A_155 = arith.constant 0 : i32
    %dma_wait3A_156 = arith.constant 0 : i32
    %dma_wait3A_157 = tpu.memref_slice %arg11[%dma_wait3A_155, %dma_wait3A_156] : memref<384x128xf32, #tpu.memory_space<vmem>> -> memref<128x128xf32, #tpu.memory_space<vmem>>
    %dma_wait3A_158 = arith.constant 768 : i32
    %dma_wait3A_159 = tpu.memref_slice %arg9[%dma_wait3A_158] : memref<2688xi32, #tpu.memory_space<vmem>> -> memref<128xi32, #tpu.memory_space<vmem>>
    %dma_wait3A_160 = arith.constant 0 : i32
    %dma_wait3A_161 = arith.constant 0 : i32
    %dma_wait3A_162 = tpu.memref_slice %arg3[%dma_wait3A_160, %dma_wait3A_161] : memref<100000x128xf32, #tpu.memory_space<hbm>> -> memref<100000x128xf32, #tpu.memory_space<hbm>>
    tpu.wait_indirect_dma semaphore(%arg13 : memref<!tpu.dma_semaphore, #tpu.memory_space<semaphore_mem>>) src(%dma_wait3A_162 : memref<100000x128xf32, #tpu.memory_space<hbm>>) dst(%dma_wait3A_157 : memref<128x128xf32, #tpu.memory_space<vmem>>)
    %dma_wait3A_163 = arith.constant 128 : i32
    %dma_wait3A_164 = arith.constant 0 : i32
    %dma_wait3A_165 = tpu.memref_slice %arg11[%dma_wait3A_163, %dma_wait3A_164] : memref<384x128xf32, #tpu.memory_space<vmem>> -> memref<128x128xf32, #tpu.memory_space<vmem>>
    %dma_wait3A_166 = arith.constant 896 : i32
    %dma_wait3A_167 = tpu.memref_slice %arg9[%dma_wait3A_166] : memref<2688xi32, #tpu.memory_space<vmem>> -> memref<128xi32, #tpu.memory_space<vmem>>
    %dma_wait3A_168 = arith.constant 0 : i32
    %dma_wait3A_169 = arith.constant 0 : i32
    %dma_wait3A_170 = tpu.memref_slice %arg3[%dma_wait3A_168, %dma_wait3A_169] : memref<100000x128xf32, #tpu.memory_space<hbm>> -> memref<100000x128xf32, #tpu.memory_space<hbm>>
    tpu.wait_indirect_dma semaphore(%arg14 : memref<!tpu.dma_semaphore, #tpu.memory_space<semaphore_mem>>) src(%dma_wait3A_170 : memref<100000x128xf32, #tpu.memory_space<hbm>>) dst(%dma_wait3A_165 : memref<128x128xf32, #tpu.memory_space<vmem>>)
    %dma_wait3A_171 = arith.constant 256 : i32
    %dma_wait3A_172 = arith.constant 0 : i32
    %dma_wait3A_173 = tpu.memref_slice %arg11[%dma_wait3A_171, %dma_wait3A_172] : memref<384x128xf32, #tpu.memory_space<vmem>> -> memref<128x128xf32, #tpu.memory_space<vmem>>
    %dma_wait3A_174 = arith.constant 1024 : i32
    %dma_wait3A_175 = tpu.memref_slice %arg9[%dma_wait3A_174] : memref<2688xi32, #tpu.memory_space<vmem>> -> memref<128xi32, #tpu.memory_space<vmem>>
    %dma_wait3A_176 = arith.constant 0 : i32
    %dma_wait3A_177 = arith.constant 0 : i32
    %dma_wait3A_178 = tpu.memref_slice %arg3[%dma_wait3A_176, %dma_wait3A_177] : memref<100000x128xf32, #tpu.memory_space<hbm>> -> memref<100000x128xf32, #tpu.memory_space<hbm>>
    tpu.wait_indirect_dma semaphore(%arg15 : memref<!tpu.dma_semaphore, #tpu.memory_space<semaphore_mem>>) src(%dma_wait3A_178 : memref<100000x128xf32, #tpu.memory_space<hbm>>) dst(%dma_wait3A_173 : memref<128x128xf32, #tpu.memory_space<vmem>>)
    %mul3A_179 = arith.constant 2688 : i32
    %mul3A_180 = arith.muli %add3A, %mul3A_179 : i32
    %add3A_181 = arith.constant 768 : i32
    %add3A_182 = arith.addi %mul3A_180, %add3A_181 : i32
    %dma_start3A_183 = arith.constant 0 : i32
    %dma_start3A_184 = tpu.memref_slice %arg7[%add3A_182, %dma_start3A_183] : memref<86016x128xf32, #tpu.memory_space<hbm>> -> memref<384x128xf32, #tpu.memory_space<hbm>>
    %dma_start3A_185 = arith.constant 0 : i32
    %dma_start3A_186 = tpu.memref_slice %arg7[%add3A_182, %dma_start3A_185] : memref<86016x128xf32, #tpu.memory_space<hbm>> -> memref<384x128xf32, #tpu.memory_space<hbm>>
    tpu.enqueue_dma source(%arg11 : memref<384x128xf32, #tpu.memory_space<vmem>>) target(%dma_start3A_186 : memref<384x128xf32, #tpu.memory_space<hbm>>) target_semaphore(%arg19 : memref<!tpu.dma_semaphore, #tpu.memory_space<semaphore_mem>>)
    %dma_wait3A_187 = arith.constant 0 : i32
    %dma_wait3A_188 = tpu.memref_slice %arg7[%add3A_122, %dma_wait3A_187] : memref<86016x128xf32, #tpu.memory_space<hbm>> -> memref<384x128xf32, #tpu.memory_space<hbm>>
    %dma_wait3A_189 = arith.constant 0 : i32
    %dma_wait3A_190 = tpu.memref_slice %arg7[%add3A_122, %dma_wait3A_189] : memref<86016x128xf32, #tpu.memory_space<hbm>> -> memref<384x128xf32, #tpu.memory_space<hbm>>
    tpu.wait_dma2 semaphore(%arg20 : memref<!tpu.dma_semaphore, #tpu.memory_space<semaphore_mem>>) src(%arg12 : memref<384x128xf32, #tpu.memory_space<vmem>>) dst(%dma_wait3A_190 : memref<384x128xf32, #tpu.memory_space<hbm>>)
    %dma_start3A_191 = arith.constant 0 : i32
    %dma_start3A_192 = arith.constant 0 : i32
    %dma_start3A_193 = tpu.memref_slice %arg12[%dma_start3A_191, %dma_start3A_192] : memref<384x128xf32, #tpu.memory_space<vmem>> -> memref<128x128xf32, #tpu.memory_space<vmem>>
    %dma_start3A_194 = arith.constant 1152 : i32
    %dma_start3A_195 = tpu.memref_slice %arg9[%dma_start3A_194] : memref<2688xi32, #tpu.memory_space<vmem>> -> memref<128xi32, #tpu.memory_space<vmem>>
    %dma_start3A_196 = arith.constant 0 : i32
    %dma_start3A_197 = arith.constant 0 : i32
    %dma_start3A_198 = tpu.memref_slice %arg3[%dma_start3A_196, %dma_start3A_197] : memref<100000x128xf32, #tpu.memory_space<hbm>> -> memref<100000x128xf32, #tpu.memory_space<hbm>>
    tpu.enqueue_indirect_dma source(%dma_start3A_198 : memref<100000x128xf32, #tpu.memory_space<hbm>>) target(%dma_start3A_193 : memref<128x128xf32, #tpu.memory_space<vmem>>) offsets(%dma_start3A_195 : memref<128xi32, #tpu.memory_space<vmem>>) semaphore(%arg16 : memref<!tpu.dma_semaphore, #tpu.memory_space<semaphore_mem>>)
    %dma_start3A_199 = arith.constant 128 : i32
    %dma_start3A_200 = arith.constant 0 : i32
    %dma_start3A_201 = tpu.memref_slice %arg12[%dma_start3A_199, %dma_start3A_200] : memref<384x128xf32, #tpu.memory_space<vmem>> -> memref<128x128xf32, #tpu.memory_space<vmem>>
    %dma_start3A_202 = arith.constant 1280 : i32
    %dma_start3A_203 = tpu.memref_slice %arg9[%dma_start3A_202] : memref<2688xi32, #tpu.memory_space<vmem>> -> memref<128xi32, #tpu.memory_space<vmem>>
    %dma_start3A_204 = arith.constant 0 : i32
    %dma_start3A_205 = arith.constant 0 : i32
    %dma_start3A_206 = tpu.memref_slice %arg3[%dma_start3A_204, %dma_start3A_205] : memref<100000x128xf32, #tpu.memory_space<hbm>> -> memref<100000x128xf32, #tpu.memory_space<hbm>>
    tpu.enqueue_indirect_dma source(%dma_start3A_206 : memref<100000x128xf32, #tpu.memory_space<hbm>>) target(%dma_start3A_201 : memref<128x128xf32, #tpu.memory_space<vmem>>) offsets(%dma_start3A_203 : memref<128xi32, #tpu.memory_space<vmem>>) semaphore(%arg17 : memref<!tpu.dma_semaphore, #tpu.memory_space<semaphore_mem>>)
    %dma_start3A_207 = arith.constant 256 : i32
    %dma_start3A_208 = arith.constant 0 : i32
    %dma_start3A_209 = tpu.memref_slice %arg12[%dma_start3A_207, %dma_start3A_208] : memref<384x128xf32, #tpu.memory_space<vmem>> -> memref<128x128xf32, #tpu.memory_space<vmem>>
    %dma_start3A_210 = arith.constant 1408 : i32
    %dma_start3A_211 = tpu.memref_slice %arg9[%dma_start3A_210] : memref<2688xi32, #tpu.memory_space<vmem>> -> memref<128xi32, #tpu.memory_space<vmem>>
    %dma_start3A_212 = arith.constant 0 : i32
    %dma_start3A_213 = arith.constant 0 : i32
    %dma_start3A_214 = tpu.memref_slice %arg3[%dma_start3A_212, %dma_start3A_213] : memref<100000x128xf32, #tpu.memory_space<hbm>> -> memref<100000x128xf32, #tpu.memory_space<hbm>>
    tpu.enqueue_indirect_dma source(%dma_start3A_214 : memref<100000x128xf32, #tpu.memory_space<hbm>>) target(%dma_start3A_209 : memref<128x128xf32, #tpu.memory_space<vmem>>) offsets(%dma_start3A_211 : memref<128xi32, #tpu.memory_space<vmem>>) semaphore(%arg18 : memref<!tpu.dma_semaphore, #tpu.memory_space<semaphore_mem>>)
    %dma_wait3A_215 = arith.constant 0 : i32
    %dma_wait3A_216 = arith.constant 0 : i32
    %dma_wait3A_217 = tpu.memref_slice %arg12[%dma_wait3A_215, %dma_wait3A_216] : memref<384x128xf32, #tpu.memory_space<vmem>> -> memref<128x128xf32, #tpu.memory_space<vmem>>
    %dma_wait3A_218 = arith.constant 1152 : i32
    %dma_wait3A_219 = tpu.memref_slice %arg9[%dma_wait3A_218] : memref<2688xi32, #tpu.memory_space<vmem>> -> memref<128xi32, #tpu.memory_space<vmem>>
    %dma_wait3A_220 = arith.constant 0 : i32
    %dma_wait3A_221 = arith.constant 0 : i32
    %dma_wait3A_222 = tpu.memref_slice %arg3[%dma_wait3A_220, %dma_wait3A_221] : memref<100000x128xf32, #tpu.memory_space<hbm>> -> memref<100000x128xf32, #tpu.memory_space<hbm>>
    tpu.wait_indirect_dma semaphore(%arg16 : memref<!tpu.dma_semaphore, #tpu.memory_space<semaphore_mem>>) src(%dma_wait3A_222 : memref<100000x128xf32, #tpu.memory_space<hbm>>) dst(%dma_wait3A_217 : memref<128x128xf32, #tpu.memory_space<vmem>>)
    %dma_wait3A_223 = arith.constant 128 : i32
    %dma_wait3A_224 = arith.constant 0 : i32
    %dma_wait3A_225 = tpu.memref_slice %arg12[%dma_wait3A_223, %dma_wait3A_224] : memref<384x128xf32, #tpu.memory_space<vmem>> -> memref<128x128xf32, #tpu.memory_space<vmem>>
    %dma_wait3A_226 = arith.constant 1280 : i32
    %dma_wait3A_227 = tpu.memref_slice %arg9[%dma_wait3A_226] : memref<2688xi32, #tpu.memory_space<vmem>> -> memref<128xi32, #tpu.memory_space<vmem>>
    %dma_wait3A_228 = arith.constant 0 : i32
    %dma_wait3A_229 = arith.constant 0 : i32
    %dma_wait3A_230 = tpu.memref_slice %arg3[%dma_wait3A_228, %dma_wait3A_229] : memref<100000x128xf32, #tpu.memory_space<hbm>> -> memref<100000x128xf32, #tpu.memory_space<hbm>>
    tpu.wait_indirect_dma semaphore(%arg17 : memref<!tpu.dma_semaphore, #tpu.memory_space<semaphore_mem>>) src(%dma_wait3A_230 : memref<100000x128xf32, #tpu.memory_space<hbm>>) dst(%dma_wait3A_225 : memref<128x128xf32, #tpu.memory_space<vmem>>)
    %dma_wait3A_231 = arith.constant 256 : i32
    %dma_wait3A_232 = arith.constant 0 : i32
    %dma_wait3A_233 = tpu.memref_slice %arg12[%dma_wait3A_231, %dma_wait3A_232] : memref<384x128xf32, #tpu.memory_space<vmem>> -> memref<128x128xf32, #tpu.memory_space<vmem>>
    %dma_wait3A_234 = arith.constant 1408 : i32
    %dma_wait3A_235 = tpu.memref_slice %arg9[%dma_wait3A_234] : memref<2688xi32, #tpu.memory_space<vmem>> -> memref<128xi32, #tpu.memory_space<vmem>>
    %dma_wait3A_236 = arith.constant 0 : i32
    %dma_wait3A_237 = arith.constant 0 : i32
    %dma_wait3A_238 = tpu.memref_slice %arg3[%dma_wait3A_236, %dma_wait3A_237] : memref<100000x128xf32, #tpu.memory_space<hbm>> -> memref<100000x128xf32, #tpu.memory_space<hbm>>
    tpu.wait_indirect_dma semaphore(%arg18 : memref<!tpu.dma_semaphore, #tpu.memory_space<semaphore_mem>>) src(%dma_wait3A_238 : memref<100000x128xf32, #tpu.memory_space<hbm>>) dst(%dma_wait3A_233 : memref<128x128xf32, #tpu.memory_space<vmem>>)
    %mul3A_239 = arith.constant 2688 : i32
    %mul3A_240 = arith.muli %add3A, %mul3A_239 : i32
    %add3A_241 = arith.constant 1152 : i32
    %add3A_242 = arith.addi %mul3A_240, %add3A_241 : i32
    %dma_start3A_243 = arith.constant 0 : i32
    %dma_start3A_244 = tpu.memref_slice %arg7[%add3A_242, %dma_start3A_243] : memref<86016x128xf32, #tpu.memory_space<hbm>> -> memref<384x128xf32, #tpu.memory_space<hbm>>
    %dma_start3A_245 = arith.constant 0 : i32
    %dma_start3A_246 = tpu.memref_slice %arg7[%add3A_242, %dma_start3A_245] : memref<86016x128xf32, #tpu.memory_space<hbm>> -> memref<384x128xf32, #tpu.memory_space<hbm>>
    tpu.enqueue_dma source(%arg12 : memref<384x128xf32, #tpu.memory_space<vmem>>) target(%dma_start3A_246 : memref<384x128xf32, #tpu.memory_space<hbm>>) target_semaphore(%arg20 : memref<!tpu.dma_semaphore, #tpu.memory_space<semaphore_mem>>)
    %dma_wait3A_247 = arith.constant 0 : i32
    %dma_wait3A_248 = tpu.memref_slice %arg7[%add3A_182, %dma_wait3A_247] : memref<86016x128xf32, #tpu.memory_space<hbm>> -> memref<384x128xf32, #tpu.memory_space<hbm>>
    %dma_wait3A_249 = arith.constant 0 : i32
    %dma_wait3A_250 = tpu.memref_slice %arg7[%add3A_182, %dma_wait3A_249] : memref<86016x128xf32, #tpu.memory_space<hbm>> -> memref<384x128xf32, #tpu.memory_space<hbm>>
    tpu.wait_dma2 semaphore(%arg19 : memref<!tpu.dma_semaphore, #tpu.memory_space<semaphore_mem>>) src(%arg11 : memref<384x128xf32, #tpu.memory_space<vmem>>) dst(%dma_wait3A_250 : memref<384x128xf32, #tpu.memory_space<hbm>>)
    %dma_start3A_251 = arith.constant 0 : i32
    %dma_start3A_252 = arith.constant 0 : i32
    %dma_start3A_253 = tpu.memref_slice %arg11[%dma_start3A_251, %dma_start3A_252] : memref<384x128xf32, #tpu.memory_space<vmem>> -> memref<128x128xf32, #tpu.memory_space<vmem>>
    %dma_start3A_254 = arith.constant 1536 : i32
    %dma_start3A_255 = tpu.memref_slice %arg9[%dma_start3A_254] : memref<2688xi32, #tpu.memory_space<vmem>> -> memref<128xi32, #tpu.memory_space<vmem>>
    %dma_start3A_256 = arith.constant 0 : i32
    %dma_start3A_257 = arith.constant 0 : i32
    %dma_start3A_258 = tpu.memref_slice %arg3[%dma_start3A_256, %dma_start3A_257] : memref<100000x128xf32, #tpu.memory_space<hbm>> -> memref<100000x128xf32, #tpu.memory_space<hbm>>
    tpu.enqueue_indirect_dma source(%dma_start3A_258 : memref<100000x128xf32, #tpu.memory_space<hbm>>) target(%dma_start3A_253 : memref<128x128xf32, #tpu.memory_space<vmem>>) offsets(%dma_start3A_255 : memref<128xi32, #tpu.memory_space<vmem>>) semaphore(%arg13 : memref<!tpu.dma_semaphore, #tpu.memory_space<semaphore_mem>>)
    %dma_start3A_259 = arith.constant 128 : i32
    %dma_start3A_260 = arith.constant 0 : i32
    %dma_start3A_261 = tpu.memref_slice %arg11[%dma_start3A_259, %dma_start3A_260] : memref<384x128xf32, #tpu.memory_space<vmem>> -> memref<128x128xf32, #tpu.memory_space<vmem>>
    %dma_start3A_262 = arith.constant 1664 : i32
    %dma_start3A_263 = tpu.memref_slice %arg9[%dma_start3A_262] : memref<2688xi32, #tpu.memory_space<vmem>> -> memref<128xi32, #tpu.memory_space<vmem>>
    %dma_start3A_264 = arith.constant 0 : i32
    %dma_start3A_265 = arith.constant 0 : i32
    %dma_start3A_266 = tpu.memref_slice %arg3[%dma_start3A_264, %dma_start3A_265] : memref<100000x128xf32, #tpu.memory_space<hbm>> -> memref<100000x128xf32, #tpu.memory_space<hbm>>
    tpu.enqueue_indirect_dma source(%dma_start3A_266 : memref<100000x128xf32, #tpu.memory_space<hbm>>) target(%dma_start3A_261 : memref<128x128xf32, #tpu.memory_space<vmem>>) offsets(%dma_start3A_263 : memref<128xi32, #tpu.memory_space<vmem>>) semaphore(%arg14 : memref<!tpu.dma_semaphore, #tpu.memory_space<semaphore_mem>>)
    %dma_start3A_267 = arith.constant 256 : i32
    %dma_start3A_268 = arith.constant 0 : i32
    %dma_start3A_269 = tpu.memref_slice %arg11[%dma_start3A_267, %dma_start3A_268] : memref<384x128xf32, #tpu.memory_space<vmem>> -> memref<128x128xf32, #tpu.memory_space<vmem>>
    %dma_start3A_270 = arith.constant 1792 : i32
    %dma_start3A_271 = tpu.memref_slice %arg9[%dma_start3A_270] : memref<2688xi32, #tpu.memory_space<vmem>> -> memref<128xi32, #tpu.memory_space<vmem>>
    %dma_start3A_272 = arith.constant 0 : i32
    %dma_start3A_273 = arith.constant 0 : i32
    %dma_start3A_274 = tpu.memref_slice %arg3[%dma_start3A_272, %dma_start3A_273] : memref<100000x128xf32, #tpu.memory_space<hbm>> -> memref<100000x128xf32, #tpu.memory_space<hbm>>
    tpu.enqueue_indirect_dma source(%dma_start3A_274 : memref<100000x128xf32, #tpu.memory_space<hbm>>) target(%dma_start3A_269 : memref<128x128xf32, #tpu.memory_space<vmem>>) offsets(%dma_start3A_271 : memref<128xi32, #tpu.memory_space<vmem>>) semaphore(%arg15 : memref<!tpu.dma_semaphore, #tpu.memory_space<semaphore_mem>>)
    %dma_wait3A_275 = arith.constant 0 : i32
    %dma_wait3A_276 = arith.constant 0 : i32
    %dma_wait3A_277 = tpu.memref_slice %arg11[%dma_wait3A_275, %dma_wait3A_276] : memref<384x128xf32, #tpu.memory_space<vmem>> -> memref<128x128xf32, #tpu.memory_space<vmem>>
    %dma_wait3A_278 = arith.constant 1536 : i32
    %dma_wait3A_279 = tpu.memref_slice %arg9[%dma_wait3A_278] : memref<2688xi32, #tpu.memory_space<vmem>> -> memref<128xi32, #tpu.memory_space<vmem>>
    %dma_wait3A_280 = arith.constant 0 : i32
    %dma_wait3A_281 = arith.constant 0 : i32
    %dma_wait3A_282 = tpu.memref_slice %arg3[%dma_wait3A_280, %dma_wait3A_281] : memref<100000x128xf32, #tpu.memory_space<hbm>> -> memref<100000x128xf32, #tpu.memory_space<hbm>>
    tpu.wait_indirect_dma semaphore(%arg13 : memref<!tpu.dma_semaphore, #tpu.memory_space<semaphore_mem>>) src(%dma_wait3A_282 : memref<100000x128xf32, #tpu.memory_space<hbm>>) dst(%dma_wait3A_277 : memref<128x128xf32, #tpu.memory_space<vmem>>)
    %dma_wait3A_283 = arith.constant 128 : i32
    %dma_wait3A_284 = arith.constant 0 : i32
    %dma_wait3A_285 = tpu.memref_slice %arg11[%dma_wait3A_283, %dma_wait3A_284] : memref<384x128xf32, #tpu.memory_space<vmem>> -> memref<128x128xf32, #tpu.memory_space<vmem>>
    %dma_wait3A_286 = arith.constant 1664 : i32
    %dma_wait3A_287 = tpu.memref_slice %arg9[%dma_wait3A_286] : memref<2688xi32, #tpu.memory_space<vmem>> -> memref<128xi32, #tpu.memory_space<vmem>>
    %dma_wait3A_288 = arith.constant 0 : i32
    %dma_wait3A_289 = arith.constant 0 : i32
    %dma_wait3A_290 = tpu.memref_slice %arg3[%dma_wait3A_288, %dma_wait3A_289] : memref<100000x128xf32, #tpu.memory_space<hbm>> -> memref<100000x128xf32, #tpu.memory_space<hbm>>
    tpu.wait_indirect_dma semaphore(%arg14 : memref<!tpu.dma_semaphore, #tpu.memory_space<semaphore_mem>>) src(%dma_wait3A_290 : memref<100000x128xf32, #tpu.memory_space<hbm>>) dst(%dma_wait3A_285 : memref<128x128xf32, #tpu.memory_space<vmem>>)
    %dma_wait3A_291 = arith.constant 256 : i32
    %dma_wait3A_292 = arith.constant 0 : i32
    %dma_wait3A_293 = tpu.memref_slice %arg11[%dma_wait3A_291, %dma_wait3A_292] : memref<384x128xf32, #tpu.memory_space<vmem>> -> memref<128x128xf32, #tpu.memory_space<vmem>>
    %dma_wait3A_294 = arith.constant 1792 : i32
    %dma_wait3A_295 = tpu.memref_slice %arg9[%dma_wait3A_294] : memref<2688xi32, #tpu.memory_space<vmem>> -> memref<128xi32, #tpu.memory_space<vmem>>
    %dma_wait3A_296 = arith.constant 0 : i32
    %dma_wait3A_297 = arith.constant 0 : i32
    %dma_wait3A_298 = tpu.memref_slice %arg3[%dma_wait3A_296, %dma_wait3A_297] : memref<100000x128xf32, #tpu.memory_space<hbm>> -> memref<100000x128xf32, #tpu.memory_space<hbm>>
    tpu.wait_indirect_dma semaphore(%arg15 : memref<!tpu.dma_semaphore, #tpu.memory_space<semaphore_mem>>) src(%dma_wait3A_298 : memref<100000x128xf32, #tpu.memory_space<hbm>>) dst(%dma_wait3A_293 : memref<128x128xf32, #tpu.memory_space<vmem>>)
    %mul3A_299 = arith.constant 2688 : i32
    %mul3A_300 = arith.muli %add3A, %mul3A_299 : i32
    %add3A_301 = arith.constant 1536 : i32
    %add3A_302 = arith.addi %mul3A_300, %add3A_301 : i32
    %dma_start3A_303 = arith.constant 0 : i32
    %dma_start3A_304 = tpu.memref_slice %arg7[%add3A_302, %dma_start3A_303] : memref<86016x128xf32, #tpu.memory_space<hbm>> -> memref<384x128xf32, #tpu.memory_space<hbm>>
    %dma_start3A_305 = arith.constant 0 : i32
    %dma_start3A_306 = tpu.memref_slice %arg7[%add3A_302, %dma_start3A_305] : memref<86016x128xf32, #tpu.memory_space<hbm>> -> memref<384x128xf32, #tpu.memory_space<hbm>>
    tpu.enqueue_dma source(%arg11 : memref<384x128xf32, #tpu.memory_space<vmem>>) target(%dma_start3A_306 : memref<384x128xf32, #tpu.memory_space<hbm>>) target_semaphore(%arg19 : memref<!tpu.dma_semaphore, #tpu.memory_space<semaphore_mem>>)
    %dma_wait3A_307 = arith.constant 0 : i32
    %dma_wait3A_308 = tpu.memref_slice %arg7[%add3A_242, %dma_wait3A_307] : memref<86016x128xf32, #tpu.memory_space<hbm>> -> memref<384x128xf32, #tpu.memory_space<hbm>>
    %dma_wait3A_309 = arith.constant 0 : i32
    %dma_wait3A_310 = tpu.memref_slice %arg7[%add3A_242, %dma_wait3A_309] : memref<86016x128xf32, #tpu.memory_space<hbm>> -> memref<384x128xf32, #tpu.memory_space<hbm>>
    tpu.wait_dma2 semaphore(%arg20 : memref<!tpu.dma_semaphore, #tpu.memory_space<semaphore_mem>>) src(%arg12 : memref<384x128xf32, #tpu.memory_space<vmem>>) dst(%dma_wait3A_310 : memref<384x128xf32, #tpu.memory_space<hbm>>)
    %dma_start3A_311 = arith.constant 0 : i32
    %dma_start3A_312 = arith.constant 0 : i32
    %dma_start3A_313 = tpu.memref_slice %arg12[%dma_start3A_311, %dma_start3A_312] : memref<384x128xf32, #tpu.memory_space<vmem>> -> memref<128x128xf32, #tpu.memory_space<vmem>>
    %dma_start3A_314 = arith.constant 1920 : i32
    %dma_start3A_315 = tpu.memref_slice %arg9[%dma_start3A_314] : memref<2688xi32, #tpu.memory_space<vmem>> -> memref<128xi32, #tpu.memory_space<vmem>>
    %dma_start3A_316 = arith.constant 0 : i32
    %dma_start3A_317 = arith.constant 0 : i32
    %dma_start3A_318 = tpu.memref_slice %arg3[%dma_start3A_316, %dma_start3A_317] : memref<100000x128xf32, #tpu.memory_space<hbm>> -> memref<100000x128xf32, #tpu.memory_space<hbm>>
    tpu.enqueue_indirect_dma source(%dma_start3A_318 : memref<100000x128xf32, #tpu.memory_space<hbm>>) target(%dma_start3A_313 : memref<128x128xf32, #tpu.memory_space<vmem>>) offsets(%dma_start3A_315 : memref<128xi32, #tpu.memory_space<vmem>>) semaphore(%arg16 : memref<!tpu.dma_semaphore, #tpu.memory_space<semaphore_mem>>)
    %dma_start3A_319 = arith.constant 128 : i32
    %dma_start3A_320 = arith.constant 0 : i32
    %dma_start3A_321 = tpu.memref_slice %arg12[%dma_start3A_319, %dma_start3A_320] : memref<384x128xf32, #tpu.memory_space<vmem>> -> memref<128x128xf32, #tpu.memory_space<vmem>>
    %dma_start3A_322 = arith.constant 2048 : i32
    %dma_start3A_323 = tpu.memref_slice %arg9[%dma_start3A_322] : memref<2688xi32, #tpu.memory_space<vmem>> -> memref<128xi32, #tpu.memory_space<vmem>>
    %dma_start3A_324 = arith.constant 0 : i32
    %dma_start3A_325 = arith.constant 0 : i32
    %dma_start3A_326 = tpu.memref_slice %arg3[%dma_start3A_324, %dma_start3A_325] : memref<100000x128xf32, #tpu.memory_space<hbm>> -> memref<100000x128xf32, #tpu.memory_space<hbm>>
    tpu.enqueue_indirect_dma source(%dma_start3A_326 : memref<100000x128xf32, #tpu.memory_space<hbm>>) target(%dma_start3A_321 : memref<128x128xf32, #tpu.memory_space<vmem>>) offsets(%dma_start3A_323 : memref<128xi32, #tpu.memory_space<vmem>>) semaphore(%arg17 : memref<!tpu.dma_semaphore, #tpu.memory_space<semaphore_mem>>)
    %dma_start3A_327 = arith.constant 256 : i32
    %dma_start3A_328 = arith.constant 0 : i32
    %dma_start3A_329 = tpu.memref_slice %arg12[%dma_start3A_327, %dma_start3A_328] : memref<384x128xf32, #tpu.memory_space<vmem>> -> memref<128x128xf32, #tpu.memory_space<vmem>>
    %dma_start3A_330 = arith.constant 2176 : i32
    %dma_start3A_331 = tpu.memref_slice %arg9[%dma_start3A_330] : memref<2688xi32, #tpu.memory_space<vmem>> -> memref<128xi32, #tpu.memory_space<vmem>>
    %dma_start3A_332 = arith.constant 0 : i32
    %dma_start3A_333 = arith.constant 0 : i32
    %dma_start3A_334 = tpu.memref_slice %arg3[%dma_start3A_332, %dma_start3A_333] : memref<100000x128xf32, #tpu.memory_space<hbm>> -> memref<100000x128xf32, #tpu.memory_space<hbm>>
    tpu.enqueue_indirect_dma source(%dma_start3A_334 : memref<100000x128xf32, #tpu.memory_space<hbm>>) target(%dma_start3A_329 : memref<128x128xf32, #tpu.memory_space<vmem>>) offsets(%dma_start3A_331 : memref<128xi32, #tpu.memory_space<vmem>>) semaphore(%arg18 : memref<!tpu.dma_semaphore, #tpu.memory_space<semaphore_mem>>)
    %dma_wait3A_335 = arith.constant 0 : i32
    %dma_wait3A_336 = arith.constant 0 : i32
    %dma_wait3A_337 = tpu.memref_slice %arg12[%dma_wait3A_335, %dma_wait3A_336] : memref<384x128xf32, #tpu.memory_space<vmem>> -> memref<128x128xf32, #tpu.memory_space<vmem>>
    %dma_wait3A_338 = arith.constant 1920 : i32
    %dma_wait3A_339 = tpu.memref_slice %arg9[%dma_wait3A_338] : memref<2688xi32, #tpu.memory_space<vmem>> -> memref<128xi32, #tpu.memory_space<vmem>>
    %dma_wait3A_340 = arith.constant 0 : i32
    %dma_wait3A_341 = arith.constant 0 : i32
    %dma_wait3A_342 = tpu.memref_slice %arg3[%dma_wait3A_340, %dma_wait3A_341] : memref<100000x128xf32, #tpu.memory_space<hbm>> -> memref<100000x128xf32, #tpu.memory_space<hbm>>
    tpu.wait_indirect_dma semaphore(%arg16 : memref<!tpu.dma_semaphore, #tpu.memory_space<semaphore_mem>>) src(%dma_wait3A_342 : memref<100000x128xf32, #tpu.memory_space<hbm>>) dst(%dma_wait3A_337 : memref<128x128xf32, #tpu.memory_space<vmem>>)
    %dma_wait3A_343 = arith.constant 128 : i32
    %dma_wait3A_344 = arith.constant 0 : i32
    %dma_wait3A_345 = tpu.memref_slice %arg12[%dma_wait3A_343, %dma_wait3A_344] : memref<384x128xf32, #tpu.memory_space<vmem>> -> memref<128x128xf32, #tpu.memory_space<vmem>>
    %dma_wait3A_346 = arith.constant 2048 : i32
    %dma_wait3A_347 = tpu.memref_slice %arg9[%dma_wait3A_346] : memref<2688xi32, #tpu.memory_space<vmem>> -> memref<128xi32, #tpu.memory_space<vmem>>
    %dma_wait3A_348 = arith.constant 0 : i32
    %dma_wait3A_349 = arith.constant 0 : i32
    %dma_wait3A_350 = tpu.memref_slice %arg3[%dma_wait3A_348, %dma_wait3A_349] : memref<100000x128xf32, #tpu.memory_space<hbm>> -> memref<100000x128xf32, #tpu.memory_space<hbm>>
    tpu.wait_indirect_dma semaphore(%arg17 : memref<!tpu.dma_semaphore, #tpu.memory_space<semaphore_mem>>) src(%dma_wait3A_350 : memref<100000x128xf32, #tpu.memory_space<hbm>>) dst(%dma_wait3A_345 : memref<128x128xf32, #tpu.memory_space<vmem>>)
    %dma_wait3A_351 = arith.constant 256 : i32
    %dma_wait3A_352 = arith.constant 0 : i32
    %dma_wait3A_353 = tpu.memref_slice %arg12[%dma_wait3A_351, %dma_wait3A_352] : memref<384x128xf32, #tpu.memory_space<vmem>> -> memref<128x128xf32, #tpu.memory_space<vmem>>
    %dma_wait3A_354 = arith.constant 2176 : i32
    %dma_wait3A_355 = tpu.memref_slice %arg9[%dma_wait3A_354] : memref<2688xi32, #tpu.memory_space<vmem>> -> memref<128xi32, #tpu.memory_space<vmem>>
    %dma_wait3A_356 = arith.constant 0 : i32
    %dma_wait3A_357 = arith.constant 0 : i32
    %dma_wait3A_358 = tpu.memref_slice %arg3[%dma_wait3A_356, %dma_wait3A_357] : memref<100000x128xf32, #tpu.memory_space<hbm>> -> memref<100000x128xf32, #tpu.memory_space<hbm>>
    tpu.wait_indirect_dma semaphore(%arg18 : memref<!tpu.dma_semaphore, #tpu.memory_space<semaphore_mem>>) src(%dma_wait3A_358 : memref<100000x128xf32, #tpu.memory_space<hbm>>) dst(%dma_wait3A_353 : memref<128x128xf32, #tpu.memory_space<vmem>>)
    %mul3A_359 = arith.constant 2688 : i32
    %mul3A_360 = arith.muli %add3A, %mul3A_359 : i32
    %add3A_361 = arith.constant 1920 : i32
    %add3A_362 = arith.addi %mul3A_360, %add3A_361 : i32
    %dma_start3A_363 = arith.constant 0 : i32
    %dma_start3A_364 = tpu.memref_slice %arg7[%add3A_362, %dma_start3A_363] : memref<86016x128xf32, #tpu.memory_space<hbm>> -> memref<384x128xf32, #tpu.memory_space<hbm>>
    %dma_start3A_365 = arith.constant 0 : i32
    %dma_start3A_366 = tpu.memref_slice %arg7[%add3A_362, %dma_start3A_365] : memref<86016x128xf32, #tpu.memory_space<hbm>> -> memref<384x128xf32, #tpu.memory_space<hbm>>
    tpu.enqueue_dma source(%arg12 : memref<384x128xf32, #tpu.memory_space<vmem>>) target(%dma_start3A_366 : memref<384x128xf32, #tpu.memory_space<hbm>>) target_semaphore(%arg20 : memref<!tpu.dma_semaphore, #tpu.memory_space<semaphore_mem>>)
    %dma_wait3A_367 = arith.constant 0 : i32
    %dma_wait3A_368 = tpu.memref_slice %arg7[%add3A_302, %dma_wait3A_367] : memref<86016x128xf32, #tpu.memory_space<hbm>> -> memref<384x128xf32, #tpu.memory_space<hbm>>
    %dma_wait3A_369 = arith.constant 0 : i32
    %dma_wait3A_370 = tpu.memref_slice %arg7[%add3A_302, %dma_wait3A_369] : memref<86016x128xf32, #tpu.memory_space<hbm>> -> memref<384x128xf32, #tpu.memory_space<hbm>>
    tpu.wait_dma2 semaphore(%arg19 : memref<!tpu.dma_semaphore, #tpu.memory_space<semaphore_mem>>) src(%arg11 : memref<384x128xf32, #tpu.memory_space<vmem>>) dst(%dma_wait3A_370 : memref<384x128xf32, #tpu.memory_space<hbm>>)
    %dma_start3A_371 = arith.constant 0 : i32
    %dma_start3A_372 = arith.constant 0 : i32
    %dma_start3A_373 = tpu.memref_slice %arg11[%dma_start3A_371, %dma_start3A_372] : memref<384x128xf32, #tpu.memory_space<vmem>> -> memref<128x128xf32, #tpu.memory_space<vmem>>
    %dma_start3A_374 = arith.constant 2304 : i32
    %dma_start3A_375 = tpu.memref_slice %arg9[%dma_start3A_374] : memref<2688xi32, #tpu.memory_space<vmem>> -> memref<128xi32, #tpu.memory_space<vmem>>
    %dma_start3A_376 = arith.constant 0 : i32
    %dma_start3A_377 = arith.constant 0 : i32
    %dma_start3A_378 = tpu.memref_slice %arg3[%dma_start3A_376, %dma_start3A_377] : memref<100000x128xf32, #tpu.memory_space<hbm>> -> memref<100000x128xf32, #tpu.memory_space<hbm>>
    tpu.enqueue_indirect_dma source(%dma_start3A_378 : memref<100000x128xf32, #tpu.memory_space<hbm>>) target(%dma_start3A_373 : memref<128x128xf32, #tpu.memory_space<vmem>>) offsets(%dma_start3A_375 : memref<128xi32, #tpu.memory_space<vmem>>) semaphore(%arg13 : memref<!tpu.dma_semaphore, #tpu.memory_space<semaphore_mem>>)
    %dma_start3A_379 = arith.constant 128 : i32
    %dma_start3A_380 = arith.constant 0 : i32
    %dma_start3A_381 = tpu.memref_slice %arg11[%dma_start3A_379, %dma_start3A_380] : memref<384x128xf32, #tpu.memory_space<vmem>> -> memref<128x128xf32, #tpu.memory_space<vmem>>
    %dma_start3A_382 = arith.constant 2432 : i32
    %dma_start3A_383 = tpu.memref_slice %arg9[%dma_start3A_382] : memref<2688xi32, #tpu.memory_space<vmem>> -> memref<128xi32, #tpu.memory_space<vmem>>
    %dma_start3A_384 = arith.constant 0 : i32
    %dma_start3A_385 = arith.constant 0 : i32
    %dma_start3A_386 = tpu.memref_slice %arg3[%dma_start3A_384, %dma_start3A_385] : memref<100000x128xf32, #tpu.memory_space<hbm>> -> memref<100000x128xf32, #tpu.memory_space<hbm>>
    tpu.enqueue_indirect_dma source(%dma_start3A_386 : memref<100000x128xf32, #tpu.memory_space<hbm>>) target(%dma_start3A_381 : memref<128x128xf32, #tpu.memory_space<vmem>>) offsets(%dma_start3A_383 : memref<128xi32, #tpu.memory_space<vmem>>) semaphore(%arg14 : memref<!tpu.dma_semaphore, #tpu.memory_space<semaphore_mem>>)
    %dma_start3A_387 = arith.constant 256 : i32
    %dma_start3A_388 = arith.constant 0 : i32
    %dma_start3A_389 = tpu.memref_slice %arg11[%dma_start3A_387, %dma_start3A_388] : memref<384x128xf32, #tpu.memory_space<vmem>> -> memref<128x128xf32, #tpu.memory_space<vmem>>
    %dma_start3A_390 = arith.constant 2560 : i32
    %dma_start3A_391 = tpu.memref_slice %arg9[%dma_start3A_390] : memref<2688xi32, #tpu.memory_space<vmem>> -> memref<128xi32, #tpu.memory_space<vmem>>
    %dma_start3A_392 = arith.constant 0 : i32
    %dma_start3A_393 = arith.constant 0 : i32
    %dma_start3A_394 = tpu.memref_slice %arg3[%dma_start3A_392, %dma_start3A_393] : memref<100000x128xf32, #tpu.memory_space<hbm>> -> memref<100000x128xf32, #tpu.memory_space<hbm>>
    tpu.enqueue_indirect_dma source(%dma_start3A_394 : memref<100000x128xf32, #tpu.memory_space<hbm>>) target(%dma_start3A_389 : memref<128x128xf32, #tpu.memory_space<vmem>>) offsets(%dma_start3A_391 : memref<128xi32, #tpu.memory_space<vmem>>) semaphore(%arg15 : memref<!tpu.dma_semaphore, #tpu.memory_space<semaphore_mem>>)
    %dma_wait3A_395 = arith.constant 0 : i32
    %dma_wait3A_396 = arith.constant 0 : i32
    %dma_wait3A_397 = tpu.memref_slice %arg11[%dma_wait3A_395, %dma_wait3A_396] : memref<384x128xf32, #tpu.memory_space<vmem>> -> memref<128x128xf32, #tpu.memory_space<vmem>>
    %dma_wait3A_398 = arith.constant 2304 : i32
    %dma_wait3A_399 = tpu.memref_slice %arg9[%dma_wait3A_398] : memref<2688xi32, #tpu.memory_space<vmem>> -> memref<128xi32, #tpu.memory_space<vmem>>
    %dma_wait3A_400 = arith.constant 0 : i32
    %dma_wait3A_401 = arith.constant 0 : i32
    %dma_wait3A_402 = tpu.memref_slice %arg3[%dma_wait3A_400, %dma_wait3A_401] : memref<100000x128xf32, #tpu.memory_space<hbm>> -> memref<100000x128xf32, #tpu.memory_space<hbm>>
    tpu.wait_indirect_dma semaphore(%arg13 : memref<!tpu.dma_semaphore, #tpu.memory_space<semaphore_mem>>) src(%dma_wait3A_402 : memref<100000x128xf32, #tpu.memory_space<hbm>>) dst(%dma_wait3A_397 : memref<128x128xf32, #tpu.memory_space<vmem>>)
    %dma_wait3A_403 = arith.constant 128 : i32
    %dma_wait3A_404 = arith.constant 0 : i32
    %dma_wait3A_405 = tpu.memref_slice %arg11[%dma_wait3A_403, %dma_wait3A_404] : memref<384x128xf32, #tpu.memory_space<vmem>> -> memref<128x128xf32, #tpu.memory_space<vmem>>
    %dma_wait3A_406 = arith.constant 2432 : i32
    %dma_wait3A_407 = tpu.memref_slice %arg9[%dma_wait3A_406] : memref<2688xi32, #tpu.memory_space<vmem>> -> memref<128xi32, #tpu.memory_space<vmem>>
    %dma_wait3A_408 = arith.constant 0 : i32
    %dma_wait3A_409 = arith.constant 0 : i32
    %dma_wait3A_410 = tpu.memref_slice %arg3[%dma_wait3A_408, %dma_wait3A_409] : memref<100000x128xf32, #tpu.memory_space<hbm>> -> memref<100000x128xf32, #tpu.memory_space<hbm>>
    tpu.wait_indirect_dma semaphore(%arg14 : memref<!tpu.dma_semaphore, #tpu.memory_space<semaphore_mem>>) src(%dma_wait3A_410 : memref<100000x128xf32, #tpu.memory_space<hbm>>) dst(%dma_wait3A_405 : memref<128x128xf32, #tpu.memory_space<vmem>>)
    %dma_wait3A_411 = arith.constant 256 : i32
    %dma_wait3A_412 = arith.constant 0 : i32
    %dma_wait3A_413 = tpu.memref_slice %arg11[%dma_wait3A_411, %dma_wait3A_412] : memref<384x128xf32, #tpu.memory_space<vmem>> -> memref<128x128xf32, #tpu.memory_space<vmem>>
    %dma_wait3A_414 = arith.constant 2560 : i32
    %dma_wait3A_415 = tpu.memref_slice %arg9[%dma_wait3A_414] : memref<2688xi32, #tpu.memory_space<vmem>> -> memref<128xi32, #tpu.memory_space<vmem>>
    %dma_wait3A_416 = arith.constant 0 : i32
    %dma_wait3A_417 = arith.constant 0 : i32
    %dma_wait3A_418 = tpu.memref_slice %arg3[%dma_wait3A_416, %dma_wait3A_417] : memref<100000x128xf32, #tpu.memory_space<hbm>> -> memref<100000x128xf32, #tpu.memory_space<hbm>>
    tpu.wait_indirect_dma semaphore(%arg15 : memref<!tpu.dma_semaphore, #tpu.memory_space<semaphore_mem>>) src(%dma_wait3A_418 : memref<100000x128xf32, #tpu.memory_space<hbm>>) dst(%dma_wait3A_413 : memref<128x128xf32, #tpu.memory_space<vmem>>)
    %mul3A_419 = arith.constant 2688 : i32
    %mul3A_420 = arith.muli %add3A, %mul3A_419 : i32
    %add3A_421 = arith.constant 2304 : i32
    %add3A_422 = arith.addi %mul3A_420, %add3A_421 : i32
    %dma_start3A_423 = arith.constant 0 : i32
    %dma_start3A_424 = tpu.memref_slice %arg7[%add3A_422, %dma_start3A_423] : memref<86016x128xf32, #tpu.memory_space<hbm>> -> memref<384x128xf32, #tpu.memory_space<hbm>>
    %dma_start3A_425 = arith.constant 0 : i32
    %dma_start3A_426 = tpu.memref_slice %arg7[%add3A_422, %dma_start3A_425] : memref<86016x128xf32, #tpu.memory_space<hbm>> -> memref<384x128xf32, #tpu.memory_space<hbm>>
    tpu.enqueue_dma source(%arg11 : memref<384x128xf32, #tpu.memory_space<vmem>>) target(%dma_start3A_426 : memref<384x128xf32, #tpu.memory_space<hbm>>) target_semaphore(%arg19 : memref<!tpu.dma_semaphore, #tpu.memory_space<semaphore_mem>>)
    %dma_wait3A_427 = arith.constant 0 : i32
    %dma_wait3A_428 = tpu.memref_slice %arg7[%add3A_422, %dma_wait3A_427] : memref<86016x128xf32, #tpu.memory_space<hbm>> -> memref<384x128xf32, #tpu.memory_space<hbm>>
    %dma_wait3A_429 = arith.constant 0 : i32
    %dma_wait3A_430 = tpu.memref_slice %arg7[%add3A_422, %dma_wait3A_429] : memref<86016x128xf32, #tpu.memory_space<hbm>> -> memref<384x128xf32, #tpu.memory_space<hbm>>
    tpu.wait_dma2 semaphore(%arg19 : memref<!tpu.dma_semaphore, #tpu.memory_space<semaphore_mem>>) src(%arg11 : memref<384x128xf32, #tpu.memory_space<vmem>>) dst(%dma_wait3A_430 : memref<384x128xf32, #tpu.memory_space<hbm>>)
    %dma_wait3A_431 = arith.constant 0 : i32
    %dma_wait3A_432 = tpu.memref_slice %arg7[%add3A_362, %dma_wait3A_431] : memref<86016x128xf32, #tpu.memory_space<hbm>> -> memref<384x128xf32, #tpu.memory_space<hbm>>
    %dma_wait3A_433 = arith.constant 0 : i32
    %dma_wait3A_434 = tpu.memref_slice %arg7[%add3A_362, %dma_wait3A_433] : memref<86016x128xf32, #tpu.memory_space<hbm>> -> memref<384x128xf32, #tpu.memory_space<hbm>>
    tpu.wait_dma2 semaphore(%arg20 : memref<!tpu.dma_semaphore, #tpu.memory_space<semaphore_mem>>) src(%arg12 : memref<384x128xf32, #tpu.memory_space<vmem>>) dst(%dma_wait3A_434 : memref<384x128xf32, #tpu.memory_space<hbm>>)
    %dma_wait3A_435 = arith.constant 0 : i32
    %dma_wait3A_436 = tpu.memref_slice %arg6[%mul3A_10, %dma_wait3A_435] : memref<4096x128xf32, #tpu.memory_space<hbm>> -> memref<128x128xf32, #tpu.memory_space<hbm>>
    %dma_wait3A_437 = arith.constant 0 : i32
    %dma_wait3A_438 = tpu.memref_slice %arg6[%mul3A_10, %dma_wait3A_437] : memref<4096x128xf32, #tpu.memory_space<hbm>> -> memref<128x128xf32, #tpu.memory_space<hbm>>
    tpu.wait_dma2 semaphore(%arg22 : memref<!tpu.dma_semaphore, #tpu.memory_space<semaphore_mem>>) src(%arg10 : memref<128x128xf32, #tpu.memory_space<vmem>>) dst(%dma_wait3A_438 : memref<128x128xf32, #tpu.memory_space<hbm>>)
    return
  }
}

#map = affine_map<(d0, d1) -> (0, 0)>
#map1 = affine_map<(d0, d1) -> (0)>
module attributes {stable_mosaic.version = 14 : i64} {
  func.func @_sc_gather_body(%arg0: i32, %arg1: i32, %arg2: memref<100000x128xf32, #tpu.memory_space<hbm>>, %arg3: memref<100000x128xf32, #tpu.memory_space<hbm>>, %arg4: memref<4096xi32, #tpu.memory_space<hbm>>, %arg5: memref<86016xi32, #tpu.memory_space<hbm>>, %arg6: memref<4096x128xf32, #tpu.memory_space<hbm>>, %arg7: memref<86016x128xf32, #tpu.memory_space<hbm>>, %arg8: memref<128xi32, #tpu.memory_space<vmem>>, %arg9: memref<2688xi32, #tpu.memory_space<vmem>>, %arg10: memref<128x128xf32, #tpu.memory_space<vmem>>, %arg11: memref<384x128xf32, #tpu.memory_space<vmem>>, %arg12: memref<384x128xf32, #tpu.memory_space<vmem>>, %arg13: memref<!tpu.dma_semaphore, #tpu.memory_space<semaphore_mem>>, %arg14: memref<!tpu.dma_semaphore, #tpu.memory_space<semaphore_mem>>, %arg15: memref<!tpu.dma_semaphore, #tpu.memory_space<semaphore_mem>>, %arg16: memref<!tpu.dma_semaphore, #tpu.memory_space<semaphore_mem>>, %arg17: memref<!tpu.dma_semaphore, #tpu.memory_space<semaphore_mem>>, %arg18: memref<!tpu.dma_semaphore, #tpu.memory_space<semaphore_mem>>, %arg19: memref<!tpu.dma_semaphore, #tpu.memory_space<semaphore_mem>>, %arg20: memref<!tpu.dma_semaphore, #tpu.memory_space<semaphore_mem>>, %arg21: memref<!tpu.dma_semaphore, #tpu.memory_space<semaphore_mem>>, %arg22: memref<!tpu.dma_semaphore, #tpu.memory_space<semaphore_mem>>) attributes {dimension_semantics = [#tpu.dimension_semantics<core_parallel>, #tpu.dimension_semantics<subcore_parallel>], iteration_bounds = array<i64: 2, 16>, scalar_prefetch = 0 : i64, scratch_operands = 15 : i64, tpu.core_type = #tpu.core_type<sc_vector_subcore>, window_params = [{transform_indices = #map}, {transform_indices = #map}, {transform_indices = #map1}, {transform_indices = #map1}, {transform_indices = #map}, {transform_indices = #map}]} {
    %mul3A = arith.constant 2 : i32
    %mul3A_0 = arith.muli %arg1, %mul3A : i32
    %add3A = arith.addi %mul3A_0, %arg0 : i32
    %mul3A_1 = arith.constant 128 : i32
    %mul3A_2 = arith.muli %add3A, %mul3A_1 : i32
    "tpu.region"() ({
      %run_scoped3A = tpu.sem_alloc : memref<!tpu.dma_semaphore, #tpu.memory_space<semaphore_mem>>
      %dma_start3A_439 = tpu.memref_slice %arg4[%mul3A_2] : memref<4096xi32, #tpu.memory_space<hbm>> -> memref<128xi32, #tpu.memory_space<hbm>>
      %dma_start3A_440 = tpu.memref_slice %arg4[%mul3A_2] : memref<4096xi32, #tpu.memory_space<hbm>> -> memref<128xi32, #tpu.memory_space<hbm>>
      tpu.enqueue_dma source(%dma_start3A_440 : memref<128xi32, #tpu.memory_space<hbm>>) target(%arg8 : memref<128xi32, #tpu.memory_space<vmem>>) target_semaphore(%run_scoped3A : memref<!tpu.dma_semaphore, #tpu.memory_space<semaphore_mem>>)
      %dma_wait3A_441 = tpu.memref_slice %arg4[%mul3A_2] : memref<4096xi32, #tpu.memory_space<hbm>> -> memref<128xi32, #tpu.memory_space<hbm>>
      %dma_wait3A_442 = tpu.memref_slice %arg4[%mul3A_2] : memref<4096xi32, #tpu.memory_space<hbm>> -> memref<128xi32, #tpu.memory_space<hbm>>
      tpu.wait_dma2 semaphore(%run_scoped3A : memref<!tpu.dma_semaphore, #tpu.memory_space<semaphore_mem>>) src(%dma_wait3A_442 : memref<128xi32, #tpu.memory_space<hbm>>) dst(%arg8 : memref<128xi32, #tpu.memory_space<vmem>>)
      tpu.yield
    }) : () -> ()
    %mul3A_3 = arith.constant 2688 : i32
    %mul3A_4 = arith.muli %add3A, %mul3A_3 : i32
    "tpu.region"() ({
      %run_scoped3A = tpu.sem_alloc : memref<!tpu.dma_semaphore, #tpu.memory_space<semaphore_mem>>
      %dma_start3A_439 = tpu.memref_slice %arg5[%mul3A_4] : memref<86016xi32, #tpu.memory_space<hbm>> -> memref<2688xi32, #tpu.memory_space<hbm>>
      %dma_start3A_440 = tpu.memref_slice %arg5[%mul3A_4] : memref<86016xi32, #tpu.memory_space<hbm>> -> memref<2688xi32, #tpu.memory_space<hbm>>
      tpu.enqueue_dma source(%dma_start3A_440 : memref<2688xi32, #tpu.memory_space<hbm>>) target(%arg9 : memref<2688xi32, #tpu.memory_space<vmem>>) target_semaphore(%run_scoped3A : memref<!tpu.dma_semaphore, #tpu.memory_space<semaphore_mem>>)
      %dma_wait3A_441 = tpu.memref_slice %arg5[%mul3A_4] : memref<86016xi32, #tpu.memory_space<hbm>> -> memref<2688xi32, #tpu.memory_space<hbm>>
      %dma_wait3A_442 = tpu.memref_slice %arg5[%mul3A_4] : memref<86016xi32, #tpu.memory_space<hbm>> -> memref<2688xi32, #tpu.memory_space<hbm>>
      tpu.wait_dma2 semaphore(%run_scoped3A : memref<!tpu.dma_semaphore, #tpu.memory_space<semaphore_mem>>) src(%dma_wait3A_442 : memref<2688xi32, #tpu.memory_space<hbm>>) dst(%arg9 : memref<2688xi32, #tpu.memory_space<vmem>>)
      tpu.yield
    }) : () -> ()
    %dma_start3A = arith.constant 0 : i32
    %dma_start3A_5 = arith.constant 0 : i32
    %dma_start3A_6 = tpu.memref_slice %arg2[%dma_start3A, %dma_start3A_5] : memref<100000x128xf32, #tpu.memory_space<hbm>> -> memref<100000x128xf32, #tpu.memory_space<hbm>>
    tpu.enqueue_indirect_dma source(%dma_start3A_6 : memref<100000x128xf32, #tpu.memory_space<hbm>>) target(%arg10 : memref<128x128xf32, #tpu.memory_space<vmem>>) offsets(%arg8 : memref<128xi32, #tpu.memory_space<vmem>>) semaphore(%arg21 : memref<!tpu.dma_semaphore, #tpu.memory_space<semaphore_mem>>)
    %dma_wait3A = arith.constant 0 : i32
    %dma_wait3A_7 = arith.constant 0 : i32
    %dma_wait3A_8 = tpu.memref_slice %arg2[%dma_wait3A, %dma_wait3A_7] : memref<100000x128xf32, #tpu.memory_space<hbm>> -> memref<100000x128xf32, #tpu.memory_space<hbm>>
    tpu.wait_indirect_dma semaphore(%arg21 : memref<!tpu.dma_semaphore, #tpu.memory_space<semaphore_mem>>) src(%dma_wait3A_8 : memref<100000x128xf32, #tpu.memory_space<hbm>>) dst(%arg10 : memref<128x128xf32, #tpu.memory_space<vmem>>)
    %mul3A_9 = arith.constant 128 : i32
    %mul3A_10 = arith.muli %add3A, %mul3A_9 : i32
    %dma_start3A_11 = arith.constant 0 : i32
    %dma_start3A_12 = tpu.memref_slice %arg6[%mul3A_10, %dma_start3A_11] : memref<4096x128xf32, #tpu.memory_space<hbm>> -> memref<128x128xf32, #tpu.memory_space<hbm>>
    %dma_start3A_13 = arith.constant 0 : i32
    %dma_start3A_14 = tpu.memref_slice %arg6[%mul3A_10, %dma_start3A_13] : memref<4096x128xf32, #tpu.memory_space<hbm>> -> memref<128x128xf32, #tpu.memory_space<hbm>>
    tpu.enqueue_dma source(%arg10 : memref<128x128xf32, #tpu.memory_space<vmem>>) target(%dma_start3A_14 : memref<128x128xf32, #tpu.memory_space<hbm>>) target_semaphore(%arg22 : memref<!tpu.dma_semaphore, #tpu.memory_space<semaphore_mem>>)
    %dma_start3A_15 = arith.constant 0 : i32
    %dma_start3A_16 = arith.constant 0 : i32
    %dma_start3A_17 = tpu.memref_slice %arg11[%dma_start3A_15, %dma_start3A_16] : memref<384x128xf32, #tpu.memory_space<vmem>> -> memref<128x128xf32, #tpu.memory_space<vmem>>
    %dma_start3A_18 = arith.constant 0 : i32
    %dma_start3A_19 = tpu.memref_slice %arg9[%dma_start3A_18] : memref<2688xi32, #tpu.memory_space<vmem>> -> memref<128xi32, #tpu.memory_space<vmem>>
    %dma_start3A_20 = arith.constant 0 : i32
    %dma_start3A_21 = arith.constant 0 : i32
    %dma_start3A_22 = tpu.memref_slice %arg3[%dma_start3A_20, %dma_start3A_21] : memref<100000x128xf32, #tpu.memory_space<hbm>> -> memref<100000x128xf32, #tpu.memory_space<hbm>>
    tpu.enqueue_indirect_dma source(%dma_start3A_22 : memref<100000x128xf32, #tpu.memory_space<hbm>>) target(%dma_start3A_17 : memref<128x128xf32, #tpu.memory_space<vmem>>) offsets(%dma_start3A_19 : memref<128xi32, #tpu.memory_space<vmem>>) semaphore(%arg13 : memref<!tpu.dma_semaphore, #tpu.memory_space<semaphore_mem>>)
    %dma_start3A_23 = arith.constant 128 : i32
    %dma_start3A_24 = arith.constant 0 : i32
    %dma_start3A_25 = tpu.memref_slice %arg11[%dma_start3A_23, %dma_start3A_24] : memref<384x128xf32, #tpu.memory_space<vmem>> -> memref<128x128xf32, #tpu.memory_space<vmem>>
    %dma_start3A_26 = arith.constant 128 : i32
    %dma_start3A_27 = tpu.memref_slice %arg9[%dma_start3A_26] : memref<2688xi32, #tpu.memory_space<vmem>> -> memref<128xi32, #tpu.memory_space<vmem>>
    %dma_start3A_28 = arith.constant 0 : i32
    %dma_start3A_29 = arith.constant 0 : i32
    %dma_start3A_30 = tpu.memref_slice %arg3[%dma_start3A_28, %dma_start3A_29] : memref<100000x128xf32, #tpu.memory_space<hbm>> -> memref<100000x128xf32, #tpu.memory_space<hbm>>
    tpu.enqueue_indirect_dma source(%dma_start3A_30 : memref<100000x128xf32, #tpu.memory_space<hbm>>) target(%dma_start3A_25 : memref<128x128xf32, #tpu.memory_space<vmem>>) offsets(%dma_start3A_27 : memref<128xi32, #tpu.memory_space<vmem>>) semaphore(%arg14 : memref<!tpu.dma_semaphore, #tpu.memory_space<semaphore_mem>>)
    %dma_start3A_31 = arith.constant 256 : i32
    %dma_start3A_32 = arith.constant 0 : i32
    %dma_start3A_33 = tpu.memref_slice %arg11[%dma_start3A_31, %dma_start3A_32] : memref<384x128xf32, #tpu.memory_space<vmem>> -> memref<128x128xf32, #tpu.memory_space<vmem>>
    %dma_start3A_34 = arith.constant 256 : i32
    %dma_start3A_35 = tpu.memref_slice %arg9[%dma_start3A_34] : memref<2688xi32, #tpu.memory_space<vmem>> -> memref<128xi32, #tpu.memory_space<vmem>>
    %dma_start3A_36 = arith.constant 0 : i32
    %dma_start3A_37 = arith.constant 0 : i32
    %dma_start3A_38 = tpu.memref_slice %arg3[%dma_start3A_36, %dma_start3A_37] : memref<100000x128xf32, #tpu.memory_space<hbm>> -> memref<100000x128xf32, #tpu.memory_space<hbm>>
    tpu.enqueue_indirect_dma source(%dma_start3A_38 : memref<100000x128xf32, #tpu.memory_space<hbm>>) target(%dma_start3A_33 : memref<128x128xf32, #tpu.memory_space<vmem>>) offsets(%dma_start3A_35 : memref<128xi32, #tpu.memory_space<vmem>>) semaphore(%arg15 : memref<!tpu.dma_semaphore, #tpu.memory_space<semaphore_mem>>)
    %dma_wait3A_39 = arith.constant 0 : i32
    %dma_wait3A_40 = arith.constant 0 : i32
    %dma_wait3A_41 = tpu.memref_slice %arg11[%dma_wait3A_39, %dma_wait3A_40] : memref<384x128xf32, #tpu.memory_space<vmem>> -> memref<128x128xf32, #tpu.memory_space<vmem>>
    %dma_wait3A_42 = arith.constant 0 : i32
    %dma_wait3A_43 = tpu.memref_slice %arg9[%dma_wait3A_42] : memref<2688xi32, #tpu.memory_space<vmem>> -> memref<128xi32, #tpu.memory_space<vmem>>
    %dma_wait3A_44 = arith.constant 0 : i32
    %dma_wait3A_45 = arith.constant 0 : i32
    %dma_wait3A_46 = tpu.memref_slice %arg3[%dma_wait3A_44, %dma_wait3A_45] : memref<100000x128xf32, #tpu.memory_space<hbm>> -> memref<100000x128xf32, #tpu.memory_space<hbm>>
    tpu.wait_indirect_dma semaphore(%arg13 : memref<!tpu.dma_semaphore, #tpu.memory_space<semaphore_mem>>) src(%dma_wait3A_46 : memref<100000x128xf32, #tpu.memory_space<hbm>>) dst(%dma_wait3A_41 : memref<128x128xf32, #tpu.memory_space<vmem>>)
    %dma_wait3A_47 = arith.constant 128 : i32
    %dma_wait3A_48 = arith.constant 0 : i32
    %dma_wait3A_49 = tpu.memref_slice %arg11[%dma_wait3A_47, %dma_wait3A_48] : memref<384x128xf32, #tpu.memory_space<vmem>> -> memref<128x128xf32, #tpu.memory_space<vmem>>
    %dma_wait3A_50 = arith.constant 128 : i32
    %dma_wait3A_51 = tpu.memref_slice %arg9[%dma_wait3A_50] : memref<2688xi32, #tpu.memory_space<vmem>> -> memref<128xi32, #tpu.memory_space<vmem>>
    %dma_wait3A_52 = arith.constant 0 : i32
    %dma_wait3A_53 = arith.constant 0 : i32
    %dma_wait3A_54 = tpu.memref_slice %arg3[%dma_wait3A_52, %dma_wait3A_53] : memref<100000x128xf32, #tpu.memory_space<hbm>> -> memref<100000x128xf32, #tpu.memory_space<hbm>>
    tpu.wait_indirect_dma semaphore(%arg14 : memref<!tpu.dma_semaphore, #tpu.memory_space<semaphore_mem>>) src(%dma_wait3A_54 : memref<100000x128xf32, #tpu.memory_space<hbm>>) dst(%dma_wait3A_49 : memref<128x128xf32, #tpu.memory_space<vmem>>)
    %dma_wait3A_55 = arith.constant 256 : i32
    %dma_wait3A_56 = arith.constant 0 : i32
    %dma_wait3A_57 = tpu.memref_slice %arg11[%dma_wait3A_55, %dma_wait3A_56] : memref<384x128xf32, #tpu.memory_space<vmem>> -> memref<128x128xf32, #tpu.memory_space<vmem>>
    %dma_wait3A_58 = arith.constant 256 : i32
    %dma_wait3A_59 = tpu.memref_slice %arg9[%dma_wait3A_58] : memref<2688xi32, #tpu.memory_space<vmem>> -> memref<128xi32, #tpu.memory_space<vmem>>
    %dma_wait3A_60 = arith.constant 0 : i32
    %dma_wait3A_61 = arith.constant 0 : i32
    %dma_wait3A_62 = tpu.memref_slice %arg3[%dma_wait3A_60, %dma_wait3A_61] : memref<100000x128xf32, #tpu.memory_space<hbm>> -> memref<100000x128xf32, #tpu.memory_space<hbm>>
    tpu.wait_indirect_dma semaphore(%arg15 : memref<!tpu.dma_semaphore, #tpu.memory_space<semaphore_mem>>) src(%dma_wait3A_62 : memref<100000x128xf32, #tpu.memory_space<hbm>>) dst(%dma_wait3A_57 : memref<128x128xf32, #tpu.memory_space<vmem>>)
    %mul3A_63 = arith.constant 2688 : i32
    %mul3A_64 = arith.muli %add3A, %mul3A_63 : i32
    %add3A_65 = arith.constant 0 : i32
    %add3A_66 = arith.addi %mul3A_64, %add3A_65 : i32
    %dma_start3A_67 = arith.constant 0 : i32
    %dma_start3A_68 = tpu.memref_slice %arg7[%add3A_66, %dma_start3A_67] : memref<86016x128xf32, #tpu.memory_space<hbm>> -> memref<384x128xf32, #tpu.memory_space<hbm>>
    %dma_start3A_69 = arith.constant 0 : i32
    %dma_start3A_70 = tpu.memref_slice %arg7[%add3A_66, %dma_start3A_69] : memref<86016x128xf32, #tpu.memory_space<hbm>> -> memref<384x128xf32, #tpu.memory_space<hbm>>
    tpu.enqueue_dma source(%arg11 : memref<384x128xf32, #tpu.memory_space<vmem>>) target(%dma_start3A_70 : memref<384x128xf32, #tpu.memory_space<hbm>>) target_semaphore(%arg19 : memref<!tpu.dma_semaphore, #tpu.memory_space<semaphore_mem>>)
    %dma_start3A_71 = arith.constant 0 : i32
    %dma_start3A_72 = arith.constant 0 : i32
    %dma_start3A_73 = tpu.memref_slice %arg12[%dma_start3A_71, %dma_start3A_72] : memref<384x128xf32, #tpu.memory_space<vmem>> -> memref<128x128xf32, #tpu.memory_space<vmem>>
    %dma_start3A_74 = arith.constant 384 : i32
    %dma_start3A_75 = tpu.memref_slice %arg9[%dma_start3A_74] : memref<2688xi32, #tpu.memory_space<vmem>> -> memref<128xi32, #tpu.memory_space<vmem>>
    %dma_start3A_76 = arith.constant 0 : i32
    %dma_start3A_77 = arith.constant 0 : i32
    %dma_start3A_78 = tpu.memref_slice %arg3[%dma_start3A_76, %dma_start3A_77] : memref<100000x128xf32, #tpu.memory_space<hbm>> -> memref<100000x128xf32, #tpu.memory_space<hbm>>
    tpu.enqueue_indirect_dma source(%dma_start3A_78 : memref<100000x128xf32, #tpu.memory_space<hbm>>) target(%dma_start3A_73 : memref<128x128xf32, #tpu.memory_space<vmem>>) offsets(%dma_start3A_75 : memref<128xi32, #tpu.memory_space<vmem>>) semaphore(%arg16 : memref<!tpu.dma_semaphore, #tpu.memory_space<semaphore_mem>>)
    %dma_start3A_79 = arith.constant 128 : i32
    %dma_start3A_80 = arith.constant 0 : i32
    %dma_start3A_81 = tpu.memref_slice %arg12[%dma_start3A_79, %dma_start3A_80] : memref<384x128xf32, #tpu.memory_space<vmem>> -> memref<128x128xf32, #tpu.memory_space<vmem>>
    %dma_start3A_82 = arith.constant 512 : i32
    %dma_start3A_83 = tpu.memref_slice %arg9[%dma_start3A_82] : memref<2688xi32, #tpu.memory_space<vmem>> -> memref<128xi32, #tpu.memory_space<vmem>>
    %dma_start3A_84 = arith.constant 0 : i32
    %dma_start3A_85 = arith.constant 0 : i32
    %dma_start3A_86 = tpu.memref_slice %arg3[%dma_start3A_84, %dma_start3A_85] : memref<100000x128xf32, #tpu.memory_space<hbm>> -> memref<100000x128xf32, #tpu.memory_space<hbm>>
    tpu.enqueue_indirect_dma source(%dma_start3A_86 : memref<100000x128xf32, #tpu.memory_space<hbm>>) target(%dma_start3A_81 : memref<128x128xf32, #tpu.memory_space<vmem>>) offsets(%dma_start3A_83 : memref<128xi32, #tpu.memory_space<vmem>>) semaphore(%arg17 : memref<!tpu.dma_semaphore, #tpu.memory_space<semaphore_mem>>)
    %dma_start3A_87 = arith.constant 256 : i32
    %dma_start3A_88 = arith.constant 0 : i32
    %dma_start3A_89 = tpu.memref_slice %arg12[%dma_start3A_87, %dma_start3A_88] : memref<384x128xf32, #tpu.memory_space<vmem>> -> memref<128x128xf32, #tpu.memory_space<vmem>>
    %dma_start3A_90 = arith.constant 640 : i32
    %dma_start3A_91 = tpu.memref_slice %arg9[%dma_start3A_90] : memref<2688xi32, #tpu.memory_space<vmem>> -> memref<128xi32, #tpu.memory_space<vmem>>
    %dma_start3A_92 = arith.constant 0 : i32
    %dma_start3A_93 = arith.constant 0 : i32
    %dma_start3A_94 = tpu.memref_slice %arg3[%dma_start3A_92, %dma_start3A_93] : memref<100000x128xf32, #tpu.memory_space<hbm>> -> memref<100000x128xf32, #tpu.memory_space<hbm>>
    tpu.enqueue_indirect_dma source(%dma_start3A_94 : memref<100000x128xf32, #tpu.memory_space<hbm>>) target(%dma_start3A_89 : memref<128x128xf32, #tpu.memory_space<vmem>>) offsets(%dma_start3A_91 : memref<128xi32, #tpu.memory_space<vmem>>) semaphore(%arg18 : memref<!tpu.dma_semaphore, #tpu.memory_space<semaphore_mem>>)
    %dma_wait3A_95 = arith.constant 0 : i32
    %dma_wait3A_96 = arith.constant 0 : i32
    %dma_wait3A_97 = tpu.memref_slice %arg12[%dma_wait3A_95, %dma_wait3A_96] : memref<384x128xf32, #tpu.memory_space<vmem>> -> memref<128x128xf32, #tpu.memory_space<vmem>>
    %dma_wait3A_98 = arith.constant 384 : i32
    %dma_wait3A_99 = tpu.memref_slice %arg9[%dma_wait3A_98] : memref<2688xi32, #tpu.memory_space<vmem>> -> memref<128xi32, #tpu.memory_space<vmem>>
    %dma_wait3A_100 = arith.constant 0 : i32
    %dma_wait3A_101 = arith.constant 0 : i32
    %dma_wait3A_102 = tpu.memref_slice %arg3[%dma_wait3A_100, %dma_wait3A_101] : memref<100000x128xf32, #tpu.memory_space<hbm>> -> memref<100000x128xf32, #tpu.memory_space<hbm>>
    tpu.wait_indirect_dma semaphore(%arg16 : memref<!tpu.dma_semaphore, #tpu.memory_space<semaphore_mem>>) src(%dma_wait3A_102 : memref<100000x128xf32, #tpu.memory_space<hbm>>) dst(%dma_wait3A_97 : memref<128x128xf32, #tpu.memory_space<vmem>>)
    %dma_wait3A_103 = arith.constant 128 : i32
    %dma_wait3A_104 = arith.constant 0 : i32
    %dma_wait3A_105 = tpu.memref_slice %arg12[%dma_wait3A_103, %dma_wait3A_104] : memref<384x128xf32, #tpu.memory_space<vmem>> -> memref<128x128xf32, #tpu.memory_space<vmem>>
    %dma_wait3A_106 = arith.constant 512 : i32
    %dma_wait3A_107 = tpu.memref_slice %arg9[%dma_wait3A_106] : memref<2688xi32, #tpu.memory_space<vmem>> -> memref<128xi32, #tpu.memory_space<vmem>>
    %dma_wait3A_108 = arith.constant 0 : i32
    %dma_wait3A_109 = arith.constant 0 : i32
    %dma_wait3A_110 = tpu.memref_slice %arg3[%dma_wait3A_108, %dma_wait3A_109] : memref<100000x128xf32, #tpu.memory_space<hbm>> -> memref<100000x128xf32, #tpu.memory_space<hbm>>
    tpu.wait_indirect_dma semaphore(%arg17 : memref<!tpu.dma_semaphore, #tpu.memory_space<semaphore_mem>>) src(%dma_wait3A_110 : memref<100000x128xf32, #tpu.memory_space<hbm>>) dst(%dma_wait3A_105 : memref<128x128xf32, #tpu.memory_space<vmem>>)
    %dma_wait3A_111 = arith.constant 256 : i32
    %dma_wait3A_112 = arith.constant 0 : i32
    %dma_wait3A_113 = tpu.memref_slice %arg12[%dma_wait3A_111, %dma_wait3A_112] : memref<384x128xf32, #tpu.memory_space<vmem>> -> memref<128x128xf32, #tpu.memory_space<vmem>>
    %dma_wait3A_114 = arith.constant 640 : i32
    %dma_wait3A_115 = tpu.memref_slice %arg9[%dma_wait3A_114] : memref<2688xi32, #tpu.memory_space<vmem>> -> memref<128xi32, #tpu.memory_space<vmem>>
    %dma_wait3A_116 = arith.constant 0 : i32
    %dma_wait3A_117 = arith.constant 0 : i32
    %dma_wait3A_118 = tpu.memref_slice %arg3[%dma_wait3A_116, %dma_wait3A_117] : memref<100000x128xf32, #tpu.memory_space<hbm>> -> memref<100000x128xf32, #tpu.memory_space<hbm>>
    tpu.wait_indirect_dma semaphore(%arg18 : memref<!tpu.dma_semaphore, #tpu.memory_space<semaphore_mem>>) src(%dma_wait3A_118 : memref<100000x128xf32, #tpu.memory_space<hbm>>) dst(%dma_wait3A_113 : memref<128x128xf32, #tpu.memory_space<vmem>>)
    %mul3A_119 = arith.constant 2688 : i32
    %mul3A_120 = arith.muli %add3A, %mul3A_119 : i32
    %add3A_121 = arith.constant 384 : i32
    %add3A_122 = arith.addi %mul3A_120, %add3A_121 : i32
    %dma_start3A_123 = arith.constant 0 : i32
    %dma_start3A_124 = tpu.memref_slice %arg7[%add3A_122, %dma_start3A_123] : memref<86016x128xf32, #tpu.memory_space<hbm>> -> memref<384x128xf32, #tpu.memory_space<hbm>>
    %dma_start3A_125 = arith.constant 0 : i32
    %dma_start3A_126 = tpu.memref_slice %arg7[%add3A_122, %dma_start3A_125] : memref<86016x128xf32, #tpu.memory_space<hbm>> -> memref<384x128xf32, #tpu.memory_space<hbm>>
    tpu.enqueue_dma source(%arg12 : memref<384x128xf32, #tpu.memory_space<vmem>>) target(%dma_start3A_126 : memref<384x128xf32, #tpu.memory_space<hbm>>) target_semaphore(%arg20 : memref<!tpu.dma_semaphore, #tpu.memory_space<semaphore_mem>>)
    %dma_wait3A_127 = arith.constant 0 : i32
    %dma_wait3A_128 = tpu.memref_slice %arg7[%add3A_66, %dma_wait3A_127] : memref<86016x128xf32, #tpu.memory_space<hbm>> -> memref<384x128xf32, #tpu.memory_space<hbm>>
    %dma_wait3A_129 = arith.constant 0 : i32
    %dma_wait3A_130 = tpu.memref_slice %arg7[%add3A_66, %dma_wait3A_129] : memref<86016x128xf32, #tpu.memory_space<hbm>> -> memref<384x128xf32, #tpu.memory_space<hbm>>
    tpu.wait_dma2 semaphore(%arg19 : memref<!tpu.dma_semaphore, #tpu.memory_space<semaphore_mem>>) src(%arg11 : memref<384x128xf32, #tpu.memory_space<vmem>>) dst(%dma_wait3A_130 : memref<384x128xf32, #tpu.memory_space<hbm>>)
    %dma_start3A_131 = arith.constant 0 : i32
    %dma_start3A_132 = arith.constant 0 : i32
    %dma_start3A_133 = tpu.memref_slice %arg11[%dma_start3A_131, %dma_start3A_132] : memref<384x128xf32, #tpu.memory_space<vmem>> -> memref<128x128xf32, #tpu.memory_space<vmem>>
    %dma_start3A_134 = arith.constant 768 : i32
    %dma_start3A_135 = tpu.memref_slice %arg9[%dma_start3A_134] : memref<2688xi32, #tpu.memory_space<vmem>> -> memref<128xi32, #tpu.memory_space<vmem>>
    %dma_start3A_136 = arith.constant 0 : i32
    %dma_start3A_137 = arith.constant 0 : i32
    %dma_start3A_138 = tpu.memref_slice %arg3[%dma_start3A_136, %dma_start3A_137] : memref<100000x128xf32, #tpu.memory_space<hbm>> -> memref<100000x128xf32, #tpu.memory_space<hbm>>
    tpu.enqueue_indirect_dma source(%dma_start3A_138 : memref<100000x128xf32, #tpu.memory_space<hbm>>) target(%dma_start3A_133 : memref<128x128xf32, #tpu.memory_space<vmem>>) offsets(%dma_start3A_135 : memref<128xi32, #tpu.memory_space<vmem>>) semaphore(%arg13 : memref<!tpu.dma_semaphore, #tpu.memory_space<semaphore_mem>>)
    %dma_start3A_139 = arith.constant 128 : i32
    %dma_start3A_140 = arith.constant 0 : i32
    %dma_start3A_141 = tpu.memref_slice %arg11[%dma_start3A_139, %dma_start3A_140] : memref<384x128xf32, #tpu.memory_space<vmem>> -> memref<128x128xf32, #tpu.memory_space<vmem>>
    %dma_start3A_142 = arith.constant 896 : i32
    %dma_start3A_143 = tpu.memref_slice %arg9[%dma_start3A_142] : memref<2688xi32, #tpu.memory_space<vmem>> -> memref<128xi32, #tpu.memory_space<vmem>>
    %dma_start3A_144 = arith.constant 0 : i32
    %dma_start3A_145 = arith.constant 0 : i32
    %dma_start3A_146 = tpu.memref_slice %arg3[%dma_start3A_144, %dma_start3A_145] : memref<100000x128xf32, #tpu.memory_space<hbm>> -> memref<100000x128xf32, #tpu.memory_space<hbm>>
    tpu.enqueue_indirect_dma source(%dma_start3A_146 : memref<100000x128xf32, #tpu.memory_space<hbm>>) target(%dma_start3A_141 : memref<128x128xf32, #tpu.memory_space<vmem>>) offsets(%dma_start3A_143 : memref<128xi32, #tpu.memory_space<vmem>>) semaphore(%arg14 : memref<!tpu.dma_semaphore, #tpu.memory_space<semaphore_mem>>)
    %dma_start3A_147 = arith.constant 256 : i32
    %dma_start3A_148 = arith.constant 0 : i32
    %dma_start3A_149 = tpu.memref_slice %arg11[%dma_start3A_147, %dma_start3A_148] : memref<384x128xf32, #tpu.memory_space<vmem>> -> memref<128x128xf32, #tpu.memory_space<vmem>>
    %dma_start3A_150 = arith.constant 1024 : i32
    %dma_start3A_151 = tpu.memref_slice %arg9[%dma_start3A_150] : memref<2688xi32, #tpu.memory_space<vmem>> -> memref<128xi32, #tpu.memory_space<vmem>>
    %dma_start3A_152 = arith.constant 0 : i32
    %dma_start3A_153 = arith.constant 0 : i32
    %dma_start3A_154 = tpu.memref_slice %arg3[%dma_start3A_152, %dma_start3A_153] : memref<100000x128xf32, #tpu.memory_space<hbm>> -> memref<100000x128xf32, #tpu.memory_space<hbm>>
    tpu.enqueue_indirect_dma source(%dma_start3A_154 : memref<100000x128xf32, #tpu.memory_space<hbm>>) target(%dma_start3A_149 : memref<128x128xf32, #tpu.memory_space<vmem>>) offsets(%dma_start3A_151 : memref<128xi32, #tpu.memory_space<vmem>>) semaphore(%arg15 : memref<!tpu.dma_semaphore, #tpu.memory_space<semaphore_mem>>)
    %dma_wait3A_155 = arith.constant 0 : i32
    %dma_wait3A_156 = arith.constant 0 : i32
    %dma_wait3A_157 = tpu.memref_slice %arg11[%dma_wait3A_155, %dma_wait3A_156] : memref<384x128xf32, #tpu.memory_space<vmem>> -> memref<128x128xf32, #tpu.memory_space<vmem>>
    %dma_wait3A_158 = arith.constant 768 : i32
    %dma_wait3A_159 = tpu.memref_slice %arg9[%dma_wait3A_158] : memref<2688xi32, #tpu.memory_space<vmem>> -> memref<128xi32, #tpu.memory_space<vmem>>
    %dma_wait3A_160 = arith.constant 0 : i32
    %dma_wait3A_161 = arith.constant 0 : i32
    %dma_wait3A_162 = tpu.memref_slice %arg3[%dma_wait3A_160, %dma_wait3A_161] : memref<100000x128xf32, #tpu.memory_space<hbm>> -> memref<100000x128xf32, #tpu.memory_space<hbm>>
    tpu.wait_indirect_dma semaphore(%arg13 : memref<!tpu.dma_semaphore, #tpu.memory_space<semaphore_mem>>) src(%dma_wait3A_162 : memref<100000x128xf32, #tpu.memory_space<hbm>>) dst(%dma_wait3A_157 : memref<128x128xf32, #tpu.memory_space<vmem>>)
    %dma_wait3A_163 = arith.constant 128 : i32
    %dma_wait3A_164 = arith.constant 0 : i32
    %dma_wait3A_165 = tpu.memref_slice %arg11[%dma_wait3A_163, %dma_wait3A_164] : memref<384x128xf32, #tpu.memory_space<vmem>> -> memref<128x128xf32, #tpu.memory_space<vmem>>
    %dma_wait3A_166 = arith.constant 896 : i32
    %dma_wait3A_167 = tpu.memref_slice %arg9[%dma_wait3A_166] : memref<2688xi32, #tpu.memory_space<vmem>> -> memref<128xi32, #tpu.memory_space<vmem>>
    %dma_wait3A_168 = arith.constant 0 : i32
    %dma_wait3A_169 = arith.constant 0 : i32
    %dma_wait3A_170 = tpu.memref_slice %arg3[%dma_wait3A_168, %dma_wait3A_169] : memref<100000x128xf32, #tpu.memory_space<hbm>> -> memref<100000x128xf32, #tpu.memory_space<hbm>>
    tpu.wait_indirect_dma semaphore(%arg14 : memref<!tpu.dma_semaphore, #tpu.memory_space<semaphore_mem>>) src(%dma_wait3A_170 : memref<100000x128xf32, #tpu.memory_space<hbm>>) dst(%dma_wait3A_165 : memref<128x128xf32, #tpu.memory_space<vmem>>)
    %dma_wait3A_171 = arith.constant 256 : i32
    %dma_wait3A_172 = arith.constant 0 : i32
    %dma_wait3A_173 = tpu.memref_slice %arg11[%dma_wait3A_171, %dma_wait3A_172] : memref<384x128xf32, #tpu.memory_space<vmem>> -> memref<128x128xf32, #tpu.memory_space<vmem>>
    %dma_wait3A_174 = arith.constant 1024 : i32
    %dma_wait3A_175 = tpu.memref_slice %arg9[%dma_wait3A_174] : memref<2688xi32, #tpu.memory_space<vmem>> -> memref<128xi32, #tpu.memory_space<vmem>>
    %dma_wait3A_176 = arith.constant 0 : i32
    %dma_wait3A_177 = arith.constant 0 : i32
    %dma_wait3A_178 = tpu.memref_slice %arg3[%dma_wait3A_176, %dma_wait3A_177] : memref<100000x128xf32, #tpu.memory_space<hbm>> -> memref<100000x128xf32, #tpu.memory_space<hbm>>
    tpu.wait_indirect_dma semaphore(%arg15 : memref<!tpu.dma_semaphore, #tpu.memory_space<semaphore_mem>>) src(%dma_wait3A_178 : memref<100000x128xf32, #tpu.memory_space<hbm>>) dst(%dma_wait3A_173 : memref<128x128xf32, #tpu.memory_space<vmem>>)
    %mul3A_179 = arith.constant 2688 : i32
    %mul3A_180 = arith.muli %add3A, %mul3A_179 : i32
    %add3A_181 = arith.constant 768 : i32
    %add3A_182 = arith.addi %mul3A_180, %add3A_181 : i32
    %dma_start3A_183 = arith.constant 0 : i32
    %dma_start3A_184 = tpu.memref_slice %arg7[%add3A_182, %dma_start3A_183] : memref<86016x128xf32, #tpu.memory_space<hbm>> -> memref<384x128xf32, #tpu.memory_space<hbm>>
    %dma_start3A_185 = arith.constant 0 : i32
    %dma_start3A_186 = tpu.memref_slice %arg7[%add3A_182, %dma_start3A_185] : memref<86016x128xf32, #tpu.memory_space<hbm>> -> memref<384x128xf32, #tpu.memory_space<hbm>>
    tpu.enqueue_dma source(%arg11 : memref<384x128xf32, #tpu.memory_space<vmem>>) target(%dma_start3A_186 : memref<384x128xf32, #tpu.memory_space<hbm>>) target_semaphore(%arg19 : memref<!tpu.dma_semaphore, #tpu.memory_space<semaphore_mem>>)
    %dma_wait3A_187 = arith.constant 0 : i32
    %dma_wait3A_188 = tpu.memref_slice %arg7[%add3A_122, %dma_wait3A_187] : memref<86016x128xf32, #tpu.memory_space<hbm>> -> memref<384x128xf32, #tpu.memory_space<hbm>>
    %dma_wait3A_189 = arith.constant 0 : i32
    %dma_wait3A_190 = tpu.memref_slice %arg7[%add3A_122, %dma_wait3A_189] : memref<86016x128xf32, #tpu.memory_space<hbm>> -> memref<384x128xf32, #tpu.memory_space<hbm>>
    tpu.wait_dma2 semaphore(%arg20 : memref<!tpu.dma_semaphore, #tpu.memory_space<semaphore_mem>>) src(%arg12 : memref<384x128xf32, #tpu.memory_space<vmem>>) dst(%dma_wait3A_190 : memref<384x128xf32, #tpu.memory_space<hbm>>)
    %dma_start3A_191 = arith.constant 0 : i32
    %dma_start3A_192 = arith.constant 0 : i32
    %dma_start3A_193 = tpu.memref_slice %arg12[%dma_start3A_191, %dma_start3A_192] : memref<384x128xf32, #tpu.memory_space<vmem>> -> memref<128x128xf32, #tpu.memory_space<vmem>>
    %dma_start3A_194 = arith.constant 1152 : i32
    %dma_start3A_195 = tpu.memref_slice %arg9[%dma_start3A_194] : memref<2688xi32, #tpu.memory_space<vmem>> -> memref<128xi32, #tpu.memory_space<vmem>>
    %dma_start3A_196 = arith.constant 0 : i32
    %dma_start3A_197 = arith.constant 0 : i32
    %dma_start3A_198 = tpu.memref_slice %arg3[%dma_start3A_196, %dma_start3A_197] : memref<100000x128xf32, #tpu.memory_space<hbm>> -> memref<100000x128xf32, #tpu.memory_space<hbm>>
    tpu.enqueue_indirect_dma source(%dma_start3A_198 : memref<100000x128xf32, #tpu.memory_space<hbm>>) target(%dma_start3A_193 : memref<128x128xf32, #tpu.memory_space<vmem>>) offsets(%dma_start3A_195 : memref<128xi32, #tpu.memory_space<vmem>>) semaphore(%arg16 : memref<!tpu.dma_semaphore, #tpu.memory_space<semaphore_mem>>)
    %dma_start3A_199 = arith.constant 128 : i32
    %dma_start3A_200 = arith.constant 0 : i32
    %dma_start3A_201 = tpu.memref_slice %arg12[%dma_start3A_199, %dma_start3A_200] : memref<384x128xf32, #tpu.memory_space<vmem>> -> memref<128x128xf32, #tpu.memory_space<vmem>>
    %dma_start3A_202 = arith.constant 1280 : i32
    %dma_start3A_203 = tpu.memref_slice %arg9[%dma_start3A_202] : memref<2688xi32, #tpu.memory_space<vmem>> -> memref<128xi32, #tpu.memory_space<vmem>>
    %dma_start3A_204 = arith.constant 0 : i32
    %dma_start3A_205 = arith.constant 0 : i32
    %dma_start3A_206 = tpu.memref_slice %arg3[%dma_start3A_204, %dma_start3A_205] : memref<100000x128xf32, #tpu.memory_space<hbm>> -> memref<100000x128xf32, #tpu.memory_space<hbm>>
    tpu.enqueue_indirect_dma source(%dma_start3A_206 : memref<100000x128xf32, #tpu.memory_space<hbm>>) target(%dma_start3A_201 : memref<128x128xf32, #tpu.memory_space<vmem>>) offsets(%dma_start3A_203 : memref<128xi32, #tpu.memory_space<vmem>>) semaphore(%arg17 : memref<!tpu.dma_semaphore, #tpu.memory_space<semaphore_mem>>)
    %dma_start3A_207 = arith.constant 256 : i32
    %dma_start3A_208 = arith.constant 0 : i32
    %dma_start3A_209 = tpu.memref_slice %arg12[%dma_start3A_207, %dma_start3A_208] : memref<384x128xf32, #tpu.memory_space<vmem>> -> memref<128x128xf32, #tpu.memory_space<vmem>>
    %dma_start3A_210 = arith.constant 1408 : i32
    %dma_start3A_211 = tpu.memref_slice %arg9[%dma_start3A_210] : memref<2688xi32, #tpu.memory_space<vmem>> -> memref<128xi32, #tpu.memory_space<vmem>>
    %dma_start3A_212 = arith.constant 0 : i32
    %dma_start3A_213 = arith.constant 0 : i32
    %dma_start3A_214 = tpu.memref_slice %arg3[%dma_start3A_212, %dma_start3A_213] : memref<100000x128xf32, #tpu.memory_space<hbm>> -> memref<100000x128xf32, #tpu.memory_space<hbm>>
    tpu.enqueue_indirect_dma source(%dma_start3A_214 : memref<100000x128xf32, #tpu.memory_space<hbm>>) target(%dma_start3A_209 : memref<128x128xf32, #tpu.memory_space<vmem>>) offsets(%dma_start3A_211 : memref<128xi32, #tpu.memory_space<vmem>>) semaphore(%arg18 : memref<!tpu.dma_semaphore, #tpu.memory_space<semaphore_mem>>)
    %dma_wait3A_215 = arith.constant 0 : i32
    %dma_wait3A_216 = arith.constant 0 : i32
    %dma_wait3A_217 = tpu.memref_slice %arg12[%dma_wait3A_215, %dma_wait3A_216] : memref<384x128xf32, #tpu.memory_space<vmem>> -> memref<128x128xf32, #tpu.memory_space<vmem>>
    %dma_wait3A_218 = arith.constant 1152 : i32
    %dma_wait3A_219 = tpu.memref_slice %arg9[%dma_wait3A_218] : memref<2688xi32, #tpu.memory_space<vmem>> -> memref<128xi32, #tpu.memory_space<vmem>>
    %dma_wait3A_220 = arith.constant 0 : i32
    %dma_wait3A_221 = arith.constant 0 : i32
    %dma_wait3A_222 = tpu.memref_slice %arg3[%dma_wait3A_220, %dma_wait3A_221] : memref<100000x128xf32, #tpu.memory_space<hbm>> -> memref<100000x128xf32, #tpu.memory_space<hbm>>
    tpu.wait_indirect_dma semaphore(%arg16 : memref<!tpu.dma_semaphore, #tpu.memory_space<semaphore_mem>>) src(%dma_wait3A_222 : memref<100000x128xf32, #tpu.memory_space<hbm>>) dst(%dma_wait3A_217 : memref<128x128xf32, #tpu.memory_space<vmem>>)
    %dma_wait3A_223 = arith.constant 128 : i32
    %dma_wait3A_224 = arith.constant 0 : i32
    %dma_wait3A_225 = tpu.memref_slice %arg12[%dma_wait3A_223, %dma_wait3A_224] : memref<384x128xf32, #tpu.memory_space<vmem>> -> memref<128x128xf32, #tpu.memory_space<vmem>>
    %dma_wait3A_226 = arith.constant 1280 : i32
    %dma_wait3A_227 = tpu.memref_slice %arg9[%dma_wait3A_226] : memref<2688xi32, #tpu.memory_space<vmem>> -> memref<128xi32, #tpu.memory_space<vmem>>
    %dma_wait3A_228 = arith.constant 0 : i32
    %dma_wait3A_229 = arith.constant 0 : i32
    %dma_wait3A_230 = tpu.memref_slice %arg3[%dma_wait3A_228, %dma_wait3A_229] : memref<100000x128xf32, #tpu.memory_space<hbm>> -> memref<100000x128xf32, #tpu.memory_space<hbm>>
    tpu.wait_indirect_dma semaphore(%arg17 : memref<!tpu.dma_semaphore, #tpu.memory_space<semaphore_mem>>) src(%dma_wait3A_230 : memref<100000x128xf32, #tpu.memory_space<hbm>>) dst(%dma_wait3A_225 : memref<128x128xf32, #tpu.memory_space<vmem>>)
    %dma_wait3A_231 = arith.constant 256 : i32
    %dma_wait3A_232 = arith.constant 0 : i32
    %dma_wait3A_233 = tpu.memref_slice %arg12[%dma_wait3A_231, %dma_wait3A_232] : memref<384x128xf32, #tpu.memory_space<vmem>> -> memref<128x128xf32, #tpu.memory_space<vmem>>
    %dma_wait3A_234 = arith.constant 1408 : i32
    %dma_wait3A_235 = tpu.memref_slice %arg9[%dma_wait3A_234] : memref<2688xi32, #tpu.memory_space<vmem>> -> memref<128xi32, #tpu.memory_space<vmem>>
    %dma_wait3A_236 = arith.constant 0 : i32
    %dma_wait3A_237 = arith.constant 0 : i32
    %dma_wait3A_238 = tpu.memref_slice %arg3[%dma_wait3A_236, %dma_wait3A_237] : memref<100000x128xf32, #tpu.memory_space<hbm>> -> memref<100000x128xf32, #tpu.memory_space<hbm>>
    tpu.wait_indirect_dma semaphore(%arg18 : memref<!tpu.dma_semaphore, #tpu.memory_space<semaphore_mem>>) src(%dma_wait3A_238 : memref<100000x128xf32, #tpu.memory_space<hbm>>) dst(%dma_wait3A_233 : memref<128x128xf32, #tpu.memory_space<vmem>>)
    %mul3A_239 = arith.constant 2688 : i32
    %mul3A_240 = arith.muli %add3A, %mul3A_239 : i32
    %add3A_241 = arith.constant 1152 : i32
    %add3A_242 = arith.addi %mul3A_240, %add3A_241 : i32
    %dma_start3A_243 = arith.constant 0 : i32
    %dma_start3A_244 = tpu.memref_slice %arg7[%add3A_242, %dma_start3A_243] : memref<86016x128xf32, #tpu.memory_space<hbm>> -> memref<384x128xf32, #tpu.memory_space<hbm>>
    %dma_start3A_245 = arith.constant 0 : i32
    %dma_start3A_246 = tpu.memref_slice %arg7[%add3A_242, %dma_start3A_245] : memref<86016x128xf32, #tpu.memory_space<hbm>> -> memref<384x128xf32, #tpu.memory_space<hbm>>
    tpu.enqueue_dma source(%arg12 : memref<384x128xf32, #tpu.memory_space<vmem>>) target(%dma_start3A_246 : memref<384x128xf32, #tpu.memory_space<hbm>>) target_semaphore(%arg20 : memref<!tpu.dma_semaphore, #tpu.memory_space<semaphore_mem>>)
    %dma_wait3A_247 = arith.constant 0 : i32
    %dma_wait3A_248 = tpu.memref_slice %arg7[%add3A_182, %dma_wait3A_247] : memref<86016x128xf32, #tpu.memory_space<hbm>> -> memref<384x128xf32, #tpu.memory_space<hbm>>
    %dma_wait3A_249 = arith.constant 0 : i32
    %dma_wait3A_250 = tpu.memref_slice %arg7[%add3A_182, %dma_wait3A_249] : memref<86016x128xf32, #tpu.memory_space<hbm>> -> memref<384x128xf32, #tpu.memory_space<hbm>>
    tpu.wait_dma2 semaphore(%arg19 : memref<!tpu.dma_semaphore, #tpu.memory_space<semaphore_mem>>) src(%arg11 : memref<384x128xf32, #tpu.memory_space<vmem>>) dst(%dma_wait3A_250 : memref<384x128xf32, #tpu.memory_space<hbm>>)
    %dma_start3A_251 = arith.constant 0 : i32
    %dma_start3A_252 = arith.constant 0 : i32
    %dma_start3A_253 = tpu.memref_slice %arg11[%dma_start3A_251, %dma_start3A_252] : memref<384x128xf32, #tpu.memory_space<vmem>> -> memref<128x128xf32, #tpu.memory_space<vmem>>
    %dma_start3A_254 = arith.constant 1536 : i32
    %dma_start3A_255 = tpu.memref_slice %arg9[%dma_start3A_254] : memref<2688xi32, #tpu.memory_space<vmem>> -> memref<128xi32, #tpu.memory_space<vmem>>
    %dma_start3A_256 = arith.constant 0 : i32
    %dma_start3A_257 = arith.constant 0 : i32
    %dma_start3A_258 = tpu.memref_slice %arg3[%dma_start3A_256, %dma_start3A_257] : memref<100000x128xf32, #tpu.memory_space<hbm>> -> memref<100000x128xf32, #tpu.memory_space<hbm>>
    tpu.enqueue_indirect_dma source(%dma_start3A_258 : memref<100000x128xf32, #tpu.memory_space<hbm>>) target(%dma_start3A_253 : memref<128x128xf32, #tpu.memory_space<vmem>>) offsets(%dma_start3A_255 : memref<128xi32, #tpu.memory_space<vmem>>) semaphore(%arg13 : memref<!tpu.dma_semaphore, #tpu.memory_space<semaphore_mem>>)
    %dma_start3A_259 = arith.constant 128 : i32
    %dma_start3A_260 = arith.constant 0 : i32
    %dma_start3A_261 = tpu.memref_slice %arg11[%dma_start3A_259, %dma_start3A_260] : memref<384x128xf32, #tpu.memory_space<vmem>> -> memref<128x128xf32, #tpu.memory_space<vmem>>
    %dma_start3A_262 = arith.constant 1664 : i32
    %dma_start3A_263 = tpu.memref_slice %arg9[%dma_start3A_262] : memref<2688xi32, #tpu.memory_space<vmem>> -> memref<128xi32, #tpu.memory_space<vmem>>
    %dma_start3A_264 = arith.constant 0 : i32
    %dma_start3A_265 = arith.constant 0 : i32
    %dma_start3A_266 = tpu.memref_slice %arg3[%dma_start3A_264, %dma_start3A_265] : memref<100000x128xf32, #tpu.memory_space<hbm>> -> memref<100000x128xf32, #tpu.memory_space<hbm>>
    tpu.enqueue_indirect_dma source(%dma_start3A_266 : memref<100000x128xf32, #tpu.memory_space<hbm>>) target(%dma_start3A_261 : memref<128x128xf32, #tpu.memory_space<vmem>>) offsets(%dma_start3A_263 : memref<128xi32, #tpu.memory_space<vmem>>) semaphore(%arg14 : memref<!tpu.dma_semaphore, #tpu.memory_space<semaphore_mem>>)
    %dma_start3A_267 = arith.constant 256 : i32
    %dma_start3A_268 = arith.constant 0 : i32
    %dma_start3A_269 = tpu.memref_slice %arg11[%dma_start3A_267, %dma_start3A_268] : memref<384x128xf32, #tpu.memory_space<vmem>> -> memref<128x128xf32, #tpu.memory_space<vmem>>
    %dma_start3A_270 = arith.constant 1792 : i32
    %dma_start3A_271 = tpu.memref_slice %arg9[%dma_start3A_270] : memref<2688xi32, #tpu.memory_space<vmem>> -> memref<128xi32, #tpu.memory_space<vmem>>
    %dma_start3A_272 = arith.constant 0 : i32
    %dma_start3A_273 = arith.constant 0 : i32
    %dma_start3A_274 = tpu.memref_slice %arg3[%dma_start3A_272, %dma_start3A_273] : memref<100000x128xf32, #tpu.memory_space<hbm>> -> memref<100000x128xf32, #tpu.memory_space<hbm>>
    tpu.enqueue_indirect_dma source(%dma_start3A_274 : memref<100000x128xf32, #tpu.memory_space<hbm>>) target(%dma_start3A_269 : memref<128x128xf32, #tpu.memory_space<vmem>>) offsets(%dma_start3A_271 : memref<128xi32, #tpu.memory_space<vmem>>) semaphore(%arg15 : memref<!tpu.dma_semaphore, #tpu.memory_space<semaphore_mem>>)
    %dma_wait3A_275 = arith.constant 0 : i32
    %dma_wait3A_276 = arith.constant 0 : i32
    %dma_wait3A_277 = tpu.memref_slice %arg11[%dma_wait3A_275, %dma_wait3A_276] : memref<384x128xf32, #tpu.memory_space<vmem>> -> memref<128x128xf32, #tpu.memory_space<vmem>>
    %dma_wait3A_278 = arith.constant 1536 : i32
    %dma_wait3A_279 = tpu.memref_slice %arg9[%dma_wait3A_278] : memref<2688xi32, #tpu.memory_space<vmem>> -> memref<128xi32, #tpu.memory_space<vmem>>
    %dma_wait3A_280 = arith.constant 0 : i32
    %dma_wait3A_281 = arith.constant 0 : i32
    %dma_wait3A_282 = tpu.memref_slice %arg3[%dma_wait3A_280, %dma_wait3A_281] : memref<100000x128xf32, #tpu.memory_space<hbm>> -> memref<100000x128xf32, #tpu.memory_space<hbm>>
    tpu.wait_indirect_dma semaphore(%arg13 : memref<!tpu.dma_semaphore, #tpu.memory_space<semaphore_mem>>) src(%dma_wait3A_282 : memref<100000x128xf32, #tpu.memory_space<hbm>>) dst(%dma_wait3A_277 : memref<128x128xf32, #tpu.memory_space<vmem>>)
    %dma_wait3A_283 = arith.constant 128 : i32
    %dma_wait3A_284 = arith.constant 0 : i32
    %dma_wait3A_285 = tpu.memref_slice %arg11[%dma_wait3A_283, %dma_wait3A_284] : memref<384x128xf32, #tpu.memory_space<vmem>> -> memref<128x128xf32, #tpu.memory_space<vmem>>
    %dma_wait3A_286 = arith.constant 1664 : i32
    %dma_wait3A_287 = tpu.memref_slice %arg9[%dma_wait3A_286] : memref<2688xi32, #tpu.memory_space<vmem>> -> memref<128xi32, #tpu.memory_space<vmem>>
    %dma_wait3A_288 = arith.constant 0 : i32
    %dma_wait3A_289 = arith.constant 0 : i32
    %dma_wait3A_290 = tpu.memref_slice %arg3[%dma_wait3A_288, %dma_wait3A_289] : memref<100000x128xf32, #tpu.memory_space<hbm>> -> memref<100000x128xf32, #tpu.memory_space<hbm>>
    tpu.wait_indirect_dma semaphore(%arg14 : memref<!tpu.dma_semaphore, #tpu.memory_space<semaphore_mem>>) src(%dma_wait3A_290 : memref<100000x128xf32, #tpu.memory_space<hbm>>) dst(%dma_wait3A_285 : memref<128x128xf32, #tpu.memory_space<vmem>>)
    %dma_wait3A_291 = arith.constant 256 : i32
    %dma_wait3A_292 = arith.constant 0 : i32
    %dma_wait3A_293 = tpu.memref_slice %arg11[%dma_wait3A_291, %dma_wait3A_292] : memref<384x128xf32, #tpu.memory_space<vmem>> -> memref<128x128xf32, #tpu.memory_space<vmem>>
    %dma_wait3A_294 = arith.constant 1792 : i32
    %dma_wait3A_295 = tpu.memref_slice %arg9[%dma_wait3A_294] : memref<2688xi32, #tpu.memory_space<vmem>> -> memref<128xi32, #tpu.memory_space<vmem>>
    %dma_wait3A_296 = arith.constant 0 : i32
    %dma_wait3A_297 = arith.constant 0 : i32
    %dma_wait3A_298 = tpu.memref_slice %arg3[%dma_wait3A_296, %dma_wait3A_297] : memref<100000x128xf32, #tpu.memory_space<hbm>> -> memref<100000x128xf32, #tpu.memory_space<hbm>>
    tpu.wait_indirect_dma semaphore(%arg15 : memref<!tpu.dma_semaphore, #tpu.memory_space<semaphore_mem>>) src(%dma_wait3A_298 : memref<100000x128xf32, #tpu.memory_space<hbm>>) dst(%dma_wait3A_293 : memref<128x128xf32, #tpu.memory_space<vmem>>)
    %mul3A_299 = arith.constant 2688 : i32
    %mul3A_300 = arith.muli %add3A, %mul3A_299 : i32
    %add3A_301 = arith.constant 1536 : i32
    %add3A_302 = arith.addi %mul3A_300, %add3A_301 : i32
    %dma_start3A_303 = arith.constant 0 : i32
    %dma_start3A_304 = tpu.memref_slice %arg7[%add3A_302, %dma_start3A_303] : memref<86016x128xf32, #tpu.memory_space<hbm>> -> memref<384x128xf32, #tpu.memory_space<hbm>>
    %dma_start3A_305 = arith.constant 0 : i32
    %dma_start3A_306 = tpu.memref_slice %arg7[%add3A_302, %dma_start3A_305] : memref<86016x128xf32, #tpu.memory_space<hbm>> -> memref<384x128xf32, #tpu.memory_space<hbm>>
    tpu.enqueue_dma source(%arg11 : memref<384x128xf32, #tpu.memory_space<vmem>>) target(%dma_start3A_306 : memref<384x128xf32, #tpu.memory_space<hbm>>) target_semaphore(%arg19 : memref<!tpu.dma_semaphore, #tpu.memory_space<semaphore_mem>>)
    %dma_wait3A_307 = arith.constant 0 : i32
    %dma_wait3A_308 = tpu.memref_slice %arg7[%add3A_242, %dma_wait3A_307] : memref<86016x128xf32, #tpu.memory_space<hbm>> -> memref<384x128xf32, #tpu.memory_space<hbm>>
    %dma_wait3A_309 = arith.constant 0 : i32
    %dma_wait3A_310 = tpu.memref_slice %arg7[%add3A_242, %dma_wait3A_309] : memref<86016x128xf32, #tpu.memory_space<hbm>> -> memref<384x128xf32, #tpu.memory_space<hbm>>
    tpu.wait_dma2 semaphore(%arg20 : memref<!tpu.dma_semaphore, #tpu.memory_space<semaphore_mem>>) src(%arg12 : memref<384x128xf32, #tpu.memory_space<vmem>>) dst(%dma_wait3A_310 : memref<384x128xf32, #tpu.memory_space<hbm>>)
    %dma_start3A_311 = arith.constant 0 : i32
    %dma_start3A_312 = arith.constant 0 : i32
    %dma_start3A_313 = tpu.memref_slice %arg12[%dma_start3A_311, %dma_start3A_312] : memref<384x128xf32, #tpu.memory_space<vmem>> -> memref<128x128xf32, #tpu.memory_space<vmem>>
    %dma_start3A_314 = arith.constant 1920 : i32
    %dma_start3A_315 = tpu.memref_slice %arg9[%dma_start3A_314] : memref<2688xi32, #tpu.memory_space<vmem>> -> memref<128xi32, #tpu.memory_space<vmem>>
    %dma_start3A_316 = arith.constant 0 : i32
    %dma_start3A_317 = arith.constant 0 : i32
    %dma_start3A_318 = tpu.memref_slice %arg3[%dma_start3A_316, %dma_start3A_317] : memref<100000x128xf32, #tpu.memory_space<hbm>> -> memref<100000x128xf32, #tpu.memory_space<hbm>>
    tpu.enqueue_indirect_dma source(%dma_start3A_318 : memref<100000x128xf32, #tpu.memory_space<hbm>>) target(%dma_start3A_313 : memref<128x128xf32, #tpu.memory_space<vmem>>) offsets(%dma_start3A_315 : memref<128xi32, #tpu.memory_space<vmem>>) semaphore(%arg16 : memref<!tpu.dma_semaphore, #tpu.memory_space<semaphore_mem>>)
    %dma_start3A_319 = arith.constant 128 : i32
    %dma_start3A_320 = arith.constant 0 : i32
    %dma_start3A_321 = tpu.memref_slice %arg12[%dma_start3A_319, %dma_start3A_320] : memref<384x128xf32, #tpu.memory_space<vmem>> -> memref<128x128xf32, #tpu.memory_space<vmem>>
    %dma_start3A_322 = arith.constant 2048 : i32
    %dma_start3A_323 = tpu.memref_slice %arg9[%dma_start3A_322] : memref<2688xi32, #tpu.memory_space<vmem>> -> memref<128xi32, #tpu.memory_space<vmem>>
    %dma_start3A_324 = arith.constant 0 : i32
    %dma_start3A_325 = arith.constant 0 : i32
    %dma_start3A_326 = tpu.memref_slice %arg3[%dma_start3A_324, %dma_start3A_325] : memref<100000x128xf32, #tpu.memory_space<hbm>> -> memref<100000x128xf32, #tpu.memory_space<hbm>>
    tpu.enqueue_indirect_dma source(%dma_start3A_326 : memref<100000x128xf32, #tpu.memory_space<hbm>>) target(%dma_start3A_321 : memref<128x128xf32, #tpu.memory_space<vmem>>) offsets(%dma_start3A_323 : memref<128xi32, #tpu.memory_space<vmem>>) semaphore(%arg17 : memref<!tpu.dma_semaphore, #tpu.memory_space<semaphore_mem>>)
    %dma_start3A_327 = arith.constant 256 : i32
    %dma_start3A_328 = arith.constant 0 : i32
    %dma_start3A_329 = tpu.memref_slice %arg12[%dma_start3A_327, %dma_start3A_328] : memref<384x128xf32, #tpu.memory_space<vmem>> -> memref<128x128xf32, #tpu.memory_space<vmem>>
    %dma_start3A_330 = arith.constant 2176 : i32
    %dma_start3A_331 = tpu.memref_slice %arg9[%dma_start3A_330] : memref<2688xi32, #tpu.memory_space<vmem>> -> memref<128xi32, #tpu.memory_space<vmem>>
    %dma_start3A_332 = arith.constant 0 : i32
    %dma_start3A_333 = arith.constant 0 : i32
    %dma_start3A_334 = tpu.memref_slice %arg3[%dma_start3A_332, %dma_start3A_333] : memref<100000x128xf32, #tpu.memory_space<hbm>> -> memref<100000x128xf32, #tpu.memory_space<hbm>>
    tpu.enqueue_indirect_dma source(%dma_start3A_334 : memref<100000x128xf32, #tpu.memory_space<hbm>>) target(%dma_start3A_329 : memref<128x128xf32, #tpu.memory_space<vmem>>) offsets(%dma_start3A_331 : memref<128xi32, #tpu.memory_space<vmem>>) semaphore(%arg18 : memref<!tpu.dma_semaphore, #tpu.memory_space<semaphore_mem>>)
    %dma_wait3A_335 = arith.constant 0 : i32
    %dma_wait3A_336 = arith.constant 0 : i32
    %dma_wait3A_337 = tpu.memref_slice %arg12[%dma_wait3A_335, %dma_wait3A_336] : memref<384x128xf32, #tpu.memory_space<vmem>> -> memref<128x128xf32, #tpu.memory_space<vmem>>
    %dma_wait3A_338 = arith.constant 1920 : i32
    %dma_wait3A_339 = tpu.memref_slice %arg9[%dma_wait3A_338] : memref<2688xi32, #tpu.memory_space<vmem>> -> memref<128xi32, #tpu.memory_space<vmem>>
    %dma_wait3A_340 = arith.constant 0 : i32
    %dma_wait3A_341 = arith.constant 0 : i32
    %dma_wait3A_342 = tpu.memref_slice %arg3[%dma_wait3A_340, %dma_wait3A_341] : memref<100000x128xf32, #tpu.memory_space<hbm>> -> memref<100000x128xf32, #tpu.memory_space<hbm>>
    tpu.wait_indirect_dma semaphore(%arg16 : memref<!tpu.dma_semaphore, #tpu.memory_space<semaphore_mem>>) src(%dma_wait3A_342 : memref<100000x128xf32, #tpu.memory_space<hbm>>) dst(%dma_wait3A_337 : memref<128x128xf32, #tpu.memory_space<vmem>>)
    %dma_wait3A_343 = arith.constant 128 : i32
    %dma_wait3A_344 = arith.constant 0 : i32
    %dma_wait3A_345 = tpu.memref_slice %arg12[%dma_wait3A_343, %dma_wait3A_344] : memref<384x128xf32, #tpu.memory_space<vmem>> -> memref<128x128xf32, #tpu.memory_space<vmem>>
    %dma_wait3A_346 = arith.constant 2048 : i32
    %dma_wait3A_347 = tpu.memref_slice %arg9[%dma_wait3A_346] : memref<2688xi32, #tpu.memory_space<vmem>> -> memref<128xi32, #tpu.memory_space<vmem>>
    %dma_wait3A_348 = arith.constant 0 : i32
    %dma_wait3A_349 = arith.constant 0 : i32
    %dma_wait3A_350 = tpu.memref_slice %arg3[%dma_wait3A_348, %dma_wait3A_349] : memref<100000x128xf32, #tpu.memory_space<hbm>> -> memref<100000x128xf32, #tpu.memory_space<hbm>>
    tpu.wait_indirect_dma semaphore(%arg17 : memref<!tpu.dma_semaphore, #tpu.memory_space<semaphore_mem>>) src(%dma_wait3A_350 : memref<100000x128xf32, #tpu.memory_space<hbm>>) dst(%dma_wait3A_345 : memref<128x128xf32, #tpu.memory_space<vmem>>)
    %dma_wait3A_351 = arith.constant 256 : i32
    %dma_wait3A_352 = arith.constant 0 : i32
    %dma_wait3A_353 = tpu.memref_slice %arg12[%dma_wait3A_351, %dma_wait3A_352] : memref<384x128xf32, #tpu.memory_space<vmem>> -> memref<128x128xf32, #tpu.memory_space<vmem>>
    %dma_wait3A_354 = arith.constant 2176 : i32
    %dma_wait3A_355 = tpu.memref_slice %arg9[%dma_wait3A_354] : memref<2688xi32, #tpu.memory_space<vmem>> -> memref<128xi32, #tpu.memory_space<vmem>>
    %dma_wait3A_356 = arith.constant 0 : i32
    %dma_wait3A_357 = arith.constant 0 : i32
    %dma_wait3A_358 = tpu.memref_slice %arg3[%dma_wait3A_356, %dma_wait3A_357] : memref<100000x128xf32, #tpu.memory_space<hbm>> -> memref<100000x128xf32, #tpu.memory_space<hbm>>
    tpu.wait_indirect_dma semaphore(%arg18 : memref<!tpu.dma_semaphore, #tpu.memory_space<semaphore_mem>>) src(%dma_wait3A_358 : memref<100000x128xf32, #tpu.memory_space<hbm>>) dst(%dma_wait3A_353 : memref<128x128xf32, #tpu.memory_space<vmem>>)
    %mul3A_359 = arith.constant 2688 : i32
    %mul3A_360 = arith.muli %add3A, %mul3A_359 : i32
    %add3A_361 = arith.constant 1920 : i32
    %add3A_362 = arith.addi %mul3A_360, %add3A_361 : i32
    %dma_start3A_363 = arith.constant 0 : i32
    %dma_start3A_364 = tpu.memref_slice %arg7[%add3A_362, %dma_start3A_363] : memref<86016x128xf32, #tpu.memory_space<hbm>> -> memref<384x128xf32, #tpu.memory_space<hbm>>
    %dma_start3A_365 = arith.constant 0 : i32
    %dma_start3A_366 = tpu.memref_slice %arg7[%add3A_362, %dma_start3A_365] : memref<86016x128xf32, #tpu.memory_space<hbm>> -> memref<384x128xf32, #tpu.memory_space<hbm>>
    tpu.enqueue_dma source(%arg12 : memref<384x128xf32, #tpu.memory_space<vmem>>) target(%dma_start3A_366 : memref<384x128xf32, #tpu.memory_space<hbm>>) target_semaphore(%arg20 : memref<!tpu.dma_semaphore, #tpu.memory_space<semaphore_mem>>)
    %dma_wait3A_367 = arith.constant 0 : i32
    %dma_wait3A_368 = tpu.memref_slice %arg7[%add3A_302, %dma_wait3A_367] : memref<86016x128xf32, #tpu.memory_space<hbm>> -> memref<384x128xf32, #tpu.memory_space<hbm>>
    %dma_wait3A_369 = arith.constant 0 : i32
    %dma_wait3A_370 = tpu.memref_slice %arg7[%add3A_302, %dma_wait3A_369] : memref<86016x128xf32, #tpu.memory_space<hbm>> -> memref<384x128xf32, #tpu.memory_space<hbm>>
    tpu.wait_dma2 semaphore(%arg19 : memref<!tpu.dma_semaphore, #tpu.memory_space<semaphore_mem>>) src(%arg11 : memref<384x128xf32, #tpu.memory_space<vmem>>) dst(%dma_wait3A_370 : memref<384x128xf32, #tpu.memory_space<hbm>>)
    %dma_start3A_371 = arith.constant 0 : i32
    %dma_start3A_372 = arith.constant 0 : i32
    %dma_start3A_373 = tpu.memref_slice %arg11[%dma_start3A_371, %dma_start3A_372] : memref<384x128xf32, #tpu.memory_space<vmem>> -> memref<128x128xf32, #tpu.memory_space<vmem>>
    %dma_start3A_374 = arith.constant 2304 : i32
    %dma_start3A_375 = tpu.memref_slice %arg9[%dma_start3A_374] : memref<2688xi32, #tpu.memory_space<vmem>> -> memref<128xi32, #tpu.memory_space<vmem>>
    %dma_start3A_376 = arith.constant 0 : i32
    %dma_start3A_377 = arith.constant 0 : i32
    %dma_start3A_378 = tpu.memref_slice %arg3[%dma_start3A_376, %dma_start3A_377] : memref<100000x128xf32, #tpu.memory_space<hbm>> -> memref<100000x128xf32, #tpu.memory_space<hbm>>
    tpu.enqueue_indirect_dma source(%dma_start3A_378 : memref<100000x128xf32, #tpu.memory_space<hbm>>) target(%dma_start3A_373 : memref<128x128xf32, #tpu.memory_space<vmem>>) offsets(%dma_start3A_375 : memref<128xi32, #tpu.memory_space<vmem>>) semaphore(%arg13 : memref<!tpu.dma_semaphore, #tpu.memory_space<semaphore_mem>>)
    %dma_start3A_379 = arith.constant 128 : i32
    %dma_start3A_380 = arith.constant 0 : i32
    %dma_start3A_381 = tpu.memref_slice %arg11[%dma_start3A_379, %dma_start3A_380] : memref<384x128xf32, #tpu.memory_space<vmem>> -> memref<128x128xf32, #tpu.memory_space<vmem>>
    %dma_start3A_382 = arith.constant 2432 : i32
    %dma_start3A_383 = tpu.memref_slice %arg9[%dma_start3A_382] : memref<2688xi32, #tpu.memory_space<vmem>> -> memref<128xi32, #tpu.memory_space<vmem>>
    %dma_start3A_384 = arith.constant 0 : i32
    %dma_start3A_385 = arith.constant 0 : i32
    %dma_start3A_386 = tpu.memref_slice %arg3[%dma_start3A_384, %dma_start3A_385] : memref<100000x128xf32, #tpu.memory_space<hbm>> -> memref<100000x128xf32, #tpu.memory_space<hbm>>
    tpu.enqueue_indirect_dma source(%dma_start3A_386 : memref<100000x128xf32, #tpu.memory_space<hbm>>) target(%dma_start3A_381 : memref<128x128xf32, #tpu.memory_space<vmem>>) offsets(%dma_start3A_383 : memref<128xi32, #tpu.memory_space<vmem>>) semaphore(%arg14 : memref<!tpu.dma_semaphore, #tpu.memory_space<semaphore_mem>>)
    %dma_start3A_387 = arith.constant 256 : i32
    %dma_start3A_388 = arith.constant 0 : i32
    %dma_start3A_389 = tpu.memref_slice %arg11[%dma_start3A_387, %dma_start3A_388] : memref<384x128xf32, #tpu.memory_space<vmem>> -> memref<128x128xf32, #tpu.memory_space<vmem>>
    %dma_start3A_390 = arith.constant 2560 : i32
    %dma_start3A_391 = tpu.memref_slice %arg9[%dma_start3A_390] : memref<2688xi32, #tpu.memory_space<vmem>> -> memref<128xi32, #tpu.memory_space<vmem>>
    %dma_start3A_392 = arith.constant 0 : i32
    %dma_start3A_393 = arith.constant 0 : i32
    %dma_start3A_394 = tpu.memref_slice %arg3[%dma_start3A_392, %dma_start3A_393] : memref<100000x128xf32, #tpu.memory_space<hbm>> -> memref<100000x128xf32, #tpu.memory_space<hbm>>
    tpu.enqueue_indirect_dma source(%dma_start3A_394 : memref<100000x128xf32, #tpu.memory_space<hbm>>) target(%dma_start3A_389 : memref<128x128xf32, #tpu.memory_space<vmem>>) offsets(%dma_start3A_391 : memref<128xi32, #tpu.memory_space<vmem>>) semaphore(%arg15 : memref<!tpu.dma_semaphore, #tpu.memory_space<semaphore_mem>>)
    %dma_wait3A_395 = arith.constant 0 : i32
    %dma_wait3A_396 = arith.constant 0 : i32
    %dma_wait3A_397 = tpu.memref_slice %arg11[%dma_wait3A_395, %dma_wait3A_396] : memref<384x128xf32, #tpu.memory_space<vmem>> -> memref<128x128xf32, #tpu.memory_space<vmem>>
    %dma_wait3A_398 = arith.constant 2304 : i32
    %dma_wait3A_399 = tpu.memref_slice %arg9[%dma_wait3A_398] : memref<2688xi32, #tpu.memory_space<vmem>> -> memref<128xi32, #tpu.memory_space<vmem>>
    %dma_wait3A_400 = arith.constant 0 : i32
    %dma_wait3A_401 = arith.constant 0 : i32
    %dma_wait3A_402 = tpu.memref_slice %arg3[%dma_wait3A_400, %dma_wait3A_401] : memref<100000x128xf32, #tpu.memory_space<hbm>> -> memref<100000x128xf32, #tpu.memory_space<hbm>>
    tpu.wait_indirect_dma semaphore(%arg13 : memref<!tpu.dma_semaphore, #tpu.memory_space<semaphore_mem>>) src(%dma_wait3A_402 : memref<100000x128xf32, #tpu.memory_space<hbm>>) dst(%dma_wait3A_397 : memref<128x128xf32, #tpu.memory_space<vmem>>)
    %dma_wait3A_403 = arith.constant 128 : i32
    %dma_wait3A_404 = arith.constant 0 : i32
    %dma_wait3A_405 = tpu.memref_slice %arg11[%dma_wait3A_403, %dma_wait3A_404] : memref<384x128xf32, #tpu.memory_space<vmem>> -> memref<128x128xf32, #tpu.memory_space<vmem>>
    %dma_wait3A_406 = arith.constant 2432 : i32
    %dma_wait3A_407 = tpu.memref_slice %arg9[%dma_wait3A_406] : memref<2688xi32, #tpu.memory_space<vmem>> -> memref<128xi32, #tpu.memory_space<vmem>>
    %dma_wait3A_408 = arith.constant 0 : i32
    %dma_wait3A_409 = arith.constant 0 : i32
    %dma_wait3A_410 = tpu.memref_slice %arg3[%dma_wait3A_408, %dma_wait3A_409] : memref<100000x128xf32, #tpu.memory_space<hbm>> -> memref<100000x128xf32, #tpu.memory_space<hbm>>
    tpu.wait_indirect_dma semaphore(%arg14 : memref<!tpu.dma_semaphore, #tpu.memory_space<semaphore_mem>>) src(%dma_wait3A_410 : memref<100000x128xf32, #tpu.memory_space<hbm>>) dst(%dma_wait3A_405 : memref<128x128xf32, #tpu.memory_space<vmem>>)
    %dma_wait3A_411 = arith.constant 256 : i32
    %dma_wait3A_412 = arith.constant 0 : i32
    %dma_wait3A_413 = tpu.memref_slice %arg11[%dma_wait3A_411, %dma_wait3A_412] : memref<384x128xf32, #tpu.memory_space<vmem>> -> memref<128x128xf32, #tpu.memory_space<vmem>>
    %dma_wait3A_414 = arith.constant 2560 : i32
    %dma_wait3A_415 = tpu.memref_slice %arg9[%dma_wait3A_414] : memref<2688xi32, #tpu.memory_space<vmem>> -> memref<128xi32, #tpu.memory_space<vmem>>
    %dma_wait3A_416 = arith.constant 0 : i32
    %dma_wait3A_417 = arith.constant 0 : i32
    %dma_wait3A_418 = tpu.memref_slice %arg3[%dma_wait3A_416, %dma_wait3A_417] : memref<100000x128xf32, #tpu.memory_space<hbm>> -> memref<100000x128xf32, #tpu.memory_space<hbm>>
    tpu.wait_indirect_dma semaphore(%arg15 : memref<!tpu.dma_semaphore, #tpu.memory_space<semaphore_mem>>) src(%dma_wait3A_418 : memref<100000x128xf32, #tpu.memory_space<hbm>>) dst(%dma_wait3A_413 : memref<128x128xf32, #tpu.memory_space<vmem>>)
    %mul3A_419 = arith.constant 2688 : i32
    %mul3A_420 = arith.muli %add3A, %mul3A_419 : i32
    %add3A_421 = arith.constant 2304 : i32
    %add3A_422 = arith.addi %mul3A_420, %add3A_421 : i32
    %dma_start3A_423 = arith.constant 0 : i32
    %dma_start3A_424 = tpu.memref_slice %arg7[%add3A_422, %dma_start3A_423] : memref<86016x128xf32, #tpu.memory_space<hbm>> -> memref<384x128xf32, #tpu.memory_space<hbm>>
    %dma_start3A_425 = arith.constant 0 : i32
    %dma_start3A_426 = tpu.memref_slice %arg7[%add3A_422, %dma_start3A_425] : memref<86016x128xf32, #tpu.memory_space<hbm>> -> memref<384x128xf32, #tpu.memory_space<hbm>>
    tpu.enqueue_dma source(%arg11 : memref<384x128xf32, #tpu.memory_space<vmem>>) target(%dma_start3A_426 : memref<384x128xf32, #tpu.memory_space<hbm>>) target_semaphore(%arg19 : memref<!tpu.dma_semaphore, #tpu.memory_space<semaphore_mem>>)
    %dma_wait3A_427 = arith.constant 0 : i32
    %dma_wait3A_428 = tpu.memref_slice %arg7[%add3A_422, %dma_wait3A_427] : memref<86016x128xf32, #tpu.memory_space<hbm>> -> memref<384x128xf32, #tpu.memory_space<hbm>>
    %dma_wait3A_429 = arith.constant 0 : i32
    %dma_wait3A_430 = tpu.memref_slice %arg7[%add3A_422, %dma_wait3A_429] : memref<86016x128xf32, #tpu.memory_space<hbm>> -> memref<384x128xf32, #tpu.memory_space<hbm>>
    tpu.wait_dma2 semaphore(%arg19 : memref<!tpu.dma_semaphore, #tpu.memory_space<semaphore_mem>>) src(%arg11 : memref<384x128xf32, #tpu.memory_space<vmem>>) dst(%dma_wait3A_430 : memref<384x128xf32, #tpu.memory_space<hbm>>)
    %dma_wait3A_431 = arith.constant 0 : i32
    %dma_wait3A_432 = tpu.memref_slice %arg7[%add3A_362, %dma_wait3A_431] : memref<86016x128xf32, #tpu.memory_space<hbm>> -> memref<384x128xf32, #tpu.memory_space<hbm>>
    %dma_wait3A_433 = arith.constant 0 : i32
    %dma_wait3A_434 = tpu.memref_slice %arg7[%add3A_362, %dma_wait3A_433] : memref<86016x128xf32, #tpu.memory_space<hbm>> -> memref<384x128xf32, #tpu.memory_space<hbm>>
    tpu.wait_dma2 semaphore(%arg20 : memref<!tpu.dma_semaphore, #tpu.memory_space<semaphore_mem>>) src(%arg12 : memref<384x128xf32, #tpu.memory_space<vmem>>) dst(%dma_wait3A_434 : memref<384x128xf32, #tpu.memory_space<hbm>>)
    %dma_wait3A_435 = arith.constant 0 : i32
    %dma_wait3A_436 = tpu.memref_slice %arg6[%mul3A_10, %dma_wait3A_435] : memref<4096x128xf32, #tpu.memory_space<hbm>> -> memref<128x128xf32, #tpu.memory_space<hbm>>
    %dma_wait3A_437 = arith.constant 0 : i32
    %dma_wait3A_438 = tpu.memref_slice %arg6[%mul3A_10, %dma_wait3A_437] : memref<4096x128xf32, #tpu.memory_space<hbm>> -> memref<128x128xf32, #tpu.memory_space<hbm>>
    tpu.wait_dma2 semaphore(%arg22 : memref<!tpu.dma_semaphore, #tpu.memory_space<semaphore_mem>>) src(%arg10 : memref<128x128xf32, #tpu.memory_space<vmem>>) dst(%dma_wait3A_438 : memref<128x128xf32, #tpu.memory_space<hbm>>)
    return
  }
}

#map = affine_map<(d0, d1) -> (0, 0)>
#map1 = affine_map<(d0, d1) -> (0)>
module attributes {stable_mosaic.version = 14 : i64} {
  func.func @_sc_gather_body(%arg0: i32, %arg1: i32, %arg2: memref<100000x128xf32, #tpu.memory_space<hbm>>, %arg3: memref<100000x128xf32, #tpu.memory_space<hbm>>, %arg4: memref<4096xi32, #tpu.memory_space<hbm>>, %arg5: memref<86016xi32, #tpu.memory_space<hbm>>, %arg6: memref<4096x128xf32, #tpu.memory_space<hbm>>, %arg7: memref<86016x128xf32, #tpu.memory_space<hbm>>, %arg8: memref<128xi32, #tpu.memory_space<vmem>>, %arg9: memref<2688xi32, #tpu.memory_space<vmem>>, %arg10: memref<128x128xf32, #tpu.memory_space<vmem>>, %arg11: memref<384x128xf32, #tpu.memory_space<vmem>>, %arg12: memref<384x128xf32, #tpu.memory_space<vmem>>, %arg13: memref<!tpu.dma_semaphore, #tpu.memory_space<semaphore_mem>>, %arg14: memref<!tpu.dma_semaphore, #tpu.memory_space<semaphore_mem>>, %arg15: memref<!tpu.dma_semaphore, #tpu.memory_space<semaphore_mem>>, %arg16: memref<!tpu.dma_semaphore, #tpu.memory_space<semaphore_mem>>, %arg17: memref<!tpu.dma_semaphore, #tpu.memory_space<semaphore_mem>>, %arg18: memref<!tpu.dma_semaphore, #tpu.memory_space<semaphore_mem>>, %arg19: memref<!tpu.dma_semaphore, #tpu.memory_space<semaphore_mem>>, %arg20: memref<!tpu.dma_semaphore, #tpu.memory_space<semaphore_mem>>, %arg21: memref<!tpu.dma_semaphore, #tpu.memory_space<semaphore_mem>>, %arg22: memref<!tpu.dma_semaphore, #tpu.memory_space<semaphore_mem>>) attributes {dimension_semantics = [#tpu.dimension_semantics<core_parallel>, #tpu.dimension_semantics<subcore_parallel>], iteration_bounds = array<i64: 2, 16>, scalar_prefetch = 0 : i64, scratch_operands = 15 : i64, tpu.core_type = #tpu.core_type<sc_vector_subcore>, window_params = [{transform_indices = #map}, {transform_indices = #map}, {transform_indices = #map1}, {transform_indices = #map1}, {transform_indices = #map}, {transform_indices = #map}]} {
    %mul3A = arith.constant 2 : i32
    %mul3A_0 = arith.muli %arg1, %mul3A : i32
    %add3A = arith.addi %mul3A_0, %arg0 : i32
    %mul3A_1 = arith.constant 128 : i32
    %mul3A_2 = arith.muli %add3A, %mul3A_1 : i32
    "tpu.region"() ({
      %run_scoped3A = tpu.sem_alloc : memref<!tpu.dma_semaphore, #tpu.memory_space<semaphore_mem>>
      %dma_start3A_439 = tpu.memref_slice %arg4[%mul3A_2] : memref<4096xi32, #tpu.memory_space<hbm>> -> memref<128xi32, #tpu.memory_space<hbm>>
      %dma_start3A_440 = tpu.memref_slice %arg4[%mul3A_2] : memref<4096xi32, #tpu.memory_space<hbm>> -> memref<128xi32, #tpu.memory_space<hbm>>
      tpu.enqueue_dma source(%dma_start3A_440 : memref<128xi32, #tpu.memory_space<hbm>>) target(%arg8 : memref<128xi32, #tpu.memory_space<vmem>>) target_semaphore(%run_scoped3A : memref<!tpu.dma_semaphore, #tpu.memory_space<semaphore_mem>>)
      %dma_wait3A_441 = tpu.memref_slice %arg4[%mul3A_2] : memref<4096xi32, #tpu.memory_space<hbm>> -> memref<128xi32, #tpu.memory_space<hbm>>
      %dma_wait3A_442 = tpu.memref_slice %arg4[%mul3A_2] : memref<4096xi32, #tpu.memory_space<hbm>> -> memref<128xi32, #tpu.memory_space<hbm>>
      tpu.wait_dma2 semaphore(%run_scoped3A : memref<!tpu.dma_semaphore, #tpu.memory_space<semaphore_mem>>) src(%dma_wait3A_442 : memref<128xi32, #tpu.memory_space<hbm>>) dst(%arg8 : memref<128xi32, #tpu.memory_space<vmem>>)
      tpu.yield
    }) : () -> ()
    %mul3A_3 = arith.constant 2688 : i32
    %mul3A_4 = arith.muli %add3A, %mul3A_3 : i32
    "tpu.region"() ({
      %run_scoped3A = tpu.sem_alloc : memref<!tpu.dma_semaphore, #tpu.memory_space<semaphore_mem>>
      %dma_start3A_439 = tpu.memref_slice %arg5[%mul3A_4] : memref<86016xi32, #tpu.memory_space<hbm>> -> memref<2688xi32, #tpu.memory_space<hbm>>
      %dma_start3A_440 = tpu.memref_slice %arg5[%mul3A_4] : memref<86016xi32, #tpu.memory_space<hbm>> -> memref<2688xi32, #tpu.memory_space<hbm>>
      tpu.enqueue_dma source(%dma_start3A_440 : memref<2688xi32, #tpu.memory_space<hbm>>) target(%arg9 : memref<2688xi32, #tpu.memory_space<vmem>>) target_semaphore(%run_scoped3A : memref<!tpu.dma_semaphore, #tpu.memory_space<semaphore_mem>>)
      %dma_wait3A_441 = tpu.memref_slice %arg5[%mul3A_4] : memref<86016xi32, #tpu.memory_space<hbm>> -> memref<2688xi32, #tpu.memory_space<hbm>>
      %dma_wait3A_442 = tpu.memref_slice %arg5[%mul3A_4] : memref<86016xi32, #tpu.memory_space<hbm>> -> memref<2688xi32, #tpu.memory_space<hbm>>
      tpu.wait_dma2 semaphore(%run_scoped3A : memref<!tpu.dma_semaphore, #tpu.memory_space<semaphore_mem>>) src(%dma_wait3A_442 : memref<2688xi32, #tpu.memory_space<hbm>>) dst(%arg9 : memref<2688xi32, #tpu.memory_space<vmem>>)
      tpu.yield
    }) : () -> ()
    %dma_start3A = arith.constant 0 : i32
    %dma_start3A_5 = arith.constant 0 : i32
    %dma_start3A_6 = tpu.memref_slice %arg2[%dma_start3A, %dma_start3A_5] : memref<100000x128xf32, #tpu.memory_space<hbm>> -> memref<100000x128xf32, #tpu.memory_space<hbm>>
    tpu.enqueue_indirect_dma source(%dma_start3A_6 : memref<100000x128xf32, #tpu.memory_space<hbm>>) target(%arg10 : memref<128x128xf32, #tpu.memory_space<vmem>>) offsets(%arg8 : memref<128xi32, #tpu.memory_space<vmem>>) semaphore(%arg21 : memref<!tpu.dma_semaphore, #tpu.memory_space<semaphore_mem>>)
    %dma_wait3A = arith.constant 0 : i32
    %dma_wait3A_7 = arith.constant 0 : i32
    %dma_wait3A_8 = tpu.memref_slice %arg2[%dma_wait3A, %dma_wait3A_7] : memref<100000x128xf32, #tpu.memory_space<hbm>> -> memref<100000x128xf32, #tpu.memory_space<hbm>>
    tpu.wait_indirect_dma semaphore(%arg21 : memref<!tpu.dma_semaphore, #tpu.memory_space<semaphore_mem>>) src(%dma_wait3A_8 : memref<100000x128xf32, #tpu.memory_space<hbm>>) dst(%arg10 : memref<128x128xf32, #tpu.memory_space<vmem>>)
    %mul3A_9 = arith.constant 128 : i32
    %mul3A_10 = arith.muli %add3A, %mul3A_9 : i32
    %dma_start3A_11 = arith.constant 0 : i32
    %dma_start3A_12 = tpu.memref_slice %arg6[%mul3A_10, %dma_start3A_11] : memref<4096x128xf32, #tpu.memory_space<hbm>> -> memref<128x128xf32, #tpu.memory_space<hbm>>
    %dma_start3A_13 = arith.constant 0 : i32
    %dma_start3A_14 = tpu.memref_slice %arg6[%mul3A_10, %dma_start3A_13] : memref<4096x128xf32, #tpu.memory_space<hbm>> -> memref<128x128xf32, #tpu.memory_space<hbm>>
    tpu.enqueue_dma source(%arg10 : memref<128x128xf32, #tpu.memory_space<vmem>>) target(%dma_start3A_14 : memref<128x128xf32, #tpu.memory_space<hbm>>) target_semaphore(%arg22 : memref<!tpu.dma_semaphore, #tpu.memory_space<semaphore_mem>>)
    %dma_start3A_15 = arith.constant 0 : i32
    %dma_start3A_16 = arith.constant 0 : i32
    %dma_start3A_17 = tpu.memref_slice %arg11[%dma_start3A_15, %dma_start3A_16] : memref<384x128xf32, #tpu.memory_space<vmem>> -> memref<128x128xf32, #tpu.memory_space<vmem>>
    %dma_start3A_18 = arith.constant 0 : i32
    %dma_start3A_19 = tpu.memref_slice %arg9[%dma_start3A_18] : memref<2688xi32, #tpu.memory_space<vmem>> -> memref<128xi32, #tpu.memory_space<vmem>>
    %dma_start3A_20 = arith.constant 0 : i32
    %dma_start3A_21 = arith.constant 0 : i32
    %dma_start3A_22 = tpu.memref_slice %arg3[%dma_start3A_20, %dma_start3A_21] : memref<100000x128xf32, #tpu.memory_space<hbm>> -> memref<100000x128xf32, #tpu.memory_space<hbm>>
    tpu.enqueue_indirect_dma source(%dma_start3A_22 : memref<100000x128xf32, #tpu.memory_space<hbm>>) target(%dma_start3A_17 : memref<128x128xf32, #tpu.memory_space<vmem>>) offsets(%dma_start3A_19 : memref<128xi32, #tpu.memory_space<vmem>>) semaphore(%arg13 : memref<!tpu.dma_semaphore, #tpu.memory_space<semaphore_mem>>)
    %dma_start3A_23 = arith.constant 128 : i32
    %dma_start3A_24 = arith.constant 0 : i32
    %dma_start3A_25 = tpu.memref_slice %arg11[%dma_start3A_23, %dma_start3A_24] : memref<384x128xf32, #tpu.memory_space<vmem>> -> memref<128x128xf32, #tpu.memory_space<vmem>>
    %dma_start3A_26 = arith.constant 128 : i32
    %dma_start3A_27 = tpu.memref_slice %arg9[%dma_start3A_26] : memref<2688xi32, #tpu.memory_space<vmem>> -> memref<128xi32, #tpu.memory_space<vmem>>
    %dma_start3A_28 = arith.constant 0 : i32
    %dma_start3A_29 = arith.constant 0 : i32
    %dma_start3A_30 = tpu.memref_slice %arg3[%dma_start3A_28, %dma_start3A_29] : memref<100000x128xf32, #tpu.memory_space<hbm>> -> memref<100000x128xf32, #tpu.memory_space<hbm>>
    tpu.enqueue_indirect_dma source(%dma_start3A_30 : memref<100000x128xf32, #tpu.memory_space<hbm>>) target(%dma_start3A_25 : memref<128x128xf32, #tpu.memory_space<vmem>>) offsets(%dma_start3A_27 : memref<128xi32, #tpu.memory_space<vmem>>) semaphore(%arg14 : memref<!tpu.dma_semaphore, #tpu.memory_space<semaphore_mem>>)
    %dma_start3A_31 = arith.constant 256 : i32
    %dma_start3A_32 = arith.constant 0 : i32
    %dma_start3A_33 = tpu.memref_slice %arg11[%dma_start3A_31, %dma_start3A_32] : memref<384x128xf32, #tpu.memory_space<vmem>> -> memref<128x128xf32, #tpu.memory_space<vmem>>
    %dma_start3A_34 = arith.constant 256 : i32
    %dma_start3A_35 = tpu.memref_slice %arg9[%dma_start3A_34] : memref<2688xi32, #tpu.memory_space<vmem>> -> memref<128xi32, #tpu.memory_space<vmem>>
    %dma_start3A_36 = arith.constant 0 : i32
    %dma_start3A_37 = arith.constant 0 : i32
    %dma_start3A_38 = tpu.memref_slice %arg3[%dma_start3A_36, %dma_start3A_37] : memref<100000x128xf32, #tpu.memory_space<hbm>> -> memref<100000x128xf32, #tpu.memory_space<hbm>>
    tpu.enqueue_indirect_dma source(%dma_start3A_38 : memref<100000x128xf32, #tpu.memory_space<hbm>>) target(%dma_start3A_33 : memref<128x128xf32, #tpu.memory_space<vmem>>) offsets(%dma_start3A_35 : memref<128xi32, #tpu.memory_space<vmem>>) semaphore(%arg15 : memref<!tpu.dma_semaphore, #tpu.memory_space<semaphore_mem>>)
    %dma_wait3A_39 = arith.constant 0 : i32
    %dma_wait3A_40 = arith.constant 0 : i32
    %dma_wait3A_41 = tpu.memref_slice %arg11[%dma_wait3A_39, %dma_wait3A_40] : memref<384x128xf32, #tpu.memory_space<vmem>> -> memref<128x128xf32, #tpu.memory_space<vmem>>
    %dma_wait3A_42 = arith.constant 0 : i32
    %dma_wait3A_43 = tpu.memref_slice %arg9[%dma_wait3A_42] : memref<2688xi32, #tpu.memory_space<vmem>> -> memref<128xi32, #tpu.memory_space<vmem>>
    %dma_wait3A_44 = arith.constant 0 : i32
    %dma_wait3A_45 = arith.constant 0 : i32
    %dma_wait3A_46 = tpu.memref_slice %arg3[%dma_wait3A_44, %dma_wait3A_45] : memref<100000x128xf32, #tpu.memory_space<hbm>> -> memref<100000x128xf32, #tpu.memory_space<hbm>>
    tpu.wait_indirect_dma semaphore(%arg13 : memref<!tpu.dma_semaphore, #tpu.memory_space<semaphore_mem>>) src(%dma_wait3A_46 : memref<100000x128xf32, #tpu.memory_space<hbm>>) dst(%dma_wait3A_41 : memref<128x128xf32, #tpu.memory_space<vmem>>)
    %dma_wait3A_47 = arith.constant 128 : i32
    %dma_wait3A_48 = arith.constant 0 : i32
    %dma_wait3A_49 = tpu.memref_slice %arg11[%dma_wait3A_47, %dma_wait3A_48] : memref<384x128xf32, #tpu.memory_space<vmem>> -> memref<128x128xf32, #tpu.memory_space<vmem>>
    %dma_wait3A_50 = arith.constant 128 : i32
    %dma_wait3A_51 = tpu.memref_slice %arg9[%dma_wait3A_50] : memref<2688xi32, #tpu.memory_space<vmem>> -> memref<128xi32, #tpu.memory_space<vmem>>
    %dma_wait3A_52 = arith.constant 0 : i32
    %dma_wait3A_53 = arith.constant 0 : i32
    %dma_wait3A_54 = tpu.memref_slice %arg3[%dma_wait3A_52, %dma_wait3A_53] : memref<100000x128xf32, #tpu.memory_space<hbm>> -> memref<100000x128xf32, #tpu.memory_space<hbm>>
    tpu.wait_indirect_dma semaphore(%arg14 : memref<!tpu.dma_semaphore, #tpu.memory_space<semaphore_mem>>) src(%dma_wait3A_54 : memref<100000x128xf32, #tpu.memory_space<hbm>>) dst(%dma_wait3A_49 : memref<128x128xf32, #tpu.memory_space<vmem>>)
    %dma_wait3A_55 = arith.constant 256 : i32
    %dma_wait3A_56 = arith.constant 0 : i32
    %dma_wait3A_57 = tpu.memref_slice %arg11[%dma_wait3A_55, %dma_wait3A_56] : memref<384x128xf32, #tpu.memory_space<vmem>> -> memref<128x128xf32, #tpu.memory_space<vmem>>
    %dma_wait3A_58 = arith.constant 256 : i32
    %dma_wait3A_59 = tpu.memref_slice %arg9[%dma_wait3A_58] : memref<2688xi32, #tpu.memory_space<vmem>> -> memref<128xi32, #tpu.memory_space<vmem>>
    %dma_wait3A_60 = arith.constant 0 : i32
    %dma_wait3A_61 = arith.constant 0 : i32
    %dma_wait3A_62 = tpu.memref_slice %arg3[%dma_wait3A_60, %dma_wait3A_61] : memref<100000x128xf32, #tpu.memory_space<hbm>> -> memref<100000x128xf32, #tpu.memory_space<hbm>>
    tpu.wait_indirect_dma semaphore(%arg15 : memref<!tpu.dma_semaphore, #tpu.memory_space<semaphore_mem>>) src(%dma_wait3A_62 : memref<100000x128xf32, #tpu.memory_space<hbm>>) dst(%dma_wait3A_57 : memref<128x128xf32, #tpu.memory_space<vmem>>)
    %mul3A_63 = arith.constant 2688 : i32
    %mul3A_64 = arith.muli %add3A, %mul3A_63 : i32
    %add3A_65 = arith.constant 0 : i32
    %add3A_66 = arith.addi %mul3A_64, %add3A_65 : i32
    %dma_start3A_67 = arith.constant 0 : i32
    %dma_start3A_68 = tpu.memref_slice %arg7[%add3A_66, %dma_start3A_67] : memref<86016x128xf32, #tpu.memory_space<hbm>> -> memref<384x128xf32, #tpu.memory_space<hbm>>
    %dma_start3A_69 = arith.constant 0 : i32
    %dma_start3A_70 = tpu.memref_slice %arg7[%add3A_66, %dma_start3A_69] : memref<86016x128xf32, #tpu.memory_space<hbm>> -> memref<384x128xf32, #tpu.memory_space<hbm>>
    tpu.enqueue_dma source(%arg11 : memref<384x128xf32, #tpu.memory_space<vmem>>) target(%dma_start3A_70 : memref<384x128xf32, #tpu.memory_space<hbm>>) target_semaphore(%arg19 : memref<!tpu.dma_semaphore, #tpu.memory_space<semaphore_mem>>)
    %dma_start3A_71 = arith.constant 0 : i32
    %dma_start3A_72 = arith.constant 0 : i32
    %dma_start3A_73 = tpu.memref_slice %arg12[%dma_start3A_71, %dma_start3A_72] : memref<384x128xf32, #tpu.memory_space<vmem>> -> memref<128x128xf32, #tpu.memory_space<vmem>>
    %dma_start3A_74 = arith.constant 384 : i32
    %dma_start3A_75 = tpu.memref_slice %arg9[%dma_start3A_74] : memref<2688xi32, #tpu.memory_space<vmem>> -> memref<128xi32, #tpu.memory_space<vmem>>
    %dma_start3A_76 = arith.constant 0 : i32
    %dma_start3A_77 = arith.constant 0 : i32
    %dma_start3A_78 = tpu.memref_slice %arg3[%dma_start3A_76, %dma_start3A_77] : memref<100000x128xf32, #tpu.memory_space<hbm>> -> memref<100000x128xf32, #tpu.memory_space<hbm>>
    tpu.enqueue_indirect_dma source(%dma_start3A_78 : memref<100000x128xf32, #tpu.memory_space<hbm>>) target(%dma_start3A_73 : memref<128x128xf32, #tpu.memory_space<vmem>>) offsets(%dma_start3A_75 : memref<128xi32, #tpu.memory_space<vmem>>) semaphore(%arg16 : memref<!tpu.dma_semaphore, #tpu.memory_space<semaphore_mem>>)
    %dma_start3A_79 = arith.constant 128 : i32
    %dma_start3A_80 = arith.constant 0 : i32
    %dma_start3A_81 = tpu.memref_slice %arg12[%dma_start3A_79, %dma_start3A_80] : memref<384x128xf32, #tpu.memory_space<vmem>> -> memref<128x128xf32, #tpu.memory_space<vmem>>
    %dma_start3A_82 = arith.constant 512 : i32
    %dma_start3A_83 = tpu.memref_slice %arg9[%dma_start3A_82] : memref<2688xi32, #tpu.memory_space<vmem>> -> memref<128xi32, #tpu.memory_space<vmem>>
    %dma_start3A_84 = arith.constant 0 : i32
    %dma_start3A_85 = arith.constant 0 : i32
    %dma_start3A_86 = tpu.memref_slice %arg3[%dma_start3A_84, %dma_start3A_85] : memref<100000x128xf32, #tpu.memory_space<hbm>> -> memref<100000x128xf32, #tpu.memory_space<hbm>>
    tpu.enqueue_indirect_dma source(%dma_start3A_86 : memref<100000x128xf32, #tpu.memory_space<hbm>>) target(%dma_start3A_81 : memref<128x128xf32, #tpu.memory_space<vmem>>) offsets(%dma_start3A_83 : memref<128xi32, #tpu.memory_space<vmem>>) semaphore(%arg17 : memref<!tpu.dma_semaphore, #tpu.memory_space<semaphore_mem>>)
    %dma_start3A_87 = arith.constant 256 : i32
    %dma_start3A_88 = arith.constant 0 : i32
    %dma_start3A_89 = tpu.memref_slice %arg12[%dma_start3A_87, %dma_start3A_88] : memref<384x128xf32, #tpu.memory_space<vmem>> -> memref<128x128xf32, #tpu.memory_space<vmem>>
    %dma_start3A_90 = arith.constant 640 : i32
    %dma_start3A_91 = tpu.memref_slice %arg9[%dma_start3A_90] : memref<2688xi32, #tpu.memory_space<vmem>> -> memref<128xi32, #tpu.memory_space<vmem>>
    %dma_start3A_92 = arith.constant 0 : i32
    %dma_start3A_93 = arith.constant 0 : i32
    %dma_start3A_94 = tpu.memref_slice %arg3[%dma_start3A_92, %dma_start3A_93] : memref<100000x128xf32, #tpu.memory_space<hbm>> -> memref<100000x128xf32, #tpu.memory_space<hbm>>
    tpu.enqueue_indirect_dma source(%dma_start3A_94 : memref<100000x128xf32, #tpu.memory_space<hbm>>) target(%dma_start3A_89 : memref<128x128xf32, #tpu.memory_space<vmem>>) offsets(%dma_start3A_91 : memref<128xi32, #tpu.memory_space<vmem>>) semaphore(%arg18 : memref<!tpu.dma_semaphore, #tpu.memory_space<semaphore_mem>>)
    %dma_wait3A_95 = arith.constant 0 : i32
    %dma_wait3A_96 = arith.constant 0 : i32
    %dma_wait3A_97 = tpu.memref_slice %arg12[%dma_wait3A_95, %dma_wait3A_96] : memref<384x128xf32, #tpu.memory_space<vmem>> -> memref<128x128xf32, #tpu.memory_space<vmem>>
    %dma_wait3A_98 = arith.constant 384 : i32
    %dma_wait3A_99 = tpu.memref_slice %arg9[%dma_wait3A_98] : memref<2688xi32, #tpu.memory_space<vmem>> -> memref<128xi32, #tpu.memory_space<vmem>>
    %dma_wait3A_100 = arith.constant 0 : i32
    %dma_wait3A_101 = arith.constant 0 : i32
    %dma_wait3A_102 = tpu.memref_slice %arg3[%dma_wait3A_100, %dma_wait3A_101] : memref<100000x128xf32, #tpu.memory_space<hbm>> -> memref<100000x128xf32, #tpu.memory_space<hbm>>
    tpu.wait_indirect_dma semaphore(%arg16 : memref<!tpu.dma_semaphore, #tpu.memory_space<semaphore_mem>>) src(%dma_wait3A_102 : memref<100000x128xf32, #tpu.memory_space<hbm>>) dst(%dma_wait3A_97 : memref<128x128xf32, #tpu.memory_space<vmem>>)
    %dma_wait3A_103 = arith.constant 128 : i32
    %dma_wait3A_104 = arith.constant 0 : i32
    %dma_wait3A_105 = tpu.memref_slice %arg12[%dma_wait3A_103, %dma_wait3A_104] : memref<384x128xf32, #tpu.memory_space<vmem>> -> memref<128x128xf32, #tpu.memory_space<vmem>>
    %dma_wait3A_106 = arith.constant 512 : i32
    %dma_wait3A_107 = tpu.memref_slice %arg9[%dma_wait3A_106] : memref<2688xi32, #tpu.memory_space<vmem>> -> memref<128xi32, #tpu.memory_space<vmem>>
    %dma_wait3A_108 = arith.constant 0 : i32
    %dma_wait3A_109 = arith.constant 0 : i32
    %dma_wait3A_110 = tpu.memref_slice %arg3[%dma_wait3A_108, %dma_wait3A_109] : memref<100000x128xf32, #tpu.memory_space<hbm>> -> memref<100000x128xf32, #tpu.memory_space<hbm>>
    tpu.wait_indirect_dma semaphore(%arg17 : memref<!tpu.dma_semaphore, #tpu.memory_space<semaphore_mem>>) src(%dma_wait3A_110 : memref<100000x128xf32, #tpu.memory_space<hbm>>) dst(%dma_wait3A_105 : memref<128x128xf32, #tpu.memory_space<vmem>>)
    %dma_wait3A_111 = arith.constant 256 : i32
    %dma_wait3A_112 = arith.constant 0 : i32
    %dma_wait3A_113 = tpu.memref_slice %arg12[%dma_wait3A_111, %dma_wait3A_112] : memref<384x128xf32, #tpu.memory_space<vmem>> -> memref<128x128xf32, #tpu.memory_space<vmem>>
    %dma_wait3A_114 = arith.constant 640 : i32
    %dma_wait3A_115 = tpu.memref_slice %arg9[%dma_wait3A_114] : memref<2688xi32, #tpu.memory_space<vmem>> -> memref<128xi32, #tpu.memory_space<vmem>>
    %dma_wait3A_116 = arith.constant 0 : i32
    %dma_wait3A_117 = arith.constant 0 : i32
    %dma_wait3A_118 = tpu.memref_slice %arg3[%dma_wait3A_116, %dma_wait3A_117] : memref<100000x128xf32, #tpu.memory_space<hbm>> -> memref<100000x128xf32, #tpu.memory_space<hbm>>
    tpu.wait_indirect_dma semaphore(%arg18 : memref<!tpu.dma_semaphore, #tpu.memory_space<semaphore_mem>>) src(%dma_wait3A_118 : memref<100000x128xf32, #tpu.memory_space<hbm>>) dst(%dma_wait3A_113 : memref<128x128xf32, #tpu.memory_space<vmem>>)
    %mul3A_119 = arith.constant 2688 : i32
    %mul3A_120 = arith.muli %add3A, %mul3A_119 : i32
    %add3A_121 = arith.constant 384 : i32
    %add3A_122 = arith.addi %mul3A_120, %add3A_121 : i32
    %dma_start3A_123 = arith.constant 0 : i32
    %dma_start3A_124 = tpu.memref_slice %arg7[%add3A_122, %dma_start3A_123] : memref<86016x128xf32, #tpu.memory_space<hbm>> -> memref<384x128xf32, #tpu.memory_space<hbm>>
    %dma_start3A_125 = arith.constant 0 : i32
    %dma_start3A_126 = tpu.memref_slice %arg7[%add3A_122, %dma_start3A_125] : memref<86016x128xf32, #tpu.memory_space<hbm>> -> memref<384x128xf32, #tpu.memory_space<hbm>>
    tpu.enqueue_dma source(%arg12 : memref<384x128xf32, #tpu.memory_space<vmem>>) target(%dma_start3A_126 : memref<384x128xf32, #tpu.memory_space<hbm>>) target_semaphore(%arg20 : memref<!tpu.dma_semaphore, #tpu.memory_space<semaphore_mem>>)
    %dma_wait3A_127 = arith.constant 0 : i32
    %dma_wait3A_128 = tpu.memref_slice %arg7[%add3A_66, %dma_wait3A_127] : memref<86016x128xf32, #tpu.memory_space<hbm>> -> memref<384x128xf32, #tpu.memory_space<hbm>>
    %dma_wait3A_129 = arith.constant 0 : i32
    %dma_wait3A_130 = tpu.memref_slice %arg7[%add3A_66, %dma_wait3A_129] : memref<86016x128xf32, #tpu.memory_space<hbm>> -> memref<384x128xf32, #tpu.memory_space<hbm>>
    tpu.wait_dma2 semaphore(%arg19 : memref<!tpu.dma_semaphore, #tpu.memory_space<semaphore_mem>>) src(%arg11 : memref<384x128xf32, #tpu.memory_space<vmem>>) dst(%dma_wait3A_130 : memref<384x128xf32, #tpu.memory_space<hbm>>)
    %dma_start3A_131 = arith.constant 0 : i32
    %dma_start3A_132 = arith.constant 0 : i32
    %dma_start3A_133 = tpu.memref_slice %arg11[%dma_start3A_131, %dma_start3A_132] : memref<384x128xf32, #tpu.memory_space<vmem>> -> memref<128x128xf32, #tpu.memory_space<vmem>>
    %dma_start3A_134 = arith.constant 768 : i32
    %dma_start3A_135 = tpu.memref_slice %arg9[%dma_start3A_134] : memref<2688xi32, #tpu.memory_space<vmem>> -> memref<128xi32, #tpu.memory_space<vmem>>
    %dma_start3A_136 = arith.constant 0 : i32
    %dma_start3A_137 = arith.constant 0 : i32
    %dma_start3A_138 = tpu.memref_slice %arg3[%dma_start3A_136, %dma_start3A_137] : memref<100000x128xf32, #tpu.memory_space<hbm>> -> memref<100000x128xf32, #tpu.memory_space<hbm>>
    tpu.enqueue_indirect_dma source(%dma_start3A_138 : memref<100000x128xf32, #tpu.memory_space<hbm>>) target(%dma_start3A_133 : memref<128x128xf32, #tpu.memory_space<vmem>>) offsets(%dma_start3A_135 : memref<128xi32, #tpu.memory_space<vmem>>) semaphore(%arg13 : memref<!tpu.dma_semaphore, #tpu.memory_space<semaphore_mem>>)
    %dma_start3A_139 = arith.constant 128 : i32
    %dma_start3A_140 = arith.constant 0 : i32
    %dma_start3A_141 = tpu.memref_slice %arg11[%dma_start3A_139, %dma_start3A_140] : memref<384x128xf32, #tpu.memory_space<vmem>> -> memref<128x128xf32, #tpu.memory_space<vmem>>
    %dma_start3A_142 = arith.constant 896 : i32
    %dma_start3A_143 = tpu.memref_slice %arg9[%dma_start3A_142] : memref<2688xi32, #tpu.memory_space<vmem>> -> memref<128xi32, #tpu.memory_space<vmem>>
    %dma_start3A_144 = arith.constant 0 : i32
    %dma_start3A_145 = arith.constant 0 : i32
    %dma_start3A_146 = tpu.memref_slice %arg3[%dma_start3A_144, %dma_start3A_145] : memref<100000x128xf32, #tpu.memory_space<hbm>> -> memref<100000x128xf32, #tpu.memory_space<hbm>>
    tpu.enqueue_indirect_dma source(%dma_start3A_146 : memref<100000x128xf32, #tpu.memory_space<hbm>>) target(%dma_start3A_141 : memref<128x128xf32, #tpu.memory_space<vmem>>) offsets(%dma_start3A_143 : memref<128xi32, #tpu.memory_space<vmem>>) semaphore(%arg14 : memref<!tpu.dma_semaphore, #tpu.memory_space<semaphore_mem>>)
    %dma_start3A_147 = arith.constant 256 : i32
    %dma_start3A_148 = arith.constant 0 : i32
    %dma_start3A_149 = tpu.memref_slice %arg11[%dma_start3A_147, %dma_start3A_148] : memref<384x128xf32, #tpu.memory_space<vmem>> -> memref<128x128xf32, #tpu.memory_space<vmem>>
    %dma_start3A_150 = arith.constant 1024 : i32
    %dma_start3A_151 = tpu.memref_slice %arg9[%dma_start3A_150] : memref<2688xi32, #tpu.memory_space<vmem>> -> memref<128xi32, #tpu.memory_space<vmem>>
    %dma_start3A_152 = arith.constant 0 : i32
    %dma_start3A_153 = arith.constant 0 : i32
    %dma_start3A_154 = tpu.memref_slice %arg3[%dma_start3A_152, %dma_start3A_153] : memref<100000x128xf32, #tpu.memory_space<hbm>> -> memref<100000x128xf32, #tpu.memory_space<hbm>>
    tpu.enqueue_indirect_dma source(%dma_start3A_154 : memref<100000x128xf32, #tpu.memory_space<hbm>>) target(%dma_start3A_149 : memref<128x128xf32, #tpu.memory_space<vmem>>) offsets(%dma_start3A_151 : memref<128xi32, #tpu.memory_space<vmem>>) semaphore(%arg15 : memref<!tpu.dma_semaphore, #tpu.memory_space<semaphore_mem>>)
    %dma_wait3A_155 = arith.constant 0 : i32
    %dma_wait3A_156 = arith.constant 0 : i32
    %dma_wait3A_157 = tpu.memref_slice %arg11[%dma_wait3A_155, %dma_wait3A_156] : memref<384x128xf32, #tpu.memory_space<vmem>> -> memref<128x128xf32, #tpu.memory_space<vmem>>
    %dma_wait3A_158 = arith.constant 768 : i32
    %dma_wait3A_159 = tpu.memref_slice %arg9[%dma_wait3A_158] : memref<2688xi32, #tpu.memory_space<vmem>> -> memref<128xi32, #tpu.memory_space<vmem>>
    %dma_wait3A_160 = arith.constant 0 : i32
    %dma_wait3A_161 = arith.constant 0 : i32
    %dma_wait3A_162 = tpu.memref_slice %arg3[%dma_wait3A_160, %dma_wait3A_161] : memref<100000x128xf32, #tpu.memory_space<hbm>> -> memref<100000x128xf32, #tpu.memory_space<hbm>>
    tpu.wait_indirect_dma semaphore(%arg13 : memref<!tpu.dma_semaphore, #tpu.memory_space<semaphore_mem>>) src(%dma_wait3A_162 : memref<100000x128xf32, #tpu.memory_space<hbm>>) dst(%dma_wait3A_157 : memref<128x128xf32, #tpu.memory_space<vmem>>)
    %dma_wait3A_163 = arith.constant 128 : i32
    %dma_wait3A_164 = arith.constant 0 : i32
    %dma_wait3A_165 = tpu.memref_slice %arg11[%dma_wait3A_163, %dma_wait3A_164] : memref<384x128xf32, #tpu.memory_space<vmem>> -> memref<128x128xf32, #tpu.memory_space<vmem>>
    %dma_wait3A_166 = arith.constant 896 : i32
    %dma_wait3A_167 = tpu.memref_slice %arg9[%dma_wait3A_166] : memref<2688xi32, #tpu.memory_space<vmem>> -> memref<128xi32, #tpu.memory_space<vmem>>
    %dma_wait3A_168 = arith.constant 0 : i32
    %dma_wait3A_169 = arith.constant 0 : i32
    %dma_wait3A_170 = tpu.memref_slice %arg3[%dma_wait3A_168, %dma_wait3A_169] : memref<100000x128xf32, #tpu.memory_space<hbm>> -> memref<100000x128xf32, #tpu.memory_space<hbm>>
    tpu.wait_indirect_dma semaphore(%arg14 : memref<!tpu.dma_semaphore, #tpu.memory_space<semaphore_mem>>) src(%dma_wait3A_170 : memref<100000x128xf32, #tpu.memory_space<hbm>>) dst(%dma_wait3A_165 : memref<128x128xf32, #tpu.memory_space<vmem>>)
    %dma_wait3A_171 = arith.constant 256 : i32
    %dma_wait3A_172 = arith.constant 0 : i32
    %dma_wait3A_173 = tpu.memref_slice %arg11[%dma_wait3A_171, %dma_wait3A_172] : memref<384x128xf32, #tpu.memory_space<vmem>> -> memref<128x128xf32, #tpu.memory_space<vmem>>
    %dma_wait3A_174 = arith.constant 1024 : i32
    %dma_wait3A_175 = tpu.memref_slice %arg9[%dma_wait3A_174] : memref<2688xi32, #tpu.memory_space<vmem>> -> memref<128xi32, #tpu.memory_space<vmem>>
    %dma_wait3A_176 = arith.constant 0 : i32
    %dma_wait3A_177 = arith.constant 0 : i32
    %dma_wait3A_178 = tpu.memref_slice %arg3[%dma_wait3A_176, %dma_wait3A_177] : memref<100000x128xf32, #tpu.memory_space<hbm>> -> memref<100000x128xf32, #tpu.memory_space<hbm>>
    tpu.wait_indirect_dma semaphore(%arg15 : memref<!tpu.dma_semaphore, #tpu.memory_space<semaphore_mem>>) src(%dma_wait3A_178 : memref<100000x128xf32, #tpu.memory_space<hbm>>) dst(%dma_wait3A_173 : memref<128x128xf32, #tpu.memory_space<vmem>>)
    %mul3A_179 = arith.constant 2688 : i32
    %mul3A_180 = arith.muli %add3A, %mul3A_179 : i32
    %add3A_181 = arith.constant 768 : i32
    %add3A_182 = arith.addi %mul3A_180, %add3A_181 : i32
    %dma_start3A_183 = arith.constant 0 : i32
    %dma_start3A_184 = tpu.memref_slice %arg7[%add3A_182, %dma_start3A_183] : memref<86016x128xf32, #tpu.memory_space<hbm>> -> memref<384x128xf32, #tpu.memory_space<hbm>>
    %dma_start3A_185 = arith.constant 0 : i32
    %dma_start3A_186 = tpu.memref_slice %arg7[%add3A_182, %dma_start3A_185] : memref<86016x128xf32, #tpu.memory_space<hbm>> -> memref<384x128xf32, #tpu.memory_space<hbm>>
    tpu.enqueue_dma source(%arg11 : memref<384x128xf32, #tpu.memory_space<vmem>>) target(%dma_start3A_186 : memref<384x128xf32, #tpu.memory_space<hbm>>) target_semaphore(%arg19 : memref<!tpu.dma_semaphore, #tpu.memory_space<semaphore_mem>>)
    %dma_wait3A_187 = arith.constant 0 : i32
    %dma_wait3A_188 = tpu.memref_slice %arg7[%add3A_122, %dma_wait3A_187] : memref<86016x128xf32, #tpu.memory_space<hbm>> -> memref<384x128xf32, #tpu.memory_space<hbm>>
    %dma_wait3A_189 = arith.constant 0 : i32
    %dma_wait3A_190 = tpu.memref_slice %arg7[%add3A_122, %dma_wait3A_189] : memref<86016x128xf32, #tpu.memory_space<hbm>> -> memref<384x128xf32, #tpu.memory_space<hbm>>
    tpu.wait_dma2 semaphore(%arg20 : memref<!tpu.dma_semaphore, #tpu.memory_space<semaphore_mem>>) src(%arg12 : memref<384x128xf32, #tpu.memory_space<vmem>>) dst(%dma_wait3A_190 : memref<384x128xf32, #tpu.memory_space<hbm>>)
    %dma_start3A_191 = arith.constant 0 : i32
    %dma_start3A_192 = arith.constant 0 : i32
    %dma_start3A_193 = tpu.memref_slice %arg12[%dma_start3A_191, %dma_start3A_192] : memref<384x128xf32, #tpu.memory_space<vmem>> -> memref<128x128xf32, #tpu.memory_space<vmem>>
    %dma_start3A_194 = arith.constant 1152 : i32
    %dma_start3A_195 = tpu.memref_slice %arg9[%dma_start3A_194] : memref<2688xi32, #tpu.memory_space<vmem>> -> memref<128xi32, #tpu.memory_space<vmem>>
    %dma_start3A_196 = arith.constant 0 : i32
    %dma_start3A_197 = arith.constant 0 : i32
    %dma_start3A_198 = tpu.memref_slice %arg3[%dma_start3A_196, %dma_start3A_197] : memref<100000x128xf32, #tpu.memory_space<hbm>> -> memref<100000x128xf32, #tpu.memory_space<hbm>>
    tpu.enqueue_indirect_dma source(%dma_start3A_198 : memref<100000x128xf32, #tpu.memory_space<hbm>>) target(%dma_start3A_193 : memref<128x128xf32, #tpu.memory_space<vmem>>) offsets(%dma_start3A_195 : memref<128xi32, #tpu.memory_space<vmem>>) semaphore(%arg16 : memref<!tpu.dma_semaphore, #tpu.memory_space<semaphore_mem>>)
    %dma_start3A_199 = arith.constant 128 : i32
    %dma_start3A_200 = arith.constant 0 : i32
    %dma_start3A_201 = tpu.memref_slice %arg12[%dma_start3A_199, %dma_start3A_200] : memref<384x128xf32, #tpu.memory_space<vmem>> -> memref<128x128xf32, #tpu.memory_space<vmem>>
    %dma_start3A_202 = arith.constant 1280 : i32
    %dma_start3A_203 = tpu.memref_slice %arg9[%dma_start3A_202] : memref<2688xi32, #tpu.memory_space<vmem>> -> memref<128xi32, #tpu.memory_space<vmem>>
    %dma_start3A_204 = arith.constant 0 : i32
    %dma_start3A_205 = arith.constant 0 : i32
    %dma_start3A_206 = tpu.memref_slice %arg3[%dma_start3A_204, %dma_start3A_205] : memref<100000x128xf32, #tpu.memory_space<hbm>> -> memref<100000x128xf32, #tpu.memory_space<hbm>>
    tpu.enqueue_indirect_dma source(%dma_start3A_206 : memref<100000x128xf32, #tpu.memory_space<hbm>>) target(%dma_start3A_201 : memref<128x128xf32, #tpu.memory_space<vmem>>) offsets(%dma_start3A_203 : memref<128xi32, #tpu.memory_space<vmem>>) semaphore(%arg17 : memref<!tpu.dma_semaphore, #tpu.memory_space<semaphore_mem>>)
    %dma_start3A_207 = arith.constant 256 : i32
    %dma_start3A_208 = arith.constant 0 : i32
    %dma_start3A_209 = tpu.memref_slice %arg12[%dma_start3A_207, %dma_start3A_208] : memref<384x128xf32, #tpu.memory_space<vmem>> -> memref<128x128xf32, #tpu.memory_space<vmem>>
    %dma_start3A_210 = arith.constant 1408 : i32
    %dma_start3A_211 = tpu.memref_slice %arg9[%dma_start3A_210] : memref<2688xi32, #tpu.memory_space<vmem>> -> memref<128xi32, #tpu.memory_space<vmem>>
    %dma_start3A_212 = arith.constant 0 : i32
    %dma_start3A_213 = arith.constant 0 : i32
    %dma_start3A_214 = tpu.memref_slice %arg3[%dma_start3A_212, %dma_start3A_213] : memref<100000x128xf32, #tpu.memory_space<hbm>> -> memref<100000x128xf32, #tpu.memory_space<hbm>>
    tpu.enqueue_indirect_dma source(%dma_start3A_214 : memref<100000x128xf32, #tpu.memory_space<hbm>>) target(%dma_start3A_209 : memref<128x128xf32, #tpu.memory_space<vmem>>) offsets(%dma_start3A_211 : memref<128xi32, #tpu.memory_space<vmem>>) semaphore(%arg18 : memref<!tpu.dma_semaphore, #tpu.memory_space<semaphore_mem>>)
    %dma_wait3A_215 = arith.constant 0 : i32
    %dma_wait3A_216 = arith.constant 0 : i32
    %dma_wait3A_217 = tpu.memref_slice %arg12[%dma_wait3A_215, %dma_wait3A_216] : memref<384x128xf32, #tpu.memory_space<vmem>> -> memref<128x128xf32, #tpu.memory_space<vmem>>
    %dma_wait3A_218 = arith.constant 1152 : i32
    %dma_wait3A_219 = tpu.memref_slice %arg9[%dma_wait3A_218] : memref<2688xi32, #tpu.memory_space<vmem>> -> memref<128xi32, #tpu.memory_space<vmem>>
    %dma_wait3A_220 = arith.constant 0 : i32
    %dma_wait3A_221 = arith.constant 0 : i32
    %dma_wait3A_222 = tpu.memref_slice %arg3[%dma_wait3A_220, %dma_wait3A_221] : memref<100000x128xf32, #tpu.memory_space<hbm>> -> memref<100000x128xf32, #tpu.memory_space<hbm>>
    tpu.wait_indirect_dma semaphore(%arg16 : memref<!tpu.dma_semaphore, #tpu.memory_space<semaphore_mem>>) src(%dma_wait3A_222 : memref<100000x128xf32, #tpu.memory_space<hbm>>) dst(%dma_wait3A_217 : memref<128x128xf32, #tpu.memory_space<vmem>>)
    %dma_wait3A_223 = arith.constant 128 : i32
    %dma_wait3A_224 = arith.constant 0 : i32
    %dma_wait3A_225 = tpu.memref_slice %arg12[%dma_wait3A_223, %dma_wait3A_224] : memref<384x128xf32, #tpu.memory_space<vmem>> -> memref<128x128xf32, #tpu.memory_space<vmem>>
    %dma_wait3A_226 = arith.constant 1280 : i32
    %dma_wait3A_227 = tpu.memref_slice %arg9[%dma_wait3A_226] : memref<2688xi32, #tpu.memory_space<vmem>> -> memref<128xi32, #tpu.memory_space<vmem>>
    %dma_wait3A_228 = arith.constant 0 : i32
    %dma_wait3A_229 = arith.constant 0 : i32
    %dma_wait3A_230 = tpu.memref_slice %arg3[%dma_wait3A_228, %dma_wait3A_229] : memref<100000x128xf32, #tpu.memory_space<hbm>> -> memref<100000x128xf32, #tpu.memory_space<hbm>>
    tpu.wait_indirect_dma semaphore(%arg17 : memref<!tpu.dma_semaphore, #tpu.memory_space<semaphore_mem>>) src(%dma_wait3A_230 : memref<100000x128xf32, #tpu.memory_space<hbm>>) dst(%dma_wait3A_225 : memref<128x128xf32, #tpu.memory_space<vmem>>)
    %dma_wait3A_231 = arith.constant 256 : i32
    %dma_wait3A_232 = arith.constant 0 : i32
    %dma_wait3A_233 = tpu.memref_slice %arg12[%dma_wait3A_231, %dma_wait3A_232] : memref<384x128xf32, #tpu.memory_space<vmem>> -> memref<128x128xf32, #tpu.memory_space<vmem>>
    %dma_wait3A_234 = arith.constant 1408 : i32
    %dma_wait3A_235 = tpu.memref_slice %arg9[%dma_wait3A_234] : memref<2688xi32, #tpu.memory_space<vmem>> -> memref<128xi32, #tpu.memory_space<vmem>>
    %dma_wait3A_236 = arith.constant 0 : i32
    %dma_wait3A_237 = arith.constant 0 : i32
    %dma_wait3A_238 = tpu.memref_slice %arg3[%dma_wait3A_236, %dma_wait3A_237] : memref<100000x128xf32, #tpu.memory_space<hbm>> -> memref<100000x128xf32, #tpu.memory_space<hbm>>
    tpu.wait_indirect_dma semaphore(%arg18 : memref<!tpu.dma_semaphore, #tpu.memory_space<semaphore_mem>>) src(%dma_wait3A_238 : memref<100000x128xf32, #tpu.memory_space<hbm>>) dst(%dma_wait3A_233 : memref<128x128xf32, #tpu.memory_space<vmem>>)
    %mul3A_239 = arith.constant 2688 : i32
    %mul3A_240 = arith.muli %add3A, %mul3A_239 : i32
    %add3A_241 = arith.constant 1152 : i32
    %add3A_242 = arith.addi %mul3A_240, %add3A_241 : i32
    %dma_start3A_243 = arith.constant 0 : i32
    %dma_start3A_244 = tpu.memref_slice %arg7[%add3A_242, %dma_start3A_243] : memref<86016x128xf32, #tpu.memory_space<hbm>> -> memref<384x128xf32, #tpu.memory_space<hbm>>
    %dma_start3A_245 = arith.constant 0 : i32
    %dma_start3A_246 = tpu.memref_slice %arg7[%add3A_242, %dma_start3A_245] : memref<86016x128xf32, #tpu.memory_space<hbm>> -> memref<384x128xf32, #tpu.memory_space<hbm>>
    tpu.enqueue_dma source(%arg12 : memref<384x128xf32, #tpu.memory_space<vmem>>) target(%dma_start3A_246 : memref<384x128xf32, #tpu.memory_space<hbm>>) target_semaphore(%arg20 : memref<!tpu.dma_semaphore, #tpu.memory_space<semaphore_mem>>)
    %dma_wait3A_247 = arith.constant 0 : i32
    %dma_wait3A_248 = tpu.memref_slice %arg7[%add3A_182, %dma_wait3A_247] : memref<86016x128xf32, #tpu.memory_space<hbm>> -> memref<384x128xf32, #tpu.memory_space<hbm>>
    %dma_wait3A_249 = arith.constant 0 : i32
    %dma_wait3A_250 = tpu.memref_slice %arg7[%add3A_182, %dma_wait3A_249] : memref<86016x128xf32, #tpu.memory_space<hbm>> -> memref<384x128xf32, #tpu.memory_space<hbm>>
    tpu.wait_dma2 semaphore(%arg19 : memref<!tpu.dma_semaphore, #tpu.memory_space<semaphore_mem>>) src(%arg11 : memref<384x128xf32, #tpu.memory_space<vmem>>) dst(%dma_wait3A_250 : memref<384x128xf32, #tpu.memory_space<hbm>>)
    %dma_start3A_251 = arith.constant 0 : i32
    %dma_start3A_252 = arith.constant 0 : i32
    %dma_start3A_253 = tpu.memref_slice %arg11[%dma_start3A_251, %dma_start3A_252] : memref<384x128xf32, #tpu.memory_space<vmem>> -> memref<128x128xf32, #tpu.memory_space<vmem>>
    %dma_start3A_254 = arith.constant 1536 : i32
    %dma_start3A_255 = tpu.memref_slice %arg9[%dma_start3A_254] : memref<2688xi32, #tpu.memory_space<vmem>> -> memref<128xi32, #tpu.memory_space<vmem>>
    %dma_start3A_256 = arith.constant 0 : i32
    %dma_start3A_257 = arith.constant 0 : i32
    %dma_start3A_258 = tpu.memref_slice %arg3[%dma_start3A_256, %dma_start3A_257] : memref<100000x128xf32, #tpu.memory_space<hbm>> -> memref<100000x128xf32, #tpu.memory_space<hbm>>
    tpu.enqueue_indirect_dma source(%dma_start3A_258 : memref<100000x128xf32, #tpu.memory_space<hbm>>) target(%dma_start3A_253 : memref<128x128xf32, #tpu.memory_space<vmem>>) offsets(%dma_start3A_255 : memref<128xi32, #tpu.memory_space<vmem>>) semaphore(%arg13 : memref<!tpu.dma_semaphore, #tpu.memory_space<semaphore_mem>>)
    %dma_start3A_259 = arith.constant 128 : i32
    %dma_start3A_260 = arith.constant 0 : i32
    %dma_start3A_261 = tpu.memref_slice %arg11[%dma_start3A_259, %dma_start3A_260] : memref<384x128xf32, #tpu.memory_space<vmem>> -> memref<128x128xf32, #tpu.memory_space<vmem>>
    %dma_start3A_262 = arith.constant 1664 : i32
    %dma_start3A_263 = tpu.memref_slice %arg9[%dma_start3A_262] : memref<2688xi32, #tpu.memory_space<vmem>> -> memref<128xi32, #tpu.memory_space<vmem>>
    %dma_start3A_264 = arith.constant 0 : i32
    %dma_start3A_265 = arith.constant 0 : i32
    %dma_start3A_266 = tpu.memref_slice %arg3[%dma_start3A_264, %dma_start3A_265] : memref<100000x128xf32, #tpu.memory_space<hbm>> -> memref<100000x128xf32, #tpu.memory_space<hbm>>
    tpu.enqueue_indirect_dma source(%dma_start3A_266 : memref<100000x128xf32, #tpu.memory_space<hbm>>) target(%dma_start3A_261 : memref<128x128xf32, #tpu.memory_space<vmem>>) offsets(%dma_start3A_263 : memref<128xi32, #tpu.memory_space<vmem>>) semaphore(%arg14 : memref<!tpu.dma_semaphore, #tpu.memory_space<semaphore_mem>>)
    %dma_start3A_267 = arith.constant 256 : i32
    %dma_start3A_268 = arith.constant 0 : i32
    %dma_start3A_269 = tpu.memref_slice %arg11[%dma_start3A_267, %dma_start3A_268] : memref<384x128xf32, #tpu.memory_space<vmem>> -> memref<128x128xf32, #tpu.memory_space<vmem>>
    %dma_start3A_270 = arith.constant 1792 : i32
    %dma_start3A_271 = tpu.memref_slice %arg9[%dma_start3A_270] : memref<2688xi32, #tpu.memory_space<vmem>> -> memref<128xi32, #tpu.memory_space<vmem>>
    %dma_start3A_272 = arith.constant 0 : i32
    %dma_start3A_273 = arith.constant 0 : i32
    %dma_start3A_274 = tpu.memref_slice %arg3[%dma_start3A_272, %dma_start3A_273] : memref<100000x128xf32, #tpu.memory_space<hbm>> -> memref<100000x128xf32, #tpu.memory_space<hbm>>
    tpu.enqueue_indirect_dma source(%dma_start3A_274 : memref<100000x128xf32, #tpu.memory_space<hbm>>) target(%dma_start3A_269 : memref<128x128xf32, #tpu.memory_space<vmem>>) offsets(%dma_start3A_271 : memref<128xi32, #tpu.memory_space<vmem>>) semaphore(%arg15 : memref<!tpu.dma_semaphore, #tpu.memory_space<semaphore_mem>>)
    %dma_wait3A_275 = arith.constant 0 : i32
    %dma_wait3A_276 = arith.constant 0 : i32
    %dma_wait3A_277 = tpu.memref_slice %arg11[%dma_wait3A_275, %dma_wait3A_276] : memref<384x128xf32, #tpu.memory_space<vmem>> -> memref<128x128xf32, #tpu.memory_space<vmem>>
    %dma_wait3A_278 = arith.constant 1536 : i32
    %dma_wait3A_279 = tpu.memref_slice %arg9[%dma_wait3A_278] : memref<2688xi32, #tpu.memory_space<vmem>> -> memref<128xi32, #tpu.memory_space<vmem>>
    %dma_wait3A_280 = arith.constant 0 : i32
    %dma_wait3A_281 = arith.constant 0 : i32
    %dma_wait3A_282 = tpu.memref_slice %arg3[%dma_wait3A_280, %dma_wait3A_281] : memref<100000x128xf32, #tpu.memory_space<hbm>> -> memref<100000x128xf32, #tpu.memory_space<hbm>>
    tpu.wait_indirect_dma semaphore(%arg13 : memref<!tpu.dma_semaphore, #tpu.memory_space<semaphore_mem>>) src(%dma_wait3A_282 : memref<100000x128xf32, #tpu.memory_space<hbm>>) dst(%dma_wait3A_277 : memref<128x128xf32, #tpu.memory_space<vmem>>)
    %dma_wait3A_283 = arith.constant 128 : i32
    %dma_wait3A_284 = arith.constant 0 : i32
    %dma_wait3A_285 = tpu.memref_slice %arg11[%dma_wait3A_283, %dma_wait3A_284] : memref<384x128xf32, #tpu.memory_space<vmem>> -> memref<128x128xf32, #tpu.memory_space<vmem>>
    %dma_wait3A_286 = arith.constant 1664 : i32
    %dma_wait3A_287 = tpu.memref_slice %arg9[%dma_wait3A_286] : memref<2688xi32, #tpu.memory_space<vmem>> -> memref<128xi32, #tpu.memory_space<vmem>>
    %dma_wait3A_288 = arith.constant 0 : i32
    %dma_wait3A_289 = arith.constant 0 : i32
    %dma_wait3A_290 = tpu.memref_slice %arg3[%dma_wait3A_288, %dma_wait3A_289] : memref<100000x128xf32, #tpu.memory_space<hbm>> -> memref<100000x128xf32, #tpu.memory_space<hbm>>
    tpu.wait_indirect_dma semaphore(%arg14 : memref<!tpu.dma_semaphore, #tpu.memory_space<semaphore_mem>>) src(%dma_wait3A_290 : memref<100000x128xf32, #tpu.memory_space<hbm>>) dst(%dma_wait3A_285 : memref<128x128xf32, #tpu.memory_space<vmem>>)
    %dma_wait3A_291 = arith.constant 256 : i32
    %dma_wait3A_292 = arith.constant 0 : i32
    %dma_wait3A_293 = tpu.memref_slice %arg11[%dma_wait3A_291, %dma_wait3A_292] : memref<384x128xf32, #tpu.memory_space<vmem>> -> memref<128x128xf32, #tpu.memory_space<vmem>>
    %dma_wait3A_294 = arith.constant 1792 : i32
    %dma_wait3A_295 = tpu.memref_slice %arg9[%dma_wait3A_294] : memref<2688xi32, #tpu.memory_space<vmem>> -> memref<128xi32, #tpu.memory_space<vmem>>
    %dma_wait3A_296 = arith.constant 0 : i32
    %dma_wait3A_297 = arith.constant 0 : i32
    %dma_wait3A_298 = tpu.memref_slice %arg3[%dma_wait3A_296, %dma_wait3A_297] : memref<100000x128xf32, #tpu.memory_space<hbm>> -> memref<100000x128xf32, #tpu.memory_space<hbm>>
    tpu.wait_indirect_dma semaphore(%arg15 : memref<!tpu.dma_semaphore, #tpu.memory_space<semaphore_mem>>) src(%dma_wait3A_298 : memref<100000x128xf32, #tpu.memory_space<hbm>>) dst(%dma_wait3A_293 : memref<128x128xf32, #tpu.memory_space<vmem>>)
    %mul3A_299 = arith.constant 2688 : i32
    %mul3A_300 = arith.muli %add3A, %mul3A_299 : i32
    %add3A_301 = arith.constant 1536 : i32
    %add3A_302 = arith.addi %mul3A_300, %add3A_301 : i32
    %dma_start3A_303 = arith.constant 0 : i32
    %dma_start3A_304 = tpu.memref_slice %arg7[%add3A_302, %dma_start3A_303] : memref<86016x128xf32, #tpu.memory_space<hbm>> -> memref<384x128xf32, #tpu.memory_space<hbm>>
    %dma_start3A_305 = arith.constant 0 : i32
    %dma_start3A_306 = tpu.memref_slice %arg7[%add3A_302, %dma_start3A_305] : memref<86016x128xf32, #tpu.memory_space<hbm>> -> memref<384x128xf32, #tpu.memory_space<hbm>>
    tpu.enqueue_dma source(%arg11 : memref<384x128xf32, #tpu.memory_space<vmem>>) target(%dma_start3A_306 : memref<384x128xf32, #tpu.memory_space<hbm>>) target_semaphore(%arg19 : memref<!tpu.dma_semaphore, #tpu.memory_space<semaphore_mem>>)
    %dma_wait3A_307 = arith.constant 0 : i32
    %dma_wait3A_308 = tpu.memref_slice %arg7[%add3A_242, %dma_wait3A_307] : memref<86016x128xf32, #tpu.memory_space<hbm>> -> memref<384x128xf32, #tpu.memory_space<hbm>>
    %dma_wait3A_309 = arith.constant 0 : i32
    %dma_wait3A_310 = tpu.memref_slice %arg7[%add3A_242, %dma_wait3A_309] : memref<86016x128xf32, #tpu.memory_space<hbm>> -> memref<384x128xf32, #tpu.memory_space<hbm>>
    tpu.wait_dma2 semaphore(%arg20 : memref<!tpu.dma_semaphore, #tpu.memory_space<semaphore_mem>>) src(%arg12 : memref<384x128xf32, #tpu.memory_space<vmem>>) dst(%dma_wait3A_310 : memref<384x128xf32, #tpu.memory_space<hbm>>)
    %dma_start3A_311 = arith.constant 0 : i32
    %dma_start3A_312 = arith.constant 0 : i32
    %dma_start3A_313 = tpu.memref_slice %arg12[%dma_start3A_311, %dma_start3A_312] : memref<384x128xf32, #tpu.memory_space<vmem>> -> memref<128x128xf32, #tpu.memory_space<vmem>>
    %dma_start3A_314 = arith.constant 1920 : i32
    %dma_start3A_315 = tpu.memref_slice %arg9[%dma_start3A_314] : memref<2688xi32, #tpu.memory_space<vmem>> -> memref<128xi32, #tpu.memory_space<vmem>>
    %dma_start3A_316 = arith.constant 0 : i32
    %dma_start3A_317 = arith.constant 0 : i32
    %dma_start3A_318 = tpu.memref_slice %arg3[%dma_start3A_316, %dma_start3A_317] : memref<100000x128xf32, #tpu.memory_space<hbm>> -> memref<100000x128xf32, #tpu.memory_space<hbm>>
    tpu.enqueue_indirect_dma source(%dma_start3A_318 : memref<100000x128xf32, #tpu.memory_space<hbm>>) target(%dma_start3A_313 : memref<128x128xf32, #tpu.memory_space<vmem>>) offsets(%dma_start3A_315 : memref<128xi32, #tpu.memory_space<vmem>>) semaphore(%arg16 : memref<!tpu.dma_semaphore, #tpu.memory_space<semaphore_mem>>)
    %dma_start3A_319 = arith.constant 128 : i32
    %dma_start3A_320 = arith.constant 0 : i32
    %dma_start3A_321 = tpu.memref_slice %arg12[%dma_start3A_319, %dma_start3A_320] : memref<384x128xf32, #tpu.memory_space<vmem>> -> memref<128x128xf32, #tpu.memory_space<vmem>>
    %dma_start3A_322 = arith.constant 2048 : i32
    %dma_start3A_323 = tpu.memref_slice %arg9[%dma_start3A_322] : memref<2688xi32, #tpu.memory_space<vmem>> -> memref<128xi32, #tpu.memory_space<vmem>>
    %dma_start3A_324 = arith.constant 0 : i32
    %dma_start3A_325 = arith.constant 0 : i32
    %dma_start3A_326 = tpu.memref_slice %arg3[%dma_start3A_324, %dma_start3A_325] : memref<100000x128xf32, #tpu.memory_space<hbm>> -> memref<100000x128xf32, #tpu.memory_space<hbm>>
    tpu.enqueue_indirect_dma source(%dma_start3A_326 : memref<100000x128xf32, #tpu.memory_space<hbm>>) target(%dma_start3A_321 : memref<128x128xf32, #tpu.memory_space<vmem>>) offsets(%dma_start3A_323 : memref<128xi32, #tpu.memory_space<vmem>>) semaphore(%arg17 : memref<!tpu.dma_semaphore, #tpu.memory_space<semaphore_mem>>)
    %dma_start3A_327 = arith.constant 256 : i32
    %dma_start3A_328 = arith.constant 0 : i32
    %dma_start3A_329 = tpu.memref_slice %arg12[%dma_start3A_327, %dma_start3A_328] : memref<384x128xf32, #tpu.memory_space<vmem>> -> memref<128x128xf32, #tpu.memory_space<vmem>>
    %dma_start3A_330 = arith.constant 2176 : i32
    %dma_start3A_331 = tpu.memref_slice %arg9[%dma_start3A_330] : memref<2688xi32, #tpu.memory_space<vmem>> -> memref<128xi32, #tpu.memory_space<vmem>>
    %dma_start3A_332 = arith.constant 0 : i32
    %dma_start3A_333 = arith.constant 0 : i32
    %dma_start3A_334 = tpu.memref_slice %arg3[%dma_start3A_332, %dma_start3A_333] : memref<100000x128xf32, #tpu.memory_space<hbm>> -> memref<100000x128xf32, #tpu.memory_space<hbm>>
    tpu.enqueue_indirect_dma source(%dma_start3A_334 : memref<100000x128xf32, #tpu.memory_space<hbm>>) target(%dma_start3A_329 : memref<128x128xf32, #tpu.memory_space<vmem>>) offsets(%dma_start3A_331 : memref<128xi32, #tpu.memory_space<vmem>>) semaphore(%arg18 : memref<!tpu.dma_semaphore, #tpu.memory_space<semaphore_mem>>)
    %dma_wait3A_335 = arith.constant 0 : i32
    %dma_wait3A_336 = arith.constant 0 : i32
    %dma_wait3A_337 = tpu.memref_slice %arg12[%dma_wait3A_335, %dma_wait3A_336] : memref<384x128xf32, #tpu.memory_space<vmem>> -> memref<128x128xf32, #tpu.memory_space<vmem>>
    %dma_wait3A_338 = arith.constant 1920 : i32
    %dma_wait3A_339 = tpu.memref_slice %arg9[%dma_wait3A_338] : memref<2688xi32, #tpu.memory_space<vmem>> -> memref<128xi32, #tpu.memory_space<vmem>>
    %dma_wait3A_340 = arith.constant 0 : i32
    %dma_wait3A_341 = arith.constant 0 : i32
    %dma_wait3A_342 = tpu.memref_slice %arg3[%dma_wait3A_340, %dma_wait3A_341] : memref<100000x128xf32, #tpu.memory_space<hbm>> -> memref<100000x128xf32, #tpu.memory_space<hbm>>
    tpu.wait_indirect_dma semaphore(%arg16 : memref<!tpu.dma_semaphore, #tpu.memory_space<semaphore_mem>>) src(%dma_wait3A_342 : memref<100000x128xf32, #tpu.memory_space<hbm>>) dst(%dma_wait3A_337 : memref<128x128xf32, #tpu.memory_space<vmem>>)
    %dma_wait3A_343 = arith.constant 128 : i32
    %dma_wait3A_344 = arith.constant 0 : i32
    %dma_wait3A_345 = tpu.memref_slice %arg12[%dma_wait3A_343, %dma_wait3A_344] : memref<384x128xf32, #tpu.memory_space<vmem>> -> memref<128x128xf32, #tpu.memory_space<vmem>>
    %dma_wait3A_346 = arith.constant 2048 : i32
    %dma_wait3A_347 = tpu.memref_slice %arg9[%dma_wait3A_346] : memref<2688xi32, #tpu.memory_space<vmem>> -> memref<128xi32, #tpu.memory_space<vmem>>
    %dma_wait3A_348 = arith.constant 0 : i32
    %dma_wait3A_349 = arith.constant 0 : i32
    %dma_wait3A_350 = tpu.memref_slice %arg3[%dma_wait3A_348, %dma_wait3A_349] : memref<100000x128xf32, #tpu.memory_space<hbm>> -> memref<100000x128xf32, #tpu.memory_space<hbm>>
    tpu.wait_indirect_dma semaphore(%arg17 : memref<!tpu.dma_semaphore, #tpu.memory_space<semaphore_mem>>) src(%dma_wait3A_350 : memref<100000x128xf32, #tpu.memory_space<hbm>>) dst(%dma_wait3A_345 : memref<128x128xf32, #tpu.memory_space<vmem>>)
    %dma_wait3A_351 = arith.constant 256 : i32
    %dma_wait3A_352 = arith.constant 0 : i32
    %dma_wait3A_353 = tpu.memref_slice %arg12[%dma_wait3A_351, %dma_wait3A_352] : memref<384x128xf32, #tpu.memory_space<vmem>> -> memref<128x128xf32, #tpu.memory_space<vmem>>
    %dma_wait3A_354 = arith.constant 2176 : i32
    %dma_wait3A_355 = tpu.memref_slice %arg9[%dma_wait3A_354] : memref<2688xi32, #tpu.memory_space<vmem>> -> memref<128xi32, #tpu.memory_space<vmem>>
    %dma_wait3A_356 = arith.constant 0 : i32
    %dma_wait3A_357 = arith.constant 0 : i32
    %dma_wait3A_358 = tpu.memref_slice %arg3[%dma_wait3A_356, %dma_wait3A_357] : memref<100000x128xf32, #tpu.memory_space<hbm>> -> memref<100000x128xf32, #tpu.memory_space<hbm>>
    tpu.wait_indirect_dma semaphore(%arg18 : memref<!tpu.dma_semaphore, #tpu.memory_space<semaphore_mem>>) src(%dma_wait3A_358 : memref<100000x128xf32, #tpu.memory_space<hbm>>) dst(%dma_wait3A_353 : memref<128x128xf32, #tpu.memory_space<vmem>>)
    %mul3A_359 = arith.constant 2688 : i32
    %mul3A_360 = arith.muli %add3A, %mul3A_359 : i32
    %add3A_361 = arith.constant 1920 : i32
    %add3A_362 = arith.addi %mul3A_360, %add3A_361 : i32
    %dma_start3A_363 = arith.constant 0 : i32
    %dma_start3A_364 = tpu.memref_slice %arg7[%add3A_362, %dma_start3A_363] : memref<86016x128xf32, #tpu.memory_space<hbm>> -> memref<384x128xf32, #tpu.memory_space<hbm>>
    %dma_start3A_365 = arith.constant 0 : i32
    %dma_start3A_366 = tpu.memref_slice %arg7[%add3A_362, %dma_start3A_365] : memref<86016x128xf32, #tpu.memory_space<hbm>> -> memref<384x128xf32, #tpu.memory_space<hbm>>
    tpu.enqueue_dma source(%arg12 : memref<384x128xf32, #tpu.memory_space<vmem>>) target(%dma_start3A_366 : memref<384x128xf32, #tpu.memory_space<hbm>>) target_semaphore(%arg20 : memref<!tpu.dma_semaphore, #tpu.memory_space<semaphore_mem>>)
    %dma_wait3A_367 = arith.constant 0 : i32
    %dma_wait3A_368 = tpu.memref_slice %arg7[%add3A_302, %dma_wait3A_367] : memref<86016x128xf32, #tpu.memory_space<hbm>> -> memref<384x128xf32, #tpu.memory_space<hbm>>
    %dma_wait3A_369 = arith.constant 0 : i32
    %dma_wait3A_370 = tpu.memref_slice %arg7[%add3A_302, %dma_wait3A_369] : memref<86016x128xf32, #tpu.memory_space<hbm>> -> memref<384x128xf32, #tpu.memory_space<hbm>>
    tpu.wait_dma2 semaphore(%arg19 : memref<!tpu.dma_semaphore, #tpu.memory_space<semaphore_mem>>) src(%arg11 : memref<384x128xf32, #tpu.memory_space<vmem>>) dst(%dma_wait3A_370 : memref<384x128xf32, #tpu.memory_space<hbm>>)
    %dma_start3A_371 = arith.constant 0 : i32
    %dma_start3A_372 = arith.constant 0 : i32
    %dma_start3A_373 = tpu.memref_slice %arg11[%dma_start3A_371, %dma_start3A_372] : memref<384x128xf32, #tpu.memory_space<vmem>> -> memref<128x128xf32, #tpu.memory_space<vmem>>
    %dma_start3A_374 = arith.constant 2304 : i32
    %dma_start3A_375 = tpu.memref_slice %arg9[%dma_start3A_374] : memref<2688xi32, #tpu.memory_space<vmem>> -> memref<128xi32, #tpu.memory_space<vmem>>
    %dma_start3A_376 = arith.constant 0 : i32
    %dma_start3A_377 = arith.constant 0 : i32
    %dma_start3A_378 = tpu.memref_slice %arg3[%dma_start3A_376, %dma_start3A_377] : memref<100000x128xf32, #tpu.memory_space<hbm>> -> memref<100000x128xf32, #tpu.memory_space<hbm>>
    tpu.enqueue_indirect_dma source(%dma_start3A_378 : memref<100000x128xf32, #tpu.memory_space<hbm>>) target(%dma_start3A_373 : memref<128x128xf32, #tpu.memory_space<vmem>>) offsets(%dma_start3A_375 : memref<128xi32, #tpu.memory_space<vmem>>) semaphore(%arg13 : memref<!tpu.dma_semaphore, #tpu.memory_space<semaphore_mem>>)
    %dma_start3A_379 = arith.constant 128 : i32
    %dma_start3A_380 = arith.constant 0 : i32
    %dma_start3A_381 = tpu.memref_slice %arg11[%dma_start3A_379, %dma_start3A_380] : memref<384x128xf32, #tpu.memory_space<vmem>> -> memref<128x128xf32, #tpu.memory_space<vmem>>
    %dma_start3A_382 = arith.constant 2432 : i32
    %dma_start3A_383 = tpu.memref_slice %arg9[%dma_start3A_382] : memref<2688xi32, #tpu.memory_space<vmem>> -> memref<128xi32, #tpu.memory_space<vmem>>
    %dma_start3A_384 = arith.constant 0 : i32
    %dma_start3A_385 = arith.constant 0 : i32
    %dma_start3A_386 = tpu.memref_slice %arg3[%dma_start3A_384, %dma_start3A_385] : memref<100000x128xf32, #tpu.memory_space<hbm>> -> memref<100000x128xf32, #tpu.memory_space<hbm>>
    tpu.enqueue_indirect_dma source(%dma_start3A_386 : memref<100000x128xf32, #tpu.memory_space<hbm>>) target(%dma_start3A_381 : memref<128x128xf32, #tpu.memory_space<vmem>>) offsets(%dma_start3A_383 : memref<128xi32, #tpu.memory_space<vmem>>) semaphore(%arg14 : memref<!tpu.dma_semaphore, #tpu.memory_space<semaphore_mem>>)
    %dma_start3A_387 = arith.constant 256 : i32
    %dma_start3A_388 = arith.constant 0 : i32
    %dma_start3A_389 = tpu.memref_slice %arg11[%dma_start3A_387, %dma_start3A_388] : memref<384x128xf32, #tpu.memory_space<vmem>> -> memref<128x128xf32, #tpu.memory_space<vmem>>
    %dma_start3A_390 = arith.constant 2560 : i32
    %dma_start3A_391 = tpu.memref_slice %arg9[%dma_start3A_390] : memref<2688xi32, #tpu.memory_space<vmem>> -> memref<128xi32, #tpu.memory_space<vmem>>
    %dma_start3A_392 = arith.constant 0 : i32
    %dma_start3A_393 = arith.constant 0 : i32
    %dma_start3A_394 = tpu.memref_slice %arg3[%dma_start3A_392, %dma_start3A_393] : memref<100000x128xf32, #tpu.memory_space<hbm>> -> memref<100000x128xf32, #tpu.memory_space<hbm>>
    tpu.enqueue_indirect_dma source(%dma_start3A_394 : memref<100000x128xf32, #tpu.memory_space<hbm>>) target(%dma_start3A_389 : memref<128x128xf32, #tpu.memory_space<vmem>>) offsets(%dma_start3A_391 : memref<128xi32, #tpu.memory_space<vmem>>) semaphore(%arg15 : memref<!tpu.dma_semaphore, #tpu.memory_space<semaphore_mem>>)
    %dma_wait3A_395 = arith.constant 0 : i32
    %dma_wait3A_396 = arith.constant 0 : i32
    %dma_wait3A_397 = tpu.memref_slice %arg11[%dma_wait3A_395, %dma_wait3A_396] : memref<384x128xf32, #tpu.memory_space<vmem>> -> memref<128x128xf32, #tpu.memory_space<vmem>>
    %dma_wait3A_398 = arith.constant 2304 : i32
    %dma_wait3A_399 = tpu.memref_slice %arg9[%dma_wait3A_398] : memref<2688xi32, #tpu.memory_space<vmem>> -> memref<128xi32, #tpu.memory_space<vmem>>
    %dma_wait3A_400 = arith.constant 0 : i32
    %dma_wait3A_401 = arith.constant 0 : i32
    %dma_wait3A_402 = tpu.memref_slice %arg3[%dma_wait3A_400, %dma_wait3A_401] : memref<100000x128xf32, #tpu.memory_space<hbm>> -> memref<100000x128xf32, #tpu.memory_space<hbm>>
    tpu.wait_indirect_dma semaphore(%arg13 : memref<!tpu.dma_semaphore, #tpu.memory_space<semaphore_mem>>) src(%dma_wait3A_402 : memref<100000x128xf32, #tpu.memory_space<hbm>>) dst(%dma_wait3A_397 : memref<128x128xf32, #tpu.memory_space<vmem>>)
    %dma_wait3A_403 = arith.constant 128 : i32
    %dma_wait3A_404 = arith.constant 0 : i32
    %dma_wait3A_405 = tpu.memref_slice %arg11[%dma_wait3A_403, %dma_wait3A_404] : memref<384x128xf32, #tpu.memory_space<vmem>> -> memref<128x128xf32, #tpu.memory_space<vmem>>
    %dma_wait3A_406 = arith.constant 2432 : i32
    %dma_wait3A_407 = tpu.memref_slice %arg9[%dma_wait3A_406] : memref<2688xi32, #tpu.memory_space<vmem>> -> memref<128xi32, #tpu.memory_space<vmem>>
    %dma_wait3A_408 = arith.constant 0 : i32
    %dma_wait3A_409 = arith.constant 0 : i32
    %dma_wait3A_410 = tpu.memref_slice %arg3[%dma_wait3A_408, %dma_wait3A_409] : memref<100000x128xf32, #tpu.memory_space<hbm>> -> memref<100000x128xf32, #tpu.memory_space<hbm>>
    tpu.wait_indirect_dma semaphore(%arg14 : memref<!tpu.dma_semaphore, #tpu.memory_space<semaphore_mem>>) src(%dma_wait3A_410 : memref<100000x128xf32, #tpu.memory_space<hbm>>) dst(%dma_wait3A_405 : memref<128x128xf32, #tpu.memory_space<vmem>>)
    %dma_wait3A_411 = arith.constant 256 : i32
    %dma_wait3A_412 = arith.constant 0 : i32
    %dma_wait3A_413 = tpu.memref_slice %arg11[%dma_wait3A_411, %dma_wait3A_412] : memref<384x128xf32, #tpu.memory_space<vmem>> -> memref<128x128xf32, #tpu.memory_space<vmem>>
    %dma_wait3A_414 = arith.constant 2560 : i32
    %dma_wait3A_415 = tpu.memref_slice %arg9[%dma_wait3A_414] : memref<2688xi32, #tpu.memory_space<vmem>> -> memref<128xi32, #tpu.memory_space<vmem>>
    %dma_wait3A_416 = arith.constant 0 : i32
    %dma_wait3A_417 = arith.constant 0 : i32
    %dma_wait3A_418 = tpu.memref_slice %arg3[%dma_wait3A_416, %dma_wait3A_417] : memref<100000x128xf32, #tpu.memory_space<hbm>> -> memref<100000x128xf32, #tpu.memory_space<hbm>>
    tpu.wait_indirect_dma semaphore(%arg15 : memref<!tpu.dma_semaphore, #tpu.memory_space<semaphore_mem>>) src(%dma_wait3A_418 : memref<100000x128xf32, #tpu.memory_space<hbm>>) dst(%dma_wait3A_413 : memref<128x128xf32, #tpu.memory_space<vmem>>)
    %mul3A_419 = arith.constant 2688 : i32
    %mul3A_420 = arith.muli %add3A, %mul3A_419 : i32
    %add3A_421 = arith.constant 2304 : i32
    %add3A_422 = arith.addi %mul3A_420, %add3A_421 : i32
    %dma_start3A_423 = arith.constant 0 : i32
    %dma_start3A_424 = tpu.memref_slice %arg7[%add3A_422, %dma_start3A_423] : memref<86016x128xf32, #tpu.memory_space<hbm>> -> memref<384x128xf32, #tpu.memory_space<hbm>>
    %dma_start3A_425 = arith.constant 0 : i32
    %dma_start3A_426 = tpu.memref_slice %arg7[%add3A_422, %dma_start3A_425] : memref<86016x128xf32, #tpu.memory_space<hbm>> -> memref<384x128xf32, #tpu.memory_space<hbm>>
    tpu.enqueue_dma source(%arg11 : memref<384x128xf32, #tpu.memory_space<vmem>>) target(%dma_start3A_426 : memref<384x128xf32, #tpu.memory_space<hbm>>) target_semaphore(%arg19 : memref<!tpu.dma_semaphore, #tpu.memory_space<semaphore_mem>>)
    %dma_wait3A_427 = arith.constant 0 : i32
    %dma_wait3A_428 = tpu.memref_slice %arg7[%add3A_422, %dma_wait3A_427] : memref<86016x128xf32, #tpu.memory_space<hbm>> -> memref<384x128xf32, #tpu.memory_space<hbm>>
    %dma_wait3A_429 = arith.constant 0 : i32
    %dma_wait3A_430 = tpu.memref_slice %arg7[%add3A_422, %dma_wait3A_429] : memref<86016x128xf32, #tpu.memory_space<hbm>> -> memref<384x128xf32, #tpu.memory_space<hbm>>
    tpu.wait_dma2 semaphore(%arg19 : memref<!tpu.dma_semaphore, #tpu.memory_space<semaphore_mem>>) src(%arg11 : memref<384x128xf32, #tpu.memory_space<vmem>>) dst(%dma_wait3A_430 : memref<384x128xf32, #tpu.memory_space<hbm>>)
    %dma_wait3A_431 = arith.constant 0 : i32
    %dma_wait3A_432 = tpu.memref_slice %arg7[%add3A_362, %dma_wait3A_431] : memref<86016x128xf32, #tpu.memory_space<hbm>> -> memref<384x128xf32, #tpu.memory_space<hbm>>
    %dma_wait3A_433 = arith.constant 0 : i32
    %dma_wait3A_434 = tpu.memref_slice %arg7[%add3A_362, %dma_wait3A_433] : memref<86016x128xf32, #tpu.memory_space<hbm>> -> memref<384x128xf32, #tpu.memory_space<hbm>>
    tpu.wait_dma2 semaphore(%arg20 : memref<!tpu.dma_semaphore, #tpu.memory_space<semaphore_mem>>) src(%arg12 : memref<384x128xf32, #tpu.memory_space<vmem>>) dst(%dma_wait3A_434 : memref<384x128xf32, #tpu.memory_space<hbm>>)
    %dma_wait3A_435 = arith.constant 0 : i32
    %dma_wait3A_436 = tpu.memref_slice %arg6[%mul3A_10, %dma_wait3A_435] : memref<4096x128xf32, #tpu.memory_space<hbm>> -> memref<128x128xf32, #tpu.memory_space<hbm>>
    %dma_wait3A_437 = arith.constant 0 : i32
    %dma_wait3A_438 = tpu.memref_slice %arg6[%mul3A_10, %dma_wait3A_437] : memref<4096x128xf32, #tpu.memory_space<hbm>> -> memref<128x128xf32, #tpu.memory_space<hbm>>
    tpu.wait_dma2 semaphore(%arg22 : memref<!tpu.dma_semaphore, #tpu.memory_space<semaphore_mem>>) src(%arg10 : memref<128x128xf32, #tpu.memory_space<vmem>>) dst(%dma_wait3A_438 : memref<128x128xf32, #tpu.memory_space<hbm>>)
    return
  }
}

module attributes {stable_mosaic.version = 14 : i64} {
  func.func @_tc_body(%arg0: i32, %arg1: i32, %arg2: memref<1024x128xf32, #tpu.memory_space<vmem>>, %arg3: memref<1024x128xf32, #tpu.memory_space<vmem>>, %arg4: memref<1x1x1024xf32, #tpu.memory_space<vmem>>, %arg5: memref<1x1x1024xf32, #tpu.memory_space<vmem>>, %arg6: memref<1x1x1024xf32, #tpu.memory_space<vmem>>, %arg7: memref<128x1024xf32, #tpu.memory_space<vmem>>) attributes {dimension_semantics = [#tpu.dimension_semantics<arbitrary>, #tpu.dimension_semantics<arbitrary>], iteration_bounds = array<i64: 4, 21>, scalar_prefetch = 0 : i64, scratch_operands = 1 : i64, tpu.core_type = #tpu.core_type<tc>, window_params = [{transform_indices = @transform_0, window_bounds = array<i64: 1024, 128>}, {transform_indices = @transform_1, window_bounds = array<i64: 1024, 128>}, {transform_indices = @transform_2, window_bounds = array<i64: 1, 1, 1024>}, {transform_indices = @transform_3, window_bounds = array<i64: 1, 1, 1024>}, {transform_indices = @transform_4, window_bounds = array<i64: 1, 1, 1024>}]} {
    %eq3A = arith.constant 0 : i32
    %eq3A_0 = arith.cmpi eq, %arg1, %eq3A : i32
    %convert_element_type3A = arith.extui %eq3A_0 : i1 to i32
    %cond3A = arith.constant 0 : i32
    %cond3A_1 = arith.cmpi ne, %convert_element_type3A, %cond3A : i32
    scf.if %cond3A_1 {
      %get3A_80 = arith.constant 0 : index
      %get3A_81 = arith.constant 0 : index
      %get3A_82 = vector.load %arg2[%get3A_80, %get3A_81] : memref<1024x128xf32, #tpu.memory_space<vmem>>, vector<1024x128xf32>
      %mul3A_83 = arith.constant -1.44269502 : f32
      %mul3A_84 = vector.broadcast %mul3A_83 : f32 to vector<1024x128xf32>
      %mul3A_85 = arith.mulf %get3A_82, %mul3A_84 : vector<1024x128xf32>
      %exp23A_86 = math.exp2 %mul3A_85 : vector<1024x128xf32>
      %add3A_87 = arith.constant 1.000000e+00 : f32
      %add3A_88 = vector.broadcast %add3A_87 : f32 to vector<1024x128xf32>
      %add3A_89 = arith.addf %add3A_88, %exp23A_86 : vector<1024x128xf32>
      %div3A_90 = arith.constant 1.000000e+00 : f32
      %div3A_91 = vector.broadcast %div3A_90 : f32 to vector<1024x128xf32>
      %div3A_92 = arith.divf %div3A_91, %add3A_89 : vector<1024x128xf32>
      %transpose3A_93 = tpu.transpose %div3A_92, [1, 0] : vector<1024x128xf32> -> vector<128x1024xf32>
      %slice3A_94 = vector.extract_strided_slice %transpose3A_93 {offsets = [0, 0], sizes = [64, 1024], strides = [1, 1]} : vector<128x1024xf32> to vector<64x1024xf32>
      %slice3A_95 = vector.extract_strided_slice %transpose3A_93 {offsets = [64, 0], sizes = [64, 1024], strides = [1, 1]} : vector<128x1024xf32> to vector<64x1024xf32>
      %sub3A_96 = arith.constant 1.000000e+00 : f32
      %sub3A_97 = vector.broadcast %sub3A_96 : f32 to vector<64x1024xf32>
      %sub3A_98 = arith.subf %sub3A_97, %slice3A_94 : vector<64x1024xf32>
      %mul3A_99 = arith.mulf %slice3A_95, %sub3A_98 : vector<64x1024xf32>
      %add3A_100 = arith.addf %slice3A_94, %mul3A_99 : vector<64x1024xf32>
      %swap3A_101 = arith.constant 0 : index
      %swap3A_102 = arith.constant 0 : index
      %swap3A_103 = vector.load %arg7[%swap3A_101, %swap3A_102] : memref<128x1024xf32, #tpu.memory_space<vmem>>, vector<64x1024xf32>
      tpu.vector_store %arg7[%swap3A_101, %swap3A_102], %slice3A_94 {strides = array<i32>} : memref<128x1024xf32, #tpu.memory_space<vmem>>, vector<64x1024xf32>,
      %swap3A_104 = arith.constant 64 : index
      %swap3A_105 = arith.constant 0 : index
      %swap3A_106 = vector.load %arg7[%swap3A_104, %swap3A_105] : memref<128x1024xf32, #tpu.memory_space<vmem>>, vector<64x1024xf32>
      tpu.vector_store %arg7[%swap3A_104, %swap3A_105], %add3A_100 {strides = array<i32>} : memref<128x1024xf32, #tpu.memory_space<vmem>>, vector<64x1024xf32>,
      %sub3A_107 = arith.subf %add3A_100, %slice3A_94 : vector<64x1024xf32>
      %broadcast_in_dim3A_108 = arith.constant 2.26578384E-4 : f32
      %broadcast_in_dim3A_109 = vector.broadcast %broadcast_in_dim3A_108 : f32 to vector<64x1024xf32>
      %mul3A_110 = arith.mulf %broadcast_in_dim3A_109, %sub3A_107 : vector<64x1024xf32>
      %add3A_111 = arith.constant 0.00218440569 : f32
      %add3A_112 = vector.broadcast %add3A_111 : f32 to vector<64x1024xf32>
      %add3A_113 = arith.addf %mul3A_110, %add3A_112 : vector<64x1024xf32>
      %mul3A_114 = arith.mulf %add3A_113, %sub3A_107 : vector<64x1024xf32>
      %add3A_115 = arith.constant -0.00495722331 : f32
      %add3A_116 = vector.broadcast %add3A_115 : f32 to vector<64x1024xf32>
      %add3A_117 = arith.addf %mul3A_114, %add3A_116 : vector<64x1024xf32>
      %mul3A_118 = arith.mulf %add3A_117, %sub3A_107 : vector<64x1024xf32>
      %add3A_119 = arith.constant -0.07976529 : f32
      %add3A_120 = vector.broadcast %add3A_119 : f32 to vector<64x1024xf32>
      %add3A_121 = arith.addf %mul3A_118, %add3A_120 : vector<64x1024xf32>
      %mul3A_122 = arith.mulf %add3A_121, %sub3A_107 : vector<64x1024xf32>
      %add3A_123 = arith.constant 0.721345961 : f32
      %add3A_124 = vector.broadcast %add3A_123 : f32 to vector<64x1024xf32>
      %add3A_125 = arith.addf %mul3A_122, %add3A_124 : vector<64x1024xf32>
      %mul3A_126 = arith.mulf %add3A_125, %sub3A_107 : vector<64x1024xf32>
      %add3A_127 = arith.constant -0.366516709 : f32
      %add3A_128 = vector.broadcast %add3A_127 : f32 to vector<64x1024xf32>
      %add3A_129 = arith.addf %mul3A_126, %add3A_128 : vector<64x1024xf32>
      %reduce_sum3A_130 = arith.constant dense<0.000000e+00> : vector<1024xf32>
      %reduce_sum3A_131 = vector.multi_reduction <add>, %add3A_129, %reduce_sum3A_130 [0] : vector<64x1024xf32> to vector<1024xf32>
      %swap3A_132 = arith.constant 0 : index
      %swap3A_133 = arith.constant 0 : index
      %swap3A_134 = arith.constant 0 : index
      %swap3A_135 = vector.load %arg6[%swap3A_132, %swap3A_133, %swap3A_134] : memref<1x1x1024xf32, #tpu.memory_space<vmem>>, vector<1x1x1024xf32>
      %swap3A_136 = vector.shape_cast %swap3A_135 : vector<1x1x1024xf32> to vector<1024xf32>
      %swap3A_137 = vector.shape_cast %reduce_sum3A_131 : vector<1024xf32> to vector<1x1x1024xf32>
      tpu.vector_store %arg6[%swap3A_132, %swap3A_133, %swap3A_134], %swap3A_137 {strides = array<i32>} : memref<1x1x1024xf32, #tpu.memory_space<vmem>>, vector<1x1x1024xf32>,
    } else {
    }
    %get3A = arith.constant 0 : index
    %get3A_2 = arith.constant 0 : index
    %get3A_3 = vector.load %arg7[%get3A, %get3A_2] : memref<128x1024xf32, #tpu.memory_space<vmem>>, vector<64x1024xf32>
    %get3A_4 = arith.constant 64 : index
    %get3A_5 = arith.constant 0 : index
    %get3A_6 = vector.load %arg7[%get3A_4, %get3A_5] : memref<128x1024xf32, #tpu.memory_space<vmem>>, vector<64x1024xf32>
    %get3A_7 = arith.constant 0 : index
    %get3A_8 = arith.constant 0 : index
    %get3A_9 = vector.load %arg3[%get3A_7, %get3A_8] : memref<1024x128xf32, #tpu.memory_space<vmem>>, vector<1024x128xf32>
    %mul3A = arith.constant -1.44269502 : f32
    %mul3A_10 = vector.broadcast %mul3A : f32 to vector<1024x128xf32>
    %mul3A_11 = arith.mulf %get3A_9, %mul3A_10 : vector<1024x128xf32>
    %exp23A = math.exp2 %mul3A_11 : vector<1024x128xf32>
    %add3A = arith.constant 1.000000e+00 : f32
    %add3A_12 = vector.broadcast %add3A : f32 to vector<1024x128xf32>
    %add3A_13 = arith.addf %add3A_12, %exp23A : vector<1024x128xf32>
    %div3A = arith.constant 1.000000e+00 : f32
    %div3A_14 = vector.broadcast %div3A : f32 to vector<1024x128xf32>
    %div3A_15 = arith.divf %div3A_14, %add3A_13 : vector<1024x128xf32>
    %transpose3A = tpu.transpose %div3A_15, [1, 0] : vector<1024x128xf32> -> vector<128x1024xf32>
    %slice3A = vector.extract_strided_slice %transpose3A {offsets = [0, 0], sizes = [64, 1024], strides = [1, 1]} : vector<128x1024xf32> to vector<64x1024xf32>
    %slice3A_16 = vector.extract_strided_slice %transpose3A {offsets = [64, 0], sizes = [64, 1024], strides = [1, 1]} : vector<128x1024xf32> to vector<64x1024xf32>
    %sub3A = arith.constant 1.000000e+00 : f32
    %sub3A_17 = vector.broadcast %sub3A : f32 to vector<64x1024xf32>
    %sub3A_18 = arith.subf %sub3A_17, %slice3A : vector<64x1024xf32>
    %mul3A_19 = arith.mulf %slice3A_16, %sub3A_18 : vector<64x1024xf32>
    %add3A_20 = arith.addf %slice3A, %mul3A_19 : vector<64x1024xf32>
    %sub3A_21 = arith.subf %add3A_20, %slice3A : vector<64x1024xf32>
    %broadcast_in_dim3A = arith.constant 2.26578384E-4 : f32
    %broadcast_in_dim3A_22 = vector.broadcast %broadcast_in_dim3A : f32 to vector<64x1024xf32>
    %mul3A_23 = arith.mulf %broadcast_in_dim3A_22, %sub3A_21 : vector<64x1024xf32>
    %add3A_24 = arith.constant 0.00218440569 : f32
    %add3A_25 = vector.broadcast %add3A_24 : f32 to vector<64x1024xf32>
    %add3A_26 = arith.addf %mul3A_23, %add3A_25 : vector<64x1024xf32>
    %mul3A_27 = arith.mulf %add3A_26, %sub3A_21 : vector<64x1024xf32>
    %add3A_28 = arith.constant -0.00495722331 : f32
    %add3A_29 = vector.broadcast %add3A_28 : f32 to vector<64x1024xf32>
    %add3A_30 = arith.addf %mul3A_27, %add3A_29 : vector<64x1024xf32>
    %mul3A_31 = arith.mulf %add3A_30, %sub3A_21 : vector<64x1024xf32>
    %add3A_32 = arith.constant -0.07976529 : f32
    %add3A_33 = vector.broadcast %add3A_32 : f32 to vector<64x1024xf32>
    %add3A_34 = arith.addf %mul3A_31, %add3A_33 : vector<64x1024xf32>
    %mul3A_35 = arith.mulf %add3A_34, %sub3A_21 : vector<64x1024xf32>
    %add3A_36 = arith.constant 0.721345961 : f32
    %add3A_37 = vector.broadcast %add3A_36 : f32 to vector<64x1024xf32>
    %add3A_38 = arith.addf %mul3A_35, %add3A_37 : vector<64x1024xf32>
    %mul3A_39 = arith.mulf %add3A_38, %sub3A_21 : vector<64x1024xf32>
    %add3A_40 = arith.constant -0.366516709 : f32
    %add3A_41 = vector.broadcast %add3A_40 : f32 to vector<64x1024xf32>
    %add3A_42 = arith.addf %mul3A_39, %add3A_41 : vector<64x1024xf32>
    %min3A = arith.minimumf %add3A_20, %get3A_6 : vector<64x1024xf32>
    %max3A = arith.maximumf %slice3A, %get3A_3 : vector<64x1024xf32>
    %sub3A_43 = arith.subf %min3A, %max3A : vector<64x1024xf32>
    %broadcast_in_dim3A_44 = arith.constant 2.26578384E-4 : f32
    %broadcast_in_dim3A_45 = vector.broadcast %broadcast_in_dim3A_44 : f32 to vector<64x1024xf32>
    %mul3A_46 = arith.mulf %broadcast_in_dim3A_45, %sub3A_43 : vector<64x1024xf32>
    %add3A_47 = arith.constant 0.00218440569 : f32
    %add3A_48 = vector.broadcast %add3A_47 : f32 to vector<64x1024xf32>
    %add3A_49 = arith.addf %mul3A_46, %add3A_48 : vector<64x1024xf32>
    %mul3A_50 = arith.mulf %add3A_49, %sub3A_43 : vector<64x1024xf32>
    %add3A_51 = arith.constant -0.00495722331 : f32
    %add3A_52 = vector.broadcast %add3A_51 : f32 to vector<64x1024xf32>
    %add3A_53 = arith.addf %mul3A_50, %add3A_52 : vector<64x1024xf32>
    %mul3A_54 = arith.mulf %add3A_53, %sub3A_43 : vector<64x1024xf32>
    %add3A_55 = arith.constant -0.07976529 : f32
    %add3A_56 = vector.broadcast %add3A_55 : f32 to vector<64x1024xf32>
    %add3A_57 = arith.addf %mul3A_54, %add3A_56 : vector<64x1024xf32>
    %mul3A_58 = arith.mulf %add3A_57, %sub3A_43 : vector<64x1024xf32>
    %add3A_59 = arith.constant 0.721345961 : f32
    %add3A_60 = vector.broadcast %add3A_59 : f32 to vector<64x1024xf32>
    %add3A_61 = arith.addf %mul3A_58, %add3A_60 : vector<64x1024xf32>
    %mul3A_62 = arith.mulf %add3A_61, %sub3A_43 : vector<64x1024xf32>
    %add3A_63 = arith.constant -0.366516709 : f32
    %add3A_64 = vector.broadcast %add3A_63 : f32 to vector<64x1024xf32>
    %add3A_65 = arith.addf %mul3A_62, %add3A_64 : vector<64x1024xf32>
    %reduce_sum3A = arith.constant dense<0.000000e+00> : vector<1024xf32>
    %reduce_sum3A_66 = vector.multi_reduction <add>, %add3A_42, %reduce_sum3A [0] : vector<64x1024xf32> to vector<1024xf32>
    %swap3A = arith.constant 0 : index
    %swap3A_67 = arith.constant 0 : index
    %swap3A_68 = arith.constant 0 : index
    %swap3A_69 = vector.load %arg4[%swap3A, %swap3A_67, %swap3A_68] : memref<1x1x1024xf32, #tpu.memory_space<vmem>>, vector<1x1x1024xf32>
    %swap3A_70 = vector.shape_cast %swap3A_69 : vector<1x1x1024xf32> to vector<1024xf32>
    %swap3A_71 = vector.shape_cast %reduce_sum3A_66 : vector<1024xf32> to vector<1x1x1024xf32>
    tpu.vector_store %arg4[%swap3A, %swap3A_67, %swap3A_68], %swap3A_71 {strides = array<i32>} : memref<1x1x1024xf32, #tpu.memory_space<vmem>>, vector<1x1x1024xf32>,
    %reduce_sum3A_72 = arith.constant dense<0.000000e+00> : vector<1024xf32>
    %reduce_sum3A_73 = vector.multi_reduction <add>, %add3A_65, %reduce_sum3A_72 [0] : vector<64x1024xf32> to vector<1024xf32>
    %swap3A_74 = arith.constant 0 : index
    %swap3A_75 = arith.constant 0 : index
    %swap3A_76 = arith.constant 0 : index
    %swap3A_77 = vector.load %arg5[%swap3A_74, %swap3A_75, %swap3A_76] : memref<1x1x1024xf32, #tpu.memory_space<vmem>>, vector<1x1x1024xf32>
    %swap3A_78 = vector.shape_cast %swap3A_77 : vector<1x1x1024xf32> to vector<1024xf32>
    %swap3A_79 = vector.shape_cast %reduce_sum3A_73 : vector<1024xf32> to vector<1x1x1024xf32>
    tpu.vector_store %arg5[%swap3A_74, %swap3A_75, %swap3A_76], %swap3A_79 {strides = array<i32>} : memref<1x1x1024xf32, #tpu.memory_space<vmem>>, vector<1x1x1024xf32>,
    return
  }
  func.func @transform_0(%arg0: i32, %arg1: i32) -> (i32, i32) {
    %c0_i32 = arith.constant 0 : i32
    %c0_i32_0 = arith.constant 0 : i32
    return %arg0, %c0_i32 : i32, i32
  }
  func.func @transform_1(%arg0: i32, %arg1: i32) -> (i32, i32) {
    %mul3A = arith.constant 4 : i32
    %mul3A_0 = arith.muli %arg1, %mul3A : i32
    %add3A = arith.addi %mul3A_0, %arg0 : i32
    %c0_i32 = arith.constant 0 : i32
    %c0_i32_1 = arith.constant 0 : i32
    return %add3A, %c0_i32 : i32, i32
  }
  func.func @transform_2(%arg0: i32, %arg1: i32) -> (i32, i32, i32) {
    %c0_i32 = arith.constant 0 : i32
    %c0_i32_0 = arith.constant 0 : i32
    return %arg1, %c0_i32, %arg0 : i32, i32, i32
  }
  func.func @transform_3(%arg0: i32, %arg1: i32) -> (i32, i32, i32) {
    %c0_i32 = arith.constant 0 : i32
    %c0_i32_0 = arith.constant 0 : i32
    return %arg1, %c0_i32, %arg0 : i32, i32, i32
  }
  func.func @transform_4(%arg0: i32, %arg1: i32) -> (i32, i32, i32) {
    %c0_i32 = arith.constant 0 : i32
    %c0_i32_0 = arith.constant 0 : i32
    %c0_i32_1 = arith.constant 0 : i32
    return %c0_i32, %c0_i32_0, %arg0 : i32, i32, i32
  }
}

</mosaic_0001>

<sc_bundles>
// kernel: kernel.10.cloned.1.call-start
scs
__scs_entry_jumppad:
0x0: {  	(pc) =	sbr.rel $0x88, $3  }
0x1: {  	(tag) =	ssettag $0x0;
	lr =	simm.s32 $0x1  }
0x2: {  	[smem:$0x3F9C] =	sst lr;
	_ =	strace $0xD0000000  }
0x3: {  	_ = 	snop  }
0x4: {  	_ = 	snop  }
0x5: {  	_ = 	snop  }
0x6: {  	_ = 	snop  }
0x7: {  	_ = 	snop  }
__scs_overlays_trampoline_lowered:
0x8: {  	[smem:$0x3FAB] =	sst s0  }
0x9: {  	[smem:$0x3FAC] =	sst s1  }
0xa: {  	[smem:$0x3FAD] =	sst s2  }
0xb: {  	[smem:$0x3FAE] =	sst s3  }
0xc: {  	[smem:$0x3FAF] =	sst s4  }
0xd: {  	[smem:$0x3FB0] =	sst s5  }
0xe: {  	[smem:$0x3FB1] =	sst s6  }
0xf: {  	[smem:$0x3FB2] =	sst s7  }
0x10: {  	[smem:$0x3FB3] =	sst s8  }
0x11: {  	[smem:$0x3FB4] =	sst s9;
	s0 =	simm.s32 @!p0 $0x0  }
0x12: {  	s1 =	sld [smem:$0x3F9A];
	s0 =	simm.s32 @p0 $0x1  }
0x13: {  	[smem:$0x3FB5] =	sst s0;
	s0 =	simm.s32 @!p1 $0x0  }
0x14: {  	s2 =	sld [smem:$0x3F99];
	s0 =	simm.s32 @p1 $0x1  }
0x15: {  	[smem:$0x3FB6] =	sst s0;
	s0 =	simm.s32 @!p2 $0x0  }
0x16: {  	s3 =	sld [smem:$0x3FDB];
	s0 =	simm.s32 @p2 $0x1  }
0x17: {  	s4 =	simm.s32 $0x1BF5;
	[smem:$0x3FB8] =	sst s0  }
0x18: {  	s0 =	sld [smem:$0x3F9B];
	_ =	swait.ge [sflag:s4], $0x0  }
0x19: {  	s7 =	sld [smem:$0x3F9C]  }
0x1a: {  	s8 =	sadd.s32 $0xFFFFE003, lr  }
0x1b: {  	s9 =	sadd.s32 $0xFFFFFEF7, lr;
	s5 =	simm.s32 $0xFFFFFFFF;
	p2 =	slt.u32 s8, $0xFFFFF086  }
0x1c: {  	p1 =	slt.u32 s9, $0xF7A;
	s5 =	simm.s32 @!p2 $0x0  }
0x1d: {  	s5 =	simm.s32 @p1 $0x1;
	p0 =	seq.s32 s7, s2  }
0x1e: {  	s7 =	smul.u32 @!p0 $0xF7A, s2;
	p2 =	seq.s32 @!p0 s5, $0x0  }
0x1f: {  	s9 =	smul.u32 $0xF7A, s1;
	s8 =	simm.s32 @!p0 $0x1BF5;
	p2 =	por !p2, p0  }
0x20: {  	[sflag:s8] =	ssyncset.s32 @!p0 $0xFFFFF086;
	s6 =	sadd.s32 @!p0 s3, s7;
	s7 =	simm.s32 @!p0 $0x108  }
0x21: {  	s3 =	sadd.s32 s3, s9;
	s6 =	sadd.s32 @!p0 $0x88, s6;
	s7 =	simm.s32 @p2 $0x1082  }
0x22: {  	[simem:s7], [sflag:s8] =	dma.local @!p0 [hbm:s6], $0xF7A  }
0x23: {  	s9 =	sor.u32 $0xD0000000, s2;
	s6 =	simm.s32 $0x108;
	_ =	swait.ge @!p0 [sflag:s8], $0x0  }
0x24: {  	s3 =	sadd.s32 $0x88, s3;
	s6 =	simm.s32 @!p1 $0x1082;
	[sflag:s4] =	ssyncset.s32 $0xFFFFF086  }
0x25: {  	[simem:s6], [sflag:s4] =	dma.local [hbm:s3], $0xF7A  }
0x26: {  	[smem:$0x3F9C] =	sst s1;
	(tag) =	ssettag s2;
	_ =	strace s9  }
0x27: {  	s1 =	sld [smem:$0x3FAC]  }
0x28: {  	s2 =	sld [smem:$0x3FAD]  }
0x29: {  	s4 =	sld [smem:$0x3FAF]  }
0x2a: {  	p0 =	seq.s32 s5, $0x0;
	s5 =	sld [smem:$0x3FB0]  }
0x2b: {  	s6 =	sld [smem:$0x3FB1]  }
0x2c: {  	s7 =	sld [smem:$0x3FB2]  }
0x2d: {  	s3 =	simm.s32 $0x108;
	s8 =	sld [smem:$0x3FB3]  }
0x2e: {  	s3 =	simm.s32 @!p0 $0x1082;
	s9 =	sld [smem:$0x3FB4]  }
0x2f: {  	lr =	sadd.s32 s0, s3;
	s0 =	sld [smem:$0x3FAB]  }
0x30: {  	s3 =	sld [smem:$0x3FAE]  }
0x31: {  	[smem:$0x3FB7] =	sst s10  }
0x32: {  	s10 =	sld [smem:$0x3FB5];
	_ =	sdelay $0x3  }
0x33: {  	p0 =	seq.s32 s10, $0x1;
	s10 =	sld [smem:$0x3FB7];
	_ =	sdelay $0x3  }
0x34: {  	[smem:$0x3FB7] =	sst s10  }
0x35: {  	s10 =	sld [smem:$0x3FB6];
	_ =	sdelay $0x3  }
0x36: {  	p1 =	seq.s32 s10, $0x1;
	s10 =	sld [smem:$0x3FB7];
	_ =	sdelay $0x3  }
0x37: {  	[smem:$0x3FB7] =	sst s10  }
0x38: {  	s10 =	sld [smem:$0x3FB8]  }
0x39: {  	_ = 	snop;
	(pc) =	sbr.ind lr, $3  }
0x3a: {  	_ = 	snop  }
0x3b: {  	_ = 	snop  }
0x3c: {  	p2 =	seq.s32 s10, $0x1;
	s10 =	sld [smem:$0x3FB7]  }
0x3d: {  	_ =	shalt  }
0x3e: {  	_ =	shalt  }
0x3f: {  	_ =	shalt  }
0x40: {  	_ =	shalt  }
0x41: {  	_ =	shalt  }
0x42: {  	_ =	shalt  }
0x43: {  	_ =	shalt  }
0x44: {  	_ =	shalt  }
0x45: {  	_ =	shalt  }
0x46: {  	_ =	shalt  }
0x47: {  	_ =	shalt  }
0x48: {  	_ =	shalt  }
0x49: {  	_ =	shalt  }
0x4a: {  	_ =	shalt  }
0x4b: {  	_ =	shalt  }
0x4c: {  	_ =	shalt  }
0x4d: {  	_ =	shalt  }
0x4e: {  	_ =	shalt  }
0x4f: {  	_ =	shalt  }
0x50: {  	_ =	shalt  }
0x51: {  	_ =	shalt  }
0x52: {  	_ =	shalt  }
0x53: {  	_ =	shalt  }
0x54: {  	_ =	shalt  }
0x55: {  	_ =	shalt  }
0x56: {  	_ =	shalt  }
0x57: {  	_ =	shalt  }
0x58: {  	_ =	shalt  }
0x59: {  	_ =	shalt  }
0x5a: {  	_ =	shalt  }
0x5b: {  	_ =	shalt  }
0x5c: {  	_ =	shalt  }
0x5d: {  	_ =	shalt  }
0x5e: {  	_ =	shalt  }
0x5f: {  	_ =	shalt  }
0x60: {  	_ =	shalt  }
0x61: {  	_ =	shalt  }
0x62: {  	_ =	shalt  }
0x63: {  	_ =	shalt  }
0x64: {  	_ =	shalt  }
0x65: {  	_ =	shalt  }
0x66: {  	_ =	shalt  }
0x67: {  	_ =	shalt  }
0x68: {  	_ =	shalt  }
0x69: {  	_ =	shalt  }
0x6a: {  	_ =	shalt  }
0x6b: {  	_ =	shalt  }
0x6c: {  	_ =	shalt  }
0x6d: {  	_ =	shalt  }
0x6e: {  	_ =	shalt  }
0x6f: {  	_ =	shalt  }
0x70: {  	_ =	shalt  }
0x71: {  	_ =	shalt  }
0x72: {  	_ =	shalt  }
0x73: {  	_ =	shalt  }
0x74: {  	_ =	shalt  }
0x75: {  	_ =	shalt  }
0x76: {  	_ =	shalt  }
0x77: {  	_ =	shalt  }
0x78: {  	_ =	shalt  }
0x79: {  	_ =	shalt  }
0x7a: {  	_ =	shalt  }
0x7b: {  	_ =	shalt  }
0x7c: {  	_ =	shalt  }
0x7d: {  	_ =	shalt  }
0x7e: {  	_ =	shalt  }
0x7f: {  	_ =	shalt  }
0x80: {  	_ =	shalt  }
0x81: {  	_ =	shalt  }
0x82: {  	_ =	shalt  }
0x83: {  	_ =	shalt  }
0x84: {  	_ =	shalt  }
0x85: {  	_ =	shalt  }
0x86: {  	_ =	shalt  }
0x87: {  	_ =	shalt  }
.Lfunc_end0:
.L_simem_size_0:
called_computation_lowered:
.L_overlay_start_0:
0x88: {  	s2 =	sld [smem:$0x3FD9]  }
0x89: {  	s3 =	sld [smem:$0x3FFE];
	_ =	sdelay $0x1  }
0x8a: {  	s1 =	srdreg.scid  }
0x8b: {  	s0 =	sand.u32 $0x1, s1  }
0x8c: {  	s15 =	sshll.u32 s0, $0xA;
	s2 =	sadd.s32 s3, s2  }
0x8d: {  	s2 =	sadd.s32 s2, s15  }
0x8e: {  	[smem:$0x3FC3] =	sst s2  }
0x8f: {  	_ = 	snop  }
0x90: {  	s4 =	sld [smem:$0x3FD0];
	_ =	sdelay $0x1  }
0x91: {  	s2 =	sld [smem:$0x3FC6]  }
0x92: {  	s6 =	simm.s32 $0xD;
	s5 =	simm.s32 $0x10;
	s16 =	sld [smem:$0x3FC5]  }
0x93: {  	[smem:s5], [sflag:s6] =	dma.local [hbm:s4], $0x1  }
0x94: {  	_ =	swait.eq [sflag:s6], $0x1  }
0x95: {  	[sflag:s6] =	ssyncset.done $0x0  }
0x96: {  	s17 =	sld [smem:$0x13];
	[sflag:s6] =	ssyncadd.s32 $0xFFFFFFFF  }
0x97: {  	s18 =	sld [smem:$0x14];
	(tm) =	ssettm $0x1  }
0x98: {  	s19 =	sld [smem:$0x3FFB];
	_ =	sdelay $0x3  }
0x99: {  	_ =	strace s19  }
0x9a: {  	s4 =	sld [smem:$0x3FFC];
	_ =	sdelay $0x3  }
0x9b: {  	_ =	strace s4  }
0x9c: {  	s4 =	sld [smem:$0x3FFD];
	_ =	sdelay $0x3  }
0x9d: {  	_ =	strace s4  }
0x9e: {  	_ =	strace $0x8FFFFFFF  }
0x9f: {  	s20 =	sld [smem:$0x3FDB];
	_ =	sdelay $0x1  }
0xa0: {  	s7 =	simm.s32 $_scs_section_size  }
0xa1: {  	s8 =	simm.s32 $_size__tile_overlayer_lowered;
	s9 =	simm.s32 $_tile_overlayer_lowered  }
0xa2: {  	s10 =	simm.s32 $0x1BFF;
	s21 =	sshll.u32 s9, $0x1;
	s7 =	sadd.s32 s7, s20  }
0xa3: {  	s22 =	simm.s32 $0x0;
	s8 =	sshll.u32 s8, $0x1;
	s9 =	sadd.s32 s21, s7  }
0xa4: {  	[timem:s22], [sflag:s10] =	dma.local [hbm:s9], s8  }
0xa5: {  	_ =	swait.ge [sflag:s10], s8  }
0xa6: {  	s8 =	ssub.s32 $0x0, s8;
	[sflag:s10] =	ssyncset.done $0x0  }
0xa7: {  	[sflag:s10] =	ssyncadd.s32 s8;
	_ =	sdelay $0x1  }
0xa8: {  	s23 =	simm.s32 $0x1B8B  }
0xa9: {  	_ =	swait.ge [sflag:s23], $0x1  }
0xaa: {  	[sflag:s23] =	ssyncset.done $0x0  }
0xab: {  	[sflag:s23] =	ssyncadd.s32 $0xFFFFFFFF  }
0xac: {  	s8 =	sld [smem:$0x0]  }
0xad: {  	s9 =	sand.u32 $0xFFFFFFFE, s1  }
0xae: {  	p0 =	sne.s32 s1, s9  }
0xaf: {  	s9 =	sshll.u32 @p0 s9, $0xE  }
0xb0: {  	s9 =	sadd.s32 @p0 $0x11B8D, s9;
	s10 =	sshll.u32 @p0 s8, $0x11  }
0xb1: {  	s9 =	sor.u32 @p0 s10, s9  }
0xb2: {  	[sflag:s9] =	ssyncadd.remote.s32 @p0 $0x1;
	_ =	sdelay $0x1  }
0xb3: {  	s9 =	simm.s32 @p0 $0x1B8D  }
0xb4: {  	_ =	swait.eq @p0 [sflag:s9], $0x1  }
0xb5: {  	[sflag:s9] =	ssyncadd.s32 @p0 $0xFFFFFFFF  }
0xb6: {  	s10 =	sshll.u32 @!p0 s1, $0xE  }
0xb7: {  	s10 =	sor.u32 @!p0 $0x4000, s10;
	s9 =	simm.s32 @!p0 $0x1B8D  }
0xb8: {  	s8 =	sshll.u32 @!p0 s8, $0x11;
	s10 =	sadd.s32 @!p0 $0x11B8D, s10;
	_ =	swait.eq @!p0 [sflag:s9], $0x1  }
0xb9: {  	s8 =	sor.u32 @!p0 s8, s10;
	[sflag:s9] =	ssyncadd.s32 @!p0 $0xFFFFFFFF  }
0xba: {  	s25 =	simm.s32 $0x1B8E;
	s24 =	sld [smem:$0x3FFE];
	[sflag:s8] =	ssyncadd.remote.s32 @!p0 $0x1  }
0xbb: {  	s26 =	simm.s32 $execute0_lowered;
	[smem:$0x3FD2] =	sst s25  }
0xbc: {  	s9 =	sshll.u32 s26, $0x1;
	_ =	strace $0x8000004F;
	[dreg:$0x1] =	wrdreg $0xFFFFFFFF  }
0xbd: {  	s28 =	simm.s32 $_size_execute0_lowered;
	s7 =	sadd.s32 s7, s9;
	[dreg:$0x0] =	wrdreg $0x0  }
0xbe: {  	s9 =	sshll.u32 s28, $0x1;
	[dreg:$0x2] =	wrdreg s7  }
0xbf: {  	[dreg:$0x3] =	wrdreg s9  }
0xc0: {  	[dreg:$0x4] =	wrdreg $0xC0  }
0xc1: {  	_ =	task [dreg:s22], $0x5FFFF  }
0xc2: {  	[dreg:$0x1] =	wrdreg $0xFFFFFFFF  }
0xc3: {  	[dreg:$0x0] =	wrdreg $0x60  }
0xc4: {  	[dreg:$0x2] =	wrdreg s2  }
0xc5: {  	[dreg:$0x3] =	wrdreg s16  }
0xc6: {  	[dreg:$0x4] =	wrdreg s17  }
0xc7: {  	[dreg:$0x5] =	wrdreg s18  }
0xc8: {  	[dreg:$0x6] =	wrdreg s24  }
0xc9: {  	[dreg:$0x7] =	wrdreg $0x9  }
0xca: {  	_ =	task.clear_ibuf [dreg:s22], $0x8FFFF;
	_ =	strace $0x9000004F  }
0xcb: {  	s29 =	simm.s32 $0x9;
	_ =	strace $0x80000051  }
0xcc: {  	_ =	swait.ge [sflag:s29], $0x1  }
0xcd: {  	[sflag:s29] =	ssyncadd.s32 $0xFFFFFFFF  }
0xce: {  	_ =	strace $0x90000051  }
0xcf: {  	_ =	sfence  }
0xd0: {  	s30 =	sld [smem:$0x0];
	_ =	sdelay $0x2  }
0xd1: {  	s31 =	sshll.u32 s1, $0xD;
	s1 =	sshrl.u32 s1, $0x2  }
0xd2: {  	s3 =	sand.u32 $0x4000, s31;
	s1 =	sadd.s32 s1, s30  }
0xd3: {  	s0 =	sor.u32 s3, s0;
	s1 =	sshll.u32 s1, $0x11  }
0xd4: {  	s0 =	sor.u32 s1, s0  }
0xd5: {  	s0 =	sadd.s32 $0x8F2B, s0  }
0xd6: {  	[sflag:s0] =	ssyncadd.remote.s32 $0x1  }
0xd7: {  	_ =	sfence.sel $0xFFFF  }
0xd8: {  	[dreg:$0x0] =	wrdreg $0xFFFFFFFF;
	(pc) =	sbr.abs _section_cstart, $3  }
0xd9: {  	[dreg:$0x1] =	wrdreg $0xFFFFFFFF  }
0xda: {  	_ =	task.clear_ibuf [dreg:s22], $0x2FFFF;
	_ =	strace $0x9FFFFFFF  }
0xdb: {  	(tm) =	ssettm $0x7FFFFFFF  }
tec
execute0_lowered:
.L_overlay_start_1:
0x0: {  	(tag) =	ssettag $0x1  }
0x1: {  	s0 =	rddreg [dreg:$0x0]  }
0x2: {  	s3 =	rddreg [dreg:$0x1]  }
0x3: {  	s21 =	rddreg [dreg:$0x2]  }
0x4: {  	s1 =	rddreg [dreg:$0x3]  }
0x5: {  	s4 =	rddreg [dreg:$0x4]  }
0x6: {  	s20 =	rddreg [dreg:$0x5];
	s5 =	srdreg.scid  }
0x7: {  	s6 =	stileid.u32;
	s2 =	simm.s32 $0x0;
	s31 =	simm.s32 $0xB  }
0x8: {  	s29 =	simm.s32 $0xB00;
	s14 =	simm.s32 $0x100;
	[dreg:$0x6] =	wrdreg s0  }
0x9: {  	s30 =	simm.s32 $0x9;
	s15 =	simm.s32 $0x180;
	[smem:$0x7FF] =	sst s2  }
0xa: {  	s16 =	simm.s32 $0x200;
	_ =	strace $0x80000050;
	[dreg:$0x11] =	wrdreg s14  }
0xb: {  	s17 =	simm.s32 $0x280;
	s18 =	simm.s32 $0x300;
	[dreg:$0x12] =	wrdreg s15  }
0xc: {  	s19 =	simm.s32 $0x380;
	s28 =	simm.s32 $0x700;
	[dreg:$0x13] =	wrdreg s16  }
0xd: {  	s5 =	sand.u32 $0x1, s5;
	s6 =	sshll.u32 s6, $0x1;
	[dreg:$0x14] =	wrdreg s17  }
0xe: {  	p0 =	por $0x0, $0x0;
	s6 =	sor.u32 s5, s6;
	[dreg:$0x15] =	wrdreg s18  }
0xf: {  	s10 =	ssub.s32 $0x2, s5;
	s15 =	simm.s32 $0x14B00;
	[dreg:$0x16] =	wrdreg s19  }
0x10: {  	s17 =	simm.s32 $0x18B00;
	s18 =	simm.s32 $0x4;
	s19 =	simm.s32 $0x5  }
0x11: {  	s16 =	simm.s32 $0x6;
	s14 =	simm.s32 $0xA;
	s9 =	smul.u32 $0x150, s6  }
0x12: {  	s7 =	sshll.u32 s6, $0xB;
	s8 =	sshll.u32 s6, $0x4;
	s22 =	smul.u32 $0x54000, s6  }
0x13: {  	s24 =	smul.u32 $0xA800, s6;
	s5 =	sshrl.u32 s10, $0x1;
	s0 =	sadd.s32 s21, s8  }
0x14: {  	s7 =	sadd.s32 s7, s4;
	s21 =	simm.s32 $0x400;
	[dreg:$0x7] =	wrdreg s0  }
0x15: {  	s4 =	sadd.s32 $0x439C00, s4;
	s23 =	sadd.s32 s1, s9;
	[dreg:$0x17] =	wrdreg s21  }
0x16: {  	s25 =	sadd.s32 $0x429C00, s7;
	s26 =	sshrl.u32 s22, $0x3;
	[dreg:$0x8] =	wrdreg s23  }
0x17: {  	s1 =	sadd.s32 s4, s24;
	s22 =	simm.s32 $0x480;
	[dreg:$0x9] =	wrdreg s25  }
0x18: {  	s24 =	simm.s32 $0x580;
	s21 =	simm.s32 $0x980;
	[dreg:$0xa] =	wrdreg s1  }
0x19: {  	s6 =	sadd.s32 s4, s26;
	s4 =	ssub.s32 s10, s5;
	[dreg:$0x18] =	wrdreg s22  }
0x1a: {  	s5 =	simm.s32 $0x80;
	s10 =	simm.s32 $0xCB00;
	[dreg:$0x1a] =	wrdreg s24  }
0x1b: {  	s23 =	simm.s32 $0x500;
	s25 =	simm.s32 $0x600;
	s1 =	rddreg [dreg:$0x7]  }
0x1c: {  	s26 =	simm.s32 $0x680;
	s24 =	simm.s32 $0x780;
	[dreg:$0x19] =	wrdreg s23  }
0x1d: {  	s22 =	simm.s32 $0xA00;
	s7 =	sadd.s32 $0x1800, s6;
	[dreg:$0x1b] =	wrdreg s25  }
0x1e: {  	s8 =	sadd.s32 $0x3000, s6;
	s9 =	sadd.s32 $0x4800, s6;
	[dreg:$0x1c] =	wrdreg s26  }
0x1f: {  	s11 =	sadd.s32 $0x6000, s6;
	s12 =	sadd.s32 $0x7800, s6;
	[dreg:$0xb] =	wrdreg s7  }
0x20: {  	s13 =	sadd.s32 $0x9000, s6;
	s0 =	smax.u32 s4, $0x1;
	[dreg:$0xc] =	wrdreg s8  }
0x21: {  	s4 =	simm.s32 $0x4B00;
	[dreg:$0xd] =	wrdreg s9;
	p1 =	sne.s32 s0, $0x1  }
.Ltmp0:
0x22: {  	s6 =	simm.s32 $0x3;
	[dreg:$0xe] =	wrdreg s11;
	(pc) =	sbr.rel @!p1 .LBB2_1-.Ltmp0, $4  }
0x23: {  	s25 =	simm.s32 $0x880;
	s26 =	simm.s32 $0x900;
	[dreg:$0xf] =	wrdreg s12  }
0x24: {  	s23 =	simm.s32 $0xA80;
	[dreg:$0x10] =	wrdreg s13;
	s9 =	simm.s32 $0x8B00  }
0x25: {  	s8 =	simm.s32 $0x1;
	s7 =	simm.s32 $0x2;
	s13 =	simm.s32 $0x10B00  }
0x26: {  	s11 =	simm.s32 $0x7;
	s12 =	simm.s32 $0x8;
	s0 =	sadd.s32 $0xFFFFFFFF, s0  }
0x27: {  	[tilespmem:s2], [sflag:$0xB] =	stream.linear.gather [hbm4b:s1+s2], $0x80, $0x38;
	[tilespmem:$0x1CB00] =	vst v63  }
0x28: {  	_ =	swait.ge [sflag:s31], $0x80  }
0x29: {  	[sflag:s31] =	ssyncset.done $0x0  }
0x2a: {  	s20 =	rddreg [dreg:$0x8];
	[sflag:s31] =	ssyncadd.s32 $0xFFFFFF80  }
0x2b: {  	[tilespmem:s5], [sflag:$0xB] =	stream.linear.gather [hbm4b:s20+s2], $0xA80, $0x38;
	[tilespmem:$0x1CB00] =	vst v63  }
0x2c: {  	_ =	swait.ge [sflag:s31], $0xA80  }
0x2d: {  	[sflag:s31] =	ssyncset.done $0x0  }
0x2e: {  	s20 =	rddreg [dreg:$0x6];
	[sflag:s31] =	ssyncadd.s32 $0xFFFFF580  }
0x2f: {  	[tilespmem:s29], [sflag:$0x9] =	stream.indirect.gather [hbm4b:s20+s5], $0x80, s2, s5, $0xb8;
	[tilespmem:$0x1CB00] =	vst v63  }
0x30: {  	_ =	swait.ge [sflag:s30], $0x4000  }
0x31: {  	[sflag:s30] =	ssyncset.done $0x0  }
0x32: {  	s20 =	rddreg [dreg:$0x9];
	[sflag:s30] =	ssyncadd.s32 $0xFFFFC000  }
0x33: {  	[hbm4b:s20+s2] =	stream.linear.scatter [tilespmem:s29], [sflag:$0xA], $0x4000, $0x38;
	[tilespmem:$0x1CB00] =	vst v63  }
0x34: {  	_ = 	snop  }
0x35: {  	[tilespmem:s4], [sflag:$0x1] =	stream.indirect.gather [hbm4b:s3+s5], $0x80, s5, s5, $0xb8;
	[tilespmem:$0x1CB00] =	vst v63  }
0x36: {  	s1 =	rddreg [dreg:$0x11]  }
0x37: {  	[tilespmem:s9], [sflag:$0x2] =	stream.indirect.gather [hbm4b:s3+s5], $0x80, s1, s5, $0xb8;
	[tilespmem:$0x1CB00] =	vst v63  }
0x38: {  	s20 =	smov.u32 s0;
	s0 =	rddreg [dreg:$0x12]  }
0x39: {  	[tilespmem:s10], [sflag:$0x3] =	stream.indirect.gather [hbm4b:s3+s5], $0x80, s0, s5, $0xb8;
	[tilespmem:$0x1CB00] =	vst v63  }
0x3a: {  	_ =	swait.ge [sflag:s8], $0x4000  }
0x3b: {  	[sflag:s8] =	ssyncset.done $0x0  }
0x3c: {  	[sflag:s8] =	ssyncadd.s32 $0xFFFFC000  }
0x3d: {  	_ =	swait.ge [sflag:s7], $0x4000  }
0x3e: {  	[sflag:s7] =	ssyncset.done $0x0  }
0x3f: {  	[sflag:s7] =	ssyncadd.s32 $0xFFFFC000  }
0x40: {  	_ =	swait.ge [sflag:s6], $0x4000  }
0x41: {  	[sflag:s6] =	ssyncset.done $0x0  }
0x42: {  	s0 =	rddreg [dreg:$0xa];
	[sflag:s6] =	ssyncadd.s32 $0xFFFFC000  }
0x43: {  	[hbm4b:s0+s2] =	stream.linear.scatter [tilespmem:s4], [sflag:$0x7], $0xC000, $0x38;
	[tilespmem:$0x1CB00] =	vst v63  }
0x44: {  	s1 =	rddreg [dreg:$0x13]  }
0x45: {  	[tilespmem:s13], [sflag:$0x4] =	stream.indirect.gather [hbm4b:s3+s5], $0x80, s1, s5, $0xb8;
	[tilespmem:$0x1CB00] =	vst v63  }
0x46: {  	s0 =	rddreg [dreg:$0x14]  }
0x47: {  	[tilespmem:s15], [sflag:$0x5] =	stream.indirect.gather [hbm4b:s3+s5], $0x80, s0, s5, $0xb8;
	[tilespmem:$0x1CB00] =	vst v63  }
0x48: {  	s1 =	rddreg [dreg:$0x15]  }
0x49: {  	[tilespmem:s17], [sflag:$0x6] =	stream.indirect.gather [hbm4b:s3+s5], $0x80, s1, s5, $0xb8;
	[tilespmem:$0x1CB00] =	vst v63  }
0x4a: {  	_ =	swait.ge [sflag:s18], $0x4000  }
0x4b: {  	[sflag:s18] =	ssyncset.done $0x0  }
0x4c: {  	[sflag:s18] =	ssyncadd.s32 $0xFFFFC000  }
0x4d: {  	_ =	swait.ge [sflag:s19], $0x4000  }
0x4e: {  	[sflag:s19] =	ssyncset.done $0x0  }
0x4f: {  	[sflag:s19] =	ssyncadd.s32 $0xFFFFC000  }
0x50: {  	_ =	swait.ge [sflag:s16], $0x4000  }
0x51: {  	[sflag:s16] =	ssyncset.done $0x0  }
0x52: {  	s1 =	rddreg [dreg:$0xb];
	[sflag:s16] =	ssyncadd.s32 $0xFFFFC000  }
0x53: {  	[hbm4b:s1+s2] =	stream.linear.scatter [tilespmem:s13], [sflag:$0x8], $0xC000, $0x38;
	[tilespmem:$0x1CB00] =	vst v63  }
0x54: {  	_ =	swait.ge [sflag:s11], $0xC000  }
0x55: {  	[sflag:s11] =	ssyncset.done $0x0  }
0x56: {  	s0 =	rddreg [dreg:$0x16];
	[sflag:s11] =	ssyncadd.s32 $0xFFFF4000  }
0x57: {  	[tilespmem:s4], [sflag:$0x1] =	stream.indirect.gather [hbm4b:s3+s5], $0x80, s0, s5, $0xb8;
	[tilespmem:$0x1CB00] =	vst v63  }
0x58: {  	s1 =	rddreg [dreg:$0x17]  }
0x59: {  	[tilespmem:s9], [sflag:$0x2] =	stream.indirect.gather [hbm4b:s3+s5], $0x80, s1, s5, $0xb8;
	[tilespmem:$0x1CB00] =	vst v63  }
0x5a: {  	s0 =	rddreg [dreg:$0x18]  }
0x5b: {  	[tilespmem:s10], [sflag:$0x3] =	stream.indirect.gather [hbm4b:s3+s5], $0x80, s0, s5, $0xb8;
	[tilespmem:$0x1CB00] =	vst v63  }
0x5c: {  	_ =	swait.ge [sflag:s8], $0x4000  }
0x5d: {  	[sflag:s8] =	ssyncset.done $0x0  }
0x5e: {  	[sflag:s8] =	ssyncadd.s32 $0xFFFFC000  }
0x5f: {  	_ =	swait.ge [sflag:s7], $0x4000  }
0x60: {  	[sflag:s7] =	ssyncset.done $0x0  }
0x61: {  	[sflag:s7] =	ssyncadd.s32 $0xFFFFC000  }
0x62: {  	_ =	swait.ge [sflag:s6], $0x4000  }
0x63: {  	[sflag:s6] =	ssyncset.done $0x0  }
0x64: {  	s1 =	rddreg [dreg:$0xc];
	[sflag:s6] =	ssyncadd.s32 $0xFFFFC000  }
0x65: {  	[hbm4b:s1+s2] =	stream.linear.scatter [tilespmem:s4], [sflag:$0x7], $0xC000, $0x38;
	[tilespmem:$0x1CB00] =	vst v63  }
0x66: {  	_ =	swait.ge [sflag:s12], $0xC000  }
0x67: {  	[sflag:s12] =	ssyncset.done $0x0  }
0x68: {  	s0 =	rddreg [dreg:$0x19];
	[sflag:s12] =	ssyncadd.s32 $0xFFFF4000  }
0x69: {  	[tilespmem:s13], [sflag:$0x4] =	stream.indirect.gather [hbm4b:s3+s5], $0x80, s0, s5, $0xb8;
	[tilespmem:$0x1CB00] =	vst v63  }
0x6a: {  	s1 =	rddreg [dreg:$0x1a]  }
0x6b: {  	[tilespmem:s15], [sflag:$0x5] =	stream.indirect.gather [hbm4b:s3+s5], $0x80, s1, s5, $0xb8;
	[tilespmem:$0x1CB00] =	vst v63  }
0x6c: {  	s0 =	rddreg [dreg:$0x1b]  }
0x6d: {  	[tilespmem:s17], [sflag:$0x6] =	stream.indirect.gather [hbm4b:s3+s5], $0x80, s0, s5, $0xb8;
	[tilespmem:$0x1CB00] =	vst v63  }
0x6e: {  	_ =	swait.ge [sflag:s18], $0x4000  }
0x6f: {  	[sflag:s18] =	ssyncset.done $0x0  }
0x70: {  	[sflag:s18] =	ssyncadd.s32 $0xFFFFC000  }
0x71: {  	_ =	swait.ge [sflag:s19], $0x4000  }
0x72: {  	[sflag:s19] =	ssyncset.done $0x0  }
0x73: {  	[sflag:s19] =	ssyncadd.s32 $0xFFFFC000  }
0x74: {  	_ =	swait.ge [sflag:s16], $0x4000  }
0x75: {  	[sflag:s16] =	ssyncset.done $0x0  }
0x76: {  	s1 =	rddreg [dreg:$0xd];
	[sflag:s16] =	ssyncadd.s32 $0xFFFFC000  }
0x77: {  	[hbm4b:s1+s2] =	stream.linear.scatter [tilespmem:s13], [sflag:$0x8], $0xC000, $0x38;
	[tilespmem:$0x1CB00] =	vst v63  }
0x78: {  	_ =	swait.ge [sflag:s11], $0xC000  }
0x79: {  	[sflag:s11] =	ssyncset.done $0x0  }
0x7a: {  	s1 =	rddreg [dreg:$0x1c];
	[sflag:s11] =	ssyncadd.s32 $0xFFFF4000  }
0x7b: {  	[tilespmem:s4], [sflag:$0x1] =	stream.indirect.gather [hbm4b:s3+s5], $0x80, s1, s5, $0xb8;
	[tilespmem:$0x1CB00] =	vst v63  }
0x7c: {  	_ = 	snop  }
0x7d: {  	[tilespmem:s9], [sflag:$0x2] =	stream.indirect.gather [hbm4b:s3+s5], $0x80, s28, s5, $0xb8;
	[tilespmem:$0x1CB00] =	vst v63  }
0x7e: {  	_ = 	snop  }
0x7f: {  	[tilespmem:s10], [sflag:$0x3] =	stream.indirect.gather [hbm4b:s3+s5], $0x80, s24, s5, $0xb8;
	[tilespmem:$0x1CB00] =	vst v63  }
0x80: {  	_ =	swait.ge [sflag:s8], $0x4000  }
0x81: {  	[sflag:s8] =	ssyncset.done $0x0  }
0x82: {  	[sflag:s8] =	ssyncadd.s32 $0xFFFFC000  }
0x83: {  	_ =	swait.ge [sflag:s7], $0x4000  }
0x84: {  	[sflag:s7] =	ssyncset.done $0x0  }
0x85: {  	[sflag:s7] =	ssyncadd.s32 $0xFFFFC000  }
0x86: {  	_ =	swait.ge [sflag:s6], $0x4000  }
0x87: {  	[sflag:s6] =	ssyncset.done $0x0  }
0x88: {  	s1 =	rddreg [dreg:$0xe];
	[sflag:s6] =	ssyncadd.s32 $0xFFFFC000  }
0x89: {  	[hbm4b:s1+s2] =	stream.linear.scatter [tilespmem:s4], [sflag:$0x7], $0xC000, $0x38;
	[tilespmem:$0x1CB00] =	vst v63  }
0x8a: {  	_ =	swait.ge [sflag:s12], $0xC000  }
0x8b: {  	[sflag:s12] =	ssyncset.done $0x0  }
0x8c: {  	s1 =	simm.s32 $0x800;
	[sflag:s12] =	ssyncadd.s32 $0xFFFF4000  }
0x8d: {  	[tilespmem:s13], [sflag:$0x4] =	stream.indirect.gather [hbm4b:s3+s5], $0x80, s1, s5, $0xb8;
	[tilespmem:$0x1CB00] =	vst v63  }
0x8e: {  	_ = 	snop  }
0x8f: {  	[tilespmem:s15], [sflag:$0x5] =	stream.indirect.gather [hbm4b:s3+s5], $0x80, s25, s5, $0xb8;
	[tilespmem:$0x1CB00] =	vst v63  }
0x90: {  	_ = 	snop  }
0x91: {  	[tilespmem:s17], [sflag:$0x6] =	stream.indirect.gather [hbm4b:s3+s5], $0x80, s26, s5, $0xb8;
	[tilespmem:$0x1CB00] =	vst v63  }
0x92: {  	_ =	swait.ge [sflag:s18], $0x4000  }
0x93: {  	[sflag:s18] =	ssyncset.done $0x0  }
0x94: {  	[sflag:s18] =	ssyncadd.s32 $0xFFFFC000  }
0x95: {  	_ =	swait.ge [sflag:s19], $0x4000  }
0x96: {  	[sflag:s19] =	ssyncset.done $0x0  }
0x97: {  	[sflag:s19] =	ssyncadd.s32 $0xFFFFC000  }
0x98: {  	_ =	swait.ge [sflag:s16], $0x4000  }
0x99: {  	[sflag:s16] =	ssyncset.done $0x0  }
0x9a: {  	s1 =	rddreg [dreg:$0xf];
	[sflag:s16] =	ssyncadd.s32 $0xFFFFC000  }
0x9b: {  	[hbm4b:s1+s2] =	stream.linear.scatter [tilespmem:s13], [sflag:$0x8], $0xC000, $0x38;
	[tilespmem:$0x1CB00] =	vst v63  }
0x9c: {  	_ =	swait.ge [sflag:s11], $0xC000  }
0x9d: {  	[sflag:s11] =	ssyncset.done $0x0  }
0x9e: {  	[sflag:s11] =	ssyncadd.s32 $0xFFFF4000  }
0x9f: {  	[tilespmem:s4], [sflag:$0x1] =	stream.indirect.gather [hbm4b:s3+s5], $0x80, s21, s5, $0xb8;
	[tilespmem:$0x1CB00] =	vst v63  }
0xa0: {  	_ = 	snop  }
0xa1: {  	[tilespmem:s9], [sflag:$0x2] =	stream.indirect.gather [hbm4b:s3+s5], $0x80, s22, s5, $0xb8;
	[tilespmem:$0x1CB00] =	vst v63  }
0xa2: {  	_ = 	snop  }
0xa3: {  	[tilespmem:s10], [sflag:$0x3] =	stream.indirect.gather [hbm4b:s3+s5], $0x80, s23, s5, $0xb8;
	[tilespmem:$0x1CB00] =	vst v63  }
0xa4: {  	_ =	swait.ge [sflag:s8], $0x4000  }
0xa5: {  	[sflag:s8] =	ssyncset.done $0x0  }
0xa6: {  	[sflag:s8] =	ssyncadd.s32 $0xFFFFC000  }
0xa7: {  	_ =	swait.ge [sflag:s7], $0x4000  }
0xa8: {  	[sflag:s7] =	ssyncset.done $0x0  }
0xa9: {  	[sflag:s7] =	ssyncadd.s32 $0xFFFFC000  }
0xaa: {  	_ =	swait.ge [sflag:s6], $0x4000  }
0xab: {  	[sflag:s6] =	ssyncset.done $0x0  }
0xac: {  	s1 =	rddreg [dreg:$0x10];
	[sflag:s6] =	ssyncadd.s32 $0xFFFFC000  }
0xad: {  	[hbm4b:s1+s2] =	stream.linear.scatter [tilespmem:s4], [sflag:$0x7], $0xC000, $0x38;
	[tilespmem:$0x1CB00] =	vst v63  }
0xae: {  	_ =	swait.ge [sflag:s11], $0xC000  }
0xaf: {  	[sflag:s11] =	ssyncset.done $0x0  }
0xb0: {  	p1 =	sne.s32 s20, $0x1;
	[sflag:s11] =	ssyncadd.s32 $0xFFFF4000  }
.Ltmp1:
0xb1: {  	_ =	swait.ge [sflag:s12], $0xC000;
	(pc) =	sbr.rel @!p1 .LBB2_3-.Ltmp1, $4  }
0xb2: {  	[sflag:s12] =	ssyncset.done $0x0  }
0xb3: {  	[sflag:s12] =	ssyncadd.s32 $0xFFFF4000  }
0xb4: {  	p0 =	por $0x1, $0x1;
	_ =	swait.ge [sflag:s14], $0x4000  }
0xb5: {  	s0 =	sadd.s32 $0xFFFFFFFF, s20;
	s1 =	rddreg [dreg:$0x7];
	[sflag:s14] =	ssyncset.done $0x0  }
.LBB2_4:
0xb6: {  	[sflag:s14] =	ssyncadd.s32 $0xFFFFC000  }
0xb7: {  	[tilespmem:s2], [sflag:$0xB] =	stream.linear.gather [hbm4b:s1+s2], $0x80, $0x38;
	[tilespmem:$0x1CB00] =	vst v63  }
0xb8: {  	_ =	swait.ge [sflag:s31], $0x80  }
0xb9: {  	[sflag:s31] =	ssyncset.done $0x0  }
0xba: {  	s20 =	rddreg [dreg:$0x8];
	[sflag:s31] =	ssyncadd.s32 $0xFFFFFF80  }
0xbb: {  	[tilespmem:s5], [sflag:$0xB] =	stream.linear.gather [hbm4b:s20+s2], $0xA80, $0x38;
	[tilespmem:$0x1CB00] =	vst v63  }
0xbc: {  	_ =	swait.ge [sflag:s31], $0xA80  }
0xbd: {  	[sflag:s31] =	ssyncset.done $0x0  }
0xbe: {  	s20 =	rddreg [dreg:$0x6];
	[sflag:s31] =	ssyncadd.s32 $0xFFFFF580  }
0xbf: {  	[tilespmem:s29], [sflag:$0x9] =	stream.indirect.gather [hbm4b:s20+s5], $0x80, s2, s5, $0xb8;
	[tilespmem:$0x1CB00] =	vst v63  }
0xc0: {  	_ =	swait.ge [sflag:s30], $0x4000  }
0xc1: {  	[sflag:s30] =	ssyncset.done $0x0  }
0xc2: {  	s20 =	rddreg [dreg:$0x9];
	[sflag:s30] =	ssyncadd.s32 $0xFFFFC000  }
0xc3: {  	[hbm4b:s20+s2] =	stream.linear.scatter [tilespmem:s29], [sflag:$0xA], $0x4000, $0x38;
	[tilespmem:$0x1CB00] =	vst v63  }
0xc4: {  	_ = 	snop  }
0xc5: {  	[tilespmem:s4], [sflag:$0x1] =	stream.indirect.gather [hbm4b:s3+s5], $0x80, s5, s5, $0xb8;
	[tilespmem:$0x1CB00] =	vst v63  }
0xc6: {  	s1 =	rddreg [dreg:$0x11]  }
0xc7: {  	[tilespmem:s9], [sflag:$0x2] =	stream.indirect.gather [hbm4b:s3+s5], $0x80, s1, s5, $0xb8;
	[tilespmem:$0x1CB00] =	vst v63  }
0xc8: {  	s20 =	rddreg [dreg:$0x12]  }
0xc9: {  	[tilespmem:s10], [sflag:$0x3] =	stream.indirect.gather [hbm4b:s3+s5], $0x80, s20, s5, $0xb8;
	[tilespmem:$0x1CB00] =	vst v63  }
0xca: {  	_ =	swait.ge [sflag:s8], $0x4000  }
0xcb: {  	[sflag:s8] =	ssyncset.done $0x0  }
0xcc: {  	[sflag:s8] =	ssyncadd.s32 $0xFFFFC000  }
0xcd: {  	_ =	swait.ge [sflag:s7], $0x4000  }
0xce: {  	[sflag:s7] =	ssyncset.done $0x0  }
0xcf: {  	[sflag:s7] =	ssyncadd.s32 $0xFFFFC000  }
0xd0: {  	_ =	swait.ge [sflag:s6], $0x4000  }
0xd1: {  	[sflag:s6] =	ssyncset.done $0x0  }
0xd2: {  	s1 =	rddreg [dreg:$0xa];
	[sflag:s6] =	ssyncadd.s32 $0xFFFFC000  }
0xd3: {  	[hbm4b:s1+s2] =	stream.linear.scatter [tilespmem:s4], [sflag:$0x7], $0xC000, $0x38;
	[tilespmem:$0x1CB00] =	vst v63  }
0xd4: {  	s20 =	rddreg [dreg:$0x13]  }
0xd5: {  	[tilespmem:s13], [sflag:$0x4] =	stream.indirect.gather [hbm4b:s3+s5], $0x80, s20, s5, $0xb8;
	[tilespmem:$0x1CB00] =	vst v63  }
0xd6: {  	s1 =	rddreg [dreg:$0x14]  }
0xd7: {  	[tilespmem:s15], [sflag:$0x5] =	stream.indirect.gather [hbm4b:s3+s5], $0x80, s1, s5, $0xb8;
	[tilespmem:$0x1CB00] =	vst v63  }
0xd8: {  	s20 =	rddreg [dreg:$0x15]  }
0xd9: {  	[tilespmem:s17], [sflag:$0x6] =	stream.indirect.gather [hbm4b:s3+s5], $0x80, s20, s5, $0xb8;
	[tilespmem:$0x1CB00] =	vst v63  }
0xda: {  	_ =	swait.ge [sflag:s18], $0x4000  }
0xdb: {  	[sflag:s18] =	ssyncset.done $0x0  }
0xdc: {  	[sflag:s18] =	ssyncadd.s32 $0xFFFFC000  }
0xdd: {  	_ =	swait.ge [sflag:s19], $0x4000  }
0xde: {  	[sflag:s19] =	ssyncset.done $0x0  }
0xdf: {  	[sflag:s19] =	ssyncadd.s32 $0xFFFFC000  }
0xe0: {  	_ =	swait.ge [sflag:s16], $0x4000  }
0xe1: {  	[sflag:s16] =	ssyncset.done $0x0  }
0xe2: {  	s20 =	rddreg [dreg:$0xb];
	[sflag:s16] =	ssyncadd.s32 $0xFFFFC000  }
0xe3: {  	[hbm4b:s20+s2] =	stream.linear.scatter [tilespmem:s13], [sflag:$0x8], $0xC000, $0x38;
	[tilespmem:$0x1CB00] =	vst v63  }
0xe4: {  	_ =	swait.ge [sflag:s11], $0xC000  }
0xe5: {  	[sflag:s11] =	ssyncset.done $0x0  }
0xe6: {  	s1 =	rddreg [dreg:$0x16];
	[sflag:s11] =	ssyncadd.s32 $0xFFFF4000  }
0xe7: {  	[tilespmem:s4], [sflag:$0x1] =	stream.indirect.gather [hbm4b:s3+s5], $0x80, s1, s5, $0xb8;
	[tilespmem:$0x1CB00] =	vst v63  }
0xe8: {  	s20 =	rddreg [dreg:$0x17]  }
0xe9: {  	[tilespmem:s9], [sflag:$0x2] =	stream.indirect.gather [hbm4b:s3+s5], $0x80, s20, s5, $0xb8;
	[tilespmem:$0x1CB00] =	vst v63  }
0xea: {  	s1 =	rddreg [dreg:$0x18]  }
0xeb: {  	[tilespmem:s10], [sflag:$0x3] =	stream.indirect.gather [hbm4b:s3+s5], $0x80, s1, s5, $0xb8;
	[tilespmem:$0x1CB00] =	vst v63  }
0xec: {  	_ =	swait.ge [sflag:s8], $0x4000  }
0xed: {  	[sflag:s8] =	ssyncset.done $0x0  }
0xee: {  	[sflag:s8] =	ssyncadd.s32 $0xFFFFC000  }
0xef: {  	_ =	swait.ge [sflag:s7], $0x4000  }
0xf0: {  	[sflag:s7] =	ssyncset.done $0x0  }
0xf1: {  	[sflag:s7] =	ssyncadd.s32 $0xFFFFC000  }
0xf2: {  	_ =	swait.ge [sflag:s6], $0x4000  }
0xf3: {  	[sflag:s6] =	ssyncset.done $0x0  }
0xf4: {  	s20 =	rddreg [dreg:$0xc];
	[sflag:s6] =	ssyncadd.s32 $0xFFFFC000  }
0xf5: {  	[hbm4b:s20+s2] =	stream.linear.scatter [tilespmem:s4], [sflag:$0x7], $0xC000, $0x38;
	[tilespmem:$0x1CB00] =	vst v63  }
0xf6: {  	_ =	swait.ge [sflag:s12], $0xC000  }
0xf7: {  	[sflag:s12] =	ssyncset.done $0x0  }
0xf8: {  	s1 =	rddreg [dreg:$0x19];
	[sflag:s12] =	ssyncadd.s32 $0xFFFF4000  }
0xf9: {  	[tilespmem:s13], [sflag:$0x4] =	stream.indirect.gather [hbm4b:s3+s5], $0x80, s1, s5, $0xb8;
	[tilespmem:$0x1CB00] =	vst v63  }
0xfa: {  	s20 =	rddreg [dreg:$0x1a]  }
0xfb: {  	[tilespmem:s15], [sflag:$0x5] =	stream.indirect.gather [hbm4b:s3+s5], $0x80, s20, s5, $0xb8;
	[tilespmem:$0x1CB00] =	vst v63  }
0xfc: {  	s1 =	rddreg [dreg:$0x1b]  }
0xfd: {  	[tilespmem:s17], [sflag:$0x6] =	stream.indirect.gather [hbm4b:s3+s5], $0x80, s1, s5, $0xb8;
	[tilespmem:$0x1CB00] =	vst v63  }
0xfe: {  	_ =	swait.ge [sflag:s18], $0x4000  }
0xff: {  	[sflag:s18] =	ssyncset.done $0x0  }
0x100: {  	[sflag:s18] =	ssyncadd.s32 $0xFFFFC000  }
0x101: {  	_ =	swait.ge [sflag:s19], $0x4000  }
0x102: {  	[sflag:s19] =	ssyncset.done $0x0  }
0x103: {  	[sflag:s19] =	ssyncadd.s32 $0xFFFFC000  }
0x104: {  	_ =	swait.ge [sflag:s16], $0x4000  }
0x105: {  	[sflag:s16] =	ssyncset.done $0x0  }
0x106: {  	s20 =	rddreg [dreg:$0xd];
	[sflag:s16] =	ssyncadd.s32 $0xFFFFC000  }
0x107: {  	[hbm4b:s20+s2] =	stream.linear.scatter [tilespmem:s13], [sflag:$0x8], $0xC000, $0x38;
	[tilespmem:$0x1CB00] =	vst v63  }
0x108: {  	_ =	swait.ge [sflag:s11], $0xC000  }
0x109: {  	[sflag:s11] =	ssyncset.done $0x0  }
0x10a: {  	s20 =	rddreg [dreg:$0x1c];
	[sflag:s11] =	ssyncadd.s32 $0xFFFF4000  }
0x10b: {  	[tilespmem:s4], [sflag:$0x1] =	stream.indirect.gather [hbm4b:s3+s5], $0x80, s20, s5, $0xb8;
	[tilespmem:$0x1CB00] =	vst v63  }
0x10c: {  	_ = 	snop  }
0x10d: {  	[tilespmem:s9], [sflag:$0x2] =	stream.indirect.gather [hbm4b:s3+s5], $0x80, s28, s5, $0xb8;
	[tilespmem:$0x1CB00] =	vst v63  }
0x10e: {  	_ = 	snop  }
0x10f: {  	[tilespmem:s10], [sflag:$0x3] =	stream.indirect.gather [hbm4b:s3+s5], $0x80, s24, s5, $0xb8;
	[tilespmem:$0x1CB00] =	vst v63  }
0x110: {  	_ =	swait.ge [sflag:s8], $0x4000  }
0x111: {  	[sflag:s8] =	ssyncset.done $0x0  }
0x112: {  	[sflag:s8] =	ssyncadd.s32 $0xFFFFC000  }
0x113: {  	_ =	swait.ge [sflag:s7], $0x4000  }
0x114: {  	[sflag:s7] =	ssyncset.done $0x0  }
0x115: {  	[sflag:s7] =	ssyncadd.s32 $0xFFFFC000  }
0x116: {  	_ =	swait.ge [sflag:s6], $0x4000  }
0x117: {  	[sflag:s6] =	ssyncset.done $0x0  }
0x118: {  	s20 =	rddreg [dreg:$0xe];
	[sflag:s6] =	ssyncadd.s32 $0xFFFFC000  }
0x119: {  	[hbm4b:s20+s2] =	stream.linear.scatter [tilespmem:s4], [sflag:$0x7], $0xC000, $0x38;
	[tilespmem:$0x1CB00] =	vst v63  }
0x11a: {  	_ =	swait.ge [sflag:s12], $0xC000  }
0x11b: {  	[sflag:s12] =	ssyncset.done $0x0  }
0x11c: {  	s20 =	simm.s32 $0x800;
	[sflag:s12] =	ssyncadd.s32 $0xFFFF4000  }
0x11d: {  	[tilespmem:s13], [sflag:$0x4] =	stream.indirect.gather [hbm4b:s3+s5], $0x80, s20, s5, $0xb8;
	[tilespmem:$0x1CB00] =	vst v63  }
0x11e: {  	_ = 	snop  }
0x11f: {  	[tilespmem:s15], [sflag:$0x5] =	stream.indirect.gather [hbm4b:s3+s5], $0x80, s25, s5, $0xb8;
	[tilespmem:$0x1CB00] =	vst v63  }
0x120: {  	_ = 	snop  }
0x121: {  	[tilespmem:s17], [sflag:$0x6] =	stream.indirect.gather [hbm4b:s3+s5], $0x80, s26, s5, $0xb8;
	[tilespmem:$0x1CB00] =	vst v63  }
0x122: {  	_ =	swait.ge [sflag:s18], $0x4000  }
0x123: {  	[sflag:s18] =	ssyncset.done $0x0  }
0x124: {  	[sflag:s18] =	ssyncadd.s32 $0xFFFFC000  }
0x125: {  	_ =	swait.ge [sflag:s19], $0x4000  }
0x126: {  	[sflag:s19] =	ssyncset.done $0x0  }
0x127: {  	[sflag:s19] =	ssyncadd.s32 $0xFFFFC000  }
0x128: {  	_ =	swait.ge [sflag:s16], $0x4000  }
0x129: {  	[sflag:s16] =	ssyncset.done $0x0  }
0x12a: {  	s20 =	rddreg [dreg:$0xf];
	[sflag:s16] =	ssyncadd.s32 $0xFFFFC000  }
0x12b: {  	[hbm4b:s20+s2] =	stream.linear.scatter [tilespmem:s13], [sflag:$0x8], $0xC000, $0x38;
	[tilespmem:$0x1CB00] =	vst v63  }
0x12c: {  	_ =	swait.ge [sflag:s11], $0xC000  }
0x12d: {  	[sflag:s11] =	ssyncset.done $0x0  }
0x12e: {  	[sflag:s11] =	ssyncadd.s32 $0xFFFF4000  }
0x12f: {  	[tilespmem:s4], [sflag:$0x1] =	stream.indirect.gather [hbm4b:s3+s5], $0x80, s21, s5, $0xb8;
	[tilespmem:$0x1CB00] =	vst v63  }
0x130: {  	_ = 	snop  }
0x131: {  	[tilespmem:s9], [sflag:$0x2] =	stream.indirect.gather [hbm4b:s3+s5], $0x80, s22, s5, $0xb8;
	[tilespmem:$0x1CB00] =	vst v63  }
0x132: {  	_ = 	snop  }
0x133: {  	[tilespmem:s10], [sflag:$0x3] =	stream.indirect.gather [hbm4b:s3+s5], $0x80, s23, s5, $0xb8;
	[tilespmem:$0x1CB00] =	vst v63  }
0x134: {  	_ =	swait.ge [sflag:s8], $0x4000  }
0x135: {  	[sflag:s8] =	ssyncset.done $0x0  }
0x136: {  	[sflag:s8] =	ssyncadd.s32 $0xFFFFC000  }
0x137: {  	_ =	swait.ge [sflag:s7], $0x4000  }
0x138: {  	[sflag:s7] =	ssyncset.done $0x0  }
0x139: {  	[sflag:s7] =	ssyncadd.s32 $0xFFFFC000  }
0x13a: {  	_ =	swait.ge [sflag:s6], $0x4000  }
0x13b: {  	[sflag:s6] =	ssyncset.done $0x0  }
0x13c: {  	s20 =	rddreg [dreg:$0x10];
	[sflag:s6] =	ssyncadd.s32 $0xFFFFC000  }
0x13d: {  	[hbm4b:s20+s2] =	stream.linear.scatter [tilespmem:s4], [sflag:$0x7], $0xC000, $0x38;
	[tilespmem:$0x1CB00] =	vst v63  }
0x13e: {  	_ =	swait.ge [sflag:s11], $0xC000  }
0x13f: {  	[sflag:s11] =	ssyncset.done $0x0  }
0x140: {  	p1 =	sne.s32 s0, $0x1;
	[sflag:s11] =	ssyncadd.s32 $0xFFFF4000  }
.Ltmp2:
0x141: {  	_ =	swait.ge [sflag:s12], $0xC000;
	(pc) =	sbr.rel @p1 .LBB2_4-.Ltmp2, $4  }
0x142: {  	[sflag:s12] =	ssyncset.done $0x0  }
0x143: {  	[sflag:s12] =	ssyncadd.s32 $0xFFFF4000  }
0x144: {  	_ =	swait.ge [sflag:s14], $0x4000  }
0x145: {  	s0 =	sadd.s32 $0xFFFFFFFF, s0;
	s1 =	rddreg [dreg:$0x7];
	[sflag:s14] =	ssyncset.done $0x0  }
0x146: {  	s23 =	simm.s32 $0x780;
	s28 =	simm.s32 $0x700  }
0x147: {  	s26 =	simm.s32 $0x900;
	s25 =	simm.s32 $0x880;
	s24 =	simm.s32 $0x800  }
0x148: {  	s22 =	simm.s32 $0xA00;
	s21 =	simm.s32 $0x980;
	s20 =	rddreg [dreg:$0x5]  }
.LBB2_6:
0x149: {  	[sflag:s14] =	ssyncadd.s32 @p0 $0xFFFFC000  }
0x14a: {  	[tilespmem:s2], [sflag:$0xB] =	stream.linear.gather [hbm4b:s1+s2], $0x80, $0x38;
	[tilespmem:$0x1CB00] =	vst v63  }
0x14b: {  	_ =	swait.ge [sflag:s31], $0x80  }
0x14c: {  	[sflag:s31] =	ssyncset.done $0x0  }
0x14d: {  	s0 =	rddreg [dreg:$0x8];
	[sflag:s31] =	ssyncadd.s32 $0xFFFFFF80  }
0x14e: {  	[tilespmem:s5], [sflag:$0xB] =	stream.linear.gather [hbm4b:s0+s2], $0xA80, $0x38;
	[tilespmem:$0x1CB00] =	vst v63  }
0x14f: {  	_ =	swait.ge [sflag:s31], $0xA80  }
0x150: {  	[sflag:s31] =	ssyncset.done $0x0  }
0x151: {  	s1 =	rddreg [dreg:$0x6];
	[sflag:s31] =	ssyncadd.s32 $0xFFFFF580  }
0x152: {  	[tilespmem:s29], [sflag:$0x9] =	stream.indirect.gather [hbm4b:s1+s5], $0x80, s2, s5, $0xb8;
	[tilespmem:$0x1CB00] =	vst v63  }
0x153: {  	_ =	swait.ge [sflag:s30], $0x4000  }
0x154: {  	[sflag:s30] =	ssyncset.done $0x0  }
0x155: {  	s31 =	rddreg [dreg:$0x9];
	[sflag:s30] =	ssyncadd.s32 $0xFFFFC000  }
0x156: {  	[hbm4b:s31+s2] =	stream.linear.scatter [tilespmem:s29], [sflag:$0xA], $0x4000, $0x38;
	[tilespmem:$0x1CB00] =	vst v63  }
0x157: {  	_ = 	snop  }
0x158: {  	[tilespmem:s4], [sflag:$0x1] =	stream.indirect.gather [hbm4b:s3+s5], $0x80, s5, s5, $0xb8;
	[tilespmem:$0x1CB00] =	vst v63  }
0x159: {  	s1 =	rddreg [dreg:$0x11]  }
0x15a: {  	[tilespmem:s9], [sflag:$0x2] =	stream.indirect.gather [hbm4b:s3+s5], $0x80, s1, s5, $0xb8;
	[tilespmem:$0x1CB00] =	vst v63  }
0x15b: {  	s29 =	rddreg [dreg:$0x12]  }
0x15c: {  	[tilespmem:s10], [sflag:$0x3] =	stream.indirect.gather [hbm4b:s3+s5], $0x80, s29, s5, $0xb8;
	[tilespmem:$0x1CB00] =	vst v63  }
0x15d: {  	_ =	swait.ge [sflag:s8], $0x4000  }
0x15e: {  	[sflag:s8] =	ssyncset.done $0x0  }
0x15f: {  	[sflag:s8] =	ssyncadd.s32 $0xFFFFC000  }
0x160: {  	_ =	swait.ge [sflag:s7], $0x4000  }
0x161: {  	[sflag:s7] =	ssyncset.done $0x0  }
0x162: {  	[sflag:s7] =	ssyncadd.s32 $0xFFFFC000  }
0x163: {  	_ =	swait.ge [sflag:s6], $0x4000  }
0x164: {  	[sflag:s6] =	ssyncset.done $0x0  }
0x165: {  	s30 =	rddreg [dreg:$0xa];
	[sflag:s6] =	ssyncadd.s32 $0xFFFFC000  }
0x166: {  	[hbm4b:s30+s2] =	stream.linear.scatter [tilespmem:s4], [sflag:$0x7], $0xC000, $0x38;
	[tilespmem:$0x1CB00] =	vst v63  }
0x167: {  	s31 =	rddreg [dreg:$0x13]  }
0x168: {  	[tilespmem:s13], [sflag:$0x4] =	stream.indirect.gather [hbm4b:s3+s5], $0x80, s31, s5, $0xb8;
	[tilespmem:$0x1CB00] =	vst v63  }
0x169: {  	s29 =	rddreg [dreg:$0x14]  }
0x16a: {  	[tilespmem:s15], [sflag:$0x5] =	stream.indirect.gather [hbm4b:s3+s5], $0x80, s29, s5, $0xb8;
	[tilespmem:$0x1CB00] =	vst v63  }
0x16b: {  	s30 =	rddreg [dreg:$0x15]  }
0x16c: {  	[tilespmem:s17], [sflag:$0x6] =	stream.indirect.gather [hbm4b:s3+s5], $0x80, s30, s5, $0xb8;
	[tilespmem:$0x1CB00] =	vst v63  }
0x16d: {  	_ =	swait.ge [sflag:s18], $0x4000  }
0x16e: {  	[sflag:s18] =	ssyncset.done $0x0  }
0x16f: {  	[sflag:s18] =	ssyncadd.s32 $0xFFFFC000  }
0x170: {  	_ =	swait.ge [sflag:s19], $0x4000  }
0x171: {  	[sflag:s19] =	ssyncset.done $0x0  }
0x172: {  	[sflag:s19] =	ssyncadd.s32 $0xFFFFC000  }
0x173: {  	_ =	swait.ge [sflag:s16], $0x4000  }
0x174: {  	[sflag:s16] =	ssyncset.done $0x0  }
0x175: {  	s31 =	rddreg [dreg:$0xb];
	[sflag:s16] =	ssyncadd.s32 $0xFFFFC000  }
0x176: {  	[hbm4b:s31+s2] =	stream.linear.scatter [tilespmem:s13], [sflag:$0x8], $0xC000, $0x38;
	[tilespmem:$0x1CB00] =	vst v63  }
0x177: {  	_ =	swait.ge [sflag:s11], $0xC000  }
0x178: {  	[sflag:s11] =	ssyncset.done $0x0  }
0x179: {  	s1 =	rddreg [dreg:$0x16];
	[sflag:s11] =	ssyncadd.s32 $0xFFFF4000  }
0x17a: {  	[tilespmem:s4], [sflag:$0x1] =	stream.indirect.gather [hbm4b:s3+s5], $0x80, s1, s5, $0xb8;
	[tilespmem:$0x1CB00] =	vst v63  }
0x17b: {  	s29 =	rddreg [dreg:$0x17]  }
0x17c: {  	[tilespmem:s9], [sflag:$0x2] =	stream.indirect.gather [hbm4b:s3+s5], $0x80, s29, s5, $0xb8;
	[tilespmem:$0x1CB00] =	vst v63  }
0x17d: {  	s30 =	rddreg [dreg:$0x18]  }
0x17e: {  	[tilespmem:s10], [sflag:$0x3] =	stream.indirect.gather [hbm4b:s3+s5], $0x80, s30, s5, $0xb8;
	[tilespmem:$0x1CB00] =	vst v63  }
0x17f: {  	_ =	swait.ge [sflag:s8], $0x4000  }
0x180: {  	[sflag:s8] =	ssyncset.done $0x0  }
0x181: {  	[sflag:s8] =	ssyncadd.s32 $0xFFFFC000  }
0x182: {  	_ =	swait.ge [sflag:s7], $0x4000  }
0x183: {  	[sflag:s7] =	ssyncset.done $0x0  }
0x184: {  	[sflag:s7] =	ssyncadd.s32 $0xFFFFC000  }
0x185: {  	_ =	swait.ge [sflag:s6], $0x4000  }
0x186: {  	[sflag:s6] =	ssyncset.done $0x0  }
0x187: {  	s31 =	rddreg [dreg:$0xc];
	[sflag:s6] =	ssyncadd.s32 $0xFFFFC000  }
0x188: {  	[hbm4b:s31+s2] =	stream.linear.scatter [tilespmem:s4], [sflag:$0x7], $0xC000, $0x38;
	[tilespmem:$0x1CB00] =	vst v63  }
0x189: {  	_ =	swait.ge [sflag:s12], $0xC000  }
0x18a: {  	[sflag:s12] =	ssyncset.done $0x0  }
0x18b: {  	s1 =	rddreg [dreg:$0x19];
	[sflag:s12] =	ssyncadd.s32 $0xFFFF4000  }
0x18c: {  	[tilespmem:s13], [sflag:$0x4] =	stream.indirect.gather [hbm4b:s3+s5], $0x80, s1, s5, $0xb8;
	[tilespmem:$0x1CB00] =	vst v63  }
0x18d: {  	s29 =	rddreg [dreg:$0x1a]  }
0x18e: {  	[tilespmem:s15], [sflag:$0x5] =	stream.indirect.gather [hbm4b:s3+s5], $0x80, s29, s5, $0xb8;
	[tilespmem:$0x1CB00] =	vst v63  }
0x18f: {  	s30 =	rddreg [dreg:$0x1b]  }
0x190: {  	[tilespmem:s17], [sflag:$0x6] =	stream.indirect.gather [hbm4b:s3+s5], $0x80, s30, s5, $0xb8;
	[tilespmem:$0x1CB00] =	vst v63  }
0x191: {  	_ =	swait.ge [sflag:s18], $0x4000  }
0x192: {  	[sflag:s18] =	ssyncset.done $0x0  }
0x193: {  	[sflag:s18] =	ssyncadd.s32 $0xFFFFC000  }
0x194: {  	_ =	swait.ge [sflag:s19], $0x4000  }
0x195: {  	[sflag:s19] =	ssyncset.done $0x0  }
0x196: {  	[sflag:s19] =	ssyncadd.s32 $0xFFFFC000  }
0x197: {  	_ =	swait.ge [sflag:s16], $0x4000  }
0x198: {  	[sflag:s16] =	ssyncset.done $0x0  }
0x199: {  	s31 =	rddreg [dreg:$0xd];
	[sflag:s16] =	ssyncadd.s32 $0xFFFFC000  }
0x19a: {  	[hbm4b:s31+s2] =	stream.linear.scatter [tilespmem:s13], [sflag:$0x8], $0xC000, $0x38;
	[tilespmem:$0x1CB00] =	vst v63  }
0x19b: {  	_ =	swait.ge [sflag:s11], $0xC000  }
0x19c: {  	[sflag:s11] =	ssyncset.done $0x0  }
0x19d: {  	s1 =	rddreg [dreg:$0x1c];
	[sflag:s11] =	ssyncadd.s32 $0xFFFF4000  }
0x19e: {  	[tilespmem:s4], [sflag:$0x1] =	stream.indirect.gather [hbm4b:s3+s5], $0x80, s1, s5, $0xb8;
	[tilespmem:$0x1CB00] =	vst v63  }
0x19f: {  	_ = 	snop  }
0x1a0: {  	[tilespmem:s9], [sflag:$0x2] =	stream.indirect.gather [hbm4b:s3+s5], $0x80, s28, s5, $0xb8;
	[tilespmem:$0x1CB00] =	vst v63  }
0x1a1: {  	_ = 	snop  }
0x1a2: {  	[tilespmem:s10], [sflag:$0x3] =	stream.indirect.gather [hbm4b:s3+s5], $0x80, s23, s5, $0xb8;
	[tilespmem:$0x1CB00] =	vst v63  }
0x1a3: {  	_ =	swait.ge [sflag:s8], $0x4000  }
0x1a4: {  	[sflag:s8] =	ssyncset.done $0x0  }
0x1a5: {  	[sflag:s8] =	ssyncadd.s32 $0xFFFFC000  }
0x1a6: {  	_ =	swait.ge [sflag:s7], $0x4000  }
0x1a7: {  	[sflag:s7] =	ssyncset.done $0x0  }
0x1a8: {  	[sflag:s7] =	ssyncadd.s32 $0xFFFFC000  }
0x1a9: {  	_ =	swait.ge [sflag:s6], $0x4000  }
0x1aa: {  	[sflag:s6] =	ssyncset.done $0x0  }
0x1ab: {  	s23 =	rddreg [dreg:$0xe];
	[sflag:s6] =	ssyncadd.s32 $0xFFFFC000  }
0x1ac: {  	[hbm4b:s23+s2] =	stream.linear.scatter [tilespmem:s4], [sflag:$0x7], $0xC000, $0x38;
	[tilespmem:$0x1CB00] =	vst v63  }
0x1ad: {  	_ =	swait.ge [sflag:s12], $0xC000  }
0x1ae: {  	[sflag:s12] =	ssyncset.done $0x0  }
0x1af: {  	[sflag:s12] =	ssyncadd.s32 $0xFFFF4000  }
0x1b0: {  	[tilespmem:s13], [sflag:$0x4] =	stream.indirect.gather [hbm4b:s3+s5], $0x80, s24, s5, $0xb8;
	[tilespmem:$0x1CB00] =	vst v63  }
0x1b1: {  	_ = 	snop  }
0x1b2: {  	[tilespmem:s15], [sflag:$0x5] =	stream.indirect.gather [hbm4b:s3+s5], $0x80, s25, s5, $0xb8;
	[tilespmem:$0x1CB00] =	vst v63  }
0x1b3: {  	_ = 	snop  }
0x1b4: {  	[tilespmem:s17], [sflag:$0x6] =	stream.indirect.gather [hbm4b:s3+s5], $0x80, s26, s5, $0xb8;
	[tilespmem:$0x1CB00] =	vst v63  }
0x1b5: {  	_ =	swait.ge [sflag:s18], $0x4000  }
0x1b6: {  	[sflag:s18] =	ssyncset.done $0x0  }
0x1b7: {  	[sflag:s18] =	ssyncadd.s32 $0xFFFFC000  }
0x1b8: {  	_ =	swait.ge [sflag:s19], $0x4000  }
0x1b9: {  	[sflag:s19] =	ssyncset.done $0x0  }
0x1ba: {  	[sflag:s19] =	ssyncadd.s32 $0xFFFFC000  }
0x1bb: {  	_ =	swait.ge [sflag:s16], $0x4000  }
0x1bc: {  	[sflag:s16] =	ssyncset.done $0x0  }
0x1bd: {  	s28 =	rddreg [dreg:$0xf];
	[sflag:s16] =	ssyncadd.s32 $0xFFFFC000  }
0x1be: {  	[hbm4b:s28+s2] =	stream.linear.scatter [tilespmem:s13], [sflag:$0x8], $0xC000, $0x38;
	[tilespmem:$0x1CB00] =	vst v63  }
0x1bf: {  	_ =	swait.ge [sflag:s11], $0xC000  }
0x1c0: {  	[sflag:s11] =	ssyncset.done $0x0  }
0x1c1: {  	[sflag:s11] =	ssyncadd.s32 $0xFFFF4000  }
0x1c2: {  	[tilespmem:s4], [sflag:$0x1] =	stream.indirect.gather [hbm4b:s3+s5], $0x80, s21, s5, $0xb8;
	[tilespmem:$0x1CB00] =	vst v63  }
0x1c3: {  	_ = 	snop  }
0x1c4: {  	[tilespmem:s9], [sflag:$0x2] =	stream.indirect.gather [hbm4b:s3+s5], $0x80, s22, s5, $0xb8;
	[tilespmem:$0x1CB00] =	vst v63  }
0x1c5: {  	s29 =	simm.s32 $0xA80  }
0x1c6: {  	[tilespmem:s10], [sflag:$0x3] =	stream.indirect.gather [hbm4b:s3+s5], $0x80, s29, s5, $0xb8;
	[tilespmem:$0x1CB00] =	vst v63  }
0x1c7: {  	_ =	swait.ge [sflag:s8], $0x4000  }
0x1c8: {  	[sflag:s8] =	ssyncset.done $0x0  }
0x1c9: {  	[sflag:s8] =	ssyncadd.s32 $0xFFFFC000  }
0x1ca: {  	_ =	swait.ge [sflag:s7], $0x4000  }
0x1cb: {  	[sflag:s7] =	ssyncset.done $0x0  }
0x1cc: {  	[sflag:s7] =	ssyncadd.s32 $0xFFFFC000  }
0x1cd: {  	_ =	swait.ge [sflag:s6], $0x4000  }
0x1ce: {  	[sflag:s6] =	ssyncset.done $0x0  }
0x1cf: {  	s30 =	rddreg [dreg:$0x10];
	[sflag:s6] =	ssyncadd.s32 $0xFFFFC000  }
0x1d0: {  	[hbm4b:s30+s2] =	stream.linear.scatter [tilespmem:s4], [sflag:$0x7], $0xC000, $0x38;
	[tilespmem:$0x1CB00] =	vst v63  }
0x1d1: {  	_ =	swait.ge [sflag:s11], $0xC000  }
0x1d2: {  	[sflag:s11] =	ssyncset.done $0x0  }
0x1d3: {  	[sflag:s11] =	ssyncadd.s32 $0xFFFF4000  }
0x1d4: {  	_ =	swait.ge [sflag:s12], $0xC000  }
0x1d5: {  	[sflag:s12] =	ssyncset.done $0x0  }
0x1d6: {  	[sflag:s12] =	ssyncadd.s32 $0xFFFF4000  }
0x1d7: {  	_ =	swait.ge [sflag:s14], $0x4000  }
0x1d8: {  	[sflag:s14] =	ssyncset.done $0x0  }
0x1d9: {  	[sflag:s14] =	ssyncadd.s32 $0xFFFFC000  }
0x1da: {  	_ =	sfence.sel $0x180000  }
0x1db: {  	s31 =	stileid.u32;
	[bflag:$0x0] =	sbarrier.arrive $0xFFFF  }
0x1dc: {  	p0 =	sne.s32 s31, $0x0;
	_ =	strace $0x90000050  }
0x1dd: {  	s0 =	sadd.s32 @!p0 $0x100000, s20;
	[bflag:$0x2] =	sbarrier.arrive $0xFFFF  }
0x1de: {  	[sflag:s0] =	ssyncadd.tile.s32 @!p0 $0x1;
	_ =	shalt  }
.LBB2_1:
.Ltmp3:
0x1df: {  	(pc) =	sbr.rel .LBB2_6-.Ltmp3, $4  }
0x1e0: {  	_ = 	snop  }
0x1e1: {  	s23 =	simm.s32 $0x780  }
0x1e2: {  	s28 =	simm.s32 $0x700;
	s26 =	simm.s32 $0x900;
	s25 =	simm.s32 $0x880  }
0x1e3: {  	s24 =	simm.s32 $0x800;
	s22 =	simm.s32 $0xA00;
	s21 =	simm.s32 $0x980  }
.LBB2_3:
.Ltmp4:
0x1e4: {  	(pc) =	sbr.rel .LBB2_6-.Ltmp4, $4  }
0x1e5: {  	_ = 	snop  }
0x1e6: {  	s23 =	simm.s32 $0x780;
	s28 =	simm.s32 $0x700  }
0x1e7: {  	s26 =	simm.s32 $0x900;
	s25 =	simm.s32 $0x880;
	s24 =	simm.s32 $0x800  }
0x1e8: {  	s22 =	simm.s32 $0xA00;
	s21 =	simm.s32 $0x980;
	s20 =	rddreg [dreg:$0x5]  }
.Lfunc_end2:
_tile_overlayer_lowered:
.L_overlay_start_2:
0x1e9: {  	(tag) =	ssettag $0x2  }
0x1ea: {  	s0 =	rddreg [dreg:$0x0];
	s2 =	stileid.u32  }
0x1eb: {  	s1 =	rddreg [dreg:$0x1];
	p0 =	sne.s32 s2, $0x0  }
0x1ec: {  	s3 =	rddreg [dreg:$0x2];
	[bflag:$0x3] =	sbarrier.arrive $0xFFFF;
	s2 =	simm.s32 @!p0 $0x1C0B  }
0x1ed: {  	[timem:s3], [sflag:s2] =	dma.local @!p0 [hbm:s0], s1  }
0x1ee: {  	s0 =	simm.s32 @!p0 $0xB  }
0x1ef: {  	_ =	swait.ge @!p0 [sflag:s0], s1  }
0x1f0: {  	s1 =	ssub.s32 @!p0 $0x0, s1;
	[sflag:s0] =	ssyncset.done @!p0 $0x0  }
0x1f1: {  	[sflag:s0] =	ssyncadd.s32 @!p0 s1  }
0x1f2: {  	[bflag:$0x3] =	sbarrier.arrive $0xFFFF  }
0x1f3: {  	_ =	shalt  }

// kernel: kernel.13.cloned.1.call-start
scs
__scs_entry_jumppad:
0x0: {  	(pc) =	sbr.rel $0x88, $3  }
0x1: {  	(tag) =	ssettag $0x0;
	lr =	simm.s32 $0x1  }
0x2: {  	[smem:$0x3F9C] =	sst lr;
	_ =	strace $0xD0000000  }
0x3: {  	_ = 	snop  }
0x4: {  	_ = 	snop  }
0x5: {  	_ = 	snop  }
0x6: {  	_ = 	snop  }
0x7: {  	_ = 	snop  }
__scs_overlays_trampoline_lowered:
0x8: {  	[smem:$0x3FAB] =	sst s0  }
0x9: {  	[smem:$0x3FAC] =	sst s1  }
0xa: {  	[smem:$0x3FAD] =	sst s2  }
0xb: {  	[smem:$0x3FAE] =	sst s3  }
0xc: {  	[smem:$0x3FAF] =	sst s4  }
0xd: {  	[smem:$0x3FB0] =	sst s5  }
0xe: {  	[smem:$0x3FB1] =	sst s6  }
0xf: {  	[smem:$0x3FB2] =	sst s7  }
0x10: {  	[smem:$0x3FB3] =	sst s8  }
0x11: {  	[smem:$0x3FB4] =	sst s9;
	s0 =	simm.s32 @!p0 $0x0  }
0x12: {  	s1 =	sld [smem:$0x3F9A];
	s0 =	simm.s32 @p0 $0x1  }
0x13: {  	[smem:$0x3FB5] =	sst s0;
	s0 =	simm.s32 @!p1 $0x0  }
0x14: {  	s2 =	sld [smem:$0x3F99];
	s0 =	simm.s32 @p1 $0x1  }
0x15: {  	[smem:$0x3FB6] =	sst s0;
	s0 =	simm.s32 @!p2 $0x0  }
0x16: {  	s3 =	sld [smem:$0x3FDB];
	s0 =	simm.s32 @p2 $0x1  }
0x17: {  	s4 =	simm.s32 $0x1BF5;
	[smem:$0x3FB8] =	sst s0  }
0x18: {  	s0 =	sld [smem:$0x3F9B];
	_ =	swait.ge [sflag:s4], $0x0  }
0x19: {  	s7 =	sld [smem:$0x3F9C]  }
0x1a: {  	s8 =	sadd.s32 $0xFFFFE003, lr  }
0x1b: {  	s9 =	sadd.s32 $0xFFFFFEF7, lr;
	s5 =	simm.s32 $0xFFFFFFFF;
	p2 =	slt.u32 s8, $0xFFFFF086  }
0x1c: {  	p1 =	slt.u32 s9, $0xF7A;
	s5 =	simm.s32 @!p2 $0x0  }
0x1d: {  	s5 =	simm.s32 @p1 $0x1;
	p0 =	seq.s32 s7, s2  }
0x1e: {  	s7 =	smul.u32 @!p0 $0xF7A, s2;
	p2 =	seq.s32 @!p0 s5, $0x0  }
0x1f: {  	s9 =	smul.u32 $0xF7A, s1;
	s8 =	simm.s32 @!p0 $0x1BF5;
	p2 =	por !p2, p0  }
0x20: {  	[sflag:s8] =	ssyncset.s32 @!p0 $0xFFFFF086;
	s6 =	sadd.s32 @!p0 s3, s7;
	s7 =	simm.s32 @!p0 $0x108  }
0x21: {  	s3 =	sadd.s32 s3, s9;
	s6 =	sadd.s32 @!p0 $0x88, s6;
	s7 =	simm.s32 @p2 $0x1082  }
0x22: {  	[simem:s7], [sflag:s8] =	dma.local @!p0 [hbm:s6], $0xF7A  }
0x23: {  	s9 =	sor.u32 $0xD0000000, s2;
	s6 =	simm.s32 $0x108;
	_ =	swait.ge @!p0 [sflag:s8], $0x0  }
0x24: {  	s3 =	sadd.s32 $0x88, s3;
	s6 =	simm.s32 @!p1 $0x1082;
	[sflag:s4] =	ssyncset.s32 $0xFFFFF086  }
0x25: {  	[simem:s6], [sflag:s4] =	dma.local [hbm:s3], $0xF7A  }
0x26: {  	[smem:$0x3F9C] =	sst s1;
	(tag) =	ssettag s2;
	_ =	strace s9  }
0x27: {  	s1 =	sld [smem:$0x3FAC]  }
0x28: {  	s2 =	sld [smem:$0x3FAD]  }
0x29: {  	s4 =	sld [smem:$0x3FAF]  }
0x2a: {  	p0 =	seq.s32 s5, $0x0;
	s5 =	sld [smem:$0x3FB0]  }
0x2b: {  	s6 =	sld [smem:$0x3FB1]  }
0x2c: {  	s7 =	sld [smem:$0x3FB2]  }
0x2d: {  	s3 =	simm.s32 $0x108;
	s8 =	sld [smem:$0x3FB3]  }
0x2e: {  	s3 =	simm.s32 @!p0 $0x1082;
	s9 =	sld [smem:$0x3FB4]  }
0x2f: {  	lr =	sadd.s32 s0, s3;
	s0 =	sld [smem:$0x3FAB]  }
0x30: {  	s3 =	sld [smem:$0x3FAE]  }
0x31: {  	[smem:$0x3FB7] =	sst s10  }
0x32: {  	s10 =	sld [smem:$0x3FB5];
	_ =	sdelay $0x3  }
0x33: {  	p0 =	seq.s32 s10, $0x1;
	s10 =	sld [smem:$0x3FB7];
	_ =	sdelay $0x3  }
0x34: {  	[smem:$0x3FB7] =	sst s10  }
0x35: {  	s10 =	sld [smem:$0x3FB6];
	_ =	sdelay $0x3  }
0x36: {  	p1 =	seq.s32 s10, $0x1;
	s10 =	sld [smem:$0x3FB7];
	_ =	sdelay $0x3  }
0x37: {  	[smem:$0x3FB7] =	sst s10  }
0x38: {  	s10 =	sld [smem:$0x3FB8]  }
0x39: {  	_ = 	snop;
	(pc) =	sbr.ind lr, $3  }
0x3a: {  	_ = 	snop  }
0x3b: {  	_ = 	snop  }
0x3c: {  	p2 =	seq.s32 s10, $0x1;
	s10 =	sld [smem:$0x3FB7]  }
0x3d: {  	_ =	shalt  }
0x3e: {  	_ =	shalt  }
0x3f: {  	_ =	shalt  }
0x40: {  	_ =	shalt  }
0x41: {  	_ =	shalt  }
0x42: {  	_ =	shalt  }
0x43: {  	_ =	shalt  }
0x44: {  	_ =	shalt  }
0x45: {  	_ =	shalt  }
0x46: {  	_ =	shalt  }
0x47: {  	_ =	shalt  }
0x48: {  	_ =	shalt  }
0x49: {  	_ =	shalt  }
0x4a: {  	_ =	shalt  }
0x4b: {  	_ =	shalt  }
0x4c: {  	_ =	shalt  }
0x4d: {  	_ =	shalt  }
0x4e: {  	_ =	shalt  }
0x4f: {  	_ =	shalt  }
0x50: {  	_ =	shalt  }
0x51: {  	_ =	shalt  }
0x52: {  	_ =	shalt  }
0x53: {  	_ =	shalt  }
0x54: {  	_ =	shalt  }
0x55: {  	_ =	shalt  }
0x56: {  	_ =	shalt  }
0x57: {  	_ =	shalt  }
0x58: {  	_ =	shalt  }
0x59: {  	_ =	shalt  }
0x5a: {  	_ =	shalt  }
0x5b: {  	_ =	shalt  }
0x5c: {  	_ =	shalt  }
0x5d: {  	_ =	shalt  }
0x5e: {  	_ =	shalt  }
0x5f: {  	_ =	shalt  }
0x60: {  	_ =	shalt  }
0x61: {  	_ =	shalt  }
0x62: {  	_ =	shalt  }
0x63: {  	_ =	shalt  }
0x64: {  	_ =	shalt  }
0x65: {  	_ =	shalt  }
0x66: {  	_ =	shalt  }
0x67: {  	_ =	shalt  }
0x68: {  	_ =	shalt  }
0x69: {  	_ =	shalt  }
0x6a: {  	_ =	shalt  }
0x6b: {  	_ =	shalt  }
0x6c: {  	_ =	shalt  }
0x6d: {  	_ =	shalt  }
0x6e: {  	_ =	shalt  }
0x6f: {  	_ =	shalt  }
0x70: {  	_ =	shalt  }
0x71: {  	_ =	shalt  }
0x72: {  	_ =	shalt  }
0x73: {  	_ =	shalt  }
0x74: {  	_ =	shalt  }
0x75: {  	_ =	shalt  }
0x76: {  	_ =	shalt  }
0x77: {  	_ =	shalt  }
0x78: {  	_ =	shalt  }
0x79: {  	_ =	shalt  }
0x7a: {  	_ =	shalt  }
0x7b: {  	_ =	shalt  }
0x7c: {  	_ =	shalt  }
0x7d: {  	_ =	shalt  }
0x7e: {  	_ =	shalt  }
0x7f: {  	_ =	shalt  }
0x80: {  	_ =	shalt  }
0x81: {  	_ =	shalt  }
0x82: {  	_ =	shalt  }
0x83: {  	_ =	shalt  }
0x84: {  	_ =	shalt  }
0x85: {  	_ =	shalt  }
0x86: {  	_ =	shalt  }
0x87: {  	_ =	shalt  }
.Lfunc_end0:
.L_simem_size_0:
called_computation.1_lowered:
.L_overlay_start_0:
0x88: {  	s2 =	sld [smem:$0x3FD9]  }
0x89: {  	s3 =	sld [smem:$0x3FFE];
	_ =	sdelay $0x1  }
0x8a: {  	s1 =	srdreg.scid  }
0x8b: {  	s0 =	sand.u32 $0x1, s1  }
0x8c: {  	s15 =	sshll.u32 s0, $0xA;
	s2 =	sadd.s32 s3, s2  }
0x8d: {  	s2 =	sadd.s32 s2, s15  }
0x8e: {  	[smem:$0x3FC3] =	sst s2  }
0x8f: {  	_ = 	snop  }
0x90: {  	s4 =	sld [smem:$0x3FD0];
	_ =	sdelay $0x1  }
0x91: {  	s2 =	sld [smem:$0x3FC6]  }
0x92: {  	s5 =	simm.s32 $0xD;
	s6 =	simm.s32 $0x10;
	s16 =	sld [smem:$0x3FC5]  }
0x93: {  	[smem:s6], [sflag:s5] =	dma.local [hbm:s4], $0x1  }
0x94: {  	_ =	swait.eq [sflag:s5], $0x1  }
0x95: {  	[sflag:s5] =	ssyncset.done $0x0  }
0x96: {  	[sflag:s5] =	ssyncadd.s32 $0xFFFFFFFF  }
0x97: {  	s17 =	sld [smem:$0x12];
	(tm) =	ssettm $0x1  }
0x98: {  	s18 =	sld [smem:$0x3FFB];
	_ =	sdelay $0x3  }
0x99: {  	_ =	strace s18  }
0x9a: {  	s4 =	sld [smem:$0x3FFC];
	_ =	sdelay $0x3  }
0x9b: {  	_ =	strace s4  }
0x9c: {  	s4 =	sld [smem:$0x3FFD];
	_ =	sdelay $0x3  }
0x9d: {  	_ =	strace s4  }
0x9e: {  	_ =	strace $0x8FFFFFFF  }
0x9f: {  	s19 =	sld [smem:$0x3FDB];
	_ =	sdelay $0x1  }
0xa0: {  	s20 =	simm.s32 $_scs_section_size  }
0xa1: {  	s7 =	simm.s32 $_size__tile_overlayer_lowered;
	s8 =	simm.s32 $_tile_overlayer_lowered  }
0xa2: {  	s9 =	simm.s32 $0x1BFF;
	s21 =	sshll.u32 s8, $0x1;
	s6 =	sadd.s32 s20, s19  }
0xa3: {  	s22 =	simm.s32 $0x0;
	s7 =	sshll.u32 s7, $0x1;
	s8 =	sadd.s32 s21, s6  }
0xa4: {  	[timem:s22], [sflag:s9] =	dma.local [hbm:s8], s7  }
0xa5: {  	_ =	swait.ge [sflag:s9], s7  }
0xa6: {  	s7 =	ssub.s32 $0x0, s7;
	[sflag:s9] =	ssyncset.done $0x0  }
0xa7: {  	[sflag:s9] =	ssyncadd.s32 s7;
	_ =	sdelay $0x1  }
0xa8: {  	s23 =	simm.s32 $0x1B8B  }
0xa9: {  	_ =	swait.ge [sflag:s23], $0x1  }
0xaa: {  	[sflag:s23] =	ssyncset.done $0x0  }
0xab: {  	[sflag:s23] =	ssyncadd.s32 $0xFFFFFFFF  }
0xac: {  	s7 =	sld [smem:$0x0]  }
0xad: {  	s8 =	sand.u32 $0xFFFFFFFE, s1  }
0xae: {  	p0 =	sne.s32 s1, s8  }
0xaf: {  	s8 =	sshll.u32 @p0 s8, $0xE  }
0xb0: {  	s8 =	sadd.s32 @p0 $0x11B8D, s8;
	s9 =	sshll.u32 @p0 s7, $0x11  }
0xb1: {  	s8 =	sor.u32 @p0 s9, s8  }
0xb2: {  	[sflag:s8] =	ssyncadd.remote.s32 @p0 $0x1;
	_ =	sdelay $0x1  }
0xb3: {  	s8 =	simm.s32 @p0 $0x1B8D  }
0xb4: {  	_ =	swait.eq @p0 [sflag:s8], $0x1  }
0xb5: {  	[sflag:s8] =	ssyncadd.s32 @p0 $0xFFFFFFFF  }
0xb6: {  	s9 =	sshll.u32 @!p0 s1, $0xE  }
0xb7: {  	s9 =	sor.u32 @!p0 $0x4000, s9;
	s8 =	simm.s32 @!p0 $0x1B8D  }
0xb8: {  	s7 =	sshll.u32 @!p0 s7, $0x11;
	s9 =	sadd.s32 @!p0 $0x11B8D, s9;
	_ =	swait.eq @!p0 [sflag:s8], $0x1  }
0xb9: {  	s7 =	sor.u32 @!p0 s7, s9;
	[sflag:s8] =	ssyncadd.s32 @!p0 $0xFFFFFFFF  }
0xba: {  	s25 =	simm.s32 $0x1B8E;
	s24 =	sld [smem:$0x3FFE];
	[sflag:s7] =	ssyncadd.remote.s32 @!p0 $0x1  }
0xbb: {  	s26 =	simm.s32 $execute0_lowered;
	[smem:$0x3FD2] =	sst s25  }
0xbc: {  	s8 =	sshll.u32 s26, $0x1;
	_ =	strace $0x8000004C;
	[dreg:$0x1] =	wrdreg $0xFFFFFFFF  }
0xbd: {  	s28 =	simm.s32 $_size_execute0_lowered;
	s6 =	sadd.s32 s6, s8;
	[dreg:$0x0] =	wrdreg $0x0  }
0xbe: {  	s8 =	sshll.u32 s28, $0x1;
	[dreg:$0x2] =	wrdreg s6  }
0xbf: {  	[dreg:$0x3] =	wrdreg s8  }
0xc0: {  	[dreg:$0x4] =	wrdreg $0xC0  }
0xc1: {  	_ =	task [dreg:s22], $0x5FFFF  }
0xc2: {  	[dreg:$0x1] =	wrdreg $0xFFFFFFFF  }
0xc3: {  	[dreg:$0x0] =	wrdreg $0x60  }
0xc4: {  	[dreg:$0x2] =	wrdreg s2  }
0xc5: {  	[dreg:$0x3] =	wrdreg s16  }
0xc6: {  	[dreg:$0x4] =	wrdreg s24  }
0xc7: {  	[dreg:$0x5] =	wrdreg s17  }
0xc8: {  	[dreg:$0x6] =	wrdreg $0xA  }
0xc9: {  	_ =	task.clear_ibuf [dreg:s22], $0x7FFFF;
	_ =	strace $0x9000004C  }
0xca: {  	s29 =	simm.s32 $0xA;
	_ =	strace $0x8000004E  }
0xcb: {  	_ =	swait.ge [sflag:s29], $0x1  }
0xcc: {  	[sflag:s29] =	ssyncadd.s32 $0xFFFFFFFF  }
0xcd: {  	_ =	strace $0x9000004E  }
0xce: {  	_ =	sfence  }
0xcf: {  	s30 =	sld [smem:$0x0];
	_ =	sdelay $0x2  }
0xd0: {  	s31 =	sshll.u32 s1, $0xD;
	s1 =	sshrl.u32 s1, $0x2  }
0xd1: {  	s3 =	sand.u32 $0x4000, s31;
	s1 =	sadd.s32 s1, s30  }
0xd2: {  	s0 =	sor.u32 s3, s0;
	s1 =	sshll.u32 s1, $0x11  }
0xd3: {  	s0 =	sor.u32 s1, s0  }
0xd4: {  	s0 =	sadd.s32 $0x8F2B, s0  }
0xd5: {  	[sflag:s0] =	ssyncadd.remote.s32 $0x1  }
0xd6: {  	_ =	sfence.sel $0xFFFF  }
0xd7: {  	[dreg:$0x0] =	wrdreg $0xFFFFFFFF;
	(pc) =	sbr.abs _section_cstart, $3  }
0xd8: {  	[dreg:$0x1] =	wrdreg $0xFFFFFFFF  }
0xd9: {  	_ =	task.clear_ibuf [dreg:s22], $0x2FFFF;
	_ =	strace $0x9FFFFFFF  }
0xda: {  	(tm) =	ssettm $0x7FFFFFFF  }
0xdb: {  	_ =	shalt  }
tec
execute0_lowered:
.L_overlay_start_1:
0x0: {  	(tag) =	ssettag $0x1  }
0x1: {  	s0 =	rddreg [dreg:$0x0]  }
0x2: {  	s3 =	rddreg [dreg:$0x1]  }
0x3: {  	s24 =	rddreg [dreg:$0x2]  }
0x4: {  	s1 =	rddreg [dreg:$0x3]  }
0x5: {  	s20 =	rddreg [dreg:$0x4]  }
0x6: {  	s4 =	srdreg.scid;
	s5 =	stileid.u32  }
0x7: {  	s2 =	simm.s32 $0x0;
	s31 =	simm.s32 $0xB;
	s29 =	simm.s32 $0xB00  }
0x8: {  	s14 =	simm.s32 $0x100;
	s30 =	simm.s32 $0x9;
	[dreg:$0x5] =	wrdreg s0  }
0x9: {  	s15 =	simm.s32 $0x180;
	s16 =	simm.s32 $0x200;
	[smem:$0x7FF] =	sst s2  }
0xa: {  	s17 =	simm.s32 $0x280;
	_ =	strace $0x8000004D;
	[dreg:$0x10] =	wrdreg s14  }
0xb: {  	s18 =	simm.s32 $0x300;
	s19 =	simm.s32 $0x380;
	[dreg:$0x11] =	wrdreg s15  }
0xc: {  	s21 =	simm.s32 $0x400;
	s22 =	simm.s32 $0x480;
	[dreg:$0x12] =	wrdreg s16  }
0xd: {  	s23 =	simm.s32 $0x500;
	s28 =	simm.s32 $0x700;
	[dreg:$0x13] =	wrdreg s17  }
0xe: {  	p0 =	por $0x0, $0x0;
	s4 =	sand.u32 $0x1, s4;
	[dreg:$0x14] =	wrdreg s18  }
0xf: {  	s5 =	sshll.u32 s5, $0x1;
	s0 =	sadd.s32 $0x2D9C00, s24;
	[dreg:$0x15] =	wrdreg s19  }
0x10: {  	s5 =	sor.u32 s4, s5;
	s4 =	ssub.s32 $0x2, s4;
	[dreg:$0x16] =	wrdreg s21  }
0x11: {  	s15 =	simm.s32 $0x14B00;
	s17 =	simm.s32 $0x18B00;
	[dreg:$0x17] =	wrdreg s22  }
0x12: {  	s18 =	simm.s32 $0x4;
	s19 =	simm.s32 $0x5;
	[dreg:$0x18] =	wrdreg s23  }
0x13: {  	s16 =	simm.s32 $0x6;
	s21 =	simm.s32 $0x980;
	s22 =	simm.s32 $0xA00  }
0x14: {  	s23 =	simm.s32 $0xA80;
	s14 =	simm.s32 $0xA;
	s8 =	smul.u32 $0x150, s5  }
0x15: {  	s6 =	sshll.u32 s5, $0x4;
	s7 =	sshll.u32 s5, $0xB;
	s9 =	smul.u32 $0x54000, s5  }
0x16: {  	s6 =	sadd.s32 s6, s24;
	s7 =	sadd.s32 s7, s24;
	s24 =	simm.s32 $0x580  }
0x17: {  	s5 =	smul.u32 $0xA800, s5;
	s6 =	sadd.s32 $0x4200, s6;
	[dreg:$0x19] =	wrdreg s24  }
0x18: {  	s12 =	sshrl.u32 s4, $0x1;
	s1 =	sadd.s32 s1, s8;
	[dreg:$0x6] =	wrdreg s6  }
0x19: {  	s4 =	ssub.s32 s4, s12;
	s25 =	sadd.s32 $0x2C9C00, s7;
	[dreg:$0x7] =	wrdreg s1  }
0x1a: {  	s12 =	simm.s32 $0x8;
	s7 =	sadd.s32 s0, s5;
	[dreg:$0x8] =	wrdreg s25  }
0x1b: {  	s26 =	sshrl.u32 s9, $0x3;
	[dreg:$0x9] =	wrdreg s7;
	s25 =	simm.s32 $0x600  }
0x1c: {  	s0 =	sadd.s32 s0, s26;
	s26 =	simm.s32 $0x680;
	[dreg:$0x1a] =	wrdreg s25  }
0x1d: {  	s8 =	sadd.s32 $0x1800, s0;
	s9 =	sadd.s32 $0x3000, s0;
	[dreg:$0x1b] =	wrdreg s26  }
0x1e: {  	s10 =	sadd.s32 $0x4800, s0;
	s11 =	sadd.s32 $0x6000, s0;
	s1 =	rddreg [dreg:$0x6]  }
0x1f: {  	s13 =	sadd.s32 $0x7800, s0;
	s0 =	sadd.s32 $0x9000, s0;
	[dreg:$0xa] =	wrdreg s8  }
0x20: {  	s5 =	simm.s32 $0x80;
	[dreg:$0xf] =	wrdreg s0;
	s0 =	smax.u32 s4, $0x1  }
0x21: {  	s24 =	simm.s32 $0x780;
	[dreg:$0xb] =	wrdreg s9;
	p1 =	sne.s32 s0, $0x1  }
.Ltmp0:
0x22: {  	s7 =	simm.s32 $0x2;
	[dreg:$0xc] =	wrdreg s10;
	(pc) =	sbr.rel @!p1 .LBB2_1-.Ltmp0, $4  }
0x23: {  	s6 =	simm.s32 $0x3;
	s25 =	simm.s32 $0x880;
	[dreg:$0xd] =	wrdreg s11  }
0x24: {  	s26 =	simm.s32 $0x900;
	[dreg:$0xe] =	wrdreg s13;
	s4 =	simm.s32 $0x4B00  }
0x25: {  	s9 =	simm.s32 $0x8B00;
	s10 =	simm.s32 $0xCB00;
	s8 =	simm.s32 $0x1  }
0x26: {  	s13 =	simm.s32 $0x10B00;
	s11 =	simm.s32 $0x7;
	s0 =	sadd.s32 $0xFFFFFFFF, s0  }
0x27: {  	[tilespmem:s2], [sflag:$0xB] =	stream.linear.gather [hbm4b:s1+s2], $0x80, $0x38;
	[tilespmem:$0x1CB00] =	vst v63  }
0x28: {  	_ =	swait.ge [sflag:s31], $0x80  }
0x29: {  	[sflag:s31] =	ssyncset.done $0x0  }
0x2a: {  	s20 =	rddreg [dreg:$0x7];
	[sflag:s31] =	ssyncadd.s32 $0xFFFFFF80  }
0x2b: {  	[tilespmem:s5], [sflag:$0xB] =	stream.linear.gather [hbm4b:s20+s2], $0xA80, $0x38;
	[tilespmem:$0x1CB00] =	vst v63  }
0x2c: {  	_ =	swait.ge [sflag:s31], $0xA80  }
0x2d: {  	[sflag:s31] =	ssyncset.done $0x0  }
0x2e: {  	s20 =	rddreg [dreg:$0x5];
	[sflag:s31] =	ssyncadd.s32 $0xFFFFF580  }
0x2f: {  	[tilespmem:s29], [sflag:$0x9] =	stream.indirect.gather [hbm4b:s20+s5], $0x80, s2, s5, $0xb8;
	[tilespmem:$0x1CB00] =	vst v63  }
0x30: {  	_ =	swait.ge [sflag:s30], $0x4000  }
0x31: {  	[sflag:s30] =	ssyncset.done $0x0  }
0x32: {  	s20 =	rddreg [dreg:$0x8];
	[sflag:s30] =	ssyncadd.s32 $0xFFFFC000  }
0x33: {  	[hbm4b:s20+s2] =	stream.linear.scatter [tilespmem:s29], [sflag:$0xA], $0x4000, $0x38;
	[tilespmem:$0x1CB00] =	vst v63  }
0x34: {  	_ = 	snop  }
0x35: {  	[tilespmem:s4], [sflag:$0x1] =	stream.indirect.gather [hbm4b:s3+s5], $0x80, s5, s5, $0xb8;
	[tilespmem:$0x1CB00] =	vst v63  }
0x36: {  	s1 =	rddreg [dreg:$0x10]  }
0x37: {  	[tilespmem:s9], [sflag:$0x2] =	stream.indirect.gather [hbm4b:s3+s5], $0x80, s1, s5, $0xb8;
	[tilespmem:$0x1CB00] =	vst v63  }
0x38: {  	s20 =	smov.u32 s0;
	s0 =	rddreg [dreg:$0x11]  }
0x39: {  	[tilespmem:s10], [sflag:$0x3] =	stream.indirect.gather [hbm4b:s3+s5], $0x80, s0, s5, $0xb8;
	[tilespmem:$0x1CB00] =	vst v63  }
0x3a: {  	_ =	swait.ge [sflag:s8], $0x4000  }
0x3b: {  	[sflag:s8] =	ssyncset.done $0x0  }
0x3c: {  	[sflag:s8] =	ssyncadd.s32 $0xFFFFC000  }
0x3d: {  	_ =	swait.ge [sflag:s7], $0x4000  }
0x3e: {  	[sflag:s7] =	ssyncset.done $0x0  }
0x3f: {  	[sflag:s7] =	ssyncadd.s32 $0xFFFFC000  }
0x40: {  	_ =	swait.ge [sflag:s6], $0x4000  }
0x41: {  	[sflag:s6] =	ssyncset.done $0x0  }
0x42: {  	s0 =	rddreg [dreg:$0x9];
	[sflag:s6] =	ssyncadd.s32 $0xFFFFC000  }
0x43: {  	[hbm4b:s0+s2] =	stream.linear.scatter [tilespmem:s4], [sflag:$0x7], $0xC000, $0x38;
	[tilespmem:$0x1CB00] =	vst v63  }
0x44: {  	s1 =	rddreg [dreg:$0x12]  }
0x45: {  	[tilespmem:s13], [sflag:$0x4] =	stream.indirect.gather [hbm4b:s3+s5], $0x80, s1, s5, $0xb8;
	[tilespmem:$0x1CB00] =	vst v63  }
0x46: {  	s0 =	rddreg [dreg:$0x13]  }
0x47: {  	[tilespmem:s15], [sflag:$0x5] =	stream.indirect.gather [hbm4b:s3+s5], $0x80, s0, s5, $0xb8;
	[tilespmem:$0x1CB00] =	vst v63  }
0x48: {  	s1 =	rddreg [dreg:$0x14]  }
0x49: {  	[tilespmem:s17], [sflag:$0x6] =	stream.indirect.gather [hbm4b:s3+s5], $0x80, s1, s5, $0xb8;
	[tilespmem:$0x1CB00] =	vst v63  }
0x4a: {  	_ =	swait.ge [sflag:s18], $0x4000  }
0x4b: {  	[sflag:s18] =	ssyncset.done $0x0  }
0x4c: {  	[sflag:s18] =	ssyncadd.s32 $0xFFFFC000  }
0x4d: {  	_ =	swait.ge [sflag:s19], $0x4000  }
0x4e: {  	[sflag:s19] =	ssyncset.done $0x0  }
0x4f: {  	[sflag:s19] =	ssyncadd.s32 $0xFFFFC000  }
0x50: {  	_ =	swait.ge [sflag:s16], $0x4000  }
0x51: {  	[sflag:s16] =	ssyncset.done $0x0  }
0x52: {  	s1 =	rddreg [dreg:$0xa];
	[sflag:s16] =	ssyncadd.s32 $0xFFFFC000  }
0x53: {  	[hbm4b:s1+s2] =	stream.linear.scatter [tilespmem:s13], [sflag:$0x8], $0xC000, $0x38;
	[tilespmem:$0x1CB00] =	vst v63  }
0x54: {  	_ =	swait.ge [sflag:s11], $0xC000  }
0x55: {  	[sflag:s11] =	ssyncset.done $0x0  }
0x56: {  	s0 =	rddreg [dreg:$0x15];
	[sflag:s11] =	ssyncadd.s32 $0xFFFF4000  }
0x57: {  	[tilespmem:s4], [sflag:$0x1] =	stream.indirect.gather [hbm4b:s3+s5], $0x80, s0, s5, $0xb8;
	[tilespmem:$0x1CB00] =	vst v63  }
0x58: {  	s1 =	rddreg [dreg:$0x16]  }
0x59: {  	[tilespmem:s9], [sflag:$0x2] =	stream.indirect.gather [hbm4b:s3+s5], $0x80, s1, s5, $0xb8;
	[tilespmem:$0x1CB00] =	vst v63  }
0x5a: {  	s0 =	rddreg [dreg:$0x17]  }
0x5b: {  	[tilespmem:s10], [sflag:$0x3] =	stream.indirect.gather [hbm4b:s3+s5], $0x80, s0, s5, $0xb8;
	[tilespmem:$0x1CB00] =	vst v63  }
0x5c: {  	_ =	swait.ge [sflag:s8], $0x4000  }
0x5d: {  	[sflag:s8] =	ssyncset.done $0x0  }
0x5e: {  	[sflag:s8] =	ssyncadd.s32 $0xFFFFC000  }
0x5f: {  	_ =	swait.ge [sflag:s7], $0x4000  }
0x60: {  	[sflag:s7] =	ssyncset.done $0x0  }
0x61: {  	[sflag:s7] =	ssyncadd.s32 $0xFFFFC000  }
0x62: {  	_ =	swait.ge [sflag:s6], $0x4000  }
0x63: {  	[sflag:s6] =	ssyncset.done $0x0  }
0x64: {  	s1 =	rddreg [dreg:$0xb];
	[sflag:s6] =	ssyncadd.s32 $0xFFFFC000  }
0x65: {  	[hbm4b:s1+s2] =	stream.linear.scatter [tilespmem:s4], [sflag:$0x7], $0xC000, $0x38;
	[tilespmem:$0x1CB00] =	vst v63  }
0x66: {  	_ =	swait.ge [sflag:s12], $0xC000  }
0x67: {  	[sflag:s12] =	ssyncset.done $0x0  }
0x68: {  	s0 =	rddreg [dreg:$0x18];
	[sflag:s12] =	ssyncadd.s32 $0xFFFF4000  }
0x69: {  	[tilespmem:s13], [sflag:$0x4] =	stream.indirect.gather [hbm4b:s3+s5], $0x80, s0, s5, $0xb8;
	[tilespmem:$0x1CB00] =	vst v63  }
0x6a: {  	s1 =	rddreg [dreg:$0x19]  }
0x6b: {  	[tilespmem:s15], [sflag:$0x5] =	stream.indirect.gather [hbm4b:s3+s5], $0x80, s1, s5, $0xb8;
	[tilespmem:$0x1CB00] =	vst v63  }
0x6c: {  	s0 =	rddreg [dreg:$0x1a]  }
0x6d: {  	[tilespmem:s17], [sflag:$0x6] =	stream.indirect.gather [hbm4b:s3+s5], $0x80, s0, s5, $0xb8;
	[tilespmem:$0x1CB00] =	vst v63  }
0x6e: {  	_ =	swait.ge [sflag:s18], $0x4000  }
0x6f: {  	[sflag:s18] =	ssyncset.done $0x0  }
0x70: {  	[sflag:s18] =	ssyncadd.s32 $0xFFFFC000  }
0x71: {  	_ =	swait.ge [sflag:s19], $0x4000  }
0x72: {  	[sflag:s19] =	ssyncset.done $0x0  }
0x73: {  	[sflag:s19] =	ssyncadd.s32 $0xFFFFC000  }
0x74: {  	_ =	swait.ge [sflag:s16], $0x4000  }
0x75: {  	[sflag:s16] =	ssyncset.done $0x0  }
0x76: {  	s1 =	rddreg [dreg:$0xc];
	[sflag:s16] =	ssyncadd.s32 $0xFFFFC000  }
0x77: {  	[hbm4b:s1+s2] =	stream.linear.scatter [tilespmem:s13], [sflag:$0x8], $0xC000, $0x38;
	[tilespmem:$0x1CB00] =	vst v63  }
0x78: {  	_ =	swait.ge [sflag:s11], $0xC000  }
0x79: {  	[sflag:s11] =	ssyncset.done $0x0  }
0x7a: {  	s1 =	rddreg [dreg:$0x1b];
	[sflag:s11] =	ssyncadd.s32 $0xFFFF4000  }
0x7b: {  	[tilespmem:s4], [sflag:$0x1] =	stream.indirect.gather [hbm4b:s3+s5], $0x80, s1, s5, $0xb8;
	[tilespmem:$0x1CB00] =	vst v63  }
0x7c: {  	_ = 	snop  }
0x7d: {  	[tilespmem:s9], [sflag:$0x2] =	stream.indirect.gather [hbm4b:s3+s5], $0x80, s28, s5, $0xb8;
	[tilespmem:$0x1CB00] =	vst v63  }
0x7e: {  	_ = 	snop  }
0x7f: {  	[tilespmem:s10], [sflag:$0x3] =	stream.indirect.gather [hbm4b:s3+s5], $0x80, s24, s5, $0xb8;
	[tilespmem:$0x1CB00] =	vst v63  }
0x80: {  	_ =	swait.ge [sflag:s8], $0x4000  }
0x81: {  	[sflag:s8] =	ssyncset.done $0x0  }
0x82: {  	[sflag:s8] =	ssyncadd.s32 $0xFFFFC000  }
0x83: {  	_ =	swait.ge [sflag:s7], $0x4000  }
0x84: {  	[sflag:s7] =	ssyncset.done $0x0  }
0x85: {  	[sflag:s7] =	ssyncadd.s32 $0xFFFFC000  }
0x86: {  	_ =	swait.ge [sflag:s6], $0x4000  }
0x87: {  	[sflag:s6] =	ssyncset.done $0x0  }
0x88: {  	s1 =	rddreg [dreg:$0xd];
	[sflag:s6] =	ssyncadd.s32 $0xFFFFC000  }
0x89: {  	[hbm4b:s1+s2] =	stream.linear.scatter [tilespmem:s4], [sflag:$0x7], $0xC000, $0x38;
	[tilespmem:$0x1CB00] =	vst v63  }
0x8a: {  	_ =	swait.ge [sflag:s12], $0xC000  }
0x8b: {  	[sflag:s12] =	ssyncset.done $0x0  }
0x8c: {  	s1 =	simm.s32 $0x800;
	[sflag:s12] =	ssyncadd.s32 $0xFFFF4000  }
0x8d: {  	[tilespmem:s13], [sflag:$0x4] =	stream.indirect.gather [hbm4b:s3+s5], $0x80, s1, s5, $0xb8;
	[tilespmem:$0x1CB00] =	vst v63  }
0x8e: {  	_ = 	snop  }
0x8f: {  	[tilespmem:s15], [sflag:$0x5] =	stream.indirect.gather [hbm4b:s3+s5], $0x80, s25, s5, $0xb8;
	[tilespmem:$0x1CB00] =	vst v63  }
0x90: {  	_ = 	snop  }
0x91: {  	[tilespmem:s17], [sflag:$0x6] =	stream.indirect.gather [hbm4b:s3+s5], $0x80, s26, s5, $0xb8;
	[tilespmem:$0x1CB00] =	vst v63  }
0x92: {  	_ =	swait.ge [sflag:s18], $0x4000  }
0x93: {  	[sflag:s18] =	ssyncset.done $0x0  }
0x94: {  	[sflag:s18] =	ssyncadd.s32 $0xFFFFC000  }
0x95: {  	_ =	swait.ge [sflag:s19], $0x4000  }
0x96: {  	[sflag:s19] =	ssyncset.done $0x0  }
0x97: {  	[sflag:s19] =	ssyncadd.s32 $0xFFFFC000  }
0x98: {  	_ =	swait.ge [sflag:s16], $0x4000  }
0x99: {  	[sflag:s16] =	ssyncset.done $0x0  }
0x9a: {  	s1 =	rddreg [dreg:$0xe];
	[sflag:s16] =	ssyncadd.s32 $0xFFFFC000  }
0x9b: {  	[hbm4b:s1+s2] =	stream.linear.scatter [tilespmem:s13], [sflag:$0x8], $0xC000, $0x38;
	[tilespmem:$0x1CB00] =	vst v63  }
0x9c: {  	_ =	swait.ge [sflag:s11], $0xC000  }
0x9d: {  	[sflag:s11] =	ssyncset.done $0x0  }
0x9e: {  	[sflag:s11] =	ssyncadd.s32 $0xFFFF4000  }
0x9f: {  	[tilespmem:s4], [sflag:$0x1] =	stream.indirect.gather [hbm4b:s3+s5], $0x80, s21, s5, $0xb8;
	[tilespmem:$0x1CB00] =	vst v63  }
0xa0: {  	_ = 	snop  }
0xa1: {  	[tilespmem:s9], [sflag:$0x2] =	stream.indirect.gather [hbm4b:s3+s5], $0x80, s22, s5, $0xb8;
	[tilespmem:$0x1CB00] =	vst v63  }
0xa2: {  	_ = 	snop  }
0xa3: {  	[tilespmem:s10], [sflag:$0x3] =	stream.indirect.gather [hbm4b:s3+s5], $0x80, s23, s5, $0xb8;
	[tilespmem:$0x1CB00] =	vst v63  }
0xa4: {  	_ =	swait.ge [sflag:s8], $0x4000  }
0xa5: {  	[sflag:s8] =	ssyncset.done $0x0  }
0xa6: {  	[sflag:s8] =	ssyncadd.s32 $0xFFFFC000  }
0xa7: {  	_ =	swait.ge [sflag:s7], $0x4000  }
0xa8: {  	[sflag:s7] =	ssyncset.done $0x0  }
0xa9: {  	[sflag:s7] =	ssyncadd.s32 $0xFFFFC000  }
0xaa: {  	_ =	swait.ge [sflag:s6], $0x4000  }
0xab: {  	[sflag:s6] =	ssyncset.done $0x0  }
0xac: {  	s1 =	rddreg [dreg:$0xf];
	[sflag:s6] =	ssyncadd.s32 $0xFFFFC000  }
0xad: {  	[hbm4b:s1+s2] =	stream.linear.scatter [tilespmem:s4], [sflag:$0x7], $0xC000, $0x38;
	[tilespmem:$0x1CB00] =	vst v63  }
0xae: {  	_ =	swait.ge [sflag:s11], $0xC000  }
0xaf: {  	[sflag:s11] =	ssyncset.done $0x0  }
0xb0: {  	p1 =	sne.s32 s20, $0x1;
	[sflag:s11] =	ssyncadd.s32 $0xFFFF4000  }
.Ltmp1:
0xb1: {  	_ =	swait.ge [sflag:s12], $0xC000;
	(pc) =	sbr.rel @!p1 .LBB2_3-.Ltmp1, $4  }
0xb2: {  	[sflag:s12] =	ssyncset.done $0x0  }
0xb3: {  	[sflag:s12] =	ssyncadd.s32 $0xFFFF4000  }
0xb4: {  	p0 =	por $0x1, $0x1;
	_ =	swait.ge [sflag:s14], $0x4000  }
0xb5: {  	s0 =	sadd.s32 $0xFFFFFFFF, s20;
	s1 =	rddreg [dreg:$0x6];
	[sflag:s14] =	ssyncset.done $0x0  }
.LBB2_4:
0xb6: {  	[sflag:s14] =	ssyncadd.s32 $0xFFFFC000  }
0xb7: {  	[tilespmem:s2], [sflag:$0xB] =	stream.linear.gather [hbm4b:s1+s2], $0x80, $0x38;
	[tilespmem:$0x1CB00] =	vst v63  }
0xb8: {  	_ =	swait.ge [sflag:s31], $0x80  }
0xb9: {  	[sflag:s31] =	ssyncset.done $0x0  }
0xba: {  	s20 =	rddreg [dreg:$0x7];
	[sflag:s31] =	ssyncadd.s32 $0xFFFFFF80  }
0xbb: {  	[tilespmem:s5], [sflag:$0xB] =	stream.linear.gather [hbm4b:s20+s2], $0xA80, $0x38;
	[tilespmem:$0x1CB00] =	vst v63  }
0xbc: {  	_ =	swait.ge [sflag:s31], $0xA80  }
0xbd: {  	[sflag:s31] =	ssyncset.done $0x0  }
0xbe: {  	s20 =	rddreg [dreg:$0x5];
	[sflag:s31] =	ssyncadd.s32 $0xFFFFF580  }
0xbf: {  	[tilespmem:s29], [sflag:$0x9] =	stream.indirect.gather [hbm4b:s20+s5], $0x80, s2, s5, $0xb8;
	[tilespmem:$0x1CB00] =	vst v63  }
0xc0: {  	_ =	swait.ge [sflag:s30], $0x4000  }
0xc1: {  	[sflag:s30] =	ssyncset.done $0x0  }
0xc2: {  	s20 =	rddreg [dreg:$0x8];
	[sflag:s30] =	ssyncadd.s32 $0xFFFFC000  }
0xc3: {  	[hbm4b:s20+s2] =	stream.linear.scatter [tilespmem:s29], [sflag:$0xA], $0x4000, $0x38;
	[tilespmem:$0x1CB00] =	vst v63  }
0xc4: {  	_ = 	snop  }
0xc5: {  	[tilespmem:s4], [sflag:$0x1] =	stream.indirect.gather [hbm4b:s3+s5], $0x80, s5, s5, $0xb8;
	[tilespmem:$0x1CB00] =	vst v63  }
0xc6: {  	s1 =	rddreg [dreg:$0x10]  }
0xc7: {  	[tilespmem:s9], [sflag:$0x2] =	stream.indirect.gather [hbm4b:s3+s5], $0x80, s1, s5, $0xb8;
	[tilespmem:$0x1CB00] =	vst v63  }
0xc8: {  	s20 =	rddreg [dreg:$0x11]  }
0xc9: {  	[tilespmem:s10], [sflag:$0x3] =	stream.indirect.gather [hbm4b:s3+s5], $0x80, s20, s5, $0xb8;
	[tilespmem:$0x1CB00] =	vst v63  }
0xca: {  	_ =	swait.ge [sflag:s8], $0x4000  }
0xcb: {  	[sflag:s8] =	ssyncset.done $0x0  }
0xcc: {  	[sflag:s8] =	ssyncadd.s32 $0xFFFFC000  }
0xcd: {  	_ =	swait.ge [sflag:s7], $0x4000  }
0xce: {  	[sflag:s7] =	ssyncset.done $0x0  }
0xcf: {  	[sflag:s7] =	ssyncadd.s32 $0xFFFFC000  }
0xd0: {  	_ =	swait.ge [sflag:s6], $0x4000  }
0xd1: {  	[sflag:s6] =	ssyncset.done $0x0  }
0xd2: {  	s1 =	rddreg [dreg:$0x9];
	[sflag:s6] =	ssyncadd.s32 $0xFFFFC000  }
0xd3: {  	[hbm4b:s1+s2] =	stream.linear.scatter [tilespmem:s4], [sflag:$0x7], $0xC000, $0x38;
	[tilespmem:$0x1CB00] =	vst v63  }
0xd4: {  	s20 =	rddreg [dreg:$0x12]  }
0xd5: {  	[tilespmem:s13], [sflag:$0x4] =	stream.indirect.gather [hbm4b:s3+s5], $0x80, s20, s5, $0xb8;
	[tilespmem:$0x1CB00] =	vst v63  }
0xd6: {  	s1 =	rddreg [dreg:$0x13]  }
0xd7: {  	[tilespmem:s15], [sflag:$0x5] =	stream.indirect.gather [hbm4b:s3+s5], $0x80, s1, s5, $0xb8;
	[tilespmem:$0x1CB00] =	vst v63  }
0xd8: {  	s20 =	rddreg [dreg:$0x14]  }
0xd9: {  	[tilespmem:s17], [sflag:$0x6] =	stream.indirect.gather [hbm4b:s3+s5], $0x80, s20, s5, $0xb8;
	[tilespmem:$0x1CB00] =	vst v63  }
0xda: {  	_ =	swait.ge [sflag:s18], $0x4000  }
0xdb: {  	[sflag:s18] =	ssyncset.done $0x0  }
0xdc: {  	[sflag:s18] =	ssyncadd.s32 $0xFFFFC000  }
0xdd: {  	_ =	swait.ge [sflag:s19], $0x4000  }
0xde: {  	[sflag:s19] =	ssyncset.done $0x0  }
0xdf: {  	[sflag:s19] =	ssyncadd.s32 $0xFFFFC000  }
0xe0: {  	_ =	swait.ge [sflag:s16], $0x4000  }
0xe1: {  	[sflag:s16] =	ssyncset.done $0x0  }
0xe2: {  	s20 =	rddreg [dreg:$0xa];
	[sflag:s16] =	ssyncadd.s32 $0xFFFFC000  }
0xe3: {  	[hbm4b:s20+s2] =	stream.linear.scatter [tilespmem:s13], [sflag:$0x8], $0xC000, $0x38;
	[tilespmem:$0x1CB00] =	vst v63  }
0xe4: {  	_ =	swait.ge [sflag:s11], $0xC000  }
0xe5: {  	[sflag:s11] =	ssyncset.done $0x0  }
0xe6: {  	s1 =	rddreg [dreg:$0x15];
	[sflag:s11] =	ssyncadd.s32 $0xFFFF4000  }
0xe7: {  	[tilespmem:s4], [sflag:$0x1] =	stream.indirect.gather [hbm4b:s3+s5], $0x80, s1, s5, $0xb8;
	[tilespmem:$0x1CB00] =	vst v63  }
0xe8: {  	s20 =	rddreg [dreg:$0x16]  }
0xe9: {  	[tilespmem:s9], [sflag:$0x2] =	stream.indirect.gather [hbm4b:s3+s5], $0x80, s20, s5, $0xb8;
	[tilespmem:$0x1CB00] =	vst v63  }
0xea: {  	s1 =	rddreg [dreg:$0x17]  }
0xeb: {  	[tilespmem:s10], [sflag:$0x3] =	stream.indirect.gather [hbm4b:s3+s5], $0x80, s1, s5, $0xb8;
	[tilespmem:$0x1CB00] =	vst v63  }
0xec: {  	_ =	swait.ge [sflag:s8], $0x4000  }
0xed: {  	[sflag:s8] =	ssyncset.done $0x0  }
0xee: {  	[sflag:s8] =	ssyncadd.s32 $0xFFFFC000  }
0xef: {  	_ =	swait.ge [sflag:s7], $0x4000  }
0xf0: {  	[sflag:s7] =	ssyncset.done $0x0  }
0xf1: {  	[sflag:s7] =	ssyncadd.s32 $0xFFFFC000  }
0xf2: {  	_ =	swait.ge [sflag:s6], $0x4000  }
0xf3: {  	[sflag:s6] =	ssyncset.done $0x0  }
0xf4: {  	s20 =	rddreg [dreg:$0xb];
	[sflag:s6] =	ssyncadd.s32 $0xFFFFC000  }
0xf5: {  	[hbm4b:s20+s2] =	stream.linear.scatter [tilespmem:s4], [sflag:$0x7], $0xC000, $0x38;
	[tilespmem:$0x1CB00] =	vst v63  }
0xf6: {  	_ =	swait.ge [sflag:s12], $0xC000  }
0xf7: {  	[sflag:s12] =	ssyncset.done $0x0  }
0xf8: {  	s1 =	rddreg [dreg:$0x18];
	[sflag:s12] =	ssyncadd.s32 $0xFFFF4000  }
0xf9: {  	[tilespmem:s13], [sflag:$0x4] =	stream.indirect.gather [hbm4b:s3+s5], $0x80, s1, s5, $0xb8;
	[tilespmem:$0x1CB00] =	vst v63  }
0xfa: {  	s20 =	rddreg [dreg:$0x19]  }
0xfb: {  	[tilespmem:s15], [sflag:$0x5] =	stream.indirect.gather [hbm4b:s3+s5], $0x80, s20, s5, $0xb8;
	[tilespmem:$0x1CB00] =	vst v63  }
0xfc: {  	s1 =	rddreg [dreg:$0x1a]  }
0xfd: {  	[tilespmem:s17], [sflag:$0x6] =	stream.indirect.gather [hbm4b:s3+s5], $0x80, s1, s5, $0xb8;
	[tilespmem:$0x1CB00] =	vst v63  }
0xfe: {  	_ =	swait.ge [sflag:s18], $0x4000  }
0xff: {  	[sflag:s18] =	ssyncset.done $0x0  }
0x100: {  	[sflag:s18] =	ssyncadd.s32 $0xFFFFC000  }
0x101: {  	_ =	swait.ge [sflag:s19], $0x4000  }
0x102: {  	[sflag:s19] =	ssyncset.done $0x0  }
0x103: {  	[sflag:s19] =	ssyncadd.s32 $0xFFFFC000  }
0x104: {  	_ =	swait.ge [sflag:s16], $0x4000  }
0x105: {  	[sflag:s16] =	ssyncset.done $0x0  }
0x106: {  	s20 =	rddreg [dreg:$0xc];
	[sflag:s16] =	ssyncadd.s32 $0xFFFFC000  }
0x107: {  	[hbm4b:s20+s2] =	stream.linear.scatter [tilespmem:s13], [sflag:$0x8], $0xC000, $0x38;
	[tilespmem:$0x1CB00] =	vst v63  }
0x108: {  	_ =	swait.ge [sflag:s11], $0xC000  }
0x109: {  	[sflag:s11] =	ssyncset.done $0x0  }
0x10a: {  	s20 =	rddreg [dreg:$0x1b];
	[sflag:s11] =	ssyncadd.s32 $0xFFFF4000  }
0x10b: {  	[tilespmem:s4], [sflag:$0x1] =	stream.indirect.gather [hbm4b:s3+s5], $0x80, s20, s5, $0xb8;
	[tilespmem:$0x1CB00] =	vst v63  }
0x10c: {  	_ = 	snop  }
0x10d: {  	[tilespmem:s9], [sflag:$0x2] =	stream.indirect.gather [hbm4b:s3+s5], $0x80, s28, s5, $0xb8;
	[tilespmem:$0x1CB00] =	vst v63  }
0x10e: {  	_ = 	snop  }
0x10f: {  	[tilespmem:s10], [sflag:$0x3] =	stream.indirect.gather [hbm4b:s3+s5], $0x80, s24, s5, $0xb8;
	[tilespmem:$0x1CB00] =	vst v63  }
0x110: {  	_ =	swait.ge [sflag:s8], $0x4000  }
0x111: {  	[sflag:s8] =	ssyncset.done $0x0  }
0x112: {  	[sflag:s8] =	ssyncadd.s32 $0xFFFFC000  }
0x113: {  	_ =	swait.ge [sflag:s7], $0x4000  }
0x114: {  	[sflag:s7] =	ssyncset.done $0x0  }
0x115: {  	[sflag:s7] =	ssyncadd.s32 $0xFFFFC000  }
0x116: {  	_ =	swait.ge [sflag:s6], $0x4000  }
0x117: {  	[sflag:s6] =	ssyncset.done $0x0  }
0x118: {  	s20 =	rddreg [dreg:$0xd];
	[sflag:s6] =	ssyncadd.s32 $0xFFFFC000  }
0x119: {  	[hbm4b:s20+s2] =	stream.linear.scatter [tilespmem:s4], [sflag:$0x7], $0xC000, $0x38;
	[tilespmem:$0x1CB00] =	vst v63  }
0x11a: {  	_ =	swait.ge [sflag:s12], $0xC000  }
0x11b: {  	[sflag:s12] =	ssyncset.done $0x0  }
0x11c: {  	s20 =	simm.s32 $0x800;
	[sflag:s12] =	ssyncadd.s32 $0xFFFF4000  }
0x11d: {  	[tilespmem:s13], [sflag:$0x4] =	stream.indirect.gather [hbm4b:s3+s5], $0x80, s20, s5, $0xb8;
	[tilespmem:$0x1CB00] =	vst v63  }
0x11e: {  	_ = 	snop  }
0x11f: {  	[tilespmem:s15], [sflag:$0x5] =	stream.indirect.gather [hbm4b:s3+s5], $0x80, s25, s5, $0xb8;
	[tilespmem:$0x1CB00] =	vst v63  }
0x120: {  	_ = 	snop  }
0x121: {  	[tilespmem:s17], [sflag:$0x6] =	stream.indirect.gather [hbm4b:s3+s5], $0x80, s26, s5, $0xb8;
	[tilespmem:$0x1CB00] =	vst v63  }
0x122: {  	_ =	swait.ge [sflag:s18], $0x4000  }
0x123: {  	[sflag:s18] =	ssyncset.done $0x0  }
0x124: {  	[sflag:s18] =	ssyncadd.s32 $0xFFFFC000  }
0x125: {  	_ =	swait.ge [sflag:s19], $0x4000  }
0x126: {  	[sflag:s19] =	ssyncset.done $0x0  }
0x127: {  	[sflag:s19] =	ssyncadd.s32 $0xFFFFC000  }
0x128: {  	_ =	swait.ge [sflag:s16], $0x4000  }
0x129: {  	[sflag:s16] =	ssyncset.done $0x0  }
0x12a: {  	s20 =	rddreg [dreg:$0xe];
	[sflag:s16] =	ssyncadd.s32 $0xFFFFC000  }
0x12b: {  	[hbm4b:s20+s2] =	stream.linear.scatter [tilespmem:s13], [sflag:$0x8], $0xC000, $0x38;
	[tilespmem:$0x1CB00] =	vst v63  }
0x12c: {  	_ =	swait.ge [sflag:s11], $0xC000  }
0x12d: {  	[sflag:s11] =	ssyncset.done $0x0  }
0x12e: {  	[sflag:s11] =	ssyncadd.s32 $0xFFFF4000  }
0x12f: {  	[tilespmem:s4], [sflag:$0x1] =	stream.indirect.gather [hbm4b:s3+s5], $0x80, s21, s5, $0xb8;
	[tilespmem:$0x1CB00] =	vst v63  }
0x130: {  	_ = 	snop  }
0x131: {  	[tilespmem:s9], [sflag:$0x2] =	stream.indirect.gather [hbm4b:s3+s5], $0x80, s22, s5, $0xb8;
	[tilespmem:$0x1CB00] =	vst v63  }
0x132: {  	_ = 	snop  }
0x133: {  	[tilespmem:s10], [sflag:$0x3] =	stream.indirect.gather [hbm4b:s3+s5], $0x80, s23, s5, $0xb8;
	[tilespmem:$0x1CB00] =	vst v63  }
0x134: {  	_ =	swait.ge [sflag:s8], $0x4000  }
0x135: {  	[sflag:s8] =	ssyncset.done $0x0  }
0x136: {  	[sflag:s8] =	ssyncadd.s32 $0xFFFFC000  }
0x137: {  	_ =	swait.ge [sflag:s7], $0x4000  }
0x138: {  	[sflag:s7] =	ssyncset.done $0x0  }
0x139: {  	[sflag:s7] =	ssyncadd.s32 $0xFFFFC000  }
0x13a: {  	_ =	swait.ge [sflag:s6], $0x4000  }
0x13b: {  	[sflag:s6] =	ssyncset.done $0x0  }
0x13c: {  	s20 =	rddreg [dreg:$0xf];
	[sflag:s6] =	ssyncadd.s32 $0xFFFFC000  }
0x13d: {  	[hbm4b:s20+s2] =	stream.linear.scatter [tilespmem:s4], [sflag:$0x7], $0xC000, $0x38;
	[tilespmem:$0x1CB00] =	vst v63  }
0x13e: {  	_ =	swait.ge [sflag:s11], $0xC000  }
0x13f: {  	[sflag:s11] =	ssyncset.done $0x0  }
0x140: {  	p1 =	sne.s32 s0, $0x1;
	[sflag:s11] =	ssyncadd.s32 $0xFFFF4000  }
.Ltmp2:
0x141: {  	_ =	swait.ge [sflag:s12], $0xC000;
	(pc) =	sbr.rel @p1 .LBB2_4-.Ltmp2, $4  }
0x142: {  	[sflag:s12] =	ssyncset.done $0x0  }
0x143: {  	[sflag:s12] =	ssyncadd.s32 $0xFFFF4000  }
0x144: {  	_ =	swait.ge [sflag:s14], $0x4000  }
0x145: {  	s0 =	sadd.s32 $0xFFFFFFFF, s0;
	s1 =	rddreg [dreg:$0x6];
	[sflag:s14] =	ssyncset.done $0x0  }
0x146: {  	s23 =	simm.s32 $0x780;
	s28 =	simm.s32 $0x700  }
0x147: {  	s26 =	simm.s32 $0x900;
	s25 =	simm.s32 $0x880;
	s24 =	simm.s32 $0x800  }
0x148: {  	s22 =	simm.s32 $0xA00;
	s21 =	simm.s32 $0x980;
	s20 =	rddreg [dreg:$0x4]  }
.LBB2_6:
0x149: {  	[sflag:s14] =	ssyncadd.s32 @p0 $0xFFFFC000  }
0x14a: {  	[tilespmem:s2], [sflag:$0xB] =	stream.linear.gather [hbm4b:s1+s2], $0x80, $0x38;
	[tilespmem:$0x1CB00] =	vst v63  }
0x14b: {  	_ =	swait.ge [sflag:s31], $0x80  }
0x14c: {  	[sflag:s31] =	ssyncset.done $0x0  }
0x14d: {  	s0 =	rddreg [dreg:$0x7];
	[sflag:s31] =	ssyncadd.s32 $0xFFFFFF80  }
0x14e: {  	[tilespmem:s5], [sflag:$0xB] =	stream.linear.gather [hbm4b:s0+s2], $0xA80, $0x38;
	[tilespmem:$0x1CB00] =	vst v63  }
0x14f: {  	_ =	swait.ge [sflag:s31], $0xA80  }
0x150: {  	[sflag:s31] =	ssyncset.done $0x0  }
0x151: {  	s1 =	rddreg [dreg:$0x5];
	[sflag:s31] =	ssyncadd.s32 $0xFFFFF580  }
0x152: {  	[tilespmem:s29], [sflag:$0x9] =	stream.indirect.gather [hbm4b:s1+s5], $0x80, s2, s5, $0xb8;
	[tilespmem:$0x1CB00] =	vst v63  }
0x153: {  	_ =	swait.ge [sflag:s30], $0x4000  }
0x154: {  	[sflag:s30] =	ssyncset.done $0x0  }
0x155: {  	s31 =	rddreg [dreg:$0x8];
	[sflag:s30] =	ssyncadd.s32 $0xFFFFC000  }
0x156: {  	[hbm4b:s31+s2] =	stream.linear.scatter [tilespmem:s29], [sflag:$0xA], $0x4000, $0x38;
	[tilespmem:$0x1CB00] =	vst v63  }
0x157: {  	_ = 	snop  }
0x158: {  	[tilespmem:s4], [sflag:$0x1] =	stream.indirect.gather [hbm4b:s3+s5], $0x80, s5, s5, $0xb8;
	[tilespmem:$0x1CB00] =	vst v63  }
0x159: {  	s1 =	rddreg [dreg:$0x10]  }
0x15a: {  	[tilespmem:s9], [sflag:$0x2] =	stream.indirect.gather [hbm4b:s3+s5], $0x80, s1, s5, $0xb8;
	[tilespmem:$0x1CB00] =	vst v63  }
0x15b: {  	s29 =	rddreg [dreg:$0x11]  }
0x15c: {  	[tilespmem:s10], [sflag:$0x3] =	stream.indirect.gather [hbm4b:s3+s5], $0x80, s29, s5, $0xb8;
	[tilespmem:$0x1CB00] =	vst v63  }
0x15d: {  	_ =	swait.ge [sflag:s8], $0x4000  }
0x15e: {  	[sflag:s8] =	ssyncset.done $0x0  }
0x15f: {  	[sflag:s8] =	ssyncadd.s32 $0xFFFFC000  }
0x160: {  	_ =	swait.ge [sflag:s7], $0x4000  }
0x161: {  	[sflag:s7] =	ssyncset.done $0x0  }
0x162: {  	[sflag:s7] =	ssyncadd.s32 $0xFFFFC000  }
0x163: {  	_ =	swait.ge [sflag:s6], $0x4000  }
0x164: {  	[sflag:s6] =	ssyncset.done $0x0  }
0x165: {  	s30 =	rddreg [dreg:$0x9];
	[sflag:s6] =	ssyncadd.s32 $0xFFFFC000  }
0x166: {  	[hbm4b:s30+s2] =	stream.linear.scatter [tilespmem:s4], [sflag:$0x7], $0xC000, $0x38;
	[tilespmem:$0x1CB00] =	vst v63  }
0x167: {  	s31 =	rddreg [dreg:$0x12]  }
0x168: {  	[tilespmem:s13], [sflag:$0x4] =	stream.indirect.gather [hbm4b:s3+s5], $0x80, s31, s5, $0xb8;
	[tilespmem:$0x1CB00] =	vst v63  }
0x169: {  	s29 =	rddreg [dreg:$0x13]  }
0x16a: {  	[tilespmem:s15], [sflag:$0x5] =	stream.indirect.gather [hbm4b:s3+s5], $0x80, s29, s5, $0xb8;
	[tilespmem:$0x1CB00] =	vst v63  }
0x16b: {  	s30 =	rddreg [dreg:$0x14]  }
0x16c: {  	[tilespmem:s17], [sflag:$0x6] =	stream.indirect.gather [hbm4b:s3+s5], $0x80, s30, s5, $0xb8;
	[tilespmem:$0x1CB00] =	vst v63  }
0x16d: {  	_ =	swait.ge [sflag:s18], $0x4000  }
0x16e: {  	[sflag:s18] =	ssyncset.done $0x0  }
0x16f: {  	[sflag:s18] =	ssyncadd.s32 $0xFFFFC000  }
0x170: {  	_ =	swait.ge [sflag:s19], $0x4000  }
0x171: {  	[sflag:s19] =	ssyncset.done $0x0  }
0x172: {  	[sflag:s19] =	ssyncadd.s32 $0xFFFFC000  }
0x173: {  	_ =	swait.ge [sflag:s16], $0x4000  }
0x174: {  	[sflag:s16] =	ssyncset.done $0x0  }
0x175: {  	s31 =	rddreg [dreg:$0xa];
	[sflag:s16] =	ssyncadd.s32 $0xFFFFC000  }
0x176: {  	[hbm4b:s31+s2] =	stream.linear.scatter [tilespmem:s13], [sflag:$0x8], $0xC000, $0x38;
	[tilespmem:$0x1CB00] =	vst v63  }
0x177: {  	_ =	swait.ge [sflag:s11], $0xC000  }
0x178: {  	[sflag:s11] =	ssyncset.done $0x0  }
0x179: {  	s1 =	rddreg [dreg:$0x15];
	[sflag:s11] =	ssyncadd.s32 $0xFFFF4000  }
0x17a: {  	[tilespmem:s4], [sflag:$0x1] =	stream.indirect.gather [hbm4b:s3+s5], $0x80, s1, s5, $0xb8;
	[tilespmem:$0x1CB00] =	vst v63  }
0x17b: {  	s29 =	rddreg [dreg:$0x16]  }
0x17c: {  	[tilespmem:s9], [sflag:$0x2] =	stream.indirect.gather [hbm4b:s3+s5], $0x80, s29, s5, $0xb8;
	[tilespmem:$0x1CB00] =	vst v63  }
0x17d: {  	s30 =	rddreg [dreg:$0x17]  }
0x17e: {  	[tilespmem:s10], [sflag:$0x3] =	stream.indirect.gather [hbm4b:s3+s5], $0x80, s30, s5, $0xb8;
	[tilespmem:$0x1CB00] =	vst v63  }
0x17f: {  	_ =	swait.ge [sflag:s8], $0x4000  }
0x180: {  	[sflag:s8] =	ssyncset.done $0x0  }
0x181: {  	[sflag:s8] =	ssyncadd.s32 $0xFFFFC000  }
0x182: {  	_ =	swait.ge [sflag:s7], $0x4000  }
0x183: {  	[sflag:s7] =	ssyncset.done $0x0  }
0x184: {  	[sflag:s7] =	ssyncadd.s32 $0xFFFFC000  }
0x185: {  	_ =	swait.ge [sflag:s6], $0x4000  }
0x186: {  	[sflag:s6] =	ssyncset.done $0x0  }
0x187: {  	s31 =	rddreg [dreg:$0xb];
	[sflag:s6] =	ssyncadd.s32 $0xFFFFC000  }
0x188: {  	[hbm4b:s31+s2] =	stream.linear.scatter [tilespmem:s4], [sflag:$0x7], $0xC000, $0x38;
	[tilespmem:$0x1CB00] =	vst v63  }
0x189: {  	_ =	swait.ge [sflag:s12], $0xC000  }
0x18a: {  	[sflag:s12] =	ssyncset.done $0x0  }
0x18b: {  	s1 =	rddreg [dreg:$0x18];
	[sflag:s12] =	ssyncadd.s32 $0xFFFF4000  }
0x18c: {  	[tilespmem:s13], [sflag:$0x4] =	stream.indirect.gather [hbm4b:s3+s5], $0x80, s1, s5, $0xb8;
	[tilespmem:$0x1CB00] =	vst v63  }
0x18d: {  	s29 =	rddreg [dreg:$0x19]  }
0x18e: {  	[tilespmem:s15], [sflag:$0x5] =	stream.indirect.gather [hbm4b:s3+s5], $0x80, s29, s5, $0xb8;
	[tilespmem:$0x1CB00] =	vst v63  }
0x18f: {  	s30 =	rddreg [dreg:$0x1a]  }
0x190: {  	[tilespmem:s17], [sflag:$0x6] =	stream.indirect.gather [hbm4b:s3+s5], $0x80, s30, s5, $0xb8;
	[tilespmem:$0x1CB00] =	vst v63  }
0x191: {  	_ =	swait.ge [sflag:s18], $0x4000  }
0x192: {  	[sflag:s18] =	ssyncset.done $0x0  }
0x193: {  	[sflag:s18] =	ssyncadd.s32 $0xFFFFC000  }
0x194: {  	_ =	swait.ge [sflag:s19], $0x4000  }
0x195: {  	[sflag:s19] =	ssyncset.done $0x0  }
0x196: {  	[sflag:s19] =	ssyncadd.s32 $0xFFFFC000  }
0x197: {  	_ =	swait.ge [sflag:s16], $0x4000  }
0x198: {  	[sflag:s16] =	ssyncset.done $0x0  }
0x199: {  	s31 =	rddreg [dreg:$0xc];
	[sflag:s16] =	ssyncadd.s32 $0xFFFFC000  }
0x19a: {  	[hbm4b:s31+s2] =	stream.linear.scatter [tilespmem:s13], [sflag:$0x8], $0xC000, $0x38;
	[tilespmem:$0x1CB00] =	vst v63  }
0x19b: {  	_ =	swait.ge [sflag:s11], $0xC000  }
0x19c: {  	[sflag:s11] =	ssyncset.done $0x0  }
0x19d: {  	s1 =	rddreg [dreg:$0x1b];
	[sflag:s11] =	ssyncadd.s32 $0xFFFF4000  }
0x19e: {  	[tilespmem:s4], [sflag:$0x1] =	stream.indirect.gather [hbm4b:s3+s5], $0x80, s1, s5, $0xb8;
	[tilespmem:$0x1CB00] =	vst v63  }
0x19f: {  	_ = 	snop  }
0x1a0: {  	[tilespmem:s9], [sflag:$0x2] =	stream.indirect.gather [hbm4b:s3+s5], $0x80, s28, s5, $0xb8;
	[tilespmem:$0x1CB00] =	vst v63  }
0x1a1: {  	_ = 	snop  }
0x1a2: {  	[tilespmem:s10], [sflag:$0x3] =	stream.indirect.gather [hbm4b:s3+s5], $0x80, s23, s5, $0xb8;
	[tilespmem:$0x1CB00] =	vst v63  }
0x1a3: {  	_ =	swait.ge [sflag:s8], $0x4000  }
0x1a4: {  	[sflag:s8] =	ssyncset.done $0x0  }
0x1a5: {  	[sflag:s8] =	ssyncadd.s32 $0xFFFFC000  }
0x1a6: {  	_ =	swait.ge [sflag:s7], $0x4000  }
0x1a7: {  	[sflag:s7] =	ssyncset.done $0x0  }
0x1a8: {  	[sflag:s7] =	ssyncadd.s32 $0xFFFFC000  }
0x1a9: {  	_ =	swait.ge [sflag:s6], $0x4000  }
0x1aa: {  	[sflag:s6] =	ssyncset.done $0x0  }
0x1ab: {  	s23 =	rddreg [dreg:$0xd];
	[sflag:s6] =	ssyncadd.s32 $0xFFFFC000  }
0x1ac: {  	[hbm4b:s23+s2] =	stream.linear.scatter [tilespmem:s4], [sflag:$0x7], $0xC000, $0x38;
	[tilespmem:$0x1CB00] =	vst v63  }
0x1ad: {  	_ =	swait.ge [sflag:s12], $0xC000  }
0x1ae: {  	[sflag:s12] =	ssyncset.done $0x0  }
0x1af: {  	[sflag:s12] =	ssyncadd.s32 $0xFFFF4000  }
0x1b0: {  	[tilespmem:s13], [sflag:$0x4] =	stream.indirect.gather [hbm4b:s3+s5], $0x80, s24, s5, $0xb8;
	[tilespmem:$0x1CB00] =	vst v63  }
0x1b1: {  	_ = 	snop  }
0x1b2: {  	[tilespmem:s15], [sflag:$0x5] =	stream.indirect.gather [hbm4b:s3+s5], $0x80, s25, s5, $0xb8;
	[tilespmem:$0x1CB00] =	vst v63  }
0x1b3: {  	_ = 	snop  }
0x1b4: {  	[tilespmem:s17], [sflag:$0x6] =	stream.indirect.gather [hbm4b:s3+s5], $0x80, s26, s5, $0xb8;
	[tilespmem:$0x1CB00] =	vst v63  }
0x1b5: {  	_ =	swait.ge [sflag:s18], $0x4000  }
0x1b6: {  	[sflag:s18] =	ssyncset.done $0x0  }
0x1b7: {  	[sflag:s18] =	ssyncadd.s32 $0xFFFFC000  }
0x1b8: {  	_ =	swait.ge [sflag:s19], $0x4000  }
0x1b9: {  	[sflag:s19] =	ssyncset.done $0x0  }
0x1ba: {  	[sflag:s19] =	ssyncadd.s32 $0xFFFFC000  }
0x1bb: {  	_ =	swait.ge [sflag:s16], $0x4000  }
0x1bc: {  	[sflag:s16] =	ssyncset.done $0x0  }
0x1bd: {  	s28 =	rddreg [dreg:$0xe];
	[sflag:s16] =	ssyncadd.s32 $0xFFFFC000  }
0x1be: {  	[hbm4b:s28+s2] =	stream.linear.scatter [tilespmem:s13], [sflag:$0x8], $0xC000, $0x38;
	[tilespmem:$0x1CB00] =	vst v63  }
0x1bf: {  	_ =	swait.ge [sflag:s11], $0xC000  }
0x1c0: {  	[sflag:s11] =	ssyncset.done $0x0  }
0x1c1: {  	[sflag:s11] =	ssyncadd.s32 $0xFFFF4000  }
0x1c2: {  	[tilespmem:s4], [sflag:$0x1] =	stream.indirect.gather [hbm4b:s3+s5], $0x80, s21, s5, $0xb8;
	[tilespmem:$0x1CB00] =	vst v63  }
0x1c3: {  	_ = 	snop  }
0x1c4: {  	[tilespmem:s9], [sflag:$0x2] =	stream.indirect.gather [hbm4b:s3+s5], $0x80, s22, s5, $0xb8;
	[tilespmem:$0x1CB00] =	vst v63  }
0x1c5: {  	s29 =	simm.s32 $0xA80  }
0x1c6: {  	[tilespmem:s10], [sflag:$0x3] =	stream.indirect.gather [hbm4b:s3+s5], $0x80, s29, s5, $0xb8;
	[tilespmem:$0x1CB00] =	vst v63  }
0x1c7: {  	_ =	swait.ge [sflag:s8], $0x4000  }
0x1c8: {  	[sflag:s8] =	ssyncset.done $0x0  }
0x1c9: {  	[sflag:s8] =	ssyncadd.s32 $0xFFFFC000  }
0x1ca: {  	_ =	swait.ge [sflag:s7], $0x4000  }
0x1cb: {  	[sflag:s7] =	ssyncset.done $0x0  }
0x1cc: {  	[sflag:s7] =	ssyncadd.s32 $0xFFFFC000  }
0x1cd: {  	_ =	swait.ge [sflag:s6], $0x4000  }
0x1ce: {  	[sflag:s6] =	ssyncset.done $0x0  }
0x1cf: {  	s30 =	rddreg [dreg:$0xf];
	[sflag:s6] =	ssyncadd.s32 $0xFFFFC000  }
0x1d0: {  	[hbm4b:s30+s2] =	stream.linear.scatter [tilespmem:s4], [sflag:$0x7], $0xC000, $0x38;
	[tilespmem:$0x1CB00] =	vst v63  }
0x1d1: {  	_ =	swait.ge [sflag:s11], $0xC000  }
0x1d2: {  	[sflag:s11] =	ssyncset.done $0x0  }
0x1d3: {  	[sflag:s11] =	ssyncadd.s32 $0xFFFF4000  }
0x1d4: {  	_ =	swait.ge [sflag:s12], $0xC000  }
0x1d5: {  	[sflag:s12] =	ssyncset.done $0x0  }
0x1d6: {  	[sflag:s12] =	ssyncadd.s32 $0xFFFF4000  }
0x1d7: {  	_ =	swait.ge [sflag:s14], $0x4000  }
0x1d8: {  	[sflag:s14] =	ssyncset.done $0x0  }
0x1d9: {  	[sflag:s14] =	ssyncadd.s32 $0xFFFFC000  }
0x1da: {  	_ =	sfence.sel $0x180000  }
0x1db: {  	s31 =	stileid.u32;
	[bflag:$0x0] =	sbarrier.arrive $0xFFFF  }
0x1dc: {  	p0 =	sne.s32 s31, $0x0;
	_ =	strace $0x9000004D  }
0x1dd: {  	s0 =	sadd.s32 @!p0 $0x100000, s20;
	[bflag:$0x2] =	sbarrier.arrive $0xFFFF  }
0x1de: {  	[sflag:s0] =	ssyncadd.tile.s32 @!p0 $0x1;
	_ =	shalt  }
.LBB2_1:
.Ltmp3:
0x1df: {  	(pc) =	sbr.rel .LBB2_6-.Ltmp3, $4  }
0x1e0: {  	_ = 	snop  }
0x1e1: {  	s23 =	simm.s32 $0x780  }
0x1e2: {  	s28 =	simm.s32 $0x700;
	s26 =	simm.s32 $0x900;
	s25 =	simm.s32 $0x880  }
0x1e3: {  	s24 =	simm.s32 $0x800;
	s22 =	simm.s32 $0xA00;
	s21 =	simm.s32 $0x980  }
.LBB2_3:
.Ltmp4:
0x1e4: {  	(pc) =	sbr.rel .LBB2_6-.Ltmp4, $4  }
0x1e5: {  	_ = 	snop  }
0x1e6: {  	s23 =	simm.s32 $0x780;
	s28 =	simm.s32 $0x700  }
0x1e7: {  	s26 =	simm.s32 $0x900;
	s25 =	simm.s32 $0x880;
	s24 =	simm.s32 $0x800  }
0x1e8: {  	s22 =	simm.s32 $0xA00;
	s21 =	simm.s32 $0x980;
	s20 =	rddreg [dreg:$0x4]  }
.Lfunc_end2:
_tile_overlayer_lowered:
.L_overlay_start_2:
0x1e9: {  	(tag) =	ssettag $0x2  }
0x1ea: {  	s0 =	rddreg [dreg:$0x0];
	s2 =	stileid.u32  }
0x1eb: {  	s1 =	rddreg [dreg:$0x1];
	p0 =	sne.s32 s2, $0x0  }
0x1ec: {  	s3 =	rddreg [dreg:$0x2];
	[bflag:$0x3] =	sbarrier.arrive $0xFFFF;
	s2 =	simm.s32 @!p0 $0x1C0B  }
0x1ed: {  	[timem:s3], [sflag:s2] =	dma.local @!p0 [hbm:s0], s1  }
0x1ee: {  	s0 =	simm.s32 @!p0 $0xB  }
0x1ef: {  	_ =	swait.ge @!p0 [sflag:s0], s1  }
0x1f0: {  	s1 =	ssub.s32 @!p0 $0x0, s1;
	[sflag:s0] =	ssyncset.done @!p0 $0x0  }
0x1f1: {  	[sflag:s0] =	ssyncadd.s32 @!p0 s1  }
0x1f2: {  	[bflag:$0x3] =	sbarrier.arrive $0xFFFF  }
0x1f3: {  	_ =	shalt  }

// kernel: kernel.16.cloned.1.call-start
scs
__scs_entry_jumppad:
0x0: {  	(pc) =	sbr.rel $0x88, $3  }
0x1: {  	(tag) =	ssettag $0x0;
	lr =	simm.s32 $0x1  }
0x2: {  	[smem:$0x3F9C] =	sst lr;
	_ =	strace $0xD0000000  }
0x3: {  	_ = 	snop  }
0x4: {  	_ = 	snop  }
0x5: {  	_ = 	snop  }
0x6: {  	_ = 	snop  }
0x7: {  	_ = 	snop  }
__scs_overlays_trampoline_lowered:
0x8: {  	[smem:$0x3FAB] =	sst s0  }
0x9: {  	[smem:$0x3FAC] =	sst s1  }
0xa: {  	[smem:$0x3FAD] =	sst s2  }
0xb: {  	[smem:$0x3FAE] =	sst s3  }
0xc: {  	[smem:$0x3FAF] =	sst s4  }
0xd: {  	[smem:$0x3FB0] =	sst s5  }
0xe: {  	[smem:$0x3FB1] =	sst s6  }
0xf: {  	[smem:$0x3FB2] =	sst s7  }
0x10: {  	[smem:$0x3FB3] =	sst s8  }
0x11: {  	[smem:$0x3FB4] =	sst s9;
	s0 =	simm.s32 @!p0 $0x0  }
0x12: {  	s1 =	sld [smem:$0x3F9A];
	s0 =	simm.s32 @p0 $0x1  }
0x13: {  	[smem:$0x3FB5] =	sst s0;
	s0 =	simm.s32 @!p1 $0x0  }
0x14: {  	s2 =	sld [smem:$0x3F99];
	s0 =	simm.s32 @p1 $0x1  }
0x15: {  	[smem:$0x3FB6] =	sst s0;
	s0 =	simm.s32 @!p2 $0x0  }
0x16: {  	s3 =	sld [smem:$0x3FDB];
	s0 =	simm.s32 @p2 $0x1  }
0x17: {  	s4 =	simm.s32 $0x1BF5;
	[smem:$0x3FB8] =	sst s0  }
0x18: {  	s0 =	sld [smem:$0x3F9B];
	_ =	swait.ge [sflag:s4], $0x0  }
0x19: {  	s7 =	sld [smem:$0x3F9C]  }
0x1a: {  	s8 =	sadd.s32 $0xFFFFE003, lr  }
0x1b: {  	s9 =	sadd.s32 $0xFFFFFEF7, lr;
	s5 =	simm.s32 $0xFFFFFFFF;
	p2 =	slt.u32 s8, $0xFFFFF086  }
0x1c: {  	p1 =	slt.u32 s9, $0xF7A;
	s5 =	simm.s32 @!p2 $0x0  }
0x1d: {  	s5 =	simm.s32 @p1 $0x1;
	p0 =	seq.s32 s7, s2  }
0x1e: {  	s7 =	smul.u32 @!p0 $0xF7A, s2;
	p2 =	seq.s32 @!p0 s5, $0x0  }
0x1f: {  	s9 =	smul.u32 $0xF7A, s1;
	s8 =	simm.s32 @!p0 $0x1BF5;
	p2 =	por !p2, p0  }
0x20: {  	[sflag:s8] =	ssyncset.s32 @!p0 $0xFFFFF086;
	s6 =	sadd.s32 @!p0 s3, s7;
	s7 =	simm.s32 @!p0 $0x108  }
0x21: {  	s3 =	sadd.s32 s3, s9;
	s6 =	sadd.s32 @!p0 $0x88, s6;
	s7 =	simm.s32 @p2 $0x1082  }
0x22: {  	[simem:s7], [sflag:s8] =	dma.local @!p0 [hbm:s6], $0xF7A  }
0x23: {  	s9 =	sor.u32 $0xD0000000, s2;
	s6 =	simm.s32 $0x108;
	_ =	swait.ge @!p0 [sflag:s8], $0x0  }
0x24: {  	s3 =	sadd.s32 $0x88, s3;
	s6 =	simm.s32 @!p1 $0x1082;
	[sflag:s4] =	ssyncset.s32 $0xFFFFF086  }
0x25: {  	[simem:s6], [sflag:s4] =	dma.local [hbm:s3], $0xF7A  }
0x26: {  	[smem:$0x3F9C] =	sst s1;
	(tag) =	ssettag s2;
	_ =	strace s9  }
0x27: {  	s1 =	sld [smem:$0x3FAC]  }
0x28: {  	s2 =	sld [smem:$0x3FAD]  }
0x29: {  	s4 =	sld [smem:$0x3FAF]  }
0x2a: {  	p0 =	seq.s32 s5, $0x0;
	s5 =	sld [smem:$0x3FB0]  }
0x2b: {  	s6 =	sld [smem:$0x3FB1]  }
0x2c: {  	s7 =	sld [smem:$0x3FB2]  }
0x2d: {  	s3 =	simm.s32 $0x108;
	s8 =	sld [smem:$0x3FB3]  }
0x2e: {  	s3 =	simm.s32 @!p0 $0x1082;
	s9 =	sld [smem:$0x3FB4]  }
0x2f: {  	lr =	sadd.s32 s0, s3;
	s0 =	sld [smem:$0x3FAB]  }
0x30: {  	s3 =	sld [smem:$0x3FAE]  }
0x31: {  	[smem:$0x3FB7] =	sst s10  }
0x32: {  	s10 =	sld [smem:$0x3FB5];
	_ =	sdelay $0x3  }
0x33: {  	p0 =	seq.s32 s10, $0x1;
	s10 =	sld [smem:$0x3FB7];
	_ =	sdelay $0x3  }
0x34: {  	[smem:$0x3FB7] =	sst s10  }
0x35: {  	s10 =	sld [smem:$0x3FB6];
	_ =	sdelay $0x3  }
0x36: {  	p1 =	seq.s32 s10, $0x1;
	s10 =	sld [smem:$0x3FB7];
	_ =	sdelay $0x3  }
0x37: {  	[smem:$0x3FB7] =	sst s10  }
0x38: {  	s10 =	sld [smem:$0x3FB8]  }
0x39: {  	_ = 	snop;
	(pc) =	sbr.ind lr, $3  }
0x3a: {  	_ = 	snop  }
0x3b: {  	_ = 	snop  }
0x3c: {  	p2 =	seq.s32 s10, $0x1;
	s10 =	sld [smem:$0x3FB7]  }
0x3d: {  	_ =	shalt  }
0x3e: {  	_ =	shalt  }
0x3f: {  	_ =	shalt  }
0x40: {  	_ =	shalt  }
0x41: {  	_ =	shalt  }
0x42: {  	_ =	shalt  }
0x43: {  	_ =	shalt  }
0x44: {  	_ =	shalt  }
0x45: {  	_ =	shalt  }
0x46: {  	_ =	shalt  }
0x47: {  	_ =	shalt  }
0x48: {  	_ =	shalt  }
0x49: {  	_ =	shalt  }
0x4a: {  	_ =	shalt  }
0x4b: {  	_ =	shalt  }
0x4c: {  	_ =	shalt  }
0x4d: {  	_ =	shalt  }
0x4e: {  	_ =	shalt  }
0x4f: {  	_ =	shalt  }
0x50: {  	_ =	shalt  }
0x51: {  	_ =	shalt  }
0x52: {  	_ =	shalt  }
0x53: {  	_ =	shalt  }
0x54: {  	_ =	shalt  }
0x55: {  	_ =	shalt  }
0x56: {  	_ =	shalt  }
0x57: {  	_ =	shalt  }
0x58: {  	_ =	shalt  }
0x59: {  	_ =	shalt  }
0x5a: {  	_ =	shalt  }
0x5b: {  	_ =	shalt  }
0x5c: {  	_ =	shalt  }
0x5d: {  	_ =	shalt  }
0x5e: {  	_ =	shalt  }
0x5f: {  	_ =	shalt  }
0x60: {  	_ =	shalt  }
0x61: {  	_ =	shalt  }
0x62: {  	_ =	shalt  }
0x63: {  	_ =	shalt  }
0x64: {  	_ =	shalt  }
0x65: {  	_ =	shalt  }
0x66: {  	_ =	shalt  }
0x67: {  	_ =	shalt  }
0x68: {  	_ =	shalt  }
0x69: {  	_ =	shalt  }
0x6a: {  	_ =	shalt  }
0x6b: {  	_ =	shalt  }
0x6c: {  	_ =	shalt  }
0x6d: {  	_ =	shalt  }
0x6e: {  	_ =	shalt  }
0x6f: {  	_ =	shalt  }
0x70: {  	_ =	shalt  }
0x71: {  	_ =	shalt  }
0x72: {  	_ =	shalt  }
0x73: {  	_ =	shalt  }
0x74: {  	_ =	shalt  }
0x75: {  	_ =	shalt  }
0x76: {  	_ =	shalt  }
0x77: {  	_ =	shalt  }
0x78: {  	_ =	shalt  }
0x79: {  	_ =	shalt  }
0x7a: {  	_ =	shalt  }
0x7b: {  	_ =	shalt  }
0x7c: {  	_ =	shalt  }
0x7d: {  	_ =	shalt  }
0x7e: {  	_ =	shalt  }
0x7f: {  	_ =	shalt  }
0x80: {  	_ =	shalt  }
0x81: {  	_ =	shalt  }
0x82: {  	_ =	shalt  }
0x83: {  	_ =	shalt  }
0x84: {  	_ =	shalt  }
0x85: {  	_ =	shalt  }
0x86: {  	_ =	shalt  }
0x87: {  	_ =	shalt  }
.Lfunc_end0:
.L_simem_size_0:
called_computation.2_lowered:
.L_overlay_start_0:
0x88: {  	s2 =	sld [smem:$0x3FD9]  }
0x89: {  	s3 =	sld [smem:$0x3FFE];
	_ =	sdelay $0x1  }
0x8a: {  	s1 =	srdreg.scid  }
0x8b: {  	s0 =	sand.u32 $0x1, s1  }
0x8c: {  	s15 =	sshll.u32 s0, $0xA;
	s2 =	sadd.s32 s3, s2  }
0x8d: {  	s2 =	sadd.s32 s2, s15  }
0x8e: {  	[smem:$0x3FC3] =	sst s2  }
0x8f: {  	_ = 	snop  }
0x90: {  	s4 =	sld [smem:$0x3FD0];
	_ =	sdelay $0x1  }
0x91: {  	s2 =	sld [smem:$0x3FC6]  }
0x92: {  	s5 =	simm.s32 $0xD;
	s6 =	simm.s32 $0x10;
	s16 =	sld [smem:$0x3FC5]  }
0x93: {  	[smem:s6], [sflag:s5] =	dma.local [hbm:s4], $0x1  }
0x94: {  	_ =	swait.eq [sflag:s5], $0x1  }
0x95: {  	[sflag:s5] =	ssyncset.done $0x0  }
0x96: {  	[sflag:s5] =	ssyncadd.s32 $0xFFFFFFFF  }
0x97: {  	s17 =	sld [smem:$0x10];
	(tm) =	ssettm $0x1  }
0x98: {  	s18 =	sld [smem:$0x3FFB];
	_ =	sdelay $0x3  }
0x99: {  	_ =	strace s18  }
0x9a: {  	s4 =	sld [smem:$0x3FFC];
	_ =	sdelay $0x3  }
0x9b: {  	_ =	strace s4  }
0x9c: {  	s4 =	sld [smem:$0x3FFD];
	_ =	sdelay $0x3  }
0x9d: {  	_ =	strace s4  }
0x9e: {  	_ =	strace $0x8FFFFFFF  }
0x9f: {  	s19 =	sld [smem:$0x3FDB];
	_ =	sdelay $0x1  }
0xa0: {  	s20 =	simm.s32 $_scs_section_size  }
0xa1: {  	s7 =	simm.s32 $_size__tile_overlayer_lowered;
	s8 =	simm.s32 $_tile_overlayer_lowered  }
0xa2: {  	s9 =	simm.s32 $0x1BFF;
	s21 =	sshll.u32 s8, $0x1;
	s6 =	sadd.s32 s20, s19  }
0xa3: {  	s22 =	simm.s32 $0x0;
	s7 =	sshll.u32 s7, $0x1;
	s8 =	sadd.s32 s21, s6  }
0xa4: {  	[timem:s22], [sflag:s9] =	dma.local [hbm:s8], s7  }
0xa5: {  	_ =	swait.ge [sflag:s9], s7  }
0xa6: {  	s7 =	ssub.s32 $0x0, s7;
	[sflag:s9] =	ssyncset.done $0x0  }
0xa7: {  	[sflag:s9] =	ssyncadd.s32 s7;
	_ =	sdelay $0x1  }
0xa8: {  	s23 =	simm.s32 $0x1B8B  }
0xa9: {  	_ =	swait.ge [sflag:s23], $0x1  }
0xaa: {  	[sflag:s23] =	ssyncset.done $0x0  }
0xab: {  	[sflag:s23] =	ssyncadd.s32 $0xFFFFFFFF  }
0xac: {  	s7 =	sld [smem:$0x0]  }
0xad: {  	s8 =	sand.u32 $0xFFFFFFFE, s1  }
0xae: {  	p0 =	sne.s32 s1, s8  }
0xaf: {  	s8 =	sshll.u32 @p0 s8, $0xE  }
0xb0: {  	s8 =	sadd.s32 @p0 $0x11B8D, s8;
	s9 =	sshll.u32 @p0 s7, $0x11  }
0xb1: {  	s8 =	sor.u32 @p0 s9, s8  }
0xb2: {  	[sflag:s8] =	ssyncadd.remote.s32 @p0 $0x1;
	_ =	sdelay $0x1  }
0xb3: {  	s8 =	simm.s32 @p0 $0x1B8D  }
0xb4: {  	_ =	swait.eq @p0 [sflag:s8], $0x1  }
0xb5: {  	[sflag:s8] =	ssyncadd.s32 @p0 $0xFFFFFFFF  }
0xb6: {  	s9 =	sshll.u32 @!p0 s1, $0xE  }
0xb7: {  	s9 =	sor.u32 @!p0 $0x4000, s9;
	s8 =	simm.s32 @!p0 $0x1B8D  }
0xb8: {  	s7 =	sshll.u32 @!p0 s7, $0x11;
	s9 =	sadd.s32 @!p0 $0x11B8D, s9;
	_ =	swait.eq @!p0 [sflag:s8], $0x1  }
0xb9: {  	s7 =	sor.u32 @!p0 s7, s9;
	[sflag:s8] =	ssyncadd.s32 @!p0 $0xFFFFFFFF  }
0xba: {  	s25 =	simm.s32 $0x1B8E;
	s24 =	sld [smem:$0x3FFE];
	[sflag:s7] =	ssyncadd.remote.s32 @!p0 $0x1  }
0xbb: {  	s26 =	simm.s32 $execute0_lowered;
	[smem:$0x3FD2] =	sst s25  }
0xbc: {  	s8 =	sshll.u32 s26, $0x1;
	_ =	strace $0x80000049;
	[dreg:$0x1] =	wrdreg $0xFFFFFFFF  }
0xbd: {  	s28 =	simm.s32 $_size_execute0_lowered;
	s6 =	sadd.s32 s6, s8;
	[dreg:$0x0] =	wrdreg $0x0  }
0xbe: {  	s8 =	sshll.u32 s28, $0x1;
	[dreg:$0x2] =	wrdreg s6  }
0xbf: {  	[dreg:$0x3] =	wrdreg s8  }
0xc0: {  	[dreg:$0x4] =	wrdreg $0xC0  }
0xc1: {  	_ =	task [dreg:s22], $0x5FFFF  }
0xc2: {  	[dreg:$0x1] =	wrdreg $0xFFFFFFFF  }
0xc3: {  	[dreg:$0x0] =	wrdreg $0x60  }
0xc4: {  	[dreg:$0x2] =	wrdreg s2  }
0xc5: {  	[dreg:$0x3] =	wrdreg s16  }
0xc6: {  	[dreg:$0x4] =	wrdreg s17  }
0xc7: {  	[dreg:$0x5] =	wrdreg s24  }
0xc8: {  	[dreg:$0x6] =	wrdreg $0xB  }
0xc9: {  	_ =	task.clear_ibuf [dreg:s22], $0x7FFFF;
	_ =	strace $0x90000049  }
0xca: {  	s29 =	simm.s32 $0xB;
	_ =	strace $0x8000004B  }
0xcb: {  	_ =	swait.ge [sflag:s29], $0x1  }
0xcc: {  	[sflag:s29] =	ssyncadd.s32 $0xFFFFFFFF  }
0xcd: {  	_ =	strace $0x9000004B  }
0xce: {  	_ =	sfence  }
0xcf: {  	s30 =	sld [smem:$0x0];
	_ =	sdelay $0x2  }
0xd0: {  	s31 =	sshll.u32 s1, $0xD;
	s1 =	sshrl.u32 s1, $0x2  }
0xd1: {  	s3 =	sand.u32 $0x4000, s31;
	s1 =	sadd.s32 s1, s30  }
0xd2: {  	s0 =	sor.u32 s3, s0;
	s1 =	sshll.u32 s1, $0x11  }
0xd3: {  	s0 =	sor.u32 s1, s0  }
0xd4: {  	s0 =	sadd.s32 $0x8F2B, s0  }
0xd5: {  	[sflag:s0] =	ssyncadd.remote.s32 $0x1  }
0xd6: {  	_ =	sfence.sel $0xFFFF  }
0xd7: {  	[dreg:$0x0] =	wrdreg $0xFFFFFFFF;
	(pc) =	sbr.abs _section_cstart, $3  }
0xd8: {  	[dreg:$0x1] =	wrdreg $0xFFFFFFFF  }
0xd9: {  	_ =	task.clear_ibuf [dreg:s22], $0x2FFFF;
	_ =	strace $0x9FFFFFFF  }
0xda: {  	(tm) =	ssettm $0x7FFFFFFF  }
0xdb: {  	_ =	shalt  }
tec
execute0_lowered:
.L_overlay_start_1:
0x0: {  	(tag) =	ssettag $0x1  }
0x1: {  	s0 =	rddreg [dreg:$0x0]  }
0x2: {  	s3 =	rddreg [dreg:$0x1]  }
0x3: {  	s22 =	rddreg [dreg:$0x2];
	s1 =	srdreg.scid  }
0x4: {  	s20 =	stileid.u32;
	s4 =	rddreg [dreg:$0x3]  }
0x5: {  	s2 =	simm.s32 $0x0;
	s31 =	simm.s32 $0xB;
	s29 =	simm.s32 $0xB00  }
0x6: {  	s14 =	simm.s32 $0x100;
	s30 =	simm.s32 $0x9;
	[dreg:$0x5] =	wrdreg s0  }
0x7: {  	s15 =	simm.s32 $0x180;
	s16 =	simm.s32 $0x200;
	[smem:$0x7FF] =	sst s2  }
0x8: {  	s17 =	simm.s32 $0x280;
	_ =	strace $0x8000004A;
	[dreg:$0x10] =	wrdreg s14  }
0x9: {  	s18 =	simm.s32 $0x300;
	s19 =	simm.s32 $0x380;
	[dreg:$0x11] =	wrdreg s15  }
0xa: {  	s21 =	simm.s32 $0x400;
	s28 =	simm.s32 $0x700;
	[dreg:$0x12] =	wrdreg s16  }
0xb: {  	s1 =	sand.u32 $0x1, s1;
	s5 =	sshll.u32 s20, $0x1;
	[dreg:$0x13] =	wrdreg s17  }
0xc: {  	p0 =	por $0x0, $0x0;
	s5 =	sor.u32 s1, s5;
	[dreg:$0x14] =	wrdreg s18  }
0xd: {  	s1 =	ssub.s32 $0x2, s1;
	s15 =	simm.s32 $0x14B00;
	[dreg:$0x15] =	wrdreg s19  }
0xe: {  	s17 =	simm.s32 $0x18B00;
	[dreg:$0x16] =	wrdreg s21;
	s18 =	simm.s32 $0x4  }
0xf: {  	s19 =	simm.s32 $0x5;
	s16 =	simm.s32 $0x6;
	s6 =	smul.u32 $0x150, s5  }
0x10: {  	s21 =	simm.s32 $0x980;
	s14 =	simm.s32 $0xA;
	s23 =	smul.u32 $0x54000, s5  }
0x11: {  	s7 =	sshll.u32 s5, $0xB;
	s8 =	sshll.u32 s5, $0x4;
	s5 =	smul.u32 $0xA800, s5  }
0x12: {  	s11 =	sshrl.u32 s1, $0x1;
	s7 =	sadd.s32 s7, s4;
	s0 =	sadd.s32 s22, s8  }
0x13: {  	s1 =	ssub.s32 s1, s11;
	s22 =	simm.s32 $0x480;
	s11 =	simm.s32 $0x7  }
0x14: {  	s6 =	sadd.s32 s6, s4;
	s4 =	sadd.s32 $0x179C00, s4;
	[dreg:$0x6] =	wrdreg s0  }
0x15: {  	s25 =	sadd.s32 $0x169C00, s7;
	s26 =	sshrl.u32 s23, $0x3;
	[dreg:$0x17] =	wrdreg s22  }
0x16: {  	s0 =	smax.u32 s1, $0x1;
	s23 =	simm.s32 $0x500;
	[dreg:$0x8] =	wrdreg s25  }
0x17: {  	s22 =	simm.s32 $0xA00;
	s24 =	sadd.s32 $0x7200, s6;
	[dreg:$0x18] =	wrdreg s23  }
0x18: {  	p1 =	sne.s32 s0, $0x1;
	s1 =	sadd.s32 $0xFFFFFFFF, s0;
	s0 =	rddreg [dreg:$0x6]  }
0x19: {  	s5 =	sadd.s32 s4, s5;
	s4 =	sadd.s32 s4, s26;
	[dreg:$0x7] =	wrdreg s24  }
0x1a: {  	s6 =	simm.s32 $0x3;
	s25 =	simm.s32 $0x600;
	[dreg:$0x9] =	wrdreg s5  }
0x1b: {  	s26 =	simm.s32 $0x680;
	s23 =	simm.s32 $0xA80;
	[dreg:$0x1a] =	wrdreg s25  }
0x1c: {  	s7 =	sadd.s32 $0x1800, s4;
	s8 =	sadd.s32 $0x3000, s4;
	[dreg:$0x1b] =	wrdreg s26  }
0x1d: {  	s9 =	sadd.s32 $0x4800, s4;
	s10 =	sadd.s32 $0x6000, s4;
	[dreg:$0xa] =	wrdreg s7  }
0x1e: {  	s12 =	sadd.s32 $0x7800, s4;
	s13 =	sadd.s32 $0x9000, s4;
	[dreg:$0xb] =	wrdreg s8  }
0x1f: {  	s5 =	simm.s32 $0x80;
	s4 =	simm.s32 $0x4B00;
	[dreg:$0xc] =	wrdreg s9  }
.Ltmp0:
0x20: {  	s24 =	simm.s32 $0x580;
	[dreg:$0xd] =	wrdreg s10;
	(pc) =	sbr.rel @!p1 .LBB2_1-.Ltmp0, $4  }
0x21: {  	s25 =	simm.s32 $0x880;
	s26 =	simm.s32 $0x900;
	[dreg:$0xe] =	wrdreg s12  }
0x22: {  	[dreg:$0xf] =	wrdreg s13;
	s9 =	simm.s32 $0x8B00;
	s10 =	simm.s32 $0xCB00  }
0x23: {  	s8 =	simm.s32 $0x1;
	s7 =	simm.s32 $0x2;
	s13 =	simm.s32 $0x10B00  }
0x24: {  	[dreg:$0x19] =	wrdreg s24;
	s12 =	simm.s32 $0x8;
	s24 =	simm.s32 $0x780  }
0x25: {  	[tilespmem:s2], [sflag:$0xB] =	stream.linear.gather [hbm4b:s0+s2], $0x80, $0x38;
	[tilespmem:$0x1CB00] =	vst v63  }
0x26: {  	_ =	swait.ge [sflag:s31], $0x80  }
0x27: {  	[sflag:s31] =	ssyncset.done $0x0  }
0x28: {  	s20 =	rddreg [dreg:$0x7];
	[sflag:s31] =	ssyncadd.s32 $0xFFFFFF80  }
0x29: {  	[tilespmem:s5], [sflag:$0xB] =	stream.linear.gather [hbm4b:s20+s2], $0xA80, $0x38;
	[tilespmem:$0x1CB00] =	vst v63  }
0x2a: {  	_ =	swait.ge [sflag:s31], $0xA80  }
0x2b: {  	[sflag:s31] =	ssyncset.done $0x0  }
0x2c: {  	s20 =	rddreg [dreg:$0x5];
	[sflag:s31] =	ssyncadd.s32 $0xFFFFF580  }
0x2d: {  	[tilespmem:s29], [sflag:$0x9] =	stream.indirect.gather [hbm4b:s20+s5], $0x80, s2, s5, $0xb8;
	[tilespmem:$0x1CB00] =	vst v63  }
0x2e: {  	_ =	swait.ge [sflag:s30], $0x4000  }
0x2f: {  	[sflag:s30] =	ssyncset.done $0x0  }
0x30: {  	s20 =	rddreg [dreg:$0x8];
	[sflag:s30] =	ssyncadd.s32 $0xFFFFC000  }
0x31: {  	[hbm4b:s20+s2] =	stream.linear.scatter [tilespmem:s29], [sflag:$0xA], $0x4000, $0x38;
	[tilespmem:$0x1CB00] =	vst v63  }
0x32: {  	_ = 	snop  }
0x33: {  	[tilespmem:s4], [sflag:$0x1] =	stream.indirect.gather [hbm4b:s3+s5], $0x80, s5, s5, $0xb8;
	[tilespmem:$0x1CB00] =	vst v63  }
0x34: {  	s0 =	rddreg [dreg:$0x10]  }
0x35: {  	[tilespmem:s9], [sflag:$0x2] =	stream.indirect.gather [hbm4b:s3+s5], $0x80, s0, s5, $0xb8;
	[tilespmem:$0x1CB00] =	vst v63  }
0x36: {  	s20 =	smov.u32 s1;
	s1 =	rddreg [dreg:$0x11]  }
0x37: {  	[tilespmem:s10], [sflag:$0x3] =	stream.indirect.gather [hbm4b:s3+s5], $0x80, s1, s5, $0xb8;
	[tilespmem:$0x1CB00] =	vst v63  }
0x38: {  	_ =	swait.ge [sflag:s8], $0x4000  }
0x39: {  	[sflag:s8] =	ssyncset.done $0x0  }
0x3a: {  	[sflag:s8] =	ssyncadd.s32 $0xFFFFC000  }
0x3b: {  	_ =	swait.ge [sflag:s7], $0x4000  }
0x3c: {  	[sflag:s7] =	ssyncset.done $0x0  }
0x3d: {  	[sflag:s7] =	ssyncadd.s32 $0xFFFFC000  }
0x3e: {  	_ =	swait.ge [sflag:s6], $0x4000  }
0x3f: {  	[sflag:s6] =	ssyncset.done $0x0  }
0x40: {  	s0 =	rddreg [dreg:$0x9];
	[sflag:s6] =	ssyncadd.s32 $0xFFFFC000  }
0x41: {  	[hbm4b:s0+s2] =	stream.linear.scatter [tilespmem:s4], [sflag:$0x7], $0xC000, $0x38;
	[tilespmem:$0x1CB00] =	vst v63  }
0x42: {  	s1 =	rddreg [dreg:$0x12]  }
0x43: {  	[tilespmem:s13], [sflag:$0x4] =	stream.indirect.gather [hbm4b:s3+s5], $0x80, s1, s5, $0xb8;
	[tilespmem:$0x1CB00] =	vst v63  }
0x44: {  	s0 =	rddreg [dreg:$0x13]  }
0x45: {  	[tilespmem:s15], [sflag:$0x5] =	stream.indirect.gather [hbm4b:s3+s5], $0x80, s0, s5, $0xb8;
	[tilespmem:$0x1CB00] =	vst v63  }
0x46: {  	s1 =	rddreg [dreg:$0x14]  }
0x47: {  	[tilespmem:s17], [sflag:$0x6] =	stream.indirect.gather [hbm4b:s3+s5], $0x80, s1, s5, $0xb8;
	[tilespmem:$0x1CB00] =	vst v63  }
0x48: {  	_ =	swait.ge [sflag:s18], $0x4000  }
0x49: {  	[sflag:s18] =	ssyncset.done $0x0  }
0x4a: {  	[sflag:s18] =	ssyncadd.s32 $0xFFFFC000  }
0x4b: {  	_ =	swait.ge [sflag:s19], $0x4000  }
0x4c: {  	[sflag:s19] =	ssyncset.done $0x0  }
0x4d: {  	[sflag:s19] =	ssyncadd.s32 $0xFFFFC000  }
0x4e: {  	_ =	swait.ge [sflag:s16], $0x4000  }
0x4f: {  	[sflag:s16] =	ssyncset.done $0x0  }
0x50: {  	s1 =	rddreg [dreg:$0xa];
	[sflag:s16] =	ssyncadd.s32 $0xFFFFC000  }
0x51: {  	[hbm4b:s1+s2] =	stream.linear.scatter [tilespmem:s13], [sflag:$0x8], $0xC000, $0x38;
	[tilespmem:$0x1CB00] =	vst v63  }
0x52: {  	_ =	swait.ge [sflag:s11], $0xC000  }
0x53: {  	[sflag:s11] =	ssyncset.done $0x0  }
0x54: {  	s0 =	rddreg [dreg:$0x15];
	[sflag:s11] =	ssyncadd.s32 $0xFFFF4000  }
0x55: {  	[tilespmem:s4], [sflag:$0x1] =	stream.indirect.gather [hbm4b:s3+s5], $0x80, s0, s5, $0xb8;
	[tilespmem:$0x1CB00] =	vst v63  }
0x56: {  	s1 =	rddreg [dreg:$0x16]  }
0x57: {  	[tilespmem:s9], [sflag:$0x2] =	stream.indirect.gather [hbm4b:s3+s5], $0x80, s1, s5, $0xb8;
	[tilespmem:$0x1CB00] =	vst v63  }
0x58: {  	s0 =	rddreg [dreg:$0x17]  }
0x59: {  	[tilespmem:s10], [sflag:$0x3] =	stream.indirect.gather [hbm4b:s3+s5], $0x80, s0, s5, $0xb8;
	[tilespmem:$0x1CB00] =	vst v63  }
0x5a: {  	_ =	swait.ge [sflag:s8], $0x4000  }
0x5b: {  	[sflag:s8] =	ssyncset.done $0x0  }
0x5c: {  	[sflag:s8] =	ssyncadd.s32 $0xFFFFC000  }
0x5d: {  	_ =	swait.ge [sflag:s7], $0x4000  }
0x5e: {  	[sflag:s7] =	ssyncset.done $0x0  }
0x5f: {  	[sflag:s7] =	ssyncadd.s32 $0xFFFFC000  }
0x60: {  	_ =	swait.ge [sflag:s6], $0x4000  }
0x61: {  	[sflag:s6] =	ssyncset.done $0x0  }
0x62: {  	s1 =	rddreg [dreg:$0xb];
	[sflag:s6] =	ssyncadd.s32 $0xFFFFC000  }
0x63: {  	[hbm4b:s1+s2] =	stream.linear.scatter [tilespmem:s4], [sflag:$0x7], $0xC000, $0x38;
	[tilespmem:$0x1CB00] =	vst v63  }
0x64: {  	_ =	swait.ge [sflag:s12], $0xC000  }
0x65: {  	[sflag:s12] =	ssyncset.done $0x0  }
0x66: {  	s0 =	rddreg [dreg:$0x18];
	[sflag:s12] =	ssyncadd.s32 $0xFFFF4000  }
0x67: {  	[tilespmem:s13], [sflag:$0x4] =	stream.indirect.gather [hbm4b:s3+s5], $0x80, s0, s5, $0xb8;
	[tilespmem:$0x1CB00] =	vst v63  }
0x68: {  	s1 =	rddreg [dreg:$0x19]  }
0x69: {  	[tilespmem:s15], [sflag:$0x5] =	stream.indirect.gather [hbm4b:s3+s5], $0x80, s1, s5, $0xb8;
	[tilespmem:$0x1CB00] =	vst v63  }
0x6a: {  	s0 =	rddreg [dreg:$0x1a]  }
0x6b: {  	[tilespmem:s17], [sflag:$0x6] =	stream.indirect.gather [hbm4b:s3+s5], $0x80, s0, s5, $0xb8;
	[tilespmem:$0x1CB00] =	vst v63  }
0x6c: {  	_ =	swait.ge [sflag:s18], $0x4000  }
0x6d: {  	[sflag:s18] =	ssyncset.done $0x0  }
0x6e: {  	[sflag:s18] =	ssyncadd.s32 $0xFFFFC000  }
0x6f: {  	_ =	swait.ge [sflag:s19], $0x4000  }
0x70: {  	[sflag:s19] =	ssyncset.done $0x0  }
0x71: {  	[sflag:s19] =	ssyncadd.s32 $0xFFFFC000  }
0x72: {  	_ =	swait.ge [sflag:s16], $0x4000  }
0x73: {  	[sflag:s16] =	ssyncset.done $0x0  }
0x74: {  	s1 =	rddreg [dreg:$0xc];
	[sflag:s16] =	ssyncadd.s32 $0xFFFFC000  }
0x75: {  	[hbm4b:s1+s2] =	stream.linear.scatter [tilespmem:s13], [sflag:$0x8], $0xC000, $0x38;
	[tilespmem:$0x1CB00] =	vst v63  }
0x76: {  	_ =	swait.ge [sflag:s11], $0xC000  }
0x77: {  	[sflag:s11] =	ssyncset.done $0x0  }
0x78: {  	s1 =	rddreg [dreg:$0x1b];
	[sflag:s11] =	ssyncadd.s32 $0xFFFF4000  }
0x79: {  	[tilespmem:s4], [sflag:$0x1] =	stream.indirect.gather [hbm4b:s3+s5], $0x80, s1, s5, $0xb8;
	[tilespmem:$0x1CB00] =	vst v63  }
0x7a: {  	_ = 	snop  }
0x7b: {  	[tilespmem:s9], [sflag:$0x2] =	stream.indirect.gather [hbm4b:s3+s5], $0x80, s28, s5, $0xb8;
	[tilespmem:$0x1CB00] =	vst v63  }
0x7c: {  	_ = 	snop  }
0x7d: {  	[tilespmem:s10], [sflag:$0x3] =	stream.indirect.gather [hbm4b:s3+s5], $0x80, s24, s5, $0xb8;
	[tilespmem:$0x1CB00] =	vst v63  }
0x7e: {  	_ =	swait.ge [sflag:s8], $0x4000  }
0x7f: {  	[sflag:s8] =	ssyncset.done $0x0  }
0x80: {  	[sflag:s8] =	ssyncadd.s32 $0xFFFFC000  }
0x81: {  	_ =	swait.ge [sflag:s7], $0x4000  }
0x82: {  	[sflag:s7] =	ssyncset.done $0x0  }
0x83: {  	[sflag:s7] =	ssyncadd.s32 $0xFFFFC000  }
0x84: {  	_ =	swait.ge [sflag:s6], $0x4000  }
0x85: {  	[sflag:s6] =	ssyncset.done $0x0  }
0x86: {  	s1 =	rddreg [dreg:$0xd];
	[sflag:s6] =	ssyncadd.s32 $0xFFFFC000  }
0x87: {  	[hbm4b:s1+s2] =	stream.linear.scatter [tilespmem:s4], [sflag:$0x7], $0xC000, $0x38;
	[tilespmem:$0x1CB00] =	vst v63  }
0x88: {  	_ =	swait.ge [sflag:s12], $0xC000  }
0x89: {  	[sflag:s12] =	ssyncset.done $0x0  }
0x8a: {  	s1 =	simm.s32 $0x800;
	[sflag:s12] =	ssyncadd.s32 $0xFFFF4000  }
0x8b: {  	[tilespmem:s13], [sflag:$0x4] =	stream.indirect.gather [hbm4b:s3+s5], $0x80, s1, s5, $0xb8;
	[tilespmem:$0x1CB00] =	vst v63  }
0x8c: {  	_ = 	snop  }
0x8d: {  	[tilespmem:s15], [sflag:$0x5] =	stream.indirect.gather [hbm4b:s3+s5], $0x80, s25, s5, $0xb8;
	[tilespmem:$0x1CB00] =	vst v63  }
0x8e: {  	_ = 	snop  }
0x8f: {  	[tilespmem:s17], [sflag:$0x6] =	stream.indirect.gather [hbm4b:s3+s5], $0x80, s26, s5, $0xb8;
	[tilespmem:$0x1CB00] =	vst v63  }
0x90: {  	_ =	swait.ge [sflag:s18], $0x4000  }
0x91: {  	[sflag:s18] =	ssyncset.done $0x0  }
0x92: {  	[sflag:s18] =	ssyncadd.s32 $0xFFFFC000  }
0x93: {  	_ =	swait.ge [sflag:s19], $0x4000  }
0x94: {  	[sflag:s19] =	ssyncset.done $0x0  }
0x95: {  	[sflag:s19] =	ssyncadd.s32 $0xFFFFC000  }
0x96: {  	_ =	swait.ge [sflag:s16], $0x4000  }
0x97: {  	[sflag:s16] =	ssyncset.done $0x0  }
0x98: {  	s1 =	rddreg [dreg:$0xe];
	[sflag:s16] =	ssyncadd.s32 $0xFFFFC000  }
0x99: {  	[hbm4b:s1+s2] =	stream.linear.scatter [tilespmem:s13], [sflag:$0x8], $0xC000, $0x38;
	[tilespmem:$0x1CB00] =	vst v63  }
0x9a: {  	_ =	swait.ge [sflag:s11], $0xC000  }
0x9b: {  	[sflag:s11] =	ssyncset.done $0x0  }
0x9c: {  	[sflag:s11] =	ssyncadd.s32 $0xFFFF4000  }
0x9d: {  	[tilespmem:s4], [sflag:$0x1] =	stream.indirect.gather [hbm4b:s3+s5], $0x80, s21, s5, $0xb8;
	[tilespmem:$0x1CB00] =	vst v63  }
0x9e: {  	_ = 	snop  }
0x9f: {  	[tilespmem:s9], [sflag:$0x2] =	stream.indirect.gather [hbm4b:s3+s5], $0x80, s22, s5, $0xb8;
	[tilespmem:$0x1CB00] =	vst v63  }
0xa0: {  	_ = 	snop  }
0xa1: {  	[tilespmem:s10], [sflag:$0x3] =	stream.indirect.gather [hbm4b:s3+s5], $0x80, s23, s5, $0xb8;
	[tilespmem:$0x1CB00] =	vst v63  }
0xa2: {  	_ =	swait.ge [sflag:s8], $0x4000  }
0xa3: {  	[sflag:s8] =	ssyncset.done $0x0  }
0xa4: {  	[sflag:s8] =	ssyncadd.s32 $0xFFFFC000  }
0xa5: {  	_ =	swait.ge [sflag:s7], $0x4000  }
0xa6: {  	[sflag:s7] =	ssyncset.done $0x0  }
0xa7: {  	[sflag:s7] =	ssyncadd.s32 $0xFFFFC000  }
0xa8: {  	_ =	swait.ge [sflag:s6], $0x4000  }
0xa9: {  	[sflag:s6] =	ssyncset.done $0x0  }
0xaa: {  	s1 =	rddreg [dreg:$0xf];
	[sflag:s6] =	ssyncadd.s32 $0xFFFFC000  }
0xab: {  	[hbm4b:s1+s2] =	stream.linear.scatter [tilespmem:s4], [sflag:$0x7], $0xC000, $0x38;
	[tilespmem:$0x1CB00] =	vst v63  }
0xac: {  	_ =	swait.ge [sflag:s11], $0xC000  }
0xad: {  	[sflag:s11] =	ssyncset.done $0x0  }
0xae: {  	p1 =	sne.s32 s20, $0x1;
	[sflag:s11] =	ssyncadd.s32 $0xFFFF4000  }
.Ltmp1:
0xaf: {  	_ =	swait.ge [sflag:s12], $0xC000;
	(pc) =	sbr.rel @!p1 .LBB2_3-.Ltmp1, $4  }
0xb0: {  	[sflag:s12] =	ssyncset.done $0x0  }
0xb1: {  	[sflag:s12] =	ssyncadd.s32 $0xFFFF4000  }
0xb2: {  	p0 =	por $0x1, $0x1;
	_ =	swait.ge [sflag:s14], $0x4000  }
0xb3: {  	s1 =	sadd.s32 $0xFFFFFFFF, s20;
	s0 =	rddreg [dreg:$0x6];
	[sflag:s14] =	ssyncset.done $0x0  }
.LBB2_4:
0xb4: {  	[sflag:s14] =	ssyncadd.s32 $0xFFFFC000  }
0xb5: {  	[tilespmem:s2], [sflag:$0xB] =	stream.linear.gather [hbm4b:s0+s2], $0x80, $0x38;
	[tilespmem:$0x1CB00] =	vst v63  }
0xb6: {  	_ =	swait.ge [sflag:s31], $0x80  }
0xb7: {  	[sflag:s31] =	ssyncset.done $0x0  }
0xb8: {  	s20 =	rddreg [dreg:$0x7];
	[sflag:s31] =	ssyncadd.s32 $0xFFFFFF80  }
0xb9: {  	[tilespmem:s5], [sflag:$0xB] =	stream.linear.gather [hbm4b:s20+s2], $0xA80, $0x38;
	[tilespmem:$0x1CB00] =	vst v63  }
0xba: {  	_ =	swait.ge [sflag:s31], $0xA80  }
0xbb: {  	[sflag:s31] =	ssyncset.done $0x0  }
0xbc: {  	s20 =	rddreg [dreg:$0x5];
	[sflag:s31] =	ssyncadd.s32 $0xFFFFF580  }
0xbd: {  	[tilespmem:s29], [sflag:$0x9] =	stream.indirect.gather [hbm4b:s20+s5], $0x80, s2, s5, $0xb8;
	[tilespmem:$0x1CB00] =	vst v63  }
0xbe: {  	_ =	swait.ge [sflag:s30], $0x4000  }
0xbf: {  	[sflag:s30] =	ssyncset.done $0x0  }
0xc0: {  	s20 =	rddreg [dreg:$0x8];
	[sflag:s30] =	ssyncadd.s32 $0xFFFFC000  }
0xc1: {  	[hbm4b:s20+s2] =	stream.linear.scatter [tilespmem:s29], [sflag:$0xA], $0x4000, $0x38;
	[tilespmem:$0x1CB00] =	vst v63  }
0xc2: {  	_ = 	snop  }
0xc3: {  	[tilespmem:s4], [sflag:$0x1] =	stream.indirect.gather [hbm4b:s3+s5], $0x80, s5, s5, $0xb8;
	[tilespmem:$0x1CB00] =	vst v63  }
0xc4: {  	s0 =	rddreg [dreg:$0x10]  }
0xc5: {  	[tilespmem:s9], [sflag:$0x2] =	stream.indirect.gather [hbm4b:s3+s5], $0x80, s0, s5, $0xb8;
	[tilespmem:$0x1CB00] =	vst v63  }
0xc6: {  	s20 =	rddreg [dreg:$0x11]  }
0xc7: {  	[tilespmem:s10], [sflag:$0x3] =	stream.indirect.gather [hbm4b:s3+s5], $0x80, s20, s5, $0xb8;
	[tilespmem:$0x1CB00] =	vst v63  }
0xc8: {  	_ =	swait.ge [sflag:s8], $0x4000  }
0xc9: {  	[sflag:s8] =	ssyncset.done $0x0  }
0xca: {  	[sflag:s8] =	ssyncadd.s32 $0xFFFFC000  }
0xcb: {  	_ =	swait.ge [sflag:s7], $0x4000  }
0xcc: {  	[sflag:s7] =	ssyncset.done $0x0  }
0xcd: {  	[sflag:s7] =	ssyncadd.s32 $0xFFFFC000  }
0xce: {  	_ =	swait.ge [sflag:s6], $0x4000  }
0xcf: {  	[sflag:s6] =	ssyncset.done $0x0  }
0xd0: {  	s0 =	rddreg [dreg:$0x9];
	[sflag:s6] =	ssyncadd.s32 $0xFFFFC000  }
0xd1: {  	[hbm4b:s0+s2] =	stream.linear.scatter [tilespmem:s4], [sflag:$0x7], $0xC000, $0x38;
	[tilespmem:$0x1CB00] =	vst v63  }
0xd2: {  	s20 =	rddreg [dreg:$0x12]  }
0xd3: {  	[tilespmem:s13], [sflag:$0x4] =	stream.indirect.gather [hbm4b:s3+s5], $0x80, s20, s5, $0xb8;
	[tilespmem:$0x1CB00] =	vst v63  }
0xd4: {  	s0 =	rddreg [dreg:$0x13]  }
0xd5: {  	[tilespmem:s15], [sflag:$0x5] =	stream.indirect.gather [hbm4b:s3+s5], $0x80, s0, s5, $0xb8;
	[tilespmem:$0x1CB00] =	vst v63  }
0xd6: {  	s20 =	rddreg [dreg:$0x14]  }
0xd7: {  	[tilespmem:s17], [sflag:$0x6] =	stream.indirect.gather [hbm4b:s3+s5], $0x80, s20, s5, $0xb8;
	[tilespmem:$0x1CB00] =	vst v63  }
0xd8: {  	_ =	swait.ge [sflag:s18], $0x4000  }
0xd9: {  	[sflag:s18] =	ssyncset.done $0x0  }
0xda: {  	[sflag:s18] =	ssyncadd.s32 $0xFFFFC000  }
0xdb: {  	_ =	swait.ge [sflag:s19], $0x4000  }
0xdc: {  	[sflag:s19] =	ssyncset.done $0x0  }
0xdd: {  	[sflag:s19] =	ssyncadd.s32 $0xFFFFC000  }
0xde: {  	_ =	swait.ge [sflag:s16], $0x4000  }
0xdf: {  	[sflag:s16] =	ssyncset.done $0x0  }
0xe0: {  	s20 =	rddreg [dreg:$0xa];
	[sflag:s16] =	ssyncadd.s32 $0xFFFFC000  }
0xe1: {  	[hbm4b:s20+s2] =	stream.linear.scatter [tilespmem:s13], [sflag:$0x8], $0xC000, $0x38;
	[tilespmem:$0x1CB00] =	vst v63  }
0xe2: {  	_ =	swait.ge [sflag:s11], $0xC000  }
0xe3: {  	[sflag:s11] =	ssyncset.done $0x0  }
0xe4: {  	s0 =	rddreg [dreg:$0x15];
	[sflag:s11] =	ssyncadd.s32 $0xFFFF4000  }
0xe5: {  	[tilespmem:s4], [sflag:$0x1] =	stream.indirect.gather [hbm4b:s3+s5], $0x80, s0, s5, $0xb8;
	[tilespmem:$0x1CB00] =	vst v63  }
0xe6: {  	s20 =	rddreg [dreg:$0x16]  }
0xe7: {  	[tilespmem:s9], [sflag:$0x2] =	stream.indirect.gather [hbm4b:s3+s5], $0x80, s20, s5, $0xb8;
	[tilespmem:$0x1CB00] =	vst v63  }
0xe8: {  	s0 =	rddreg [dreg:$0x17]  }
0xe9: {  	[tilespmem:s10], [sflag:$0x3] =	stream.indirect.gather [hbm4b:s3+s5], $0x80, s0, s5, $0xb8;
	[tilespmem:$0x1CB00] =	vst v63  }
0xea: {  	_ =	swait.ge [sflag:s8], $0x4000  }
0xeb: {  	[sflag:s8] =	ssyncset.done $0x0  }
0xec: {  	[sflag:s8] =	ssyncadd.s32 $0xFFFFC000  }
0xed: {  	_ =	swait.ge [sflag:s7], $0x4000  }
0xee: {  	[sflag:s7] =	ssyncset.done $0x0  }
0xef: {  	[sflag:s7] =	ssyncadd.s32 $0xFFFFC000  }
0xf0: {  	_ =	swait.ge [sflag:s6], $0x4000  }
0xf1: {  	[sflag:s6] =	ssyncset.done $0x0  }
0xf2: {  	s20 =	rddreg [dreg:$0xb];
	[sflag:s6] =	ssyncadd.s32 $0xFFFFC000  }
0xf3: {  	[hbm4b:s20+s2] =	stream.linear.scatter [tilespmem:s4], [sflag:$0x7], $0xC000, $0x38;
	[tilespmem:$0x1CB00] =	vst v63  }
0xf4: {  	_ =	swait.ge [sflag:s12], $0xC000  }
0xf5: {  	[sflag:s12] =	ssyncset.done $0x0  }
0xf6: {  	s0 =	rddreg [dreg:$0x18];
	[sflag:s12] =	ssyncadd.s32 $0xFFFF4000  }
0xf7: {  	[tilespmem:s13], [sflag:$0x4] =	stream.indirect.gather [hbm4b:s3+s5], $0x80, s0, s5, $0xb8;
	[tilespmem:$0x1CB00] =	vst v63  }
0xf8: {  	s20 =	rddreg [dreg:$0x19]  }
0xf9: {  	[tilespmem:s15], [sflag:$0x5] =	stream.indirect.gather [hbm4b:s3+s5], $0x80, s20, s5, $0xb8;
	[tilespmem:$0x1CB00] =	vst v63  }
0xfa: {  	s0 =	rddreg [dreg:$0x1a]  }
0xfb: {  	[tilespmem:s17], [sflag:$0x6] =	stream.indirect.gather [hbm4b:s3+s5], $0x80, s0, s5, $0xb8;
	[tilespmem:$0x1CB00] =	vst v63  }
0xfc: {  	_ =	swait.ge [sflag:s18], $0x4000  }
0xfd: {  	[sflag:s18] =	ssyncset.done $0x0  }
0xfe: {  	[sflag:s18] =	ssyncadd.s32 $0xFFFFC000  }
0xff: {  	_ =	swait.ge [sflag:s19], $0x4000  }
0x100: {  	[sflag:s19] =	ssyncset.done $0x0  }
0x101: {  	[sflag:s19] =	ssyncadd.s32 $0xFFFFC000  }
0x102: {  	_ =	swait.ge [sflag:s16], $0x4000  }
0x103: {  	[sflag:s16] =	ssyncset.done $0x0  }
0x104: {  	s20 =	rddreg [dreg:$0xc];
	[sflag:s16] =	ssyncadd.s32 $0xFFFFC000  }
0x105: {  	[hbm4b:s20+s2] =	stream.linear.scatter [tilespmem:s13], [sflag:$0x8], $0xC000, $0x38;
	[tilespmem:$0x1CB00] =	vst v63  }
0x106: {  	_ =	swait.ge [sflag:s11], $0xC000  }
0x107: {  	[sflag:s11] =	ssyncset.done $0x0  }
0x108: {  	s20 =	rddreg [dreg:$0x1b];
	[sflag:s11] =	ssyncadd.s32 $0xFFFF4000  }
0x109: {  	[tilespmem:s4], [sflag:$0x1] =	stream.indirect.gather [hbm4b:s3+s5], $0x80, s20, s5, $0xb8;
	[tilespmem:$0x1CB00] =	vst v63  }
0x10a: {  	_ = 	snop  }
0x10b: {  	[tilespmem:s9], [sflag:$0x2] =	stream.indirect.gather [hbm4b:s3+s5], $0x80, s28, s5, $0xb8;
	[tilespmem:$0x1CB00] =	vst v63  }
0x10c: {  	_ = 	snop  }
0x10d: {  	[tilespmem:s10], [sflag:$0x3] =	stream.indirect.gather [hbm4b:s3+s5], $0x80, s24, s5, $0xb8;
	[tilespmem:$0x1CB00] =	vst v63  }
0x10e: {  	_ =	swait.ge [sflag:s8], $0x4000  }
0x10f: {  	[sflag:s8] =	ssyncset.done $0x0  }
0x110: {  	[sflag:s8] =	ssyncadd.s32 $0xFFFFC000  }
0x111: {  	_ =	swait.ge [sflag:s7], $0x4000  }
0x112: {  	[sflag:s7] =	ssyncset.done $0x0  }
0x113: {  	[sflag:s7] =	ssyncadd.s32 $0xFFFFC000  }
0x114: {  	_ =	swait.ge [sflag:s6], $0x4000  }
0x115: {  	[sflag:s6] =	ssyncset.done $0x0  }
0x116: {  	s20 =	rddreg [dreg:$0xd];
	[sflag:s6] =	ssyncadd.s32 $0xFFFFC000  }
0x117: {  	[hbm4b:s20+s2] =	stream.linear.scatter [tilespmem:s4], [sflag:$0x7], $0xC000, $0x38;
	[tilespmem:$0x1CB00] =	vst v63  }
0x118: {  	_ =	swait.ge [sflag:s12], $0xC000  }
0x119: {  	[sflag:s12] =	ssyncset.done $0x0  }
0x11a: {  	s20 =	simm.s32 $0x800;
	[sflag:s12] =	ssyncadd.s32 $0xFFFF4000  }
0x11b: {  	[tilespmem:s13], [sflag:$0x4] =	stream.indirect.gather [hbm4b:s3+s5], $0x80, s20, s5, $0xb8;
	[tilespmem:$0x1CB00] =	vst v63  }
0x11c: {  	_ = 	snop  }
0x11d: {  	[tilespmem:s15], [sflag:$0x5] =	stream.indirect.gather [hbm4b:s3+s5], $0x80, s25, s5, $0xb8;
	[tilespmem:$0x1CB00] =	vst v63  }
0x11e: {  	_ = 	snop  }
0x11f: {  	[tilespmem:s17], [sflag:$0x6] =	stream.indirect.gather [hbm4b:s3+s5], $0x80, s26, s5, $0xb8;
	[tilespmem:$0x1CB00] =	vst v63  }
0x120: {  	_ =	swait.ge [sflag:s18], $0x4000  }
0x121: {  	[sflag:s18] =	ssyncset.done $0x0  }
0x122: {  	[sflag:s18] =	ssyncadd.s32 $0xFFFFC000  }
0x123: {  	_ =	swait.ge [sflag:s19], $0x4000  }
0x124: {  	[sflag:s19] =	ssyncset.done $0x0  }
0x125: {  	[sflag:s19] =	ssyncadd.s32 $0xFFFFC000  }
0x126: {  	_ =	swait.ge [sflag:s16], $0x4000  }
0x127: {  	[sflag:s16] =	ssyncset.done $0x0  }
0x128: {  	s20 =	rddreg [dreg:$0xe];
	[sflag:s16] =	ssyncadd.s32 $0xFFFFC000  }
0x129: {  	[hbm4b:s20+s2] =	stream.linear.scatter [tilespmem:s13], [sflag:$0x8], $0xC000, $0x38;
	[tilespmem:$0x1CB00] =	vst v63  }
0x12a: {  	_ =	swait.ge [sflag:s11], $0xC000  }
0x12b: {  	[sflag:s11] =	ssyncset.done $0x0  }
0x12c: {  	[sflag:s11] =	ssyncadd.s32 $0xFFFF4000  }
0x12d: {  	[tilespmem:s4], [sflag:$0x1] =	stream.indirect.gather [hbm4b:s3+s5], $0x80, s21, s5, $0xb8;
	[tilespmem:$0x1CB00] =	vst v63  }
0x12e: {  	_ = 	snop  }
0x12f: {  	[tilespmem:s9], [sflag:$0x2] =	stream.indirect.gather [hbm4b:s3+s5], $0x80, s22, s5, $0xb8;
	[tilespmem:$0x1CB00] =	vst v63  }
0x130: {  	_ = 	snop  }
0x131: {  	[tilespmem:s10], [sflag:$0x3] =	stream.indirect.gather [hbm4b:s3+s5], $0x80, s23, s5, $0xb8;
	[tilespmem:$0x1CB00] =	vst v63  }
0x132: {  	_ =	swait.ge [sflag:s8], $0x4000  }
0x133: {  	[sflag:s8] =	ssyncset.done $0x0  }
0x134: {  	[sflag:s8] =	ssyncadd.s32 $0xFFFFC000  }
0x135: {  	_ =	swait.ge [sflag:s7], $0x4000  }
0x136: {  	[sflag:s7] =	ssyncset.done $0x0  }
0x137: {  	[sflag:s7] =	ssyncadd.s32 $0xFFFFC000  }
0x138: {  	_ =	swait.ge [sflag:s6], $0x4000  }
0x139: {  	[sflag:s6] =	ssyncset.done $0x0  }
0x13a: {  	s20 =	rddreg [dreg:$0xf];
	[sflag:s6] =	ssyncadd.s32 $0xFFFFC000  }
0x13b: {  	[hbm4b:s20+s2] =	stream.linear.scatter [tilespmem:s4], [sflag:$0x7], $0xC000, $0x38;
	[tilespmem:$0x1CB00] =	vst v63  }
0x13c: {  	_ =	swait.ge [sflag:s11], $0xC000  }
0x13d: {  	[sflag:s11] =	ssyncset.done $0x0  }
0x13e: {  	p1 =	sne.s32 s1, $0x1;
	[sflag:s11] =	ssyncadd.s32 $0xFFFF4000  }
.Ltmp2:
0x13f: {  	_ =	swait.ge [sflag:s12], $0xC000;
	(pc) =	sbr.rel @p1 .LBB2_4-.Ltmp2, $4  }
0x140: {  	[sflag:s12] =	ssyncset.done $0x0  }
0x141: {  	[sflag:s12] =	ssyncadd.s32 $0xFFFF4000  }
0x142: {  	_ =	swait.ge [sflag:s14], $0x4000  }
0x143: {  	s1 =	sadd.s32 $0xFFFFFFFF, s1;
	s0 =	rddreg [dreg:$0x6];
	[sflag:s14] =	ssyncset.done $0x0  }
0x144: {  	s23 =	simm.s32 $0x780;
	s28 =	simm.s32 $0x700  }
0x145: {  	s26 =	simm.s32 $0x900;
	s25 =	simm.s32 $0x880;
	s24 =	simm.s32 $0x800  }
0x146: {  	s22 =	simm.s32 $0xA00;
	s21 =	simm.s32 $0x980;
	s20 =	stileid.u32  }
.LBB2_6:
0x147: {  	[sflag:s14] =	ssyncadd.s32 @p0 $0xFFFFC000  }
0x148: {  	[tilespmem:s2], [sflag:$0xB] =	stream.linear.gather [hbm4b:s0+s2], $0x80, $0x38;
	[tilespmem:$0x1CB00] =	vst v63  }
0x149: {  	_ =	swait.ge [sflag:s31], $0x80  }
0x14a: {  	[sflag:s31] =	ssyncset.done $0x0  }
0x14b: {  	s1 =	rddreg [dreg:$0x7];
	[sflag:s31] =	ssyncadd.s32 $0xFFFFFF80  }
0x14c: {  	[tilespmem:s5], [sflag:$0xB] =	stream.linear.gather [hbm4b:s1+s2], $0xA80, $0x38;
	[tilespmem:$0x1CB00] =	vst v63  }
0x14d: {  	_ =	swait.ge [sflag:s31], $0xA80  }
0x14e: {  	[sflag:s31] =	ssyncset.done $0x0  }
0x14f: {  	s1 =	rddreg [dreg:$0x5];
	[sflag:s31] =	ssyncadd.s32 $0xFFFFF580  }
0x150: {  	[tilespmem:s29], [sflag:$0x9] =	stream.indirect.gather [hbm4b:s1+s5], $0x80, s2, s5, $0xb8;
	[tilespmem:$0x1CB00] =	vst v63  }
0x151: {  	_ =	swait.ge [sflag:s30], $0x4000  }
0x152: {  	[sflag:s30] =	ssyncset.done $0x0  }
0x153: {  	s1 =	rddreg [dreg:$0x8];
	[sflag:s30] =	ssyncadd.s32 $0xFFFFC000  }
0x154: {  	[hbm4b:s1+s2] =	stream.linear.scatter [tilespmem:s29], [sflag:$0xA], $0x4000, $0x38;
	[tilespmem:$0x1CB00] =	vst v63  }
0x155: {  	_ = 	snop  }
0x156: {  	[tilespmem:s4], [sflag:$0x1] =	stream.indirect.gather [hbm4b:s3+s5], $0x80, s5, s5, $0xb8;
	[tilespmem:$0x1CB00] =	vst v63  }
0x157: {  	s29 =	rddreg [dreg:$0x10]  }
0x158: {  	[tilespmem:s9], [sflag:$0x2] =	stream.indirect.gather [hbm4b:s3+s5], $0x80, s29, s5, $0xb8;
	[tilespmem:$0x1CB00] =	vst v63  }
0x159: {  	s1 =	rddreg [dreg:$0x11]  }
0x15a: {  	[tilespmem:s10], [sflag:$0x3] =	stream.indirect.gather [hbm4b:s3+s5], $0x80, s1, s5, $0xb8;
	[tilespmem:$0x1CB00] =	vst v63  }
0x15b: {  	_ =	swait.ge [sflag:s8], $0x4000  }
0x15c: {  	[sflag:s8] =	ssyncset.done $0x0  }
0x15d: {  	[sflag:s8] =	ssyncadd.s32 $0xFFFFC000  }
0x15e: {  	_ =	swait.ge [sflag:s7], $0x4000  }
0x15f: {  	[sflag:s7] =	ssyncset.done $0x0  }
0x160: {  	[sflag:s7] =	ssyncadd.s32 $0xFFFFC000  }
0x161: {  	_ =	swait.ge [sflag:s6], $0x4000  }
0x162: {  	[sflag:s6] =	ssyncset.done $0x0  }
0x163: {  	s30 =	rddreg [dreg:$0x9];
	[sflag:s6] =	ssyncadd.s32 $0xFFFFC000  }
0x164: {  	[hbm4b:s30+s2] =	stream.linear.scatter [tilespmem:s4], [sflag:$0x7], $0xC000, $0x38;
	[tilespmem:$0x1CB00] =	vst v63  }
0x165: {  	s31 =	rddreg [dreg:$0x12]  }
0x166: {  	[tilespmem:s13], [sflag:$0x4] =	stream.indirect.gather [hbm4b:s3+s5], $0x80, s31, s5, $0xb8;
	[tilespmem:$0x1CB00] =	vst v63  }
0x167: {  	s29 =	rddreg [dreg:$0x13]  }
0x168: {  	[tilespmem:s15], [sflag:$0x5] =	stream.indirect.gather [hbm4b:s3+s5], $0x80, s29, s5, $0xb8;
	[tilespmem:$0x1CB00] =	vst v63  }
0x169: {  	s30 =	rddreg [dreg:$0x14]  }
0x16a: {  	[tilespmem:s17], [sflag:$0x6] =	stream.indirect.gather [hbm4b:s3+s5], $0x80, s30, s5, $0xb8;
	[tilespmem:$0x1CB00] =	vst v63  }
0x16b: {  	_ =	swait.ge [sflag:s18], $0x4000  }
0x16c: {  	[sflag:s18] =	ssyncset.done $0x0  }
0x16d: {  	[sflag:s18] =	ssyncadd.s32 $0xFFFFC000  }
0x16e: {  	_ =	swait.ge [sflag:s19], $0x4000  }
0x16f: {  	[sflag:s19] =	ssyncset.done $0x0  }
0x170: {  	[sflag:s19] =	ssyncadd.s32 $0xFFFFC000  }
0x171: {  	_ =	swait.ge [sflag:s16], $0x4000  }
0x172: {  	[sflag:s16] =	ssyncset.done $0x0  }
0x173: {  	s31 =	rddreg [dreg:$0xa];
	[sflag:s16] =	ssyncadd.s32 $0xFFFFC000  }
0x174: {  	[hbm4b:s31+s2] =	stream.linear.scatter [tilespmem:s13], [sflag:$0x8], $0xC000, $0x38;
	[tilespmem:$0x1CB00] =	vst v63  }
0x175: {  	_ =	swait.ge [sflag:s11], $0xC000  }
0x176: {  	[sflag:s11] =	ssyncset.done $0x0  }
0x177: {  	s1 =	rddreg [dreg:$0x15];
	[sflag:s11] =	ssyncadd.s32 $0xFFFF4000  }
0x178: {  	[tilespmem:s4], [sflag:$0x1] =	stream.indirect.gather [hbm4b:s3+s5], $0x80, s1, s5, $0xb8;
	[tilespmem:$0x1CB00] =	vst v63  }
0x179: {  	s29 =	rddreg [dreg:$0x16]  }
0x17a: {  	[tilespmem:s9], [sflag:$0x2] =	stream.indirect.gather [hbm4b:s3+s5], $0x80, s29, s5, $0xb8;
	[tilespmem:$0x1CB00] =	vst v63  }
0x17b: {  	s30 =	rddreg [dreg:$0x17]  }
0x17c: {  	[tilespmem:s10], [sflag:$0x3] =	stream.indirect.gather [hbm4b:s3+s5], $0x80, s30, s5, $0xb8;
	[tilespmem:$0x1CB00] =	vst v63  }
0x17d: {  	_ =	swait.ge [sflag:s8], $0x4000  }
0x17e: {  	[sflag:s8] =	ssyncset.done $0x0  }
0x17f: {  	[sflag:s8] =	ssyncadd.s32 $0xFFFFC000  }
0x180: {  	_ =	swait.ge [sflag:s7], $0x4000  }
0x181: {  	[sflag:s7] =	ssyncset.done $0x0  }
0x182: {  	[sflag:s7] =	ssyncadd.s32 $0xFFFFC000  }
0x183: {  	_ =	swait.ge [sflag:s6], $0x4000  }
0x184: {  	[sflag:s6] =	ssyncset.done $0x0  }
0x185: {  	s31 =	rddreg [dreg:$0xb];
	[sflag:s6] =	ssyncadd.s32 $0xFFFFC000  }
0x186: {  	[hbm4b:s31+s2] =	stream.linear.scatter [tilespmem:s4], [sflag:$0x7], $0xC000, $0x38;
	[tilespmem:$0x1CB00] =	vst v63  }
0x187: {  	_ =	swait.ge [sflag:s12], $0xC000  }
0x188: {  	[sflag:s12] =	ssyncset.done $0x0  }
0x189: {  	s1 =	rddreg [dreg:$0x18];
	[sflag:s12] =	ssyncadd.s32 $0xFFFF4000  }
0x18a: {  	[tilespmem:s13], [sflag:$0x4] =	stream.indirect.gather [hbm4b:s3+s5], $0x80, s1, s5, $0xb8;
	[tilespmem:$0x1CB00] =	vst v63  }
0x18b: {  	s29 =	rddreg [dreg:$0x19]  }
0x18c: {  	[tilespmem:s15], [sflag:$0x5] =	stream.indirect.gather [hbm4b:s3+s5], $0x80, s29, s5, $0xb8;
	[tilespmem:$0x1CB00] =	vst v63  }
0x18d: {  	s30 =	rddreg [dreg:$0x1a]  }
0x18e: {  	[tilespmem:s17], [sflag:$0x6] =	stream.indirect.gather [hbm4b:s3+s5], $0x80, s30, s5, $0xb8;
	[tilespmem:$0x1CB00] =	vst v63  }
0x18f: {  	_ =	swait.ge [sflag:s18], $0x4000  }
0x190: {  	[sflag:s18] =	ssyncset.done $0x0  }
0x191: {  	[sflag:s18] =	ssyncadd.s32 $0xFFFFC000  }
0x192: {  	_ =	swait.ge [sflag:s19], $0x4000  }
0x193: {  	[sflag:s19] =	ssyncset.done $0x0  }
0x194: {  	[sflag:s19] =	ssyncadd.s32 $0xFFFFC000  }
0x195: {  	_ =	swait.ge [sflag:s16], $0x4000  }
0x196: {  	[sflag:s16] =	ssyncset.done $0x0  }
0x197: {  	s31 =	rddreg [dreg:$0xc];
	[sflag:s16] =	ssyncadd.s32 $0xFFFFC000  }
0x198: {  	[hbm4b:s31+s2] =	stream.linear.scatter [tilespmem:s13], [sflag:$0x8], $0xC000, $0x38;
	[tilespmem:$0x1CB00] =	vst v63  }
0x199: {  	_ =	swait.ge [sflag:s11], $0xC000  }
0x19a: {  	[sflag:s11] =	ssyncset.done $0x0  }
0x19b: {  	s1 =	rddreg [dreg:$0x1b];
	[sflag:s11] =	ssyncadd.s32 $0xFFFF4000  }
0x19c: {  	[tilespmem:s4], [sflag:$0x1] =	stream.indirect.gather [hbm4b:s3+s5], $0x80, s1, s5, $0xb8;
	[tilespmem:$0x1CB00] =	vst v63  }
0x19d: {  	_ = 	snop  }
0x19e: {  	[tilespmem:s9], [sflag:$0x2] =	stream.indirect.gather [hbm4b:s3+s5], $0x80, s28, s5, $0xb8;
	[tilespmem:$0x1CB00] =	vst v63  }
0x19f: {  	_ = 	snop  }
0x1a0: {  	[tilespmem:s10], [sflag:$0x3] =	stream.indirect.gather [hbm4b:s3+s5], $0x80, s23, s5, $0xb8;
	[tilespmem:$0x1CB00] =	vst v63  }
0x1a1: {  	_ =	swait.ge [sflag:s8], $0x4000  }
0x1a2: {  	[sflag:s8] =	ssyncset.done $0x0  }
0x1a3: {  	[sflag:s8] =	ssyncadd.s32 $0xFFFFC000  }
0x1a4: {  	_ =	swait.ge [sflag:s7], $0x4000  }
0x1a5: {  	[sflag:s7] =	ssyncset.done $0x0  }
0x1a6: {  	[sflag:s7] =	ssyncadd.s32 $0xFFFFC000  }
0x1a7: {  	_ =	swait.ge [sflag:s6], $0x4000  }
0x1a8: {  	[sflag:s6] =	ssyncset.done $0x0  }
0x1a9: {  	s28 =	rddreg [dreg:$0xd];
	[sflag:s6] =	ssyncadd.s32 $0xFFFFC000  }
0x1aa: {  	[hbm4b:s28+s2] =	stream.linear.scatter [tilespmem:s4], [sflag:$0x7], $0xC000, $0x38;
	[tilespmem:$0x1CB00] =	vst v63  }
0x1ab: {  	_ =	swait.ge [sflag:s12], $0xC000  }
0x1ac: {  	[sflag:s12] =	ssyncset.done $0x0  }
0x1ad: {  	[sflag:s12] =	ssyncadd.s32 $0xFFFF4000  }
0x1ae: {  	[tilespmem:s13], [sflag:$0x4] =	stream.indirect.gather [hbm4b:s3+s5], $0x80, s24, s5, $0xb8;
	[tilespmem:$0x1CB00] =	vst v63  }
0x1af: {  	_ = 	snop  }
0x1b0: {  	[tilespmem:s15], [sflag:$0x5] =	stream.indirect.gather [hbm4b:s3+s5], $0x80, s25, s5, $0xb8;
	[tilespmem:$0x1CB00] =	vst v63  }
0x1b1: {  	_ = 	snop  }
0x1b2: {  	[tilespmem:s17], [sflag:$0x6] =	stream.indirect.gather [hbm4b:s3+s5], $0x80, s26, s5, $0xb8;
	[tilespmem:$0x1CB00] =	vst v63  }
0x1b3: {  	_ =	swait.ge [sflag:s18], $0x4000  }
0x1b4: {  	[sflag:s18] =	ssyncset.done $0x0  }
0x1b5: {  	[sflag:s18] =	ssyncadd.s32 $0xFFFFC000  }
0x1b6: {  	_ =	swait.ge [sflag:s19], $0x4000  }
0x1b7: {  	[sflag:s19] =	ssyncset.done $0x0  }
0x1b8: {  	[sflag:s19] =	ssyncadd.s32 $0xFFFFC000  }
0x1b9: {  	_ =	swait.ge [sflag:s16], $0x4000  }
0x1ba: {  	[sflag:s16] =	ssyncset.done $0x0  }
0x1bb: {  	s29 =	rddreg [dreg:$0xe];
	[sflag:s16] =	ssyncadd.s32 $0xFFFFC000  }
0x1bc: {  	[hbm4b:s29+s2] =	stream.linear.scatter [tilespmem:s13], [sflag:$0x8], $0xC000, $0x38;
	[tilespmem:$0x1CB00] =	vst v63  }
0x1bd: {  	_ =	swait.ge [sflag:s11], $0xC000  }
0x1be: {  	[sflag:s11] =	ssyncset.done $0x0  }
0x1bf: {  	[sflag:s11] =	ssyncadd.s32 $0xFFFF4000  }
0x1c0: {  	[tilespmem:s4], [sflag:$0x1] =	stream.indirect.gather [hbm4b:s3+s5], $0x80, s21, s5, $0xb8;
	[tilespmem:$0x1CB00] =	vst v63  }
0x1c1: {  	_ = 	snop  }
0x1c2: {  	[tilespmem:s9], [sflag:$0x2] =	stream.indirect.gather [hbm4b:s3+s5], $0x80, s22, s5, $0xb8;
	[tilespmem:$0x1CB00] =	vst v63  }
0x1c3: {  	s30 =	simm.s32 $0xA80  }
0x1c4: {  	[tilespmem:s10], [sflag:$0x3] =	stream.indirect.gather [hbm4b:s3+s5], $0x80, s30, s5, $0xb8;
	[tilespmem:$0x1CB00] =	vst v63  }
0x1c5: {  	_ =	swait.ge [sflag:s8], $0x4000  }
0x1c6: {  	[sflag:s8] =	ssyncset.done $0x0  }
0x1c7: {  	[sflag:s8] =	ssyncadd.s32 $0xFFFFC000  }
0x1c8: {  	_ =	swait.ge [sflag:s7], $0x4000  }
0x1c9: {  	[sflag:s7] =	ssyncset.done $0x0  }
0x1ca: {  	[sflag:s7] =	ssyncadd.s32 $0xFFFFC000  }
0x1cb: {  	_ =	swait.ge [sflag:s6], $0x4000  }
0x1cc: {  	[sflag:s6] =	ssyncset.done $0x0  }
0x1cd: {  	s31 =	rddreg [dreg:$0xf];
	[sflag:s6] =	ssyncadd.s32 $0xFFFFC000  }
0x1ce: {  	[hbm4b:s31+s2] =	stream.linear.scatter [tilespmem:s4], [sflag:$0x7], $0xC000, $0x38;
	[tilespmem:$0x1CB00] =	vst v63  }
0x1cf: {  	_ =	swait.ge [sflag:s11], $0xC000  }
0x1d0: {  	[sflag:s11] =	ssyncset.done $0x0  }
0x1d1: {  	[sflag:s11] =	ssyncadd.s32 $0xFFFF4000  }
0x1d2: {  	_ =	swait.ge [sflag:s12], $0xC000  }
0x1d3: {  	[sflag:s12] =	ssyncset.done $0x0  }
0x1d4: {  	[sflag:s12] =	ssyncadd.s32 $0xFFFF4000  }
0x1d5: {  	_ =	swait.ge [sflag:s14], $0x4000  }
0x1d6: {  	[sflag:s14] =	ssyncset.done $0x0  }
0x1d7: {  	[sflag:s14] =	ssyncadd.s32 $0xFFFFC000  }
0x1d8: {  	_ =	sfence.sel $0x180000  }
0x1d9: {  	[bflag:$0x0] =	sbarrier.arrive $0xFFFF  }
0x1da: {  	_ =	strace $0x9000004A  }
0x1db: {  	[bflag:$0x2] =	sbarrier.arrive $0xFFFF  }
0x1dc: {  	p0 =	sne.s32 s20, $0x0;
	s0 =	rddreg [dreg:$0x4]  }
0x1dd: {  	s0 =	sadd.s32 @!p0 $0x100000, s0  }
0x1de: {  	[sflag:s0] =	ssyncadd.tile.s32 @!p0 $0x1;
	_ =	shalt  }
.LBB2_1:
.Ltmp3:
0x1df: {  	(pc) =	sbr.rel .LBB2_6-.Ltmp3, $4  }
0x1e0: {  	_ = 	snop  }
0x1e1: {  	s23 =	simm.s32 $0x780  }
0x1e2: {  	s28 =	simm.s32 $0x700;
	s26 =	simm.s32 $0x900;
	s25 =	simm.s32 $0x880  }
0x1e3: {  	s24 =	simm.s32 $0x800;
	s22 =	simm.s32 $0xA00;
	s21 =	simm.s32 $0x980  }
.LBB2_3:
.Ltmp4:
0x1e4: {  	(pc) =	sbr.rel .LBB2_6-.Ltmp4, $4  }
0x1e5: {  	_ = 	snop  }
0x1e6: {  	s23 =	simm.s32 $0x780;
	s28 =	simm.s32 $0x700  }
0x1e7: {  	s26 =	simm.s32 $0x900;
	s25 =	simm.s32 $0x880;
	s24 =	simm.s32 $0x800  }
0x1e8: {  	s22 =	simm.s32 $0xA00;
	s21 =	simm.s32 $0x980;
	s20 =	stileid.u32  }
.Lfunc_end2:
_tile_overlayer_lowered:
.L_overlay_start_2:
0x1e9: {  	(tag) =	ssettag $0x2  }
0x1ea: {  	s0 =	rddreg [dreg:$0x0];
	s2 =	stileid.u32  }
0x1eb: {  	s1 =	rddreg [dreg:$0x1];
	p0 =	sne.s32 s2, $0x0  }
0x1ec: {  	s3 =	rddreg [dreg:$0x2];
	[bflag:$0x3] =	sbarrier.arrive $0xFFFF;
	s2 =	simm.s32 @!p0 $0x1C0B  }
0x1ed: {  	[timem:s3], [sflag:s2] =	dma.local @!p0 [hbm:s0], s1  }
0x1ee: {  	s0 =	simm.s32 @!p0 $0xB  }
0x1ef: {  	_ =	swait.ge @!p0 [sflag:s0], s1  }
0x1f0: {  	s1 =	ssub.s32 @!p0 $0x0, s1;
	[sflag:s0] =	ssyncset.done @!p0 $0x0  }
0x1f1: {  	[sflag:s0] =	ssyncadd.s32 @!p0 s1  }
0x1f2: {  	[bflag:$0x3] =	sbarrier.arrive $0xFFFF  }
0x1f3: {  	_ =	shalt  }

// kernel: kernel.19.cloned.1.call-start
scs
__scs_entry_jumppad:
0x0: {  	(pc) =	sbr.rel $0x88, $3  }
0x1: {  	(tag) =	ssettag $0x0;
	lr =	simm.s32 $0x1  }
0x2: {  	[smem:$0x3F9C] =	sst lr;
	_ =	strace $0xD0000000  }
0x3: {  	_ = 	snop  }
0x4: {  	_ = 	snop  }
0x5: {  	_ = 	snop  }
0x6: {  	_ = 	snop  }
0x7: {  	_ = 	snop  }
__scs_overlays_trampoline_lowered:
0x8: {  	[smem:$0x3FAB] =	sst s0  }
0x9: {  	[smem:$0x3FAC] =	sst s1  }
0xa: {  	[smem:$0x3FAD] =	sst s2  }
0xb: {  	[smem:$0x3FAE] =	sst s3  }
0xc: {  	[smem:$0x3FAF] =	sst s4  }
0xd: {  	[smem:$0x3FB0] =	sst s5  }
0xe: {  	[smem:$0x3FB1] =	sst s6  }
0xf: {  	[smem:$0x3FB2] =	sst s7  }
0x10: {  	[smem:$0x3FB3] =	sst s8  }
0x11: {  	[smem:$0x3FB4] =	sst s9;
	s0 =	simm.s32 @!p0 $0x0  }
0x12: {  	s1 =	sld [smem:$0x3F9A];
	s0 =	simm.s32 @p0 $0x1  }
0x13: {  	[smem:$0x3FB5] =	sst s0;
	s0 =	simm.s32 @!p1 $0x0  }
0x14: {  	s2 =	sld [smem:$0x3F99];
	s0 =	simm.s32 @p1 $0x1  }
0x15: {  	[smem:$0x3FB6] =	sst s0;
	s0 =	simm.s32 @!p2 $0x0  }
0x16: {  	s3 =	sld [smem:$0x3FDB];
	s0 =	simm.s32 @p2 $0x1  }
0x17: {  	s4 =	simm.s32 $0x1BF5;
	[smem:$0x3FB8] =	sst s0  }
0x18: {  	s0 =	sld [smem:$0x3F9B];
	_ =	swait.ge [sflag:s4], $0x0  }
0x19: {  	s7 =	sld [smem:$0x3F9C]  }
0x1a: {  	s8 =	sadd.s32 $0xFFFFE003, lr  }
0x1b: {  	s9 =	sadd.s32 $0xFFFFFEF7, lr;
	s5 =	simm.s32 $0xFFFFFFFF;
	p2 =	slt.u32 s8, $0xFFFFF086  }
0x1c: {  	p1 =	slt.u32 s9, $0xF7A;
	s5 =	simm.s32 @!p2 $0x0  }
0x1d: {  	s5 =	simm.s32 @p1 $0x1;
	p0 =	seq.s32 s7, s2  }
0x1e: {  	s7 =	smul.u32 @!p0 $0xF7A, s2;
	p2 =	seq.s32 @!p0 s5, $0x0  }
0x1f: {  	s9 =	smul.u32 $0xF7A, s1;
	s8 =	simm.s32 @!p0 $0x1BF5;
	p2 =	por !p2, p0  }
0x20: {  	[sflag:s8] =	ssyncset.s32 @!p0 $0xFFFFF086;
	s6 =	sadd.s32 @!p0 s3, s7;
	s7 =	simm.s32 @!p0 $0x108  }
0x21: {  	s3 =	sadd.s32 s3, s9;
	s6 =	sadd.s32 @!p0 $0x88, s6;
	s7 =	simm.s32 @p2 $0x1082  }
0x22: {  	[simem:s7], [sflag:s8] =	dma.local @!p0 [hbm:s6], $0xF7A  }
0x23: {  	s9 =	sor.u32 $0xD0000000, s2;
	s6 =	simm.s32 $0x108;
	_ =	swait.ge @!p0 [sflag:s8], $0x0  }
0x24: {  	s3 =	sadd.s32 $0x88, s3;
	s6 =	simm.s32 @!p1 $0x1082;
	[sflag:s4] =	ssyncset.s32 $0xFFFFF086  }
0x25: {  	[simem:s6], [sflag:s4] =	dma.local [hbm:s3], $0xF7A  }
0x26: {  	[smem:$0x3F9C] =	sst s1;
	(tag) =	ssettag s2;
	_ =	strace s9  }
0x27: {  	s1 =	sld [smem:$0x3FAC]  }
0x28: {  	s2 =	sld [smem:$0x3FAD]  }
0x29: {  	s4 =	sld [smem:$0x3FAF]  }
0x2a: {  	p0 =	seq.s32 s5, $0x0;
	s5 =	sld [smem:$0x3FB0]  }
0x2b: {  	s6 =	sld [smem:$0x3FB1]  }
0x2c: {  	s7 =	sld [smem:$0x3FB2]  }
0x2d: {  	s3 =	simm.s32 $0x108;
	s8 =	sld [smem:$0x3FB3]  }
0x2e: {  	s3 =	simm.s32 @!p0 $0x1082;
	s9 =	sld [smem:$0x3FB4]  }
0x2f: {  	lr =	sadd.s32 s0, s3;
	s0 =	sld [smem:$0x3FAB]  }
0x30: {  	s3 =	sld [smem:$0x3FAE]  }
0x31: {  	[smem:$0x3FB7] =	sst s10  }
0x32: {  	s10 =	sld [smem:$0x3FB5];
	_ =	sdelay $0x3  }
0x33: {  	p0 =	seq.s32 s10, $0x1;
	s10 =	sld [smem:$0x3FB7];
	_ =	sdelay $0x3  }
0x34: {  	[smem:$0x3FB7] =	sst s10  }
0x35: {  	s10 =	sld [smem:$0x3FB6];
	_ =	sdelay $0x3  }
0x36: {  	p1 =	seq.s32 s10, $0x1;
	s10 =	sld [smem:$0x3FB7];
	_ =	sdelay $0x3  }
0x37: {  	[smem:$0x3FB7] =	sst s10  }
0x38: {  	s10 =	sld [smem:$0x3FB8]  }
0x39: {  	_ = 	snop;
	(pc) =	sbr.ind lr, $3  }
0x3a: {  	_ = 	snop  }
0x3b: {  	_ = 	snop  }
0x3c: {  	p2 =	seq.s32 s10, $0x1;
	s10 =	sld [smem:$0x3FB7]  }
0x3d: {  	_ =	shalt  }
0x3e: {  	_ =	shalt  }
0x3f: {  	_ =	shalt  }
0x40: {  	_ =	shalt  }
0x41: {  	_ =	shalt  }
0x42: {  	_ =	shalt  }
0x43: {  	_ =	shalt  }
0x44: {  	_ =	shalt  }
0x45: {  	_ =	shalt  }
0x46: {  	_ =	shalt  }
0x47: {  	_ =	shalt  }
0x48: {  	_ =	shalt  }
0x49: {  	_ =	shalt  }
0x4a: {  	_ =	shalt  }
0x4b: {  	_ =	shalt  }
0x4c: {  	_ =	shalt  }
0x4d: {  	_ =	shalt  }
0x4e: {  	_ =	shalt  }
0x4f: {  	_ =	shalt  }
0x50: {  	_ =	shalt  }
0x51: {  	_ =	shalt  }
0x52: {  	_ =	shalt  }
0x53: {  	_ =	shalt  }
0x54: {  	_ =	shalt  }
0x55: {  	_ =	shalt  }
0x56: {  	_ =	shalt  }
0x57: {  	_ =	shalt  }
0x58: {  	_ =	shalt  }
0x59: {  	_ =	shalt  }
0x5a: {  	_ =	shalt  }
0x5b: {  	_ =	shalt  }
0x5c: {  	_ =	shalt  }
0x5d: {  	_ =	shalt  }
0x5e: {  	_ =	shalt  }
0x5f: {  	_ =	shalt  }
0x60: {  	_ =	shalt  }
0x61: {  	_ =	shalt  }
0x62: {  	_ =	shalt  }
0x63: {  	_ =	shalt  }
0x64: {  	_ =	shalt  }
0x65: {  	_ =	shalt  }
0x66: {  	_ =	shalt  }
0x67: {  	_ =	shalt  }
0x68: {  	_ =	shalt  }
0x69: {  	_ =	shalt  }
0x6a: {  	_ =	shalt  }
0x6b: {  	_ =	shalt  }
0x6c: {  	_ =	shalt  }
0x6d: {  	_ =	shalt  }
0x6e: {  	_ =	shalt  }
0x6f: {  	_ =	shalt  }
0x70: {  	_ =	shalt  }
0x71: {  	_ =	shalt  }
0x72: {  	_ =	shalt  }
0x73: {  	_ =	shalt  }
0x74: {  	_ =	shalt  }
0x75: {  	_ =	shalt  }
0x76: {  	_ =	shalt  }
0x77: {  	_ =	shalt  }
0x78: {  	_ =	shalt  }
0x79: {  	_ =	shalt  }
0x7a: {  	_ =	shalt  }
0x7b: {  	_ =	shalt  }
0x7c: {  	_ =	shalt  }
0x7d: {  	_ =	shalt  }
0x7e: {  	_ =	shalt  }
0x7f: {  	_ =	shalt  }
0x80: {  	_ =	shalt  }
0x81: {  	_ =	shalt  }
0x82: {  	_ =	shalt  }
0x83: {  	_ =	shalt  }
0x84: {  	_ =	shalt  }
0x85: {  	_ =	shalt  }
0x86: {  	_ =	shalt  }
0x87: {  	_ =	shalt  }
.Lfunc_end0:
.L_simem_size_0:
called_computation.3_lowered:
.L_overlay_start_0:
0x88: {  	s2 =	sld [smem:$0x3FD9]  }
0x89: {  	s3 =	sld [smem:$0x3FFE];
	_ =	sdelay $0x1  }
0x8a: {  	s1 =	srdreg.scid  }
0x8b: {  	s0 =	sand.u32 $0x1, s1  }
0x8c: {  	s14 =	sshll.u32 s0, $0xA;
	s2 =	sadd.s32 s3, s2  }
0x8d: {  	s2 =	sadd.s32 s2, s14  }
0x8e: {  	[smem:$0x3FC3] =	sst s2  }
0x8f: {  	_ = 	snop  }
0x90: {  	s2 =	sld [smem:$0x3FD0];
	_ =	sdelay $0x1  }
0x91: {  	s15 =	sld [smem:$0x3FC6]  }
0x92: {  	s5 =	simm.s32 $0xD;
	s6 =	simm.s32 $0x10;
	s4 =	sld [smem:$0x3FC5]  }
0x93: {  	[smem:s6], [sflag:s5] =	dma.local [hbm:s2], $0x1  }
0x94: {  	_ =	swait.eq [sflag:s5], $0x1  }
0x95: {  	[sflag:s5] =	ssyncset.done $0x0  }
0x96: {  	[sflag:s5] =	ssyncadd.s32 $0xFFFFFFFF  }
0x97: {  	s16 =	sld [smem:$0x11];
	(tm) =	ssettm $0x1  }
0x98: {  	s17 =	sld [smem:$0x3FFB];
	_ =	sdelay $0x3  }
0x99: {  	_ =	strace s17  }
0x9a: {  	s5 =	sld [smem:$0x3FFC];
	_ =	sdelay $0x3  }
0x9b: {  	_ =	strace s5  }
0x9c: {  	s5 =	sld [smem:$0x3FFD];
	_ =	sdelay $0x3  }
0x9d: {  	_ =	strace s5  }
0x9e: {  	_ =	strace $0x8FFFFFFF  }
0x9f: {  	s18 =	sld [smem:$0x3FDB];
	_ =	sdelay $0x1  }
0xa0: {  	s19 =	simm.s32 $_scs_section_size  }
0xa1: {  	s7 =	simm.s32 $_size__tile_overlayer_lowered;
	s8 =	simm.s32 $_tile_overlayer_lowered  }
0xa2: {  	s22 =	simm.s32 $0x1BFF;
	s21 =	sshll.u32 s8, $0x1;
	s5 =	sadd.s32 s19, s18  }
0xa3: {  	s9 =	simm.s32 $0x0;
	s20 =	sshll.u32 s7, $0x1;
	s7 =	sadd.s32 s21, s5  }
0xa4: {  	[timem:s9], [sflag:s22] =	dma.local [hbm:s7], s20  }
0xa5: {  	_ =	swait.ge [sflag:s22], s20  }
0xa6: {  	s6 =	ssub.s32 $0x0, s20;
	[sflag:s22] =	ssyncset.done $0x0  }
0xa7: {  	[sflag:s22] =	ssyncadd.s32 s6;
	_ =	sdelay $0x1  }
0xa8: {  	s23 =	simm.s32 $0x1B8B  }
0xa9: {  	_ =	swait.ge [sflag:s23], $0x1  }
0xaa: {  	[sflag:s23] =	ssyncset.done $0x0  }
0xab: {  	s25 =	simm.s32 $0x1B8E;
	s24 =	sld [smem:$0x3FFE];
	[sflag:s23] =	ssyncadd.s32 $0xFFFFFFFF  }
0xac: {  	s26 =	simm.s32 $execute0_lowered;
	[smem:$0x3FD2] =	sst s25  }
0xad: {  	s7 =	sshll.u32 s26, $0x1;
	_ =	strace $0x80000046;
	[dreg:$0x1] =	wrdreg $0xFFFFFFFF  }
0xae: {  	s28 =	simm.s32 $_size_execute0_lowered;
	s5 =	sadd.s32 s5, s7;
	[dreg:$0x0] =	wrdreg $0x0  }
0xaf: {  	s7 =	sshll.u32 s28, $0x1;
	[dreg:$0x2] =	wrdreg s5  }
0xb0: {  	[dreg:$0x3] =	wrdreg s7  }
0xb1: {  	[dreg:$0x4] =	wrdreg $0xC0  }
0xb2: {  	_ =	task [dreg:s9], $0x5FFFF  }
0xb3: {  	[dreg:$0x1] =	wrdreg $0xFFFFFFFF  }
0xb4: {  	[dreg:$0x0] =	wrdreg $0x60  }
0xb5: {  	[dreg:$0x2] =	wrdreg s15  }
0xb6: {  	[dreg:$0x3] =	wrdreg s4  }
0xb7: {  	[dreg:$0x4] =	wrdreg s16  }
0xb8: {  	[dreg:$0x5] =	wrdreg s24  }
0xb9: {  	[dreg:$0x6] =	wrdreg $0xC  }
0xba: {  	_ =	task.clear_ibuf [dreg:s9], $0x7FFFF;
	_ =	strace $0x90000046  }
0xbb: {  	s29 =	simm.s32 $0xC;
	_ =	strace $0x80000048  }
0xbc: {  	_ =	swait.ge [sflag:s29], $0x1  }
0xbd: {  	[sflag:s29] =	ssyncadd.s32 $0xFFFFFFFF  }
0xbe: {  	_ =	strace $0x90000048  }
0xbf: {  	_ =	sfence  }
0xc0: {  	s30 =	sld [smem:$0x0];
	_ =	sdelay $0x2  }
0xc1: {  	s31 =	sshll.u32 s1, $0xD;
	s1 =	sshrl.u32 s1, $0x2  }
0xc2: {  	s3 =	sand.u32 $0x4000, s31;
	s1 =	sadd.s32 s1, s30  }
0xc3: {  	s0 =	sor.u32 s3, s0;
	s1 =	sshll.u32 s1, $0x11  }
0xc4: {  	s0 =	sor.u32 s1, s0  }
0xc5: {  	s0 =	sadd.s32 $0x8F2B, s0  }
0xc6: {  	[sflag:s0] =	ssyncadd.remote.s32 $0x1  }
0xc7: {  	_ =	sfence.sel $0xFFFF  }
0xc8: {  	[dreg:$0x0] =	wrdreg $0xFFFFFFFF;
	(pc) =	sbr.abs _section_cstart, $3  }
0xc9: {  	[dreg:$0x1] =	wrdreg $0xFFFFFFFF  }
0xca: {  	_ =	task.clear_ibuf [dreg:s9], $0x2FFFF;
	_ =	strace $0x9FFFFFFF  }
0xcb: {  	(tm) =	ssettm $0x7FFFFFFF  }
tec
execute0_lowered:
.L_overlay_start_1:
0x0: {  	(tag) =	ssettag $0x1  }
0x1: {  	s0 =	rddreg [dreg:$0x0]  }
0x2: {  	s3 =	rddreg [dreg:$0x1]  }
0x3: {  	s22 =	rddreg [dreg:$0x2];
	s1 =	srdreg.scid  }
0x4: {  	s20 =	stileid.u32;
	s4 =	rddreg [dreg:$0x3]  }
0x5: {  	s2 =	simm.s32 $0x0;
	s31 =	simm.s32 $0xB;
	s29 =	simm.s32 $0xB00  }
0x6: {  	s14 =	simm.s32 $0x100;
	s30 =	simm.s32 $0x9;
	[dreg:$0x5] =	wrdreg s0  }
0x7: {  	s15 =	simm.s32 $0x180;
	s16 =	simm.s32 $0x200;
	[smem:$0x7FF] =	sst s2  }
0x8: {  	s17 =	simm.s32 $0x280;
	_ =	strace $0x80000047;
	[dreg:$0x10] =	wrdreg s14  }
0x9: {  	s18 =	simm.s32 $0x300;
	s19 =	simm.s32 $0x380;
	[dreg:$0x11] =	wrdreg s15  }
0xa: {  	s21 =	simm.s32 $0x400;
	s28 =	simm.s32 $0x700;
	[dreg:$0x12] =	wrdreg s16  }
0xb: {  	s1 =	sand.u32 $0x1, s1;
	s5 =	sshll.u32 s20, $0x1;
	[dreg:$0x13] =	wrdreg s17  }
0xc: {  	p0 =	por $0x0, $0x0;
	s5 =	sor.u32 s1, s5;
	[dreg:$0x14] =	wrdreg s18  }
0xd: {  	s1 =	ssub.s32 $0x2, s1;
	s15 =	simm.s32 $0x14B00;
	[dreg:$0x15] =	wrdreg s19  }
0xe: {  	s17 =	simm.s32 $0x18B00;
	[dreg:$0x16] =	wrdreg s21;
	s18 =	simm.s32 $0x4  }
0xf: {  	s19 =	simm.s32 $0x5;
	s16 =	simm.s32 $0x6;
	s6 =	smul.u32 $0x150, s5  }
0x10: {  	s21 =	simm.s32 $0x980;
	s14 =	simm.s32 $0xA;
	s23 =	smul.u32 $0x54000, s5  }
0x11: {  	s7 =	sshll.u32 s5, $0xB;
	s8 =	sshll.u32 s5, $0x4;
	s5 =	smul.u32 $0xA800, s5  }
0x12: {  	s11 =	sshrl.u32 s1, $0x1;
	s7 =	sadd.s32 s7, s4;
	s0 =	sadd.s32 s22, s8  }
0x13: {  	s1 =	ssub.s32 s1, s11;
	s22 =	simm.s32 $0x480;
	s11 =	simm.s32 $0x7  }
0x14: {  	s6 =	sadd.s32 s6, s4;
	s4 =	sadd.s32 $0x19C00, s4;
	[dreg:$0x6] =	wrdreg s0  }
0x15: {  	s25 =	sadd.s32 $0x9C00, s7;
	s26 =	sshrl.u32 s23, $0x3;
	[dreg:$0x17] =	wrdreg s22  }
0x16: {  	s0 =	smax.u32 s1, $0x1;
	s23 =	simm.s32 $0x500;
	[dreg:$0x8] =	wrdreg s25  }
0x17: {  	s22 =	simm.s32 $0xA00;
	s24 =	sadd.s32 $0x4800, s6;
	[dreg:$0x18] =	wrdreg s23  }
0x18: {  	p1 =	sne.s32 s0, $0x1;
	s1 =	sadd.s32 $0xFFFFFFFF, s0;
	s0 =	rddreg [dreg:$0x6]  }
0x19: {  	s5 =	sadd.s32 s4, s5;
	s4 =	sadd.s32 s4, s26;
	[dreg:$0x7] =	wrdreg s24  }
0x1a: {  	s6 =	simm.s32 $0x3;
	s25 =	simm.s32 $0x600;
	[dreg:$0x9] =	wrdreg s5  }
0x1b: {  	s26 =	simm.s32 $0x680;
	s23 =	simm.s32 $0xA80;
	[dreg:$0x1a] =	wrdreg s25  }
0x1c: {  	s7 =	sadd.s32 $0x1800, s4;
	s8 =	sadd.s32 $0x3000, s4;
	[dreg:$0x1b] =	wrdreg s26  }
0x1d: {  	s9 =	sadd.s32 $0x4800, s4;
	s10 =	sadd.s32 $0x6000, s4;
	[dreg:$0xa] =	wrdreg s7  }
0x1e: {  	s12 =	sadd.s32 $0x7800, s4;
	s13 =	sadd.s32 $0x9000, s4;
	[dreg:$0xb] =	wrdreg s8  }
0x1f: {  	s5 =	simm.s32 $0x80;
	s4 =	simm.s32 $0x4B00;
	[dreg:$0xc] =	wrdreg s9  }
.Ltmp0:
0x20: {  	s24 =	simm.s32 $0x580;
	[dreg:$0xd] =	wrdreg s10;
	(pc) =	sbr.rel @!p1 .LBB2_1-.Ltmp0, $4  }
0x21: {  	s25 =	simm.s32 $0x880;
	s26 =	simm.s32 $0x900;
	[dreg:$0xe] =	wrdreg s12  }
0x22: {  	[dreg:$0xf] =	wrdreg s13;
	s9 =	simm.s32 $0x8B00;
	s10 =	simm.s32 $0xCB00  }
0x23: {  	s8 =	simm.s32 $0x1;
	s7 =	simm.s32 $0x2;
	s13 =	simm.s32 $0x10B00  }
0x24: {  	[dreg:$0x19] =	wrdreg s24;
	s12 =	simm.s32 $0x8;
	s24 =	simm.s32 $0x780  }
0x25: {  	[tilespmem:s2], [sflag:$0xB] =	stream.linear.gather [hbm4b:s0+s2], $0x80, $0x38;
	[tilespmem:$0x1CB00] =	vst v63  }
0x26: {  	_ =	swait.ge [sflag:s31], $0x80  }
0x27: {  	[sflag:s31] =	ssyncset.done $0x0  }
0x28: {  	s20 =	rddreg [dreg:$0x7];
	[sflag:s31] =	ssyncadd.s32 $0xFFFFFF80  }
0x29: {  	[tilespmem:s5], [sflag:$0xB] =	stream.linear.gather [hbm4b:s20+s2], $0xA80, $0x38;
	[tilespmem:$0x1CB00] =	vst v63  }
0x2a: {  	_ =	swait.ge [sflag:s31], $0xA80  }
0x2b: {  	[sflag:s31] =	ssyncset.done $0x0  }
0x2c: {  	s20 =	rddreg [dreg:$0x5];
	[sflag:s31] =	ssyncadd.s32 $0xFFFFF580  }
0x2d: {  	[tilespmem:s29], [sflag:$0x9] =	stream.indirect.gather [hbm4b:s20+s5], $0x80, s2, s5, $0xb8;
	[tilespmem:$0x1CB00] =	vst v63  }
0x2e: {  	_ =	swait.ge [sflag:s30], $0x4000  }
0x2f: {  	[sflag:s30] =	ssyncset.done $0x0  }
0x30: {  	s20 =	rddreg [dreg:$0x8];
	[sflag:s30] =	ssyncadd.s32 $0xFFFFC000  }
0x31: {  	[hbm4b:s20+s2] =	stream.linear.scatter [tilespmem:s29], [sflag:$0xA], $0x4000, $0x38;
	[tilespmem:$0x1CB00] =	vst v63  }
0x32: {  	_ = 	snop  }
0x33: {  	[tilespmem:s4], [sflag:$0x1] =	stream.indirect.gather [hbm4b:s3+s5], $0x80, s5, s5, $0xb8;
	[tilespmem:$0x1CB00] =	vst v63  }
0x34: {  	s0 =	rddreg [dreg:$0x10]  }
0x35: {  	[tilespmem:s9], [sflag:$0x2] =	stream.indirect.gather [hbm4b:s3+s5], $0x80, s0, s5, $0xb8;
	[tilespmem:$0x1CB00] =	vst v63  }
0x36: {  	s20 =	smov.u32 s1;
	s1 =	rddreg [dreg:$0x11]  }
0x37: {  	[tilespmem:s10], [sflag:$0x3] =	stream.indirect.gather [hbm4b:s3+s5], $0x80, s1, s5, $0xb8;
	[tilespmem:$0x1CB00] =	vst v63  }
0x38: {  	_ =	swait.ge [sflag:s8], $0x4000  }
0x39: {  	[sflag:s8] =	ssyncset.done $0x0  }
0x3a: {  	[sflag:s8] =	ssyncadd.s32 $0xFFFFC000  }
0x3b: {  	_ =	swait.ge [sflag:s7], $0x4000  }
0x3c: {  	[sflag:s7] =	ssyncset.done $0x0  }
0x3d: {  	[sflag:s7] =	ssyncadd.s32 $0xFFFFC000  }
0x3e: {  	_ =	swait.ge [sflag:s6], $0x4000  }
0x3f: {  	[sflag:s6] =	ssyncset.done $0x0  }
0x40: {  	s0 =	rddreg [dreg:$0x9];
	[sflag:s6] =	ssyncadd.s32 $0xFFFFC000  }
0x41: {  	[hbm4b:s0+s2] =	stream.linear.scatter [tilespmem:s4], [sflag:$0x7], $0xC000, $0x38;
	[tilespmem:$0x1CB00] =	vst v63  }
0x42: {  	s1 =	rddreg [dreg:$0x12]  }
0x43: {  	[tilespmem:s13], [sflag:$0x4] =	stream.indirect.gather [hbm4b:s3+s5], $0x80, s1, s5, $0xb8;
	[tilespmem:$0x1CB00] =	vst v63  }
0x44: {  	s0 =	rddreg [dreg:$0x13]  }
0x45: {  	[tilespmem:s15], [sflag:$0x5] =	stream.indirect.gather [hbm4b:s3+s5], $0x80, s0, s5, $0xb8;
	[tilespmem:$0x1CB00] =	vst v63  }
0x46: {  	s1 =	rddreg [dreg:$0x14]  }
0x47: {  	[tilespmem:s17], [sflag:$0x6] =	stream.indirect.gather [hbm4b:s3+s5], $0x80, s1, s5, $0xb8;
	[tilespmem:$0x1CB00] =	vst v63  }
0x48: {  	_ =	swait.ge [sflag:s18], $0x4000  }
0x49: {  	[sflag:s18] =	ssyncset.done $0x0  }
0x4a: {  	[sflag:s18] =	ssyncadd.s32 $0xFFFFC000  }
0x4b: {  	_ =	swait.ge [sflag:s19], $0x4000  }
0x4c: {  	[sflag:s19] =	ssyncset.done $0x0  }
0x4d: {  	[sflag:s19] =	ssyncadd.s32 $0xFFFFC000  }
0x4e: {  	_ =	swait.ge [sflag:s16], $0x4000  }
0x4f: {  	[sflag:s16] =	ssyncset.done $0x0  }
0x50: {  	s1 =	rddreg [dreg:$0xa];
	[sflag:s16] =	ssyncadd.s32 $0xFFFFC000  }
0x51: {  	[hbm4b:s1+s2] =	stream.linear.scatter [tilespmem:s13], [sflag:$0x8], $0xC000, $0x38;
	[tilespmem:$0x1CB00] =	vst v63  }
0x52: {  	_ =	swait.ge [sflag:s11], $0xC000  }
0x53: {  	[sflag:s11] =	ssyncset.done $0x0  }
0x54: {  	s0 =	rddreg [dreg:$0x15];
	[sflag:s11] =	ssyncadd.s32 $0xFFFF4000  }
0x55: {  	[tilespmem:s4], [sflag:$0x1] =	stream.indirect.gather [hbm4b:s3+s5], $0x80, s0, s5, $0xb8;
	[tilespmem:$0x1CB00] =	vst v63  }
0x56: {  	s1 =	rddreg [dreg:$0x16]  }
0x57: {  	[tilespmem:s9], [sflag:$0x2] =	stream.indirect.gather [hbm4b:s3+s5], $0x80, s1, s5, $0xb8;
	[tilespmem:$0x1CB00] =	vst v63  }
0x58: {  	s0 =	rddreg [dreg:$0x17]  }
0x59: {  	[tilespmem:s10], [sflag:$0x3] =	stream.indirect.gather [hbm4b:s3+s5], $0x80, s0, s5, $0xb8;
	[tilespmem:$0x1CB00] =	vst v63  }
0x5a: {  	_ =	swait.ge [sflag:s8], $0x4000  }
0x5b: {  	[sflag:s8] =	ssyncset.done $0x0  }
0x5c: {  	[sflag:s8] =	ssyncadd.s32 $0xFFFFC000  }
0x5d: {  	_ =	swait.ge [sflag:s7], $0x4000  }
0x5e: {  	[sflag:s7] =	ssyncset.done $0x0  }
0x5f: {  	[sflag:s7] =	ssyncadd.s32 $0xFFFFC000  }
0x60: {  	_ =	swait.ge [sflag:s6], $0x4000  }
0x61: {  	[sflag:s6] =	ssyncset.done $0x0  }
0x62: {  	s1 =	rddreg [dreg:$0xb];
	[sflag:s6] =	ssyncadd.s32 $0xFFFFC000  }
0x63: {  	[hbm4b:s1+s2] =	stream.linear.scatter [tilespmem:s4], [sflag:$0x7], $0xC000, $0x38;
	[tilespmem:$0x1CB00] =	vst v63  }
0x64: {  	_ =	swait.ge [sflag:s12], $0xC000  }
0x65: {  	[sflag:s12] =	ssyncset.done $0x0  }
0x66: {  	s0 =	rddreg [dreg:$0x18];
	[sflag:s12] =	ssyncadd.s32 $0xFFFF4000  }
0x67: {  	[tilespmem:s13], [sflag:$0x4] =	stream.indirect.gather [hbm4b:s3+s5], $0x80, s0, s5, $0xb8;
	[tilespmem:$0x1CB00] =	vst v63  }
0x68: {  	s1 =	rddreg [dreg:$0x19]  }
0x69: {  	[tilespmem:s15], [sflag:$0x5] =	stream.indirect.gather [hbm4b:s3+s5], $0x80, s1, s5, $0xb8;
	[tilespmem:$0x1CB00] =	vst v63  }
0x6a: {  	s0 =	rddreg [dreg:$0x1a]  }
0x6b: {  	[tilespmem:s17], [sflag:$0x6] =	stream.indirect.gather [hbm4b:s3+s5], $0x80, s0, s5, $0xb8;
	[tilespmem:$0x1CB00] =	vst v63  }
0x6c: {  	_ =	swait.ge [sflag:s18], $0x4000  }
0x6d: {  	[sflag:s18] =	ssyncset.done $0x0  }
0x6e: {  	[sflag:s18] =	ssyncadd.s32 $0xFFFFC000  }
0x6f: {  	_ =	swait.ge [sflag:s19], $0x4000  }
0x70: {  	[sflag:s19] =	ssyncset.done $0x0  }
0x71: {  	[sflag:s19] =	ssyncadd.s32 $0xFFFFC000  }
0x72: {  	_ =	swait.ge [sflag:s16], $0x4000  }
0x73: {  	[sflag:s16] =	ssyncset.done $0x0  }
0x74: {  	s1 =	rddreg [dreg:$0xc];
	[sflag:s16] =	ssyncadd.s32 $0xFFFFC000  }
0x75: {  	[hbm4b:s1+s2] =	stream.linear.scatter [tilespmem:s13], [sflag:$0x8], $0xC000, $0x38;
	[tilespmem:$0x1CB00] =	vst v63  }
0x76: {  	_ =	swait.ge [sflag:s11], $0xC000  }
0x77: {  	[sflag:s11] =	ssyncset.done $0x0  }
0x78: {  	s1 =	rddreg [dreg:$0x1b];
	[sflag:s11] =	ssyncadd.s32 $0xFFFF4000  }
0x79: {  	[tilespmem:s4], [sflag:$0x1] =	stream.indirect.gather [hbm4b:s3+s5], $0x80, s1, s5, $0xb8;
	[tilespmem:$0x1CB00] =	vst v63  }
0x7a: {  	_ = 	snop  }
0x7b: {  	[tilespmem:s9], [sflag:$0x2] =	stream.indirect.gather [hbm4b:s3+s5], $0x80, s28, s5, $0xb8;
	[tilespmem:$0x1CB00] =	vst v63  }
0x7c: {  	_ = 	snop  }
0x7d: {  	[tilespmem:s10], [sflag:$0x3] =	stream.indirect.gather [hbm4b:s3+s5], $0x80, s24, s5, $0xb8;
	[tilespmem:$0x1CB00] =	vst v63  }
0x7e: {  	_ =	swait.ge [sflag:s8], $0x4000  }
0x7f: {  	[sflag:s8] =	ssyncset.done $0x0  }
0x80: {  	[sflag:s8] =	ssyncadd.s32 $0xFFFFC000  }
0x81: {  	_ =	swait.ge [sflag:s7], $0x4000  }
0x82: {  	[sflag:s7] =	ssyncset.done $0x0  }
0x83: {  	[sflag:s7] =	ssyncadd.s32 $0xFFFFC000  }
0x84: {  	_ =	swait.ge [sflag:s6], $0x4000  }
0x85: {  	[sflag:s6] =	ssyncset.done $0x0  }
0x86: {  	s1 =	rddreg [dreg:$0xd];
	[sflag:s6] =	ssyncadd.s32 $0xFFFFC000  }
0x87: {  	[hbm4b:s1+s2] =	stream.linear.scatter [tilespmem:s4], [sflag:$0x7], $0xC000, $0x38;
	[tilespmem:$0x1CB00] =	vst v63  }
0x88: {  	_ =	swait.ge [sflag:s12], $0xC000  }
0x89: {  	[sflag:s12] =	ssyncset.done $0x0  }
0x8a: {  	s1 =	simm.s32 $0x800;
	[sflag:s12] =	ssyncadd.s32 $0xFFFF4000  }
0x8b: {  	[tilespmem:s13], [sflag:$0x4] =	stream.indirect.gather [hbm4b:s3+s5], $0x80, s1, s5, $0xb8;
	[tilespmem:$0x1CB00] =	vst v63  }
0x8c: {  	_ = 	snop  }
0x8d: {  	[tilespmem:s15], [sflag:$0x5] =	stream.indirect.gather [hbm4b:s3+s5], $0x80, s25, s5, $0xb8;
	[tilespmem:$0x1CB00] =	vst v63  }
0x8e: {  	_ = 	snop  }
0x8f: {  	[tilespmem:s17], [sflag:$0x6] =	stream.indirect.gather [hbm4b:s3+s5], $0x80, s26, s5, $0xb8;
	[tilespmem:$0x1CB00] =	vst v63  }
0x90: {  	_ =	swait.ge [sflag:s18], $0x4000  }
0x91: {  	[sflag:s18] =	ssyncset.done $0x0  }
0x92: {  	[sflag:s18] =	ssyncadd.s32 $0xFFFFC000  }
0x93: {  	_ =	swait.ge [sflag:s19], $0x4000  }
0x94: {  	[sflag:s19] =	ssyncset.done $0x0  }
0x95: {  	[sflag:s19] =	ssyncadd.s32 $0xFFFFC000  }
0x96: {  	_ =	swait.ge [sflag:s16], $0x4000  }
0x97: {  	[sflag:s16] =	ssyncset.done $0x0  }
0x98: {  	s1 =	rddreg [dreg:$0xe];
	[sflag:s16] =	ssyncadd.s32 $0xFFFFC000  }
0x99: {  	[hbm4b:s1+s2] =	stream.linear.scatter [tilespmem:s13], [sflag:$0x8], $0xC000, $0x38;
	[tilespmem:$0x1CB00] =	vst v63  }
0x9a: {  	_ =	swait.ge [sflag:s11], $0xC000  }
0x9b: {  	[sflag:s11] =	ssyncset.done $0x0  }
0x9c: {  	[sflag:s11] =	ssyncadd.s32 $0xFFFF4000  }
0x9d: {  	[tilespmem:s4], [sflag:$0x1] =	stream.indirect.gather [hbm4b:s3+s5], $0x80, s21, s5, $0xb8;
	[tilespmem:$0x1CB00] =	vst v63  }
0x9e: {  	_ = 	snop  }
0x9f: {  	[tilespmem:s9], [sflag:$0x2] =	stream.indirect.gather [hbm4b:s3+s5], $0x80, s22, s5, $0xb8;
	[tilespmem:$0x1CB00] =	vst v63  }
0xa0: {  	_ = 	snop  }
0xa1: {  	[tilespmem:s10], [sflag:$0x3] =	stream.indirect.gather [hbm4b:s3+s5], $0x80, s23, s5, $0xb8;
	[tilespmem:$0x1CB00] =	vst v63  }
0xa2: {  	_ =	swait.ge [sflag:s8], $0x4000  }
0xa3: {  	[sflag:s8] =	ssyncset.done $0x0  }
0xa4: {  	[sflag:s8] =	ssyncadd.s32 $0xFFFFC000  }
0xa5: {  	_ =	swait.ge [sflag:s7], $0x4000  }
0xa6: {  	[sflag:s7] =	ssyncset.done $0x0  }
0xa7: {  	[sflag:s7] =	ssyncadd.s32 $0xFFFFC000  }
0xa8: {  	_ =	swait.ge [sflag:s6], $0x4000  }
0xa9: {  	[sflag:s6] =	ssyncset.done $0x0  }
0xaa: {  	s1 =	rddreg [dreg:$0xf];
	[sflag:s6] =	ssyncadd.s32 $0xFFFFC000  }
0xab: {  	[hbm4b:s1+s2] =	stream.linear.scatter [tilespmem:s4], [sflag:$0x7], $0xC000, $0x38;
	[tilespmem:$0x1CB00] =	vst v63  }
0xac: {  	_ =	swait.ge [sflag:s11], $0xC000  }
0xad: {  	[sflag:s11] =	ssyncset.done $0x0  }
0xae: {  	p1 =	sne.s32 s20, $0x1;
	[sflag:s11] =	ssyncadd.s32 $0xFFFF4000  }
.Ltmp1:
0xaf: {  	_ =	swait.ge [sflag:s12], $0xC000;
	(pc) =	sbr.rel @!p1 .LBB2_3-.Ltmp1, $4  }
0xb0: {  	[sflag:s12] =	ssyncset.done $0x0  }
0xb1: {  	[sflag:s12] =	ssyncadd.s32 $0xFFFF4000  }
0xb2: {  	p0 =	por $0x1, $0x1;
	_ =	swait.ge [sflag:s14], $0x4000  }
0xb3: {  	s1 =	sadd.s32 $0xFFFFFFFF, s20;
	s0 =	rddreg [dreg:$0x6];
	[sflag:s14] =	ssyncset.done $0x0  }
.LBB2_4:
0xb4: {  	[sflag:s14] =	ssyncadd.s32 $0xFFFFC000  }
0xb5: {  	[tilespmem:s2], [sflag:$0xB] =	stream.linear.gather [hbm4b:s0+s2], $0x80, $0x38;
	[tilespmem:$0x1CB00] =	vst v63  }
0xb6: {  	_ =	swait.ge [sflag:s31], $0x80  }
0xb7: {  	[sflag:s31] =	ssyncset.done $0x0  }
0xb8: {  	s20 =	rddreg [dreg:$0x7];
	[sflag:s31] =	ssyncadd.s32 $0xFFFFFF80  }
0xb9: {  	[tilespmem:s5], [sflag:$0xB] =	stream.linear.gather [hbm4b:s20+s2], $0xA80, $0x38;
	[tilespmem:$0x1CB00] =	vst v63  }
0xba: {  	_ =	swait.ge [sflag:s31], $0xA80  }
0xbb: {  	[sflag:s31] =	ssyncset.done $0x0  }
0xbc: {  	s20 =	rddreg [dreg:$0x5];
	[sflag:s31] =	ssyncadd.s32 $0xFFFFF580  }
0xbd: {  	[tilespmem:s29], [sflag:$0x9] =	stream.indirect.gather [hbm4b:s20+s5], $0x80, s2, s5, $0xb8;
	[tilespmem:$0x1CB00] =	vst v63  }
0xbe: {  	_ =	swait.ge [sflag:s30], $0x4000  }
0xbf: {  	[sflag:s30] =	ssyncset.done $0x0  }
0xc0: {  	s20 =	rddreg [dreg:$0x8];
	[sflag:s30] =	ssyncadd.s32 $0xFFFFC000  }
0xc1: {  	[hbm4b:s20+s2] =	stream.linear.scatter [tilespmem:s29], [sflag:$0xA], $0x4000, $0x38;
	[tilespmem:$0x1CB00] =	vst v63  }
0xc2: {  	_ = 	snop  }
0xc3: {  	[tilespmem:s4], [sflag:$0x1] =	stream.indirect.gather [hbm4b:s3+s5], $0x80, s5, s5, $0xb8;
	[tilespmem:$0x1CB00] =	vst v63  }
0xc4: {  	s0 =	rddreg [dreg:$0x10]  }
0xc5: {  	[tilespmem:s9], [sflag:$0x2] =	stream.indirect.gather [hbm4b:s3+s5], $0x80, s0, s5, $0xb8;
	[tilespmem:$0x1CB00] =	vst v63  }
0xc6: {  	s20 =	rddreg [dreg:$0x11]  }
0xc7: {  	[tilespmem:s10], [sflag:$0x3] =	stream.indirect.gather [hbm4b:s3+s5], $0x80, s20, s5, $0xb8;
	[tilespmem:$0x1CB00] =	vst v63  }
0xc8: {  	_ =	swait.ge [sflag:s8], $0x4000  }
0xc9: {  	[sflag:s8] =	ssyncset.done $0x0  }
0xca: {  	[sflag:s8] =	ssyncadd.s32 $0xFFFFC000  }
0xcb: {  	_ =	swait.ge [sflag:s7], $0x4000  }
0xcc: {  	[sflag:s7] =	ssyncset.done $0x0  }
0xcd: {  	[sflag:s7] =	ssyncadd.s32 $0xFFFFC000  }
0xce: {  	_ =	swait.ge [sflag:s6], $0x4000  }
0xcf: {  	[sflag:s6] =	ssyncset.done $0x0  }
0xd0: {  	s0 =	rddreg [dreg:$0x9];
	[sflag:s6] =	ssyncadd.s32 $0xFFFFC000  }
0xd1: {  	[hbm4b:s0+s2] =	stream.linear.scatter [tilespmem:s4], [sflag:$0x7], $0xC000, $0x38;
	[tilespmem:$0x1CB00] =	vst v63  }
0xd2: {  	s20 =	rddreg [dreg:$0x12]  }
0xd3: {  	[tilespmem:s13], [sflag:$0x4] =	stream.indirect.gather [hbm4b:s3+s5], $0x80, s20, s5, $0xb8;
	[tilespmem:$0x1CB00] =	vst v63  }
0xd4: {  	s0 =	rddreg [dreg:$0x13]  }
0xd5: {  	[tilespmem:s15], [sflag:$0x5] =	stream.indirect.gather [hbm4b:s3+s5], $0x80, s0, s5, $0xb8;
	[tilespmem:$0x1CB00] =	vst v63  }
0xd6: {  	s20 =	rddreg [dreg:$0x14]  }
0xd7: {  	[tilespmem:s17], [sflag:$0x6] =	stream.indirect.gather [hbm4b:s3+s5], $0x80, s20, s5, $0xb8;
	[tilespmem:$0x1CB00] =	vst v63  }
0xd8: {  	_ =	swait.ge [sflag:s18], $0x4000  }
0xd9: {  	[sflag:s18] =	ssyncset.done $0x0  }
0xda: {  	[sflag:s18] =	ssyncadd.s32 $0xFFFFC000  }
0xdb: {  	_ =	swait.ge [sflag:s19], $0x4000  }
0xdc: {  	[sflag:s19] =	ssyncset.done $0x0  }
0xdd: {  	[sflag:s19] =	ssyncadd.s32 $0xFFFFC000  }
0xde: {  	_ =	swait.ge [sflag:s16], $0x4000  }
0xdf: {  	[sflag:s16] =	ssyncset.done $0x0  }
0xe0: {  	s20 =	rddreg [dreg:$0xa];
	[sflag:s16] =	ssyncadd.s32 $0xFFFFC000  }
0xe1: {  	[hbm4b:s20+s2] =	stream.linear.scatter [tilespmem:s13], [sflag:$0x8], $0xC000, $0x38;
	[tilespmem:$0x1CB00] =	vst v63  }
0xe2: {  	_ =	swait.ge [sflag:s11], $0xC000  }
0xe3: {  	[sflag:s11] =	ssyncset.done $0x0  }
0xe4: {  	s0 =	rddreg [dreg:$0x15];
	[sflag:s11] =	ssyncadd.s32 $0xFFFF4000  }
0xe5: {  	[tilespmem:s4], [sflag:$0x1] =	stream.indirect.gather [hbm4b:s3+s5], $0x80, s0, s5, $0xb8;
	[tilespmem:$0x1CB00] =	vst v63  }
0xe6: {  	s20 =	rddreg [dreg:$0x16]  }
0xe7: {  	[tilespmem:s9], [sflag:$0x2] =	stream.indirect.gather [hbm4b:s3+s5], $0x80, s20, s5, $0xb8;
	[tilespmem:$0x1CB00] =	vst v63  }
0xe8: {  	s0 =	rddreg [dreg:$0x17]  }
0xe9: {  	[tilespmem:s10], [sflag:$0x3] =	stream.indirect.gather [hbm4b:s3+s5], $0x80, s0, s5, $0xb8;
	[tilespmem:$0x1CB00] =	vst v63  }
0xea: {  	_ =	swait.ge [sflag:s8], $0x4000  }
0xeb: {  	[sflag:s8] =	ssyncset.done $0x0  }
0xec: {  	[sflag:s8] =	ssyncadd.s32 $0xFFFFC000  }
0xed: {  	_ =	swait.ge [sflag:s7], $0x4000  }
0xee: {  	[sflag:s7] =	ssyncset.done $0x0  }
0xef: {  	[sflag:s7] =	ssyncadd.s32 $0xFFFFC000  }
0xf0: {  	_ =	swait.ge [sflag:s6], $0x4000  }
0xf1: {  	[sflag:s6] =	ssyncset.done $0x0  }
0xf2: {  	s20 =	rddreg [dreg:$0xb];
	[sflag:s6] =	ssyncadd.s32 $0xFFFFC000  }
0xf3: {  	[hbm4b:s20+s2] =	stream.linear.scatter [tilespmem:s4], [sflag:$0x7], $0xC000, $0x38;
	[tilespmem:$0x1CB00] =	vst v63  }
0xf4: {  	_ =	swait.ge [sflag:s12], $0xC000  }
0xf5: {  	[sflag:s12] =	ssyncset.done $0x0  }
0xf6: {  	s0 =	rddreg [dreg:$0x18];
	[sflag:s12] =	ssyncadd.s32 $0xFFFF4000  }
0xf7: {  	[tilespmem:s13], [sflag:$0x4] =	stream.indirect.gather [hbm4b:s3+s5], $0x80, s0, s5, $0xb8;
	[tilespmem:$0x1CB00] =	vst v63  }
0xf8: {  	s20 =	rddreg [dreg:$0x19]  }
0xf9: {  	[tilespmem:s15], [sflag:$0x5] =	stream.indirect.gather [hbm4b:s3+s5], $0x80, s20, s5, $0xb8;
	[tilespmem:$0x1CB00] =	vst v63  }
0xfa: {  	s0 =	rddreg [dreg:$0x1a]  }
0xfb: {  	[tilespmem:s17], [sflag:$0x6] =	stream.indirect.gather [hbm4b:s3+s5], $0x80, s0, s5, $0xb8;
	[tilespmem:$0x1CB00] =	vst v63  }
0xfc: {  	_ =	swait.ge [sflag:s18], $0x4000  }
0xfd: {  	[sflag:s18] =	ssyncset.done $0x0  }
0xfe: {  	[sflag:s18] =	ssyncadd.s32 $0xFFFFC000  }
0xff: {  	_ =	swait.ge [sflag:s19], $0x4000  }
0x100: {  	[sflag:s19] =	ssyncset.done $0x0  }
0x101: {  	[sflag:s19] =	ssyncadd.s32 $0xFFFFC000  }
0x102: {  	_ =	swait.ge [sflag:s16], $0x4000  }
0x103: {  	[sflag:s16] =	ssyncset.done $0x0  }
0x104: {  	s20 =	rddreg [dreg:$0xc];
	[sflag:s16] =	ssyncadd.s32 $0xFFFFC000  }
0x105: {  	[hbm4b:s20+s2] =	stream.linear.scatter [tilespmem:s13], [sflag:$0x8], $0xC000, $0x38;
	[tilespmem:$0x1CB00] =	vst v63  }
0x106: {  	_ =	swait.ge [sflag:s11], $0xC000  }
0x107: {  	[sflag:s11] =	ssyncset.done $0x0  }
0x108: {  	s20 =	rddreg [dreg:$0x1b];
	[sflag:s11] =	ssyncadd.s32 $0xFFFF4000  }
0x109: {  	[tilespmem:s4], [sflag:$0x1] =	stream.indirect.gather [hbm4b:s3+s5], $0x80, s20, s5, $0xb8;
	[tilespmem:$0x1CB00] =	vst v63  }
0x10a: {  	_ = 	snop  }
0x10b: {  	[tilespmem:s9], [sflag:$0x2] =	stream.indirect.gather [hbm4b:s3+s5], $0x80, s28, s5, $0xb8;
	[tilespmem:$0x1CB00] =	vst v63  }
0x10c: {  	_ = 	snop  }
0x10d: {  	[tilespmem:s10], [sflag:$0x3] =	stream.indirect.gather [hbm4b:s3+s5], $0x80, s24, s5, $0xb8;
	[tilespmem:$0x1CB00] =	vst v63  }
0x10e: {  	_ =	swait.ge [sflag:s8], $0x4000  }
0x10f: {  	[sflag:s8] =	ssyncset.done $0x0  }
0x110: {  	[sflag:s8] =	ssyncadd.s32 $0xFFFFC000  }
0x111: {  	_ =	swait.ge [sflag:s7], $0x4000  }
0x112: {  	[sflag:s7] =	ssyncset.done $0x0  }
0x113: {  	[sflag:s7] =	ssyncadd.s32 $0xFFFFC000  }
0x114: {  	_ =	swait.ge [sflag:s6], $0x4000  }
0x115: {  	[sflag:s6] =	ssyncset.done $0x0  }
0x116: {  	s20 =	rddreg [dreg:$0xd];
	[sflag:s6] =	ssyncadd.s32 $0xFFFFC000  }
0x117: {  	[hbm4b:s20+s2] =	stream.linear.scatter [tilespmem:s4], [sflag:$0x7], $0xC000, $0x38;
	[tilespmem:$0x1CB00] =	vst v63  }
0x118: {  	_ =	swait.ge [sflag:s12], $0xC000  }
0x119: {  	[sflag:s12] =	ssyncset.done $0x0  }
0x11a: {  	s20 =	simm.s32 $0x800;
	[sflag:s12] =	ssyncadd.s32 $0xFFFF4000  }
0x11b: {  	[tilespmem:s13], [sflag:$0x4] =	stream.indirect.gather [hbm4b:s3+s5], $0x80, s20, s5, $0xb8;
	[tilespmem:$0x1CB00] =	vst v63  }
0x11c: {  	_ = 	snop  }
0x11d: {  	[tilespmem:s15], [sflag:$0x5] =	stream.indirect.gather [hbm4b:s3+s5], $0x80, s25, s5, $0xb8;
	[tilespmem:$0x1CB00] =	vst v63  }
0x11e: {  	_ = 	snop  }
0x11f: {  	[tilespmem:s17], [sflag:$0x6] =	stream.indirect.gather [hbm4b:s3+s5], $0x80, s26, s5, $0xb8;
	[tilespmem:$0x1CB00] =	vst v63  }
0x120: {  	_ =	swait.ge [sflag:s18], $0x4000  }
0x121: {  	[sflag:s18] =	ssyncset.done $0x0  }
0x122: {  	[sflag:s18] =	ssyncadd.s32 $0xFFFFC000  }
0x123: {  	_ =	swait.ge [sflag:s19], $0x4000  }
0x124: {  	[sflag:s19] =	ssyncset.done $0x0  }
0x125: {  	[sflag:s19] =	ssyncadd.s32 $0xFFFFC000  }
0x126: {  	_ =	swait.ge [sflag:s16], $0x4000  }
0x127: {  	[sflag:s16] =	ssyncset.done $0x0  }
0x128: {  	s20 =	rddreg [dreg:$0xe];
	[sflag:s16] =	ssyncadd.s32 $0xFFFFC000  }
0x129: {  	[hbm4b:s20+s2] =	stream.linear.scatter [tilespmem:s13], [sflag:$0x8], $0xC000, $0x38;
	[tilespmem:$0x1CB00] =	vst v63  }
0x12a: {  	_ =	swait.ge [sflag:s11], $0xC000  }
0x12b: {  	[sflag:s11] =	ssyncset.done $0x0  }
0x12c: {  	[sflag:s11] =	ssyncadd.s32 $0xFFFF4000  }
0x12d: {  	[tilespmem:s4], [sflag:$0x1] =	stream.indirect.gather [hbm4b:s3+s5], $0x80, s21, s5, $0xb8;
	[tilespmem:$0x1CB00] =	vst v63  }
0x12e: {  	_ = 	snop  }
0x12f: {  	[tilespmem:s9], [sflag:$0x2] =	stream.indirect.gather [hbm4b:s3+s5], $0x80, s22, s5, $0xb8;
	[tilespmem:$0x1CB00] =	vst v63  }
0x130: {  	_ = 	snop  }
0x131: {  	[tilespmem:s10], [sflag:$0x3] =	stream.indirect.gather [hbm4b:s3+s5], $0x80, s23, s5, $0xb8;
	[tilespmem:$0x1CB00] =	vst v63  }
0x132: {  	_ =	swait.ge [sflag:s8], $0x4000  }
0x133: {  	[sflag:s8] =	ssyncset.done $0x0  }
0x134: {  	[sflag:s8] =	ssyncadd.s32 $0xFFFFC000  }
0x135: {  	_ =	swait.ge [sflag:s7], $0x4000  }
0x136: {  	[sflag:s7] =	ssyncset.done $0x0  }
0x137: {  	[sflag:s7] =	ssyncadd.s32 $0xFFFFC000  }
0x138: {  	_ =	swait.ge [sflag:s6], $0x4000  }
0x139: {  	[sflag:s6] =	ssyncset.done $0x0  }
0x13a: {  	s20 =	rddreg [dreg:$0xf];
	[sflag:s6] =	ssyncadd.s32 $0xFFFFC000  }
0x13b: {  	[hbm4b:s20+s2] =	stream.linear.scatter [tilespmem:s4], [sflag:$0x7], $0xC000, $0x38;
	[tilespmem:$0x1CB00] =	vst v63  }
0x13c: {  	_ =	swait.ge [sflag:s11], $0xC000  }
0x13d: {  	[sflag:s11] =	ssyncset.done $0x0  }
0x13e: {  	p1 =	sne.s32 s1, $0x1;
	[sflag:s11] =	ssyncadd.s32 $0xFFFF4000  }
.Ltmp2:
0x13f: {  	_ =	swait.ge [sflag:s12], $0xC000;
	(pc) =	sbr.rel @p1 .LBB2_4-.Ltmp2, $4  }
0x140: {  	[sflag:s12] =	ssyncset.done $0x0  }
0x141: {  	[sflag:s12] =	ssyncadd.s32 $0xFFFF4000  }
0x142: {  	_ =	swait.ge [sflag:s14], $0x4000  }
0x143: {  	s1 =	sadd.s32 $0xFFFFFFFF, s1;
	s0 =	rddreg [dreg:$0x6];
	[sflag:s14] =	ssyncset.done $0x0  }
0x144: {  	s23 =	simm.s32 $0x780;
	s28 =	simm.s32 $0x700  }
0x145: {  	s26 =	simm.s32 $0x900;
	s25 =	simm.s32 $0x880;
	s24 =	simm.s32 $0x800  }
0x146: {  	s22 =	simm.s32 $0xA00;
	s21 =	simm.s32 $0x980;
	s20 =	stileid.u32  }
.LBB2_6:
0x147: {  	[sflag:s14] =	ssyncadd.s32 @p0 $0xFFFFC000  }
0x148: {  	[tilespmem:s2], [sflag:$0xB] =	stream.linear.gather [hbm4b:s0+s2], $0x80, $0x38;
	[tilespmem:$0x1CB00] =	vst v63  }
0x149: {  	_ =	swait.ge [sflag:s31], $0x80  }
0x14a: {  	[sflag:s31] =	ssyncset.done $0x0  }
0x14b: {  	s1 =	rddreg [dreg:$0x7];
	[sflag:s31] =	ssyncadd.s32 $0xFFFFFF80  }
0x14c: {  	[tilespmem:s5], [sflag:$0xB] =	stream.linear.gather [hbm4b:s1+s2], $0xA80, $0x38;
	[tilespmem:$0x1CB00] =	vst v63  }
0x14d: {  	_ =	swait.ge [sflag:s31], $0xA80  }
0x14e: {  	[sflag:s31] =	ssyncset.done $0x0  }
0x14f: {  	s1 =	rddreg [dreg:$0x5];
	[sflag:s31] =	ssyncadd.s32 $0xFFFFF580  }
0x150: {  	[tilespmem:s29], [sflag:$0x9] =	stream.indirect.gather [hbm4b:s1+s5], $0x80, s2, s5, $0xb8;
	[tilespmem:$0x1CB00] =	vst v63  }
0x151: {  	_ =	swait.ge [sflag:s30], $0x4000  }
0x152: {  	[sflag:s30] =	ssyncset.done $0x0  }
0x153: {  	s1 =	rddreg [dreg:$0x8];
	[sflag:s30] =	ssyncadd.s32 $0xFFFFC000  }
0x154: {  	[hbm4b:s1+s2] =	stream.linear.scatter [tilespmem:s29], [sflag:$0xA], $0x4000, $0x38;
	[tilespmem:$0x1CB00] =	vst v63  }
0x155: {  	_ = 	snop  }
0x156: {  	[tilespmem:s4], [sflag:$0x1] =	stream.indirect.gather [hbm4b:s3+s5], $0x80, s5, s5, $0xb8;
	[tilespmem:$0x1CB00] =	vst v63  }
0x157: {  	s29 =	rddreg [dreg:$0x10]  }
0x158: {  	[tilespmem:s9], [sflag:$0x2] =	stream.indirect.gather [hbm4b:s3+s5], $0x80, s29, s5, $0xb8;
	[tilespmem:$0x1CB00] =	vst v63  }
0x159: {  	s1 =	rddreg [dreg:$0x11]  }
0x15a: {  	[tilespmem:s10], [sflag:$0x3] =	stream.indirect.gather [hbm4b:s3+s5], $0x80, s1, s5, $0xb8;
	[tilespmem:$0x1CB00] =	vst v63  }
0x15b: {  	_ =	swait.ge [sflag:s8], $0x4000  }
0x15c: {  	[sflag:s8] =	ssyncset.done $0x0  }
0x15d: {  	[sflag:s8] =	ssyncadd.s32 $0xFFFFC000  }
0x15e: {  	_ =	swait.ge [sflag:s7], $0x4000  }
0x15f: {  	[sflag:s7] =	ssyncset.done $0x0  }
0x160: {  	[sflag:s7] =	ssyncadd.s32 $0xFFFFC000  }
0x161: {  	_ =	swait.ge [sflag:s6], $0x4000  }
0x162: {  	[sflag:s6] =	ssyncset.done $0x0  }
0x163: {  	s30 =	rddreg [dreg:$0x9];
	[sflag:s6] =	ssyncadd.s32 $0xFFFFC000  }
0x164: {  	[hbm4b:s30+s2] =	stream.linear.scatter [tilespmem:s4], [sflag:$0x7], $0xC000, $0x38;
	[tilespmem:$0x1CB00] =	vst v63  }
0x165: {  	s31 =	rddreg [dreg:$0x12]  }
0x166: {  	[tilespmem:s13], [sflag:$0x4] =	stream.indirect.gather [hbm4b:s3+s5], $0x80, s31, s5, $0xb8;
	[tilespmem:$0x1CB00] =	vst v63  }
0x167: {  	s29 =	rddreg [dreg:$0x13]  }
0x168: {  	[tilespmem:s15], [sflag:$0x5] =	stream.indirect.gather [hbm4b:s3+s5], $0x80, s29, s5, $0xb8;
	[tilespmem:$0x1CB00] =	vst v63  }
0x169: {  	s30 =	rddreg [dreg:$0x14]  }
0x16a: {  	[tilespmem:s17], [sflag:$0x6] =	stream.indirect.gather [hbm4b:s3+s5], $0x80, s30, s5, $0xb8;
	[tilespmem:$0x1CB00] =	vst v63  }
0x16b: {  	_ =	swait.ge [sflag:s18], $0x4000  }
0x16c: {  	[sflag:s18] =	ssyncset.done $0x0  }
0x16d: {  	[sflag:s18] =	ssyncadd.s32 $0xFFFFC000  }
0x16e: {  	_ =	swait.ge [sflag:s19], $0x4000  }
0x16f: {  	[sflag:s19] =	ssyncset.done $0x0  }
0x170: {  	[sflag:s19] =	ssyncadd.s32 $0xFFFFC000  }
0x171: {  	_ =	swait.ge [sflag:s16], $0x4000  }
0x172: {  	[sflag:s16] =	ssyncset.done $0x0  }
0x173: {  	s31 =	rddreg [dreg:$0xa];
	[sflag:s16] =	ssyncadd.s32 $0xFFFFC000  }
0x174: {  	[hbm4b:s31+s2] =	stream.linear.scatter [tilespmem:s13], [sflag:$0x8], $0xC000, $0x38;
	[tilespmem:$0x1CB00] =	vst v63  }
0x175: {  	_ =	swait.ge [sflag:s11], $0xC000  }
0x176: {  	[sflag:s11] =	ssyncset.done $0x0  }
0x177: {  	s1 =	rddreg [dreg:$0x15];
	[sflag:s11] =	ssyncadd.s32 $0xFFFF4000  }
0x178: {  	[tilespmem:s4], [sflag:$0x1] =	stream.indirect.gather [hbm4b:s3+s5], $0x80, s1, s5, $0xb8;
	[tilespmem:$0x1CB00] =	vst v63  }
0x179: {  	s29 =	rddreg [dreg:$0x16]  }
0x17a: {  	[tilespmem:s9], [sflag:$0x2] =	stream.indirect.gather [hbm4b:s3+s5], $0x80, s29, s5, $0xb8;
	[tilespmem:$0x1CB00] =	vst v63  }
0x17b: {  	s30 =	rddreg [dreg:$0x17]  }
0x17c: {  	[tilespmem:s10], [sflag:$0x3] =	stream.indirect.gather [hbm4b:s3+s5], $0x80, s30, s5, $0xb8;
	[tilespmem:$0x1CB00] =	vst v63  }
0x17d: {  	_ =	swait.ge [sflag:s8], $0x4000  }
0x17e: {  	[sflag:s8] =	ssyncset.done $0x0  }
0x17f: {  	[sflag:s8] =	ssyncadd.s32 $0xFFFFC000  }
0x180: {  	_ =	swait.ge [sflag:s7], $0x4000  }
0x181: {  	[sflag:s7] =	ssyncset.done $0x0  }
0x182: {  	[sflag:s7] =	ssyncadd.s32 $0xFFFFC000  }
0x183: {  	_ =	swait.ge [sflag:s6], $0x4000  }
0x184: {  	[sflag:s6] =	ssyncset.done $0x0  }
0x185: {  	s31 =	rddreg [dreg:$0xb];
	[sflag:s6] =	ssyncadd.s32 $0xFFFFC000  }
0x186: {  	[hbm4b:s31+s2] =	stream.linear.scatter [tilespmem:s4], [sflag:$0x7], $0xC000, $0x38;
	[tilespmem:$0x1CB00] =	vst v63  }
0x187: {  	_ =	swait.ge [sflag:s12], $0xC000  }
0x188: {  	[sflag:s12] =	ssyncset.done $0x0  }
0x189: {  	s1 =	rddreg [dreg:$0x18];
	[sflag:s12] =	ssyncadd.s32 $0xFFFF4000  }
0x18a: {  	[tilespmem:s13], [sflag:$0x4] =	stream.indirect.gather [hbm4b:s3+s5], $0x80, s1, s5, $0xb8;
	[tilespmem:$0x1CB00] =	vst v63  }
0x18b: {  	s29 =	rddreg [dreg:$0x19]  }
0x18c: {  	[tilespmem:s15], [sflag:$0x5] =	stream.indirect.gather [hbm4b:s3+s5], $0x80, s29, s5, $0xb8;
	[tilespmem:$0x1CB00] =	vst v63  }
0x18d: {  	s30 =	rddreg [dreg:$0x1a]  }
0x18e: {  	[tilespmem:s17], [sflag:$0x6] =	stream.indirect.gather [hbm4b:s3+s5], $0x80, s30, s5, $0xb8;
	[tilespmem:$0x1CB00] =	vst v63  }
0x18f: {  	_ =	swait.ge [sflag:s18], $0x4000  }
0x190: {  	[sflag:s18] =	ssyncset.done $0x0  }
0x191: {  	[sflag:s18] =	ssyncadd.s32 $0xFFFFC000  }
0x192: {  	_ =	swait.ge [sflag:s19], $0x4000  }
0x193: {  	[sflag:s19] =	ssyncset.done $0x0  }
0x194: {  	[sflag:s19] =	ssyncadd.s32 $0xFFFFC000  }
0x195: {  	_ =	swait.ge [sflag:s16], $0x4000  }
0x196: {  	[sflag:s16] =	ssyncset.done $0x0  }
0x197: {  	s31 =	rddreg [dreg:$0xc];
	[sflag:s16] =	ssyncadd.s32 $0xFFFFC000  }
0x198: {  	[hbm4b:s31+s2] =	stream.linear.scatter [tilespmem:s13], [sflag:$0x8], $0xC000, $0x38;
	[tilespmem:$0x1CB00] =	vst v63  }
0x199: {  	_ =	swait.ge [sflag:s11], $0xC000  }
0x19a: {  	[sflag:s11] =	ssyncset.done $0x0  }
0x19b: {  	s1 =	rddreg [dreg:$0x1b];
	[sflag:s11] =	ssyncadd.s32 $0xFFFF4000  }
0x19c: {  	[tilespmem:s4], [sflag:$0x1] =	stream.indirect.gather [hbm4b:s3+s5], $0x80, s1, s5, $0xb8;
	[tilespmem:$0x1CB00] =	vst v63  }
0x19d: {  	_ = 	snop  }
0x19e: {  	[tilespmem:s9], [sflag:$0x2] =	stream.indirect.gather [hbm4b:s3+s5], $0x80, s28, s5, $0xb8;
	[tilespmem:$0x1CB00] =	vst v63  }
0x19f: {  	_ = 	snop  }
0x1a0: {  	[tilespmem:s10], [sflag:$0x3] =	stream.indirect.gather [hbm4b:s3+s5], $0x80, s23, s5, $0xb8;
	[tilespmem:$0x1CB00] =	vst v63  }
0x1a1: {  	_ =	swait.ge [sflag:s8], $0x4000  }
0x1a2: {  	[sflag:s8] =	ssyncset.done $0x0  }
0x1a3: {  	[sflag:s8] =	ssyncadd.s32 $0xFFFFC000  }
0x1a4: {  	_ =	swait.ge [sflag:s7], $0x4000  }
0x1a5: {  	[sflag:s7] =	ssyncset.done $0x0  }
0x1a6: {  	[sflag:s7] =	ssyncadd.s32 $0xFFFFC000  }
0x1a7: {  	_ =	swait.ge [sflag:s6], $0x4000  }
0x1a8: {  	[sflag:s6] =	ssyncset.done $0x0  }
0x1a9: {  	s28 =	rddreg [dreg:$0xd];
	[sflag:s6] =	ssyncadd.s32 $0xFFFFC000  }
0x1aa: {  	[hbm4b:s28+s2] =	stream.linear.scatter [tilespmem:s4], [sflag:$0x7], $0xC000, $0x38;
	[tilespmem:$0x1CB00] =	vst v63  }
0x1ab: {  	_ =	swait.ge [sflag:s12], $0xC000  }
0x1ac: {  	[sflag:s12] =	ssyncset.done $0x0  }
0x1ad: {  	[sflag:s12] =	ssyncadd.s32 $0xFFFF4000  }
0x1ae: {  	[tilespmem:s13], [sflag:$0x4] =	stream.indirect.gather [hbm4b:s3+s5], $0x80, s24, s5, $0xb8;
	[tilespmem:$0x1CB00] =	vst v63  }
0x1af: {  	_ = 	snop  }
0x1b0: {  	[tilespmem:s15], [sflag:$0x5] =	stream.indirect.gather [hbm4b:s3+s5], $0x80, s25, s5, $0xb8;
	[tilespmem:$0x1CB00] =	vst v63  }
0x1b1: {  	_ = 	snop  }
0x1b2: {  	[tilespmem:s17], [sflag:$0x6] =	stream.indirect.gather [hbm4b:s3+s5], $0x80, s26, s5, $0xb8;
	[tilespmem:$0x1CB00] =	vst v63  }
0x1b3: {  	_ =	swait.ge [sflag:s18], $0x4000  }
0x1b4: {  	[sflag:s18] =	ssyncset.done $0x0  }
0x1b5: {  	[sflag:s18] =	ssyncadd.s32 $0xFFFFC000  }
0x1b6: {  	_ =	swait.ge [sflag:s19], $0x4000  }
0x1b7: {  	[sflag:s19] =	ssyncset.done $0x0  }
0x1b8: {  	[sflag:s19] =	ssyncadd.s32 $0xFFFFC000  }
0x1b9: {  	_ =	swait.ge [sflag:s16], $0x4000  }
0x1ba: {  	[sflag:s16] =	ssyncset.done $0x0  }
0x1bb: {  	s29 =	rddreg [dreg:$0xe];
	[sflag:s16] =	ssyncadd.s32 $0xFFFFC000  }
0x1bc: {  	[hbm4b:s29+s2] =	stream.linear.scatter [tilespmem:s13], [sflag:$0x8], $0xC000, $0x38;
	[tilespmem:$0x1CB00] =	vst v63  }
0x1bd: {  	_ =	swait.ge [sflag:s11], $0xC000  }
0x1be: {  	[sflag:s11] =	ssyncset.done $0x0  }
0x1bf: {  	[sflag:s11] =	ssyncadd.s32 $0xFFFF4000  }
0x1c0: {  	[tilespmem:s4], [sflag:$0x1] =	stream.indirect.gather [hbm4b:s3+s5], $0x80, s21, s5, $0xb8;
	[tilespmem:$0x1CB00] =	vst v63  }
0x1c1: {  	_ = 	snop  }
0x1c2: {  	[tilespmem:s9], [sflag:$0x2] =	stream.indirect.gather [hbm4b:s3+s5], $0x80, s22, s5, $0xb8;
	[tilespmem:$0x1CB00] =	vst v63  }
0x1c3: {  	s30 =	simm.s32 $0xA80  }
0x1c4: {  	[tilespmem:s10], [sflag:$0x3] =	stream.indirect.gather [hbm4b:s3+s5], $0x80, s30, s5, $0xb8;
	[tilespmem:$0x1CB00] =	vst v63  }
0x1c5: {  	_ =	swait.ge [sflag:s8], $0x4000  }
0x1c6: {  	[sflag:s8] =	ssyncset.done $0x0  }
0x1c7: {  	[sflag:s8] =	ssyncadd.s32 $0xFFFFC000  }
0x1c8: {  	_ =	swait.ge [sflag:s7], $0x4000  }
0x1c9: {  	[sflag:s7] =	ssyncset.done $0x0  }
0x1ca: {  	[sflag:s7] =	ssyncadd.s32 $0xFFFFC000  }
0x1cb: {  	_ =	swait.ge [sflag:s6], $0x4000  }
0x1cc: {  	[sflag:s6] =	ssyncset.done $0x0  }
0x1cd: {  	s31 =	rddreg [dreg:$0xf];
	[sflag:s6] =	ssyncadd.s32 $0xFFFFC000  }
0x1ce: {  	[hbm4b:s31+s2] =	stream.linear.scatter [tilespmem:s4], [sflag:$0x7], $0xC000, $0x38;
	[tilespmem:$0x1CB00] =	vst v63  }
0x1cf: {  	_ =	swait.ge [sflag:s11], $0xC000  }
0x1d0: {  	[sflag:s11] =	ssyncset.done $0x0  }
0x1d1: {  	[sflag:s11] =	ssyncadd.s32 $0xFFFF4000  }
0x1d2: {  	_ =	swait.ge [sflag:s12], $0xC000  }
0x1d3: {  	[sflag:s12] =	ssyncset.done $0x0  }
0x1d4: {  	[sflag:s12] =	ssyncadd.s32 $0xFFFF4000  }
0x1d5: {  	_ =	swait.ge [sflag:s14], $0x4000  }
0x1d6: {  	[sflag:s14] =	ssyncset.done $0x0  }
0x1d7: {  	[sflag:s14] =	ssyncadd.s32 $0xFFFFC000  }
0x1d8: {  	_ =	sfence.sel $0x180000  }
0x1d9: {  	[bflag:$0x0] =	sbarrier.arrive $0xFFFF  }
0x1da: {  	_ =	strace $0x90000047  }
0x1db: {  	[bflag:$0x2] =	sbarrier.arrive $0xFFFF  }
0x1dc: {  	p0 =	sne.s32 s20, $0x0;
	s0 =	rddreg [dreg:$0x4]  }
0x1dd: {  	s0 =	sadd.s32 @!p0 $0x100000, s0  }
0x1de: {  	[sflag:s0] =	ssyncadd.tile.s32 @!p0 $0x1;
	_ =	shalt  }
.LBB2_1:
.Ltmp3:
0x1df: {  	(pc) =	sbr.rel .LBB2_6-.Ltmp3, $4  }
0x1e0: {  	_ = 	snop  }
0x1e1: {  	s23 =	simm.s32 $0x780  }
0x1e2: {  	s28 =	simm.s32 $0x700;
	s26 =	simm.s32 $0x900;
	s25 =	simm.s32 $0x880  }
0x1e3: {  	s24 =	simm.s32 $0x800;
	s22 =	simm.s32 $0xA00;
	s21 =	simm.s32 $0x980  }
.LBB2_3:
.Ltmp4:
0x1e4: {  	(pc) =	sbr.rel .LBB2_6-.Ltmp4, $4  }
0x1e5: {  	_ = 	snop  }
0x1e6: {  	s23 =	simm.s32 $0x780;
	s28 =	simm.s32 $0x700  }
0x1e7: {  	s26 =	simm.s32 $0x900;
	s25 =	simm.s32 $0x880;
	s24 =	simm.s32 $0x800  }
0x1e8: {  	s22 =	simm.s32 $0xA00;
	s21 =	simm.s32 $0x980;
	s20 =	stileid.u32  }
.Lfunc_end2:
_tile_overlayer_lowered:
.L_overlay_start_2:
0x1e9: {  	(tag) =	ssettag $0x2  }
0x1ea: {  	s0 =	rddreg [dreg:$0x0];
	s2 =	stileid.u32  }
0x1eb: {  	s1 =	rddreg [dreg:$0x1];
	p0 =	sne.s32 s2, $0x0  }
0x1ec: {  	s3 =	rddreg [dreg:$0x2];
	[bflag:$0x3] =	sbarrier.arrive $0xFFFF;
	s2 =	simm.s32 @!p0 $0x1C0B  }
0x1ed: {  	[timem:s3], [sflag:s2] =	dma.local @!p0 [hbm:s0], s1  }
0x1ee: {  	s0 =	simm.s32 @!p0 $0xB  }
0x1ef: {  	_ =	swait.ge @!p0 [sflag:s0], s1  }
0x1f0: {  	s1 =	ssub.s32 @!p0 $0x0, s1;
	[sflag:s0] =	ssyncset.done @!p0 $0x0  }
0x1f1: {  	[sflag:s0] =	ssyncadd.s32 @!p0 s1  }
0x1f2: {  	[bflag:$0x3] =	sbarrier.arrive $0xFFFF  }
0x1f3: {  	_ =	shalt  }

</sc_bundles>
